<compile_context>
chip_gen: v7x
topology: tpu7x:2x2x1
jax: 0.10.2.dev20260603
libtpu: 0.0.44.dev20260713+nightly
codegen_flags: <defaults>
</compile_context>

<pallas_src>
import functools

import jax
import jax.numpy as jnp
from jax import lax
from jax.experimental import pallas as pl
from jax.experimental.pallas import tpu as pltpu
from jax.experimental.pallas import tpu_sc as plsc

N = 10000
E = 160000
F = 256
C = 64
G = 128

TILES = 16
HALF = F // 2
CH = 128
PT = 10240
EPAD = PT * TILES
NCHUNK = PT // CH
RPT = 624
RLAST = N - 15 * RPT + 8
BLK = 1000
GRID = N // BLK

_mesh = plsc.VectorSubcoreMesh(core_axis_name="c", subcore_axis_name="s")


@functools.partial(
    pl.kernel,
    out_type=[
        jax.ShapeDtypeStruct((N, HALF), jnp.float32),
        jax.ShapeDtypeStruct((N, HALF), jnp.float32),
    ],
    mesh=_mesh,
    scratch_types=[
        pltpu.VMEM((NCHUNK // 2, CH), jnp.int32),
        pltpu.VMEM((NCHUNK // 2, CH), jnp.int32),
        pltpu.VMEM((CH, HALF), jnp.float32),
        pltpu.VMEM((CH, HALF), jnp.float32),
        pltpu.SemaphoreType.DMA,
        pltpu.SemaphoreType.DMA,
        pltpu.VMEM_SHARED((N + 8, HALF), jnp.float32),
    ],
)
def _sc_agg(yA, yB, src, dst, zeros, outA, outB, idx_s, idx_d, rows0, rows1,
            sem0, sem1, acc):
    c = lax.axis_index("c")
    s = lax.axis_index("s")
    row0 = pl.multiple_of(s * RPT, 8)
    @pl.when(s < TILES - 1)
    def _():
        pltpu.sync_copy(zeros.at[pl.ds(0, RPT)], acc.at[pl.ds(row0, RPT)])

    @pl.when(s == TILES - 1)
    def _():
        pltpu.sync_copy(zeros, acc.at[pl.ds(15 * RPT, RLAST)])

    plsc.subcore_barrier()

    def edge_loop(y_ref):
        hch = NCHUNK // 2
        for h in range(2):
            crow = pl.multiple_of(s * NCHUNK + h * hch, 8)
            pltpu.sync_copy(src.at[pl.ds(crow, hch)], idx_s)
            pltpu.sync_copy(dst.at[pl.ds(crow, hch)], idx_d)
            pltpu.async_copy(y_ref.at[idx_s.at[0]], rows0, sem0)

            def body(k, carry):
                j0 = k * 2
                pltpu.make_async_copy(y_ref.at[idx_s.at[j0]], rows0,
                                      sem0).wait()
                pltpu.async_copy(y_ref.at[idx_s.at[j0 + 1]], rows1, sem1)
                pltpu.sync_copy(rows0, acc.at[idx_d.at[j0]], add=True)
                pltpu.make_async_copy(y_ref.at[idx_s.at[j0 + 1]], rows1,
                                      sem1).wait()

                @pl.when(k < hch // 2 - 1)
                def _():
                    pltpu.async_copy(y_ref.at[idx_s.at[j0 + 2]], rows0, sem0)

                pltpu.sync_copy(rows1, acc.at[idx_d.at[j0 + 1]], add=True)
                return carry
            lax.fori_loop(0, hch // 2, body, 0)

    @pl.when(c == 0)
    def _():
        edge_loop(yA)

    @pl.when(c == 1)
    def _():
        edge_loop(yB)

    plsc.subcore_barrier()

    def copy_out(out_ref):
        @pl.when(s < TILES - 1)
        def _():
            pltpu.sync_copy(acc.at[pl.ds(row0, RPT)],
                            out_ref.at[pl.ds(row0, RPT)])

        @pl.when(s == TILES - 1)
        def _():
            pltpu.sync_copy(acc.at[pl.ds(15 * RPT, RLAST - 8)],
                            out_ref.at[pl.ds(15 * RPT, RLAST - 8)])

    @pl.when(c == 0)
    def _():
        copy_out(outA)

    @pl.when(c == 1)
    def _():
        copy_out(outB)


def _mm_in_body(x_ref, wrel_ref, wroot_ref, b_ref, yA_ref, yB_ref, r_ref):
    xb = x_ref[...]
    y = jnp.dot(xb, wrel_ref[...], preferred_element_type=jnp.float32)
    r = jnp.dot(xb, wroot_ref[...], preferred_element_type=jnp.float32)
    yA_ref[...] = y[:, :HALF]
    yB_ref[...] = y[:, HALF:]
    r_ref[...] = r + b_ref[...]


def _mm_mid_body(aA_ref, aB_ref, rin_ref, wrel_ref, wroot_ref, b_ref,
                 yA_ref, yB_ref, r_ref):
    agg = jnp.concatenate([aA_ref[...], aB_ref[...]], axis=1)
    t = jnp.maximum(agg + rin_ref[...], 0.0)
    y = jnp.dot(t, wrel_ref[...], preferred_element_type=jnp.float32)
    r = jnp.dot(t, wroot_ref[...], preferred_element_type=jnp.float32)
    yA_ref[...] = y[:, :HALF]
    yB_ref[...] = y[:, HALF:]
    r_ref[...] = r + b_ref[...]


def _pool_body(aA_ref, aB_ref, rin_ref, bat_ref, wlin_ref, blin_ref,
               out_ref, pooled, cnt):
    i = pl.program_id(0)
    h = jnp.concatenate([aA_ref[...], aB_ref[...]], axis=1) + rin_ref[...]
    bat = bat_ref[0, 0, :]
    oneh = (bat[:, None] == lax.broadcasted_iota(jnp.int32, (BLK, G), 1)
            ).astype(jnp.float32)

    @pl.when(i == 0)
    def _():
        pooled[...] = jnp.zeros_like(pooled)
        cnt[...] = jnp.zeros_like(cnt)

    dn = (((0,), (0,)), ((), ()))
    pooled[...] += lax.dot_general(oneh, h, dimension_numbers=dn,
                                   preferred_element_type=jnp.float32)
    cnt[...] += lax.dot_general(oneh, jnp.ones_like(h), dimension_numbers=dn,
                                preferred_element_type=jnp.float32)

    @pl.when(i == pl.num_programs(0) - 1)
    def _():
        pm = pooled[...] / jnp.maximum(cnt[...], 1.0)
        out_ref[...] = (jnp.dot(pm, wlin_ref[...],
                                preferred_element_type=jnp.float32)
                        + blin_ref[...])


_W_SPEC = pl.BlockSpec((F, F), lambda i: (0, 0))
_B_SPEC = pl.BlockSpec((1, F), lambda i: (0, 0))
_ROW_SPEC = pl.BlockSpec((BLK, F), lambda i: (i, 0))
_HALF_SPEC = pl.BlockSpec((BLK, HALF), lambda i: (i, 0))

_Y_SHAPES = [
    jax.ShapeDtypeStruct((N, HALF), jnp.float32),
    jax.ShapeDtypeStruct((N, HALF), jnp.float32),
    jax.ShapeDtypeStruct((N, F), jnp.float32),
]

_mm_in = pl.pallas_call(
    _mm_in_body,
    grid=(GRID,),
    in_specs=[_ROW_SPEC, _W_SPEC, _W_SPEC, _B_SPEC],
    out_specs=[_HALF_SPEC, _HALF_SPEC, _ROW_SPEC],
    out_shape=_Y_SHAPES,
)

_mm_mid = pl.pallas_call(
    _mm_mid_body,
    grid=(GRID,),
    in_specs=[_HALF_SPEC, _HALF_SPEC, _ROW_SPEC, _W_SPEC, _W_SPEC, _B_SPEC],
    out_specs=[_HALF_SPEC, _HALF_SPEC, _ROW_SPEC],
    out_shape=_Y_SHAPES,
)

_pool = pl.pallas_call(
    _pool_body,
    grid=(GRID,),
    in_specs=[
        _HALF_SPEC, _HALF_SPEC, _ROW_SPEC,
        pl.BlockSpec((1, 1, BLK), lambda i: (i, 0, 0)),
        pl.BlockSpec((F, C), lambda i: (0, 0)),
        pl.BlockSpec((1, C), lambda i: (0, 0)),
    ],
    out_specs=pl.BlockSpec((G, C), lambda i: (0, 0)),
    out_shape=jax.ShapeDtypeStruct((G, C), jnp.float32),
    scratch_shapes=[
        pltpu.VMEM((G, F), jnp.float32),
        pltpu.VMEM((G, F), jnp.float32),
    ],
)


def kernel(x, edge_index, batch, W_rel1, b_rel1, W_root1, W_rel2, b_rel2,
           W_root2, W_rel3, b_rel3, W_root3, W_lin, b_lin):
    src = edge_index[0]
    dst = edge_index[1]
    pad = EPAD - E
    src_p = jnp.concatenate([src, jnp.zeros((pad,), src.dtype)])
    src_p = src_p.reshape(EPAD // CH, CH)
    dst_p = jnp.concatenate([dst, jnp.full((pad,), N, dst.dtype)])
    dst_p = dst_p.reshape(EPAD // CH, CH)
    zeros = jnp.zeros((RLAST, HALF), jnp.float32)
    bat3 = batch.reshape(GRID, 1, BLK)

    yA, yB, r = _mm_in(x, W_rel1, W_root1, b_rel1.reshape(1, F))
    aA, aB = _sc_agg(yA, yB, src_p, dst_p, zeros)
    yA, yB, r = _mm_mid(aA, aB, r, W_rel2, W_root2, b_rel2.reshape(1, F))
    aA, aB = _sc_agg(yA, yB, src_p, dst_p, zeros)
    yA, yB, r = _mm_mid(aA, aB, r, W_rel3, W_root3, b_rel3.reshape(1, F))
    aA, aB = _sc_agg(yA, yB, src_p, dst_p, zeros)
    out = _pool(aA, aB, r, bat3, W_lin, b_lin.reshape(1, C))
    return out

# --- scband reference (transcript-rebuilt; emitter-appended) ---
"""Pipeline reference for scband-gcn-88914412962243 (READ-ONLY COPY).

The authoritative reference and input builder live on the scoring server;
editing this copy changes nothing except your own understanding.
"""

import jax, jax.numpy as jnp
import numpy as np

N, E, F_IN, H, C, G = 10000, 160000, 256, 256, 64, 128

def setup_inputs(seed: int = 0) -> dict:
    key = jax.random.key(seed)
    ks = jax.random.split(key, 16)
    x = jax.random.normal(ks[0], (N, F_IN), dtype=jnp.float32)
    edge_index = jax.random.randint(ks[1], (2, E), 0, N)
    batch = jnp.sort(jax.random.randint(ks[2], (N,), 0, G))
    s = 0.05
    W_rel1 = jax.random.normal(ks[3], (F_IN, H), dtype=jnp.float32) * s
    b_rel1 = jnp.zeros((H,), dtype=jnp.float32)
    W_root1 = jax.random.normal(ks[4], (F_IN, H), dtype=jnp.float32) * s
    W_rel2 = jax.random.normal(ks[5], (H, H), dtype=jnp.float32) * s
    b_rel2 = jnp.zeros((H,), dtype=jnp.float32)
    W_root2 = jax.random.normal(ks[6], (H, H), dtype=jnp.float32) * s
    W_rel3 = jax.random.normal(ks[7], (H, H), dtype=jnp.float32) * s
    b_rel3 = jnp.zeros((H,), dtype=jnp.float32)
    W_root3 = jax.random.normal(ks[8], (H, H), dtype=jnp.float32) * s
    W_lin = jax.random.normal(ks[9], (H, C), dtype=jnp.float32) * s
    b_lin = jnp.zeros((C,), dtype=jnp.float32)
    return {"x": x, "edge_index": edge_index, "batch": batch,
            "W_rel1": W_rel1, "b_rel1": b_rel1, "W_root1": W_root1,
            "W_rel2": W_rel2, "b_rel2": b_rel2, "W_root2": W_root2,
            "W_rel3": W_rel3, "b_rel3": b_rel3, "W_root3": W_root3,
            "W_lin": W_lin, "b_lin": b_lin}

def _graph_conv(x, edge_index, W_rel, b_rel, W_root):
    # PyG GraphConv with aggr='add': out = lin_rel(sum_{j in N(i)} x_j) + lin_root(x_i)
    src = edge_index[0]
    dst = edge_index[1]
    msg = jnp.take(x, src, axis=0)
    agg = jax.ops.segment_sum(msg, dst, num_segments=x.shape[0])
    return agg @ W_rel + b_rel + x @ W_root

def reference(x, edge_index, batch, W_rel1, b_rel1, W_root1, W_rel2, b_rel2, W_root2, W_rel3, b_rel3, W_root3, W_lin, b_lin):
    h = _graph_conv(x, edge_index, W_rel1, b_rel1, W_root1)
    h = jax.nn.relu(h)
    h = _graph_conv(h, edge_index, W_rel2, b_rel2, W_root2)
    h = jax.nn.relu(h)
    h = _graph_conv(h, edge_index, W_rel3, b_rel3, W_root3)
    # global_mean_pool over batch assignment
    sums = jax.ops.segment_sum(h, batch, num_segments=G)
    cnt = jax.ops.segment_sum(jnp.ones((h.shape[0],), dtype=h.dtype), batch, num_segments=G)
    pooled = sums / jnp.maximum(cnt, 1.0)[:, None]
    # dropout=0 -> identity
    out = pooled @ W_lin + b_lin
    return out

if __name__ == "__main__":
    import jax
    _d = setup_inputs()
    print(jax.jit(kernel)(*tuple(_d.values())))

</pallas_src>

<mosaic_0001>
#map = affine_map<(d0, d1) -> (0, 0)>
module attributes {stable_mosaic.version = 14 : i64} {
  func.func @_sc_agg(%arg0: i32, %arg1: i32, %arg2: memref<10000x128xf32, #tpu.memory_space<hbm>>, %arg3: memref<10000x128xf32, #tpu.memory_space<hbm>>, %arg4: memref<1280x128xi32, #tpu.memory_space<hbm>>, %arg5: memref<1280x128xi32, #tpu.memory_space<hbm>>, %arg6: memref<648x128xf32, #tpu.memory_space<hbm>>, %arg7: memref<10000x128xf32, #tpu.memory_space<hbm>>, %arg8: memref<10000x128xf32, #tpu.memory_space<hbm>>, %arg9: memref<40x128xi32, #tpu.memory_space<vmem>>, %arg10: memref<40x128xi32, #tpu.memory_space<vmem>>, %arg11: memref<128x128xf32, #tpu.memory_space<vmem>>, %arg12: memref<128x128xf32, #tpu.memory_space<vmem>>, %arg13: memref<!tpu.dma_semaphore, #tpu.memory_space<semaphore_mem>>, %arg14: memref<!tpu.dma_semaphore, #tpu.memory_space<semaphore_mem>>, %arg15: memref<10008x128xf32, #tpu.memory_space<vmem_shared>>) attributes {dimension_semantics = [#tpu.dimension_semantics<core_parallel>, #tpu.dimension_semantics<subcore_parallel>], iteration_bounds = array<i64: 2, 16>, scalar_prefetch = 0 : i64, scratch_operands = 7 : i64, tpu.core_type = #tpu.core_type<sc_vector_subcore>, window_params = [{transform_indices = #map}, {transform_indices = #map}, {transform_indices = #map}, {transform_indices = #map}, {transform_indices = #map}, {transform_indices = #map}, {transform_indices = #map}]} {
    %mul3A = arith.constant 624 : i32
    %mul3A_0 = arith.muli %arg1, %mul3A : i32
    %multiple_of3A = tpu.assume_multiple %mul3A_0, 8 : i32
    %lt3A = arith.constant 15 : i32
    %lt3A_1 = arith.cmpi slt, %arg1, %lt3A : i32
    %convert_element_type3A = arith.extui %lt3A_1 : i1 to i32
    %cond3A = arith.constant 0 : i32
    %cond3A_2 = arith.cmpi ne, %convert_element_type3A, %cond3A : i32
    scf.if %cond3A_2 {
      "tpu.region"() ({
        %run_scoped3A = tpu.sem_alloc : memref<!tpu.dma_semaphore, #tpu.memory_space<semaphore_mem>>
        %dma_start3A = arith.constant 0 : i32
        %dma_start3A_28 = tpu.memref_slice %arg15[%multiple_of3A, %dma_start3A] : memref<10008x128xf32, #tpu.memory_space<vmem_shared>> -> memref<624x128xf32, #tpu.memory_space<vmem_shared>>
        %dma_start3A_29 = arith.constant 0 : i32
        %dma_start3A_30 = arith.constant 0 : i32
        %dma_start3A_31 = tpu.memref_slice %arg6[%dma_start3A_29, %dma_start3A_30] : memref<648x128xf32, #tpu.memory_space<hbm>> -> memref<624x128xf32, #tpu.memory_space<hbm>>
        tpu.enqueue_dma source(%dma_start3A_31 : memref<624x128xf32, #tpu.memory_space<hbm>>) target(%dma_start3A_28 : memref<624x128xf32, #tpu.memory_space<vmem_shared>>) target_semaphore(%run_scoped3A : memref<!tpu.dma_semaphore, #tpu.memory_space<semaphore_mem>>)
        %dma_wait3A = arith.constant 0 : i32
        %dma_wait3A_32 = tpu.memref_slice %arg15[%multiple_of3A, %dma_wait3A] : memref<10008x128xf32, #tpu.memory_space<vmem_shared>> -> memref<624x128xf32, #tpu.memory_space<vmem_shared>>
        %dma_wait3A_33 = arith.constant 0 : i32
        %dma_wait3A_34 = arith.constant 0 : i32
        %dma_wait3A_35 = tpu.memref_slice %arg6[%dma_wait3A_33, %dma_wait3A_34] : memref<648x128xf32, #tpu.memory_space<hbm>> -> memref<624x128xf32, #tpu.memory_space<hbm>>
        tpu.wait_dma2 semaphore(%run_scoped3A : memref<!tpu.dma_semaphore, #tpu.memory_space<semaphore_mem>>) src(%dma_wait3A_35 : memref<624x128xf32, #tpu.memory_space<hbm>>) dst(%dma_wait3A_32 : memref<624x128xf32, #tpu.memory_space<vmem_shared>>)
        tpu.yield
      }) : () -> ()
    } else {
    }
    %eq3A = arith.constant 15 : i32
    %eq3A_3 = arith.cmpi eq, %arg1, %eq3A : i32
    %convert_element_type3A_4 = arith.extui %eq3A_3 : i1 to i32
    %cond3A_5 = arith.constant 0 : i32
    %cond3A_6 = arith.cmpi ne, %convert_element_type3A_4, %cond3A_5 : i32
    scf.if %cond3A_6 {
      "tpu.region"() ({
        %run_scoped3A = tpu.sem_alloc : memref<!tpu.dma_semaphore, #tpu.memory_space<semaphore_mem>>
        %dma_start3A = arith.constant 9360 : i32
        %dma_start3A_28 = arith.constant 0 : i32
        %dma_start3A_29 = tpu.memref_slice %arg15[%dma_start3A, %dma_start3A_28] : memref<10008x128xf32, #tpu.memory_space<vmem_shared>> -> memref<648x128xf32, #tpu.memory_space<vmem_shared>>
        tpu.enqueue_dma source(%arg6 : memref<648x128xf32, #tpu.memory_space<hbm>>) target(%dma_start3A_29 : memref<648x128xf32, #tpu.memory_space<vmem_shared>>) target_semaphore(%run_scoped3A : memref<!tpu.dma_semaphore, #tpu.memory_space<semaphore_mem>>)
        %dma_wait3A = arith.constant 9360 : i32
        %dma_wait3A_30 = arith.constant 0 : i32
        %dma_wait3A_31 = tpu.memref_slice %arg15[%dma_wait3A, %dma_wait3A_30] : memref<10008x128xf32, #tpu.memory_space<vmem_shared>> -> memref<648x128xf32, #tpu.memory_space<vmem_shared>>
        tpu.wait_dma2 semaphore(%run_scoped3A : memref<!tpu.dma_semaphore, #tpu.memory_space<semaphore_mem>>) src(%arg6 : memref<648x128xf32, #tpu.memory_space<hbm>>) dst(%dma_wait3A_31 : memref<648x128xf32, #tpu.memory_space<vmem_shared>>)
        tpu.yield
      }) : () -> ()
    } else {
    }
    %barrier3A = arith.constant 0 : index
    tpu.barrier barrier_id(%barrier3A)
    %eq3A_7 = arith.constant 0 : i32
    %eq3A_8 = arith.cmpi eq, %arg0, %eq3A_7 : i32
    %convert_element_type3A_9 = arith.extui %eq3A_8 : i1 to i32
    %cond3A_10 = arith.constant 0 : i32
    %cond3A_11 = arith.cmpi ne, %convert_element_type3A_9, %cond3A_10 : i32
    scf.if %cond3A_11 {
      %mul3A_28 = arith.constant 80 : i32
      %mul3A_29 = arith.muli %arg1, %mul3A_28 : i32
      %add3A = arith.constant 0 : i32
      %add3A_30 = arith.addi %mul3A_29, %add3A : i32
      %multiple_of3A_31 = tpu.assume_multiple %add3A_30, 8 : i32
      "tpu.region"() ({
        %run_scoped3A = tpu.sem_alloc : memref<!tpu.dma_semaphore, #tpu.memory_space<semaphore_mem>>
        %dma_start3A_61 = arith.constant 0 : i32
        %dma_start3A_62 = tpu.memref_slice %arg4[%multiple_of3A_31, %dma_start3A_61] : memref<1280x128xi32, #tpu.memory_space<hbm>> -> memref<40x128xi32, #tpu.memory_space<hbm>>
        %dma_start3A_63 = arith.constant 0 : i32
        %dma_start3A_64 = tpu.memref_slice %arg4[%multiple_of3A_31, %dma_start3A_63] : memref<1280x128xi32, #tpu.memory_space<hbm>> -> memref<40x128xi32, #tpu.memory_space<hbm>>
        tpu.enqueue_dma source(%dma_start3A_64 : memref<40x128xi32, #tpu.memory_space<hbm>>) target(%arg9 : memref<40x128xi32, #tpu.memory_space<vmem>>) target_semaphore(%run_scoped3A : memref<!tpu.dma_semaphore, #tpu.memory_space<semaphore_mem>>)
        %dma_wait3A = arith.constant 0 : i32
        %dma_wait3A_65 = tpu.memref_slice %arg4[%multiple_of3A_31, %dma_wait3A] : memref<1280x128xi32, #tpu.memory_space<hbm>> -> memref<40x128xi32, #tpu.memory_space<hbm>>
        %dma_wait3A_66 = arith.constant 0 : i32
        %dma_wait3A_67 = tpu.memref_slice %arg4[%multiple_of3A_31, %dma_wait3A_66] : memref<1280x128xi32, #tpu.memory_space<hbm>> -> memref<40x128xi32, #tpu.memory_space<hbm>>
        tpu.wait_dma2 semaphore(%run_scoped3A : memref<!tpu.dma_semaphore, #tpu.memory_space<semaphore_mem>>) src(%dma_wait3A_67 : memref<40x128xi32, #tpu.memory_space<hbm>>) dst(%arg9 : memref<40x128xi32, #tpu.memory_space<vmem>>)
        tpu.yield
      }) : () -> ()
      "tpu.region"() ({
        %run_scoped3A = tpu.sem_alloc : memref<!tpu.dma_semaphore, #tpu.memory_space<semaphore_mem>>
        %dma_start3A_61 = arith.constant 0 : i32
        %dma_start3A_62 = tpu.memref_slice %arg5[%multiple_of3A_31, %dma_start3A_61] : memref<1280x128xi32, #tpu.memory_space<hbm>> -> memref<40x128xi32, #tpu.memory_space<hbm>>
        %dma_start3A_63 = arith.constant 0 : i32
        %dma_start3A_64 = tpu.memref_slice %arg5[%multiple_of3A_31, %dma_start3A_63] : memref<1280x128xi32, #tpu.memory_space<hbm>> -> memref<40x128xi32, #tpu.memory_space<hbm>>
        tpu.enqueue_dma source(%dma_start3A_64 : memref<40x128xi32, #tpu.memory_space<hbm>>) target(%arg10 : memref<40x128xi32, #tpu.memory_space<vmem>>) target_semaphore(%run_scoped3A : memref<!tpu.dma_semaphore, #tpu.memory_space<semaphore_mem>>)
        %dma_wait3A = arith.constant 0 : i32
        %dma_wait3A_65 = tpu.memref_slice %arg5[%multiple_of3A_31, %dma_wait3A] : memref<1280x128xi32, #tpu.memory_space<hbm>> -> memref<40x128xi32, #tpu.memory_space<hbm>>
        %dma_wait3A_66 = arith.constant 0 : i32
        %dma_wait3A_67 = tpu.memref_slice %arg5[%multiple_of3A_31, %dma_wait3A_66] : memref<1280x128xi32, #tpu.memory_space<hbm>> -> memref<40x128xi32, #tpu.memory_space<hbm>>
        tpu.wait_dma2 semaphore(%run_scoped3A : memref<!tpu.dma_semaphore, #tpu.memory_space<semaphore_mem>>) src(%dma_wait3A_67 : memref<40x128xi32, #tpu.memory_space<hbm>>) dst(%arg10 : memref<40x128xi32, #tpu.memory_space<vmem>>)
        tpu.yield
      }) : () -> ()
      %dma_start3A = arith.constant 0 : i32
      %dma_start3A_32 = arith.constant 0 : i32
      %dma_start3A_33 = tpu.memref_slice %arg9[%dma_start3A, %dma_start3A_32] : memref<40x128xi32, #tpu.memory_space<vmem>> -> memref<1x128xi32, #tpu.memory_space<vmem>>
      %dma_start3A_34 = tpu.memref_squeeze %dma_start3A_33 : memref<1x128xi32, #tpu.memory_space<vmem>> -> memref<128xi32, #tpu.memory_space<vmem>>
      %dma_start3A_35 = arith.constant 0 : i32
      %dma_start3A_36 = arith.constant 0 : i32
      %dma_start3A_37 = tpu.memref_slice %arg2[%dma_start3A_35, %dma_start3A_36] : memref<10000x128xf32, #tpu.memory_space<hbm>> -> memref<10000x128xf32, #tpu.memory_space<hbm>>
      tpu.enqueue_indirect_dma source(%dma_start3A_37 : memref<10000x128xf32, #tpu.memory_space<hbm>>) target(%arg11 : memref<128x128xf32, #tpu.memory_space<vmem>>) offsets(%dma_start3A_34 : memref<128xi32, #tpu.memory_space<vmem>>) semaphore(%arg13 : memref<!tpu.dma_semaphore, #tpu.memory_space<semaphore_mem>>)
      %scan3A = arith.constant 0 : i32
      %scan3A_38 = arith.constant 0 : i32
      %scan3A_39 = arith.constant 20 : i32
      %scan3A_40 = arith.addi %scan3A_38, %scan3A_39 : i32
      %scan3A_41 = arith.constant 1 : i32
      scf.for %scan3A_61 = %scan3A_38 to %scan3A_40 step %scan3A_41  : i32 {
        %mul3A_62 = arith.constant 2 : i32
        %mul3A_63 = arith.muli %scan3A_61, %mul3A_62 : i32
        %dma_wait3A = arith.constant 0 : i32
        %dma_wait3A_64 = tpu.memref_slice %arg9[%mul3A_63, %dma_wait3A] : memref<40x128xi32, #tpu.memory_space<vmem>> -> memref<1x128xi32, #tpu.memory_space<vmem>>
        %dma_wait3A_65 = tpu.memref_squeeze %dma_wait3A_64 : memref<1x128xi32, #tpu.memory_space<vmem>> -> memref<128xi32, #tpu.memory_space<vmem>>
        %dma_wait3A_66 = arith.constant 0 : i32
        %dma_wait3A_67 = arith.constant 0 : i32
        %dma_wait3A_68 = tpu.memref_slice %arg2[%dma_wait3A_66, %dma_wait3A_67] : memref<10000x128xf32, #tpu.memory_space<hbm>> -> memref<10000x128xf32, #tpu.memory_space<hbm>>
        tpu.wait_indirect_dma semaphore(%arg13 : memref<!tpu.dma_semaphore, #tpu.memory_space<semaphore_mem>>) src(%dma_wait3A_68 : memref<10000x128xf32, #tpu.memory_space<hbm>>) dst(%arg11 : memref<128x128xf32, #tpu.memory_space<vmem>>)
        %add3A_69 = arith.constant 1 : i32
        %add3A_70 = arith.addi %mul3A_63, %add3A_69 : i32
        %dma_start3A_71 = arith.constant 0 : i32
        %dma_start3A_72 = tpu.memref_slice %arg9[%add3A_70, %dma_start3A_71] : memref<40x128xi32, #tpu.memory_space<vmem>> -> memref<1x128xi32, #tpu.memory_space<vmem>>
        %dma_start3A_73 = tpu.memref_squeeze %dma_start3A_72 : memref<1x128xi32, #tpu.memory_space<vmem>> -> memref<128xi32, #tpu.memory_space<vmem>>
        %dma_start3A_74 = arith.constant 0 : i32
        %dma_start3A_75 = arith.constant 0 : i32
        %dma_start3A_76 = tpu.memref_slice %arg2[%dma_start3A_74, %dma_start3A_75] : memref<10000x128xf32, #tpu.memory_space<hbm>> -> memref<10000x128xf32, #tpu.memory_space<hbm>>
        tpu.enqueue_indirect_dma source(%dma_start3A_76 : memref<10000x128xf32, #tpu.memory_space<hbm>>) target(%arg12 : memref<128x128xf32, #tpu.memory_space<vmem>>) offsets(%dma_start3A_73 : memref<128xi32, #tpu.memory_space<vmem>>) semaphore(%arg14 : memref<!tpu.dma_semaphore, #tpu.memory_space<semaphore_mem>>)
        "tpu.region"() ({
          %run_scoped3A = tpu.sem_alloc : memref<!tpu.dma_semaphore, #tpu.memory_space<semaphore_mem>>
          %dma_start3A_92 = arith.constant 0 : i32
          %dma_start3A_93 = tpu.memref_slice %arg10[%mul3A_63, %dma_start3A_92] : memref<40x128xi32, #tpu.memory_space<vmem>> -> memref<1x128xi32, #tpu.memory_space<vmem>>
          %dma_start3A_94 = tpu.memref_squeeze %dma_start3A_93 : memref<1x128xi32, #tpu.memory_space<vmem>> -> memref<128xi32, #tpu.memory_space<vmem>>
          %dma_start3A_95 = arith.constant 0 : i32
          %dma_start3A_96 = arith.constant 0 : i32
          %dma_start3A_97 = tpu.memref_slice %arg15[%dma_start3A_95, %dma_start3A_96] : memref<10008x128xf32, #tpu.memory_space<vmem_shared>> -> memref<10008x128xf32, #tpu.memory_space<vmem_shared>>
          tpu.enqueue_indirect_dma source(%arg11 : memref<128x128xf32, #tpu.memory_space<vmem>>) target(%dma_start3A_97 : memref<10008x128xf32, #tpu.memory_space<vmem_shared>>) offsets(%dma_start3A_94 : memref<128xi32, #tpu.memory_space<vmem>>) semaphore(%run_scoped3A : memref<!tpu.dma_semaphore, #tpu.memory_space<semaphore_mem>>) {add = true}
          %dma_wait3A_98 = arith.constant 0 : i32
          %dma_wait3A_99 = tpu.memref_slice %arg10[%mul3A_63, %dma_wait3A_98] : memref<40x128xi32, #tpu.memory_space<vmem>> -> memref<1x128xi32, #tpu.memory_space<vmem>>
          %dma_wait3A_100 = tpu.memref_squeeze %dma_wait3A_99 : memref<1x128xi32, #tpu.memory_space<vmem>> -> memref<128xi32, #tpu.memory_space<vmem>>
          %dma_wait3A_101 = arith.constant 0 : i32
          %dma_wait3A_102 = arith.constant 0 : i32
          %dma_wait3A_103 = tpu.memref_slice %arg15[%dma_wait3A_101, %dma_wait3A_102] : memref<10008x128xf32, #tpu.memory_space<vmem_shared>> -> memref<10008x128xf32, #tpu.memory_space<vmem_shared>>
          tpu.wait_indirect_dma semaphore(%run_scoped3A : memref<!tpu.dma_semaphore, #tpu.memory_space<semaphore_mem>>) src(%arg11 : memref<128x128xf32, #tpu.memory_space<vmem>>) dst(%dma_wait3A_103 : memref<10008x128xf32, #tpu.memory_space<vmem_shared>>)
          tpu.yield
        }) : () -> ()
        %add3A_77 = arith.constant 1 : i32
        %add3A_78 = arith.addi %mul3A_63, %add3A_77 : i32
        %dma_wait3A_79 = arith.constant 0 : i32
        %dma_wait3A_80 = tpu.memref_slice %arg9[%add3A_78, %dma_wait3A_79] : memref<40x128xi32, #tpu.memory_space<vmem>> -> memref<1x128xi32, #tpu.memory_space<vmem>>
        %dma_wait3A_81 = tpu.memref_squeeze %dma_wait3A_80 : memref<1x128xi32, #tpu.memory_space<vmem>> -> memref<128xi32, #tpu.memory_space<vmem>>
        %dma_wait3A_82 = arith.constant 0 : i32
        %dma_wait3A_83 = arith.constant 0 : i32
        %dma_wait3A_84 = tpu.memref_slice %arg2[%dma_wait3A_82, %dma_wait3A_83] : memref<10000x128xf32, #tpu.memory_space<hbm>> -> memref<10000x128xf32, #tpu.memory_space<hbm>>
        tpu.wait_indirect_dma semaphore(%arg14 : memref<!tpu.dma_semaphore, #tpu.memory_space<semaphore_mem>>) src(%dma_wait3A_84 : memref<10000x128xf32, #tpu.memory_space<hbm>>) dst(%arg12 : memref<128x128xf32, #tpu.memory_space<vmem>>)
        %lt3A_85 = arith.constant 19 : i32
        %lt3A_86 = arith.cmpi slt, %scan3A_61, %lt3A_85 : i32
        %convert_element_type3A_87 = arith.extui %lt3A_86 : i1 to i32
        %cond3A_88 = arith.constant 0 : i32
        %cond3A_89 = arith.cmpi ne, %convert_element_type3A_87, %cond3A_88 : i32
        scf.if %cond3A_89 {
          %add3A_92 = arith.constant 2 : i32
          %add3A_93 = arith.addi %mul3A_63, %add3A_92 : i32
          %dma_start3A_94 = arith.constant 0 : i32
          %dma_start3A_95 = tpu.memref_slice %arg9[%add3A_93, %dma_start3A_94] : memref<40x128xi32, #tpu.memory_space<vmem>> -> memref<1x128xi32, #tpu.memory_space<vmem>>
          %dma_start3A_96 = tpu.memref_squeeze %dma_start3A_95 : memref<1x128xi32, #tpu.memory_space<vmem>> -> memref<128xi32, #tpu.memory_space<vmem>>
          %dma_start3A_97 = arith.constant 0 : i32
          %dma_start3A_98 = arith.constant 0 : i32
          %dma_start3A_99 = tpu.memref_slice %arg2[%dma_start3A_97, %dma_start3A_98] : memref<10000x128xf32, #tpu.memory_space<hbm>> -> memref<10000x128xf32, #tpu.memory_space<hbm>>
          tpu.enqueue_indirect_dma source(%dma_start3A_99 : memref<10000x128xf32, #tpu.memory_space<hbm>>) target(%arg11 : memref<128x128xf32, #tpu.memory_space<vmem>>) offsets(%dma_start3A_96 : memref<128xi32, #tpu.memory_space<vmem>>) semaphore(%arg13 : memref<!tpu.dma_semaphore, #tpu.memory_space<semaphore_mem>>)
        } else {
        }
        %add3A_90 = arith.constant 1 : i32
        %add3A_91 = arith.addi %mul3A_63, %add3A_90 : i32
        "tpu.region"() ({
          %run_scoped3A = tpu.sem_alloc : memref<!tpu.dma_semaphore, #tpu.memory_space<semaphore_mem>>
          %dma_start3A_92 = arith.constant 0 : i32
          %dma_start3A_93 = tpu.memref_slice %arg10[%add3A_91, %dma_start3A_92] : memref<40x128xi32, #tpu.memory_space<vmem>> -> memref<1x128xi32, #tpu.memory_space<vmem>>
          %dma_start3A_94 = tpu.memref_squeeze %dma_start3A_93 : memref<1x128xi32, #tpu.memory_space<vmem>> -> memref<128xi32, #tpu.memory_space<vmem>>
          %dma_start3A_95 = arith.constant 0 : i32
          %dma_start3A_96 = arith.constant 0 : i32
          %dma_start3A_97 = tpu.memref_slice %arg15[%dma_start3A_95, %dma_start3A_96] : memref<10008x128xf32, #tpu.memory_space<vmem_shared>> -> memref<10008x128xf32, #tpu.memory_space<vmem_shared>>
          tpu.enqueue_indirect_dma source(%arg12 : memref<128x128xf32, #tpu.memory_space<vmem>>) target(%dma_start3A_97 : memref<10008x128xf32, #tpu.memory_space<vmem_shared>>) offsets(%dma_start3A_94 : memref<128xi32, #tpu.memory_space<vmem>>) semaphore(%run_scoped3A : memref<!tpu.dma_semaphore, #tpu.memory_space<semaphore_mem>>) {add = true}
          %dma_wait3A_98 = arith.constant 0 : i32
          %dma_wait3A_99 = tpu.memref_slice %arg10[%add3A_91, %dma_wait3A_98] : memref<40x128xi32, #tpu.memory_space<vmem>> -> memref<1x128xi32, #tpu.memory_space<vmem>>
          %dma_wait3A_100 = tpu.memref_squeeze %dma_wait3A_99 : memref<1x128xi32, #tpu.memory_space<vmem>> -> memref<128xi32, #tpu.memory_space<vmem>>
          %dma_wait3A_101 = arith.constant 0 : i32
          %dma_wait3A_102 = arith.constant 0 : i32
          %dma_wait3A_103 = tpu.memref_slice %arg15[%dma_wait3A_101, %dma_wait3A_102] : memref<10008x128xf32, #tpu.memory_space<vmem_shared>> -> memref<10008x128xf32, #tpu.memory_space<vmem_shared>>
          tpu.wait_indirect_dma semaphore(%run_scoped3A : memref<!tpu.dma_semaphore, #tpu.memory_space<semaphore_mem>>) src(%arg12 : memref<128x128xf32, #tpu.memory_space<vmem>>) dst(%dma_wait3A_103 : memref<10008x128xf32, #tpu.memory_space<vmem_shared>>)
          tpu.yield
        }) : () -> ()
      }
      %scan3A_42 = arith.constant 20 : i32
      %mul3A_43 = arith.constant 80 : i32
      %mul3A_44 = arith.muli %arg1, %mul3A_43 : i32
      %add3A_45 = arith.constant 40 : i32
      %add3A_46 = arith.addi %mul3A_44, %add3A_45 : i32
      %multiple_of3A_47 = tpu.assume_multiple %add3A_46, 8 : i32
      "tpu.region"() ({
        %run_scoped3A = tpu.sem_alloc : memref<!tpu.dma_semaphore, #tpu.memory_space<semaphore_mem>>
        %dma_start3A_61 = arith.constant 0 : i32
        %dma_start3A_62 = tpu.memref_slice %arg4[%multiple_of3A_47, %dma_start3A_61] : memref<1280x128xi32, #tpu.memory_space<hbm>> -> memref<40x128xi32, #tpu.memory_space<hbm>>
        %dma_start3A_63 = arith.constant 0 : i32
        %dma_start3A_64 = tpu.memref_slice %arg4[%multiple_of3A_47, %dma_start3A_63] : memref<1280x128xi32, #tpu.memory_space<hbm>> -> memref<40x128xi32, #tpu.memory_space<hbm>>
        tpu.enqueue_dma source(%dma_start3A_64 : memref<40x128xi32, #tpu.memory_space<hbm>>) target(%arg9 : memref<40x128xi32, #tpu.memory_space<vmem>>) target_semaphore(%run_scoped3A : memref<!tpu.dma_semaphore, #tpu.memory_space<semaphore_mem>>)
        %dma_wait3A = arith.constant 0 : i32
        %dma_wait3A_65 = tpu.memref_slice %arg4[%multiple_of3A_47, %dma_wait3A] : memref<1280x128xi32, #tpu.memory_space<hbm>> -> memref<40x128xi32, #tpu.memory_space<hbm>>
        %dma_wait3A_66 = arith.constant 0 : i32
        %dma_wait3A_67 = tpu.memref_slice %arg4[%multiple_of3A_47, %dma_wait3A_66] : memref<1280x128xi32, #tpu.memory_space<hbm>> -> memref<40x128xi32, #tpu.memory_space<hbm>>
        tpu.wait_dma2 semaphore(%run_scoped3A : memref<!tpu.dma_semaphore, #tpu.memory_space<semaphore_mem>>) src(%dma_wait3A_67 : memref<40x128xi32, #tpu.memory_space<hbm>>) dst(%arg9 : memref<40x128xi32, #tpu.memory_space<vmem>>)
        tpu.yield
      }) : () -> ()
      "tpu.region"() ({
        %run_scoped3A = tpu.sem_alloc : memref<!tpu.dma_semaphore, #tpu.memory_space<semaphore_mem>>
        %dma_start3A_61 = arith.constant 0 : i32
        %dma_start3A_62 = tpu.memref_slice %arg5[%multiple_of3A_47, %dma_start3A_61] : memref<1280x128xi32, #tpu.memory_space<hbm>> -> memref<40x128xi32, #tpu.memory_space<hbm>>
        %dma_start3A_63 = arith.constant 0 : i32
        %dma_start3A_64 = tpu.memref_slice %arg5[%multiple_of3A_47, %dma_start3A_63] : memref<1280x128xi32, #tpu.memory_space<hbm>> -> memref<40x128xi32, #tpu.memory_space<hbm>>
        tpu.enqueue_dma source(%dma_start3A_64 : memref<40x128xi32, #tpu.memory_space<hbm>>) target(%arg10 : memref<40x128xi32, #tpu.memory_space<vmem>>) target_semaphore(%run_scoped3A : memref<!tpu.dma_semaphore, #tpu.memory_space<semaphore_mem>>)
        %dma_wait3A = arith.constant 0 : i32
        %dma_wait3A_65 = tpu.memref_slice %arg5[%multiple_of3A_47, %dma_wait3A] : memref<1280x128xi32, #tpu.memory_space<hbm>> -> memref<40x128xi32, #tpu.memory_space<hbm>>
        %dma_wait3A_66 = arith.constant 0 : i32
        %dma_wait3A_67 = tpu.memref_slice %arg5[%multiple_of3A_47, %dma_wait3A_66] : memref<1280x128xi32, #tpu.memory_space<hbm>> -> memref<40x128xi32, #tpu.memory_space<hbm>>
        tpu.wait_dma2 semaphore(%run_scoped3A : memref<!tpu.dma_semaphore, #tpu.memory_space<semaphore_mem>>) src(%dma_wait3A_67 : memref<40x128xi32, #tpu.memory_space<hbm>>) dst(%arg10 : memref<40x128xi32, #tpu.memory_space<vmem>>)
        tpu.yield
      }) : () -> ()
      %dma_start3A_48 = arith.constant 0 : i32
      %dma_start3A_49 = arith.constant 0 : i32
      %dma_start3A_50 = tpu.memref_slice %arg9[%dma_start3A_48, %dma_start3A_49] : memref<40x128xi32, #tpu.memory_space<vmem>> -> memref<1x128xi32, #tpu.memory_space<vmem>>
      %dma_start3A_51 = tpu.memref_squeeze %dma_start3A_50 : memref<1x128xi32, #tpu.memory_space<vmem>> -> memref<128xi32, #tpu.memory_space<vmem>>
      %dma_start3A_52 = arith.constant 0 : i32
      %dma_start3A_53 = arith.constant 0 : i32
      %dma_start3A_54 = tpu.memref_slice %arg2[%dma_start3A_52, %dma_start3A_53] : memref<10000x128xf32, #tpu.memory_space<hbm>> -> memref<10000x128xf32, #tpu.memory_space<hbm>>
      tpu.enqueue_indirect_dma source(%dma_start3A_54 : memref<10000x128xf32, #tpu.memory_space<hbm>>) target(%arg11 : memref<128x128xf32, #tpu.memory_space<vmem>>) offsets(%dma_start3A_51 : memref<128xi32, #tpu.memory_space<vmem>>) semaphore(%arg13 : memref<!tpu.dma_semaphore, #tpu.memory_space<semaphore_mem>>)
      %scan3A_55 = arith.constant 0 : i32
      %scan3A_56 = arith.constant 0 : i32
      %scan3A_57 = arith.constant 20 : i32
      %scan3A_58 = arith.addi %scan3A_56, %scan3A_57 : i32
      %scan3A_59 = arith.constant 1 : i32
      scf.for %scan3A_61 = %scan3A_56 to %scan3A_58 step %scan3A_59  : i32 {
        %mul3A_62 = arith.constant 2 : i32
        %mul3A_63 = arith.muli %scan3A_61, %mul3A_62 : i32
        %dma_wait3A = arith.constant 0 : i32
        %dma_wait3A_64 = tpu.memref_slice %arg9[%mul3A_63, %dma_wait3A] : memref<40x128xi32, #tpu.memory_space<vmem>> -> memref<1x128xi32, #tpu.memory_space<vmem>>
        %dma_wait3A_65 = tpu.memref_squeeze %dma_wait3A_64 : memref<1x128xi32, #tpu.memory_space<vmem>> -> memref<128xi32, #tpu.memory_space<vmem>>
        %dma_wait3A_66 = arith.constant 0 : i32
        %dma_wait3A_67 = arith.constant 0 : i32
        %dma_wait3A_68 = tpu.memref_slice %arg2[%dma_wait3A_66, %dma_wait3A_67] : memref<10000x128xf32, #tpu.memory_space<hbm>> -> memref<10000x128xf32, #tpu.memory_space<hbm>>
        tpu.wait_indirect_dma semaphore(%arg13 : memref<!tpu.dma_semaphore, #tpu.memory_space<semaphore_mem>>) src(%dma_wait3A_68 : memref<10000x128xf32, #tpu.memory_space<hbm>>) dst(%arg11 : memref<128x128xf32, #tpu.memory_space<vmem>>)
        %add3A_69 = arith.constant 1 : i32
        %add3A_70 = arith.addi %mul3A_63, %add3A_69 : i32
        %dma_start3A_71 = arith.constant 0 : i32
        %dma_start3A_72 = tpu.memref_slice %arg9[%add3A_70, %dma_start3A_71] : memref<40x128xi32, #tpu.memory_space<vmem>> -> memref<1x128xi32, #tpu.memory_space<vmem>>
        %dma_start3A_73 = tpu.memref_squeeze %dma_start3A_72 : memref<1x128xi32, #tpu.memory_space<vmem>> -> memref<128xi32, #tpu.memory_space<vmem>>
        %dma_start3A_74 = arith.constant 0 : i32
        %dma_start3A_75 = arith.constant 0 : i32
        %dma_start3A_76 = tpu.memref_slice %arg2[%dma_start3A_74, %dma_start3A_75] : memref<10000x128xf32, #tpu.memory_space<hbm>> -> memref<10000x128xf32, #tpu.memory_space<hbm>>
        tpu.enqueue_indirect_dma source(%dma_start3A_76 : memref<10000x128xf32, #tpu.memory_space<hbm>>) target(%arg12 : memref<128x128xf32, #tpu.memory_space<vmem>>) offsets(%dma_start3A_73 : memref<128xi32, #tpu.memory_space<vmem>>) semaphore(%arg14 : memref<!tpu.dma_semaphore, #tpu.memory_space<semaphore_mem>>)
        "tpu.region"() ({
          %run_scoped3A = tpu.sem_alloc : memref<!tpu.dma_semaphore, #tpu.memory_space<semaphore_mem>>
          %dma_start3A_92 = arith.constant 0 : i32
          %dma_start3A_93 = tpu.memref_slice %arg10[%mul3A_63, %dma_start3A_92] : memref<40x128xi32, #tpu.memory_space<vmem>> -> memref<1x128xi32, #tpu.memory_space<vmem>>
          %dma_start3A_94 = tpu.memref_squeeze %dma_start3A_93 : memref<1x128xi32, #tpu.memory_space<vmem>> -> memref<128xi32, #tpu.memory_space<vmem>>
          %dma_start3A_95 = arith.constant 0 : i32
          %dma_start3A_96 = arith.constant 0 : i32
          %dma_start3A_97 = tpu.memref_slice %arg15[%dma_start3A_95, %dma_start3A_96] : memref<10008x128xf32, #tpu.memory_space<vmem_shared>> -> memref<10008x128xf32, #tpu.memory_space<vmem_shared>>
          tpu.enqueue_indirect_dma source(%arg11 : memref<128x128xf32, #tpu.memory_space<vmem>>) target(%dma_start3A_97 : memref<10008x128xf32, #tpu.memory_space<vmem_shared>>) offsets(%dma_start3A_94 : memref<128xi32, #tpu.memory_space<vmem>>) semaphore(%run_scoped3A : memref<!tpu.dma_semaphore, #tpu.memory_space<semaphore_mem>>) {add = true}
          %dma_wait3A_98 = arith.constant 0 : i32
          %dma_wait3A_99 = tpu.memref_slice %arg10[%mul3A_63, %dma_wait3A_98] : memref<40x128xi32, #tpu.memory_space<vmem>> -> memref<1x128xi32, #tpu.memory_space<vmem>>
          %dma_wait3A_100 = tpu.memref_squeeze %dma_wait3A_99 : memref<1x128xi32, #tpu.memory_space<vmem>> -> memref<128xi32, #tpu.memory_space<vmem>>
          %dma_wait3A_101 = arith.constant 0 : i32
          %dma_wait3A_102 = arith.constant 0 : i32
          %dma_wait3A_103 = tpu.memref_slice %arg15[%dma_wait3A_101, %dma_wait3A_102] : memref<10008x128xf32, #tpu.memory_space<vmem_shared>> -> memref<10008x128xf32, #tpu.memory_space<vmem_shared>>
          tpu.wait_indirect_dma semaphore(%run_scoped3A : memref<!tpu.dma_semaphore, #tpu.memory_space<semaphore_mem>>) src(%arg11 : memref<128x128xf32, #tpu.memory_space<vmem>>) dst(%dma_wait3A_103 : memref<10008x128xf32, #tpu.memory_space<vmem_shared>>)
          tpu.yield
        }) : () -> ()
        %add3A_77 = arith.constant 1 : i32
        %add3A_78 = arith.addi %mul3A_63, %add3A_77 : i32
        %dma_wait3A_79 = arith.constant 0 : i32
        %dma_wait3A_80 = tpu.memref_slice %arg9[%add3A_78, %dma_wait3A_79] : memref<40x128xi32, #tpu.memory_space<vmem>> -> memref<1x128xi32, #tpu.memory_space<vmem>>
        %dma_wait3A_81 = tpu.memref_squeeze %dma_wait3A_80 : memref<1x128xi32, #tpu.memory_space<vmem>> -> memref<128xi32, #tpu.memory_space<vmem>>
        %dma_wait3A_82 = arith.constant 0 : i32
        %dma_wait3A_83 = arith.constant 0 : i32
        %dma_wait3A_84 = tpu.memref_slice %arg2[%dma_wait3A_82, %dma_wait3A_83] : memref<10000x128xf32, #tpu.memory_space<hbm>> -> memref<10000x128xf32, #tpu.memory_space<hbm>>
        tpu.wait_indirect_dma semaphore(%arg14 : memref<!tpu.dma_semaphore, #tpu.memory_space<semaphore_mem>>) src(%dma_wait3A_84 : memref<10000x128xf32, #tpu.memory_space<hbm>>) dst(%arg12 : memref<128x128xf32, #tpu.memory_space<vmem>>)
        %lt3A_85 = arith.constant 19 : i32
        %lt3A_86 = arith.cmpi slt, %scan3A_61, %lt3A_85 : i32
        %convert_element_type3A_87 = arith.extui %lt3A_86 : i1 to i32
        %cond3A_88 = arith.constant 0 : i32
        %cond3A_89 = arith.cmpi ne, %convert_element_type3A_87, %cond3A_88 : i32
        scf.if %cond3A_89 {
          %add3A_92 = arith.constant 2 : i32
          %add3A_93 = arith.addi %mul3A_63, %add3A_92 : i32
          %dma_start3A_94 = arith.constant 0 : i32
          %dma_start3A_95 = tpu.memref_slice %arg9[%add3A_93, %dma_start3A_94] : memref<40x128xi32, #tpu.memory_space<vmem>> -> memref<1x128xi32, #tpu.memory_space<vmem>>
          %dma_start3A_96 = tpu.memref_squeeze %dma_start3A_95 : memref<1x128xi32, #tpu.memory_space<vmem>> -> memref<128xi32, #tpu.memory_space<vmem>>
          %dma_start3A_97 = arith.constant 0 : i32
          %dma_start3A_98 = arith.constant 0 : i32
          %dma_start3A_99 = tpu.memref_slice %arg2[%dma_start3A_97, %dma_start3A_98] : memref<10000x128xf32, #tpu.memory_space<hbm>> -> memref<10000x128xf32, #tpu.memory_space<hbm>>
          tpu.enqueue_indirect_dma source(%dma_start3A_99 : memref<10000x128xf32, #tpu.memory_space<hbm>>) target(%arg11 : memref<128x128xf32, #tpu.memory_space<vmem>>) offsets(%dma_start3A_96 : memref<128xi32, #tpu.memory_space<vmem>>) semaphore(%arg13 : memref<!tpu.dma_semaphore, #tpu.memory_space<semaphore_mem>>)
        } else {
        }
        %add3A_90 = arith.constant 1 : i32
        %add3A_91 = arith.addi %mul3A_63, %add3A_90 : i32
        "tpu.region"() ({
          %run_scoped3A = tpu.sem_alloc : memref<!tpu.dma_semaphore, #tpu.memory_space<semaphore_mem>>
          %dma_start3A_92 = arith.constant 0 : i32
          %dma_start3A_93 = tpu.memref_slice %arg10[%add3A_91, %dma_start3A_92] : memref<40x128xi32, #tpu.memory_space<vmem>> -> memref<1x128xi32, #tpu.memory_space<vmem>>
          %dma_start3A_94 = tpu.memref_squeeze %dma_start3A_93 : memref<1x128xi32, #tpu.memory_space<vmem>> -> memref<128xi32, #tpu.memory_space<vmem>>
          %dma_start3A_95 = arith.constant 0 : i32
          %dma_start3A_96 = arith.constant 0 : i32
          %dma_start3A_97 = tpu.memref_slice %arg15[%dma_start3A_95, %dma_start3A_96] : memref<10008x128xf32, #tpu.memory_space<vmem_shared>> -> memref<10008x128xf32, #tpu.memory_space<vmem_shared>>
          tpu.enqueue_indirect_dma source(%arg12 : memref<128x128xf32, #tpu.memory_space<vmem>>) target(%dma_start3A_97 : memref<10008x128xf32, #tpu.memory_space<vmem_shared>>) offsets(%dma_start3A_94 : memref<128xi32, #tpu.memory_space<vmem>>) semaphore(%run_scoped3A : memref<!tpu.dma_semaphore, #tpu.memory_space<semaphore_mem>>) {add = true}
          %dma_wait3A_98 = arith.constant 0 : i32
          %dma_wait3A_99 = tpu.memref_slice %arg10[%add3A_91, %dma_wait3A_98] : memref<40x128xi32, #tpu.memory_space<vmem>> -> memref<1x128xi32, #tpu.memory_space<vmem>>
          %dma_wait3A_100 = tpu.memref_squeeze %dma_wait3A_99 : memref<1x128xi32, #tpu.memory_space<vmem>> -> memref<128xi32, #tpu.memory_space<vmem>>
          %dma_wait3A_101 = arith.constant 0 : i32
          %dma_wait3A_102 = arith.constant 0 : i32
          %dma_wait3A_103 = tpu.memref_slice %arg15[%dma_wait3A_101, %dma_wait3A_102] : memref<10008x128xf32, #tpu.memory_space<vmem_shared>> -> memref<10008x128xf32, #tpu.memory_space<vmem_shared>>
          tpu.wait_indirect_dma semaphore(%run_scoped3A : memref<!tpu.dma_semaphore, #tpu.memory_space<semaphore_mem>>) src(%arg12 : memref<128x128xf32, #tpu.memory_space<vmem>>) dst(%dma_wait3A_103 : memref<10008x128xf32, #tpu.memory_space<vmem_shared>>)
          tpu.yield
        }) : () -> ()
      }
      %scan3A_60 = arith.constant 20 : i32
    } else {
    }
    %eq3A_12 = arith.constant 1 : i32
    %eq3A_13 = arith.cmpi eq, %arg0, %eq3A_12 : i32
    %convert_element_type3A_14 = arith.extui %eq3A_13 : i1 to i32
    %cond3A_15 = arith.constant 0 : i32
    %cond3A_16 = arith.cmpi ne, %convert_element_type3A_14, %cond3A_15 : i32
    scf.if %cond3A_16 {
      %mul3A_28 = arith.constant 80 : i32
      %mul3A_29 = arith.muli %arg1, %mul3A_28 : i32
      %add3A = arith.constant 0 : i32
      %add3A_30 = arith.addi %mul3A_29, %add3A : i32
      %multiple_of3A_31 = tpu.assume_multiple %add3A_30, 8 : i32
      "tpu.region"() ({
        %run_scoped3A = tpu.sem_alloc : memref<!tpu.dma_semaphore, #tpu.memory_space<semaphore_mem>>
        %dma_start3A_61 = arith.constant 0 : i32
        %dma_start3A_62 = tpu.memref_slice %arg4[%multiple_of3A_31, %dma_start3A_61] : memref<1280x128xi32, #tpu.memory_space<hbm>> -> memref<40x128xi32, #tpu.memory_space<hbm>>
        %dma_start3A_63 = arith.constant 0 : i32
        %dma_start3A_64 = tpu.memref_slice %arg4[%multiple_of3A_31, %dma_start3A_63] : memref<1280x128xi32, #tpu.memory_space<hbm>> -> memref<40x128xi32, #tpu.memory_space<hbm>>
        tpu.enqueue_dma source(%dma_start3A_64 : memref<40x128xi32, #tpu.memory_space<hbm>>) target(%arg9 : memref<40x128xi32, #tpu.memory_space<vmem>>) target_semaphore(%run_scoped3A : memref<!tpu.dma_semaphore, #tpu.memory_space<semaphore_mem>>)
        %dma_wait3A = arith.constant 0 : i32
        %dma_wait3A_65 = tpu.memref_slice %arg4[%multiple_of3A_31, %dma_wait3A] : memref<1280x128xi32, #tpu.memory_space<hbm>> -> memref<40x128xi32, #tpu.memory_space<hbm>>
        %dma_wait3A_66 = arith.constant 0 : i32
        %dma_wait3A_67 = tpu.memref_slice %arg4[%multiple_of3A_31, %dma_wait3A_66] : memref<1280x128xi32, #tpu.memory_space<hbm>> -> memref<40x128xi32, #tpu.memory_space<hbm>>
        tpu.wait_dma2 semaphore(%run_scoped3A : memref<!tpu.dma_semaphore, #tpu.memory_space<semaphore_mem>>) src(%dma_wait3A_67 : memref<40x128xi32, #tpu.memory_space<hbm>>) dst(%arg9 : memref<40x128xi32, #tpu.memory_space<vmem>>)
        tpu.yield
      }) : () -> ()
      "tpu.region"() ({
        %run_scoped3A = tpu.sem_alloc : memref<!tpu.dma_semaphore, #tpu.memory_space<semaphore_mem>>
        %dma_start3A_61 = arith.constant 0 : i32
        %dma_start3A_62 = tpu.memref_slice %arg5[%multiple_of3A_31, %dma_start3A_61] : memref<1280x128xi32, #tpu.memory_space<hbm>> -> memref<40x128xi32, #tpu.memory_space<hbm>>
        %dma_start3A_63 = arith.constant 0 : i32
        %dma_start3A_64 = tpu.memref_slice %arg5[%multiple_of3A_31, %dma_start3A_63] : memref<1280x128xi32, #tpu.memory_space<hbm>> -> memref<40x128xi32, #tpu.memory_space<hbm>>
        tpu.enqueue_dma source(%dma_start3A_64 : memref<40x128xi32, #tpu.memory_space<hbm>>) target(%arg10 : memref<40x128xi32, #tpu.memory_space<vmem>>) target_semaphore(%run_scoped3A : memref<!tpu.dma_semaphore, #tpu.memory_space<semaphore_mem>>)
        %dma_wait3A = arith.constant 0 : i32
        %dma_wait3A_65 = tpu.memref_slice %arg5[%multiple_of3A_31, %dma_wait3A] : memref<1280x128xi32, #tpu.memory_space<hbm>> -> memref<40x128xi32, #tpu.memory_space<hbm>>
        %dma_wait3A_66 = arith.constant 0 : i32
        %dma_wait3A_67 = tpu.memref_slice %arg5[%multiple_of3A_31, %dma_wait3A_66] : memref<1280x128xi32, #tpu.memory_space<hbm>> -> memref<40x128xi32, #tpu.memory_space<hbm>>
        tpu.wait_dma2 semaphore(%run_scoped3A : memref<!tpu.dma_semaphore, #tpu.memory_space<semaphore_mem>>) src(%dma_wait3A_67 : memref<40x128xi32, #tpu.memory_space<hbm>>) dst(%arg10 : memref<40x128xi32, #tpu.memory_space<vmem>>)
        tpu.yield
      }) : () -> ()
      %dma_start3A = arith.constant 0 : i32
      %dma_start3A_32 = arith.constant 0 : i32
      %dma_start3A_33 = tpu.memref_slice %arg9[%dma_start3A, %dma_start3A_32] : memref<40x128xi32, #tpu.memory_space<vmem>> -> memref<1x128xi32, #tpu.memory_space<vmem>>
      %dma_start3A_34 = tpu.memref_squeeze %dma_start3A_33 : memref<1x128xi32, #tpu.memory_space<vmem>> -> memref<128xi32, #tpu.memory_space<vmem>>
      %dma_start3A_35 = arith.constant 0 : i32
      %dma_start3A_36 = arith.constant 0 : i32
      %dma_start3A_37 = tpu.memref_slice %arg3[%dma_start3A_35, %dma_start3A_36] : memref<10000x128xf32, #tpu.memory_space<hbm>> -> memref<10000x128xf32, #tpu.memory_space<hbm>>
      tpu.enqueue_indirect_dma source(%dma_start3A_37 : memref<10000x128xf32, #tpu.memory_space<hbm>>) target(%arg11 : memref<128x128xf32, #tpu.memory_space<vmem>>) offsets(%dma_start3A_34 : memref<128xi32, #tpu.memory_space<vmem>>) semaphore(%arg13 : memref<!tpu.dma_semaphore, #tpu.memory_space<semaphore_mem>>)
      %scan3A = arith.constant 0 : i32
      %scan3A_38 = arith.constant 0 : i32
      %scan3A_39 = arith.constant 20 : i32
      %scan3A_40 = arith.addi %scan3A_38, %scan3A_39 : i32
      %scan3A_41 = arith.constant 1 : i32
      scf.for %scan3A_61 = %scan3A_38 to %scan3A_40 step %scan3A_41  : i32 {
        %mul3A_62 = arith.constant 2 : i32
        %mul3A_63 = arith.muli %scan3A_61, %mul3A_62 : i32
        %dma_wait3A = arith.constant 0 : i32
        %dma_wait3A_64 = tpu.memref_slice %arg9[%mul3A_63, %dma_wait3A] : memref<40x128xi32, #tpu.memory_space<vmem>> -> memref<1x128xi32, #tpu.memory_space<vmem>>
        %dma_wait3A_65 = tpu.memref_squeeze %dma_wait3A_64 : memref<1x128xi32, #tpu.memory_space<vmem>> -> memref<128xi32, #tpu.memory_space<vmem>>
        %dma_wait3A_66 = arith.constant 0 : i32
        %dma_wait3A_67 = arith.constant 0 : i32
        %dma_wait3A_68 = tpu.memref_slice %arg3[%dma_wait3A_66, %dma_wait3A_67] : memref<10000x128xf32, #tpu.memory_space<hbm>> -> memref<10000x128xf32, #tpu.memory_space<hbm>>
        tpu.wait_indirect_dma semaphore(%arg13 : memref<!tpu.dma_semaphore, #tpu.memory_space<semaphore_mem>>) src(%dma_wait3A_68 : memref<10000x128xf32, #tpu.memory_space<hbm>>) dst(%arg11 : memref<128x128xf32, #tpu.memory_space<vmem>>)
        %add3A_69 = arith.constant 1 : i32
        %add3A_70 = arith.addi %mul3A_63, %add3A_69 : i32
        %dma_start3A_71 = arith.constant 0 : i32
        %dma_start3A_72 = tpu.memref_slice %arg9[%add3A_70, %dma_start3A_71] : memref<40x128xi32, #tpu.memory_space<vmem>> -> memref<1x128xi32, #tpu.memory_space<vmem>>
        %dma_start3A_73 = tpu.memref_squeeze %dma_start3A_72 : memref<1x128xi32, #tpu.memory_space<vmem>> -> memref<128xi32, #tpu.memory_space<vmem>>
        %dma_start3A_74 = arith.constant 0 : i32
        %dma_start3A_75 = arith.constant 0 : i32
        %dma_start3A_76 = tpu.memref_slice %arg3[%dma_start3A_74, %dma_start3A_75] : memref<10000x128xf32, #tpu.memory_space<hbm>> -> memref<10000x128xf32, #tpu.memory_space<hbm>>
        tpu.enqueue_indirect_dma source(%dma_start3A_76 : memref<10000x128xf32, #tpu.memory_space<hbm>>) target(%arg12 : memref<128x128xf32, #tpu.memory_space<vmem>>) offsets(%dma_start3A_73 : memref<128xi32, #tpu.memory_space<vmem>>) semaphore(%arg14 : memref<!tpu.dma_semaphore, #tpu.memory_space<semaphore_mem>>)
        "tpu.region"() ({
          %run_scoped3A = tpu.sem_alloc : memref<!tpu.dma_semaphore, #tpu.memory_space<semaphore_mem>>
          %dma_start3A_92 = arith.constant 0 : i32
          %dma_start3A_93 = tpu.memref_slice %arg10[%mul3A_63, %dma_start3A_92] : memref<40x128xi32, #tpu.memory_space<vmem>> -> memref<1x128xi32, #tpu.memory_space<vmem>>
          %dma_start3A_94 = tpu.memref_squeeze %dma_start3A_93 : memref<1x128xi32, #tpu.memory_space<vmem>> -> memref<128xi32, #tpu.memory_space<vmem>>
          %dma_start3A_95 = arith.constant 0 : i32
          %dma_start3A_96 = arith.constant 0 : i32
          %dma_start3A_97 = tpu.memref_slice %arg15[%dma_start3A_95, %dma_start3A_96] : memref<10008x128xf32, #tpu.memory_space<vmem_shared>> -> memref<10008x128xf32, #tpu.memory_space<vmem_shared>>
          tpu.enqueue_indirect_dma source(%arg11 : memref<128x128xf32, #tpu.memory_space<vmem>>) target(%dma_start3A_97 : memref<10008x128xf32, #tpu.memory_space<vmem_shared>>) offsets(%dma_start3A_94 : memref<128xi32, #tpu.memory_space<vmem>>) semaphore(%run_scoped3A : memref<!tpu.dma_semaphore, #tpu.memory_space<semaphore_mem>>) {add = true}
          %dma_wait3A_98 = arith.constant 0 : i32
          %dma_wait3A_99 = tpu.memref_slice %arg10[%mul3A_63, %dma_wait3A_98] : memref<40x128xi32, #tpu.memory_space<vmem>> -> memref<1x128xi32, #tpu.memory_space<vmem>>
          %dma_wait3A_100 = tpu.memref_squeeze %dma_wait3A_99 : memref<1x128xi32, #tpu.memory_space<vmem>> -> memref<128xi32, #tpu.memory_space<vmem>>
          %dma_wait3A_101 = arith.constant 0 : i32
          %dma_wait3A_102 = arith.constant 0 : i32
          %dma_wait3A_103 = tpu.memref_slice %arg15[%dma_wait3A_101, %dma_wait3A_102] : memref<10008x128xf32, #tpu.memory_space<vmem_shared>> -> memref<10008x128xf32, #tpu.memory_space<vmem_shared>>
          tpu.wait_indirect_dma semaphore(%run_scoped3A : memref<!tpu.dma_semaphore, #tpu.memory_space<semaphore_mem>>) src(%arg11 : memref<128x128xf32, #tpu.memory_space<vmem>>) dst(%dma_wait3A_103 : memref<10008x128xf32, #tpu.memory_space<vmem_shared>>)
          tpu.yield
        }) : () -> ()
        %add3A_77 = arith.constant 1 : i32
        %add3A_78 = arith.addi %mul3A_63, %add3A_77 : i32
        %dma_wait3A_79 = arith.constant 0 : i32
        %dma_wait3A_80 = tpu.memref_slice %arg9[%add3A_78, %dma_wait3A_79] : memref<40x128xi32, #tpu.memory_space<vmem>> -> memref<1x128xi32, #tpu.memory_space<vmem>>
        %dma_wait3A_81 = tpu.memref_squeeze %dma_wait3A_80 : memref<1x128xi32, #tpu.memory_space<vmem>> -> memref<128xi32, #tpu.memory_space<vmem>>
        %dma_wait3A_82 = arith.constant 0 : i32
        %dma_wait3A_83 = arith.constant 0 : i32
        %dma_wait3A_84 = tpu.memref_slice %arg3[%dma_wait3A_82, %dma_wait3A_83] : memref<10000x128xf32, #tpu.memory_space<hbm>> -> memref<10000x128xf32, #tpu.memory_space<hbm>>
        tpu.wait_indirect_dma semaphore(%arg14 : memref<!tpu.dma_semaphore, #tpu.memory_space<semaphore_mem>>) src(%dma_wait3A_84 : memref<10000x128xf32, #tpu.memory_space<hbm>>) dst(%arg12 : memref<128x128xf32, #tpu.memory_space<vmem>>)
        %lt3A_85 = arith.constant 19 : i32
        %lt3A_86 = arith.cmpi slt, %scan3A_61, %lt3A_85 : i32
        %convert_element_type3A_87 = arith.extui %lt3A_86 : i1 to i32
        %cond3A_88 = arith.constant 0 : i32
        %cond3A_89 = arith.cmpi ne, %convert_element_type3A_87, %cond3A_88 : i32
        scf.if %cond3A_89 {
          %add3A_92 = arith.constant 2 : i32
          %add3A_93 = arith.addi %mul3A_63, %add3A_92 : i32
          %dma_start3A_94 = arith.constant 0 : i32
          %dma_start3A_95 = tpu.memref_slice %arg9[%add3A_93, %dma_start3A_94] : memref<40x128xi32, #tpu.memory_space<vmem>> -> memref<1x128xi32, #tpu.memory_space<vmem>>
          %dma_start3A_96 = tpu.memref_squeeze %dma_start3A_95 : memref<1x128xi32, #tpu.memory_space<vmem>> -> memref<128xi32, #tpu.memory_space<vmem>>
          %dma_start3A_97 = arith.constant 0 : i32
          %dma_start3A_98 = arith.constant 0 : i32
          %dma_start3A_99 = tpu.memref_slice %arg3[%dma_start3A_97, %dma_start3A_98] : memref<10000x128xf32, #tpu.memory_space<hbm>> -> memref<10000x128xf32, #tpu.memory_space<hbm>>
          tpu.enqueue_indirect_dma source(%dma_start3A_99 : memref<10000x128xf32, #tpu.memory_space<hbm>>) target(%arg11 : memref<128x128xf32, #tpu.memory_space<vmem>>) offsets(%dma_start3A_96 : memref<128xi32, #tpu.memory_space<vmem>>) semaphore(%arg13 : memref<!tpu.dma_semaphore, #tpu.memory_space<semaphore_mem>>)
        } else {
        }
        %add3A_90 = arith.constant 1 : i32
        %add3A_91 = arith.addi %mul3A_63, %add3A_90 : i32
        "tpu.region"() ({
          %run_scoped3A = tpu.sem_alloc : memref<!tpu.dma_semaphore, #tpu.memory_space<semaphore_mem>>
          %dma_start3A_92 = arith.constant 0 : i32
          %dma_start3A_93 = tpu.memref_slice %arg10[%add3A_91, %dma_start3A_92] : memref<40x128xi32, #tpu.memory_space<vmem>> -> memref<1x128xi32, #tpu.memory_space<vmem>>
          %dma_start3A_94 = tpu.memref_squeeze %dma_start3A_93 : memref<1x128xi32, #tpu.memory_space<vmem>> -> memref<128xi32, #tpu.memory_space<vmem>>
          %dma_start3A_95 = arith.constant 0 : i32
          %dma_start3A_96 = arith.constant 0 : i32
          %dma_start3A_97 = tpu.memref_slice %arg15[%dma_start3A_95, %dma_start3A_96] : memref<10008x128xf32, #tpu.memory_space<vmem_shared>> -> memref<10008x128xf32, #tpu.memory_space<vmem_shared>>
          tpu.enqueue_indirect_dma source(%arg12 : memref<128x128xf32, #tpu.memory_space<vmem>>) target(%dma_start3A_97 : memref<10008x128xf32, #tpu.memory_space<vmem_shared>>) offsets(%dma_start3A_94 : memref<128xi32, #tpu.memory_space<vmem>>) semaphore(%run_scoped3A : memref<!tpu.dma_semaphore, #tpu.memory_space<semaphore_mem>>) {add = true}
          %dma_wait3A_98 = arith.constant 0 : i32
          %dma_wait3A_99 = tpu.memref_slice %arg10[%add3A_91, %dma_wait3A_98] : memref<40x128xi32, #tpu.memory_space<vmem>> -> memref<1x128xi32, #tpu.memory_space<vmem>>
          %dma_wait3A_100 = tpu.memref_squeeze %dma_wait3A_99 : memref<1x128xi32, #tpu.memory_space<vmem>> -> memref<128xi32, #tpu.memory_space<vmem>>
          %dma_wait3A_101 = arith.constant 0 : i32
          %dma_wait3A_102 = arith.constant 0 : i32
          %dma_wait3A_103 = tpu.memref_slice %arg15[%dma_wait3A_101, %dma_wait3A_102] : memref<10008x128xf32, #tpu.memory_space<vmem_shared>> -> memref<10008x128xf32, #tpu.memory_space<vmem_shared>>
          tpu.wait_indirect_dma semaphore(%run_scoped3A : memref<!tpu.dma_semaphore, #tpu.memory_space<semaphore_mem>>) src(%arg12 : memref<128x128xf32, #tpu.memory_space<vmem>>) dst(%dma_wait3A_103 : memref<10008x128xf32, #tpu.memory_space<vmem_shared>>)
          tpu.yield
        }) : () -> ()
      }
      %scan3A_42 = arith.constant 20 : i32
      %mul3A_43 = arith.constant 80 : i32
      %mul3A_44 = arith.muli %arg1, %mul3A_43 : i32
      %add3A_45 = arith.constant 40 : i32
      %add3A_46 = arith.addi %mul3A_44, %add3A_45 : i32
      %multiple_of3A_47 = tpu.assume_multiple %add3A_46, 8 : i32
      "tpu.region"() ({
        %run_scoped3A = tpu.sem_alloc : memref<!tpu.dma_semaphore, #tpu.memory_space<semaphore_mem>>
        %dma_start3A_61 = arith.constant 0 : i32
        %dma_start3A_62 = tpu.memref_slice %arg4[%multiple_of3A_47, %dma_start3A_61] : memref<1280x128xi32, #tpu.memory_space<hbm>> -> memref<40x128xi32, #tpu.memory_space<hbm>>
        %dma_start3A_63 = arith.constant 0 : i32
        %dma_start3A_64 = tpu.memref_slice %arg4[%multiple_of3A_47, %dma_start3A_63] : memref<1280x128xi32, #tpu.memory_space<hbm>> -> memref<40x128xi32, #tpu.memory_space<hbm>>
        tpu.enqueue_dma source(%dma_start3A_64 : memref<40x128xi32, #tpu.memory_space<hbm>>) target(%arg9 : memref<40x128xi32, #tpu.memory_space<vmem>>) target_semaphore(%run_scoped3A : memref<!tpu.dma_semaphore, #tpu.memory_space<semaphore_mem>>)
        %dma_wait3A = arith.constant 0 : i32
        %dma_wait3A_65 = tpu.memref_slice %arg4[%multiple_of3A_47, %dma_wait3A] : memref<1280x128xi32, #tpu.memory_space<hbm>> -> memref<40x128xi32, #tpu.memory_space<hbm>>
        %dma_wait3A_66 = arith.constant 0 : i32
        %dma_wait3A_67 = tpu.memref_slice %arg4[%multiple_of3A_47, %dma_wait3A_66] : memref<1280x128xi32, #tpu.memory_space<hbm>> -> memref<40x128xi32, #tpu.memory_space<hbm>>
        tpu.wait_dma2 semaphore(%run_scoped3A : memref<!tpu.dma_semaphore, #tpu.memory_space<semaphore_mem>>) src(%dma_wait3A_67 : memref<40x128xi32, #tpu.memory_space<hbm>>) dst(%arg9 : memref<40x128xi32, #tpu.memory_space<vmem>>)
        tpu.yield
      }) : () -> ()
      "tpu.region"() ({
        %run_scoped3A = tpu.sem_alloc : memref<!tpu.dma_semaphore, #tpu.memory_space<semaphore_mem>>
        %dma_start3A_61 = arith.constant 0 : i32
        %dma_start3A_62 = tpu.memref_slice %arg5[%multiple_of3A_47, %dma_start3A_61] : memref<1280x128xi32, #tpu.memory_space<hbm>> -> memref<40x128xi32, #tpu.memory_space<hbm>>
        %dma_start3A_63 = arith.constant 0 : i32
        %dma_start3A_64 = tpu.memref_slice %arg5[%multiple_of3A_47, %dma_start3A_63] : memref<1280x128xi32, #tpu.memory_space<hbm>> -> memref<40x128xi32, #tpu.memory_space<hbm>>
        tpu.enqueue_dma source(%dma_start3A_64 : memref<40x128xi32, #tpu.memory_space<hbm>>) target(%arg10 : memref<40x128xi32, #tpu.memory_space<vmem>>) target_semaphore(%run_scoped3A : memref<!tpu.dma_semaphore, #tpu.memory_space<semaphore_mem>>)
        %dma_wait3A = arith.constant 0 : i32
        %dma_wait3A_65 = tpu.memref_slice %arg5[%multiple_of3A_47, %dma_wait3A] : memref<1280x128xi32, #tpu.memory_space<hbm>> -> memref<40x128xi32, #tpu.memory_space<hbm>>
        %dma_wait3A_66 = arith.constant 0 : i32
        %dma_wait3A_67 = tpu.memref_slice %arg5[%multiple_of3A_47, %dma_wait3A_66] : memref<1280x128xi32, #tpu.memory_space<hbm>> -> memref<40x128xi32, #tpu.memory_space<hbm>>
        tpu.wait_dma2 semaphore(%run_scoped3A : memref<!tpu.dma_semaphore, #tpu.memory_space<semaphore_mem>>) src(%dma_wait3A_67 : memref<40x128xi32, #tpu.memory_space<hbm>>) dst(%arg10 : memref<40x128xi32, #tpu.memory_space<vmem>>)
        tpu.yield
      }) : () -> ()
      %dma_start3A_48 = arith.constant 0 : i32
      %dma_start3A_49 = arith.constant 0 : i32
      %dma_start3A_50 = tpu.memref_slice %arg9[%dma_start3A_48, %dma_start3A_49] : memref<40x128xi32, #tpu.memory_space<vmem>> -> memref<1x128xi32, #tpu.memory_space<vmem>>
      %dma_start3A_51 = tpu.memref_squeeze %dma_start3A_50 : memref<1x128xi32, #tpu.memory_space<vmem>> -> memref<128xi32, #tpu.memory_space<vmem>>
      %dma_start3A_52 = arith.constant 0 : i32
      %dma_start3A_53 = arith.constant 0 : i32
      %dma_start3A_54 = tpu.memref_slice %arg3[%dma_start3A_52, %dma_start3A_53] : memref<10000x128xf32, #tpu.memory_space<hbm>> -> memref<10000x128xf32, #tpu.memory_space<hbm>>
      tpu.enqueue_indirect_dma source(%dma_start3A_54 : memref<10000x128xf32, #tpu.memory_space<hbm>>) target(%arg11 : memref<128x128xf32, #tpu.memory_space<vmem>>) offsets(%dma_start3A_51 : memref<128xi32, #tpu.memory_space<vmem>>) semaphore(%arg13 : memref<!tpu.dma_semaphore, #tpu.memory_space<semaphore_mem>>)
      %scan3A_55 = arith.constant 0 : i32
      %scan3A_56 = arith.constant 0 : i32
      %scan3A_57 = arith.constant 20 : i32
      %scan3A_58 = arith.addi %scan3A_56, %scan3A_57 : i32
      %scan3A_59 = arith.constant 1 : i32
      scf.for %scan3A_61 = %scan3A_56 to %scan3A_58 step %scan3A_59  : i32 {
        %mul3A_62 = arith.constant 2 : i32
        %mul3A_63 = arith.muli %scan3A_61, %mul3A_62 : i32
        %dma_wait3A = arith.constant 0 : i32
        %dma_wait3A_64 = tpu.memref_slice %arg9[%mul3A_63, %dma_wait3A] : memref<40x128xi32, #tpu.memory_space<vmem>> -> memref<1x128xi32, #tpu.memory_space<vmem>>
        %dma_wait3A_65 = tpu.memref_squeeze %dma_wait3A_64 : memref<1x128xi32, #tpu.memory_space<vmem>> -> memref<128xi32, #tpu.memory_space<vmem>>
        %dma_wait3A_66 = arith.constant 0 : i32
        %dma_wait3A_67 = arith.constant 0 : i32
        %dma_wait3A_68 = tpu.memref_slice %arg3[%dma_wait3A_66, %dma_wait3A_67] : memref<10000x128xf32, #tpu.memory_space<hbm>> -> memref<10000x128xf32, #tpu.memory_space<hbm>>
        tpu.wait_indirect_dma semaphore(%arg13 : memref<!tpu.dma_semaphore, #tpu.memory_space<semaphore_mem>>) src(%dma_wait3A_68 : memref<10000x128xf32, #tpu.memory_space<hbm>>) dst(%arg11 : memref<128x128xf32, #tpu.memory_space<vmem>>)
        %add3A_69 = arith.constant 1 : i32
        %add3A_70 = arith.addi %mul3A_63, %add3A_69 : i32
        %dma_start3A_71 = arith.constant 0 : i32
        %dma_start3A_72 = tpu.memref_slice %arg9[%add3A_70, %dma_start3A_71] : memref<40x128xi32, #tpu.memory_space<vmem>> -> memref<1x128xi32, #tpu.memory_space<vmem>>
        %dma_start3A_73 = tpu.memref_squeeze %dma_start3A_72 : memref<1x128xi32, #tpu.memory_space<vmem>> -> memref<128xi32, #tpu.memory_space<vmem>>
        %dma_start3A_74 = arith.constant 0 : i32
        %dma_start3A_75 = arith.constant 0 : i32
        %dma_start3A_76 = tpu.memref_slice %arg3[%dma_start3A_74, %dma_start3A_75] : memref<10000x128xf32, #tpu.memory_space<hbm>> -> memref<10000x128xf32, #tpu.memory_space<hbm>>
        tpu.enqueue_indirect_dma source(%dma_start3A_76 : memref<10000x128xf32, #tpu.memory_space<hbm>>) target(%arg12 : memref<128x128xf32, #tpu.memory_space<vmem>>) offsets(%dma_start3A_73 : memref<128xi32, #tpu.memory_space<vmem>>) semaphore(%arg14 : memref<!tpu.dma_semaphore, #tpu.memory_space<semaphore_mem>>)
        "tpu.region"() ({
          %run_scoped3A = tpu.sem_alloc : memref<!tpu.dma_semaphore, #tpu.memory_space<semaphore_mem>>
          %dma_start3A_92 = arith.constant 0 : i32
          %dma_start3A_93 = tpu.memref_slice %arg10[%mul3A_63, %dma_start3A_92] : memref<40x128xi32, #tpu.memory_space<vmem>> -> memref<1x128xi32, #tpu.memory_space<vmem>>
          %dma_start3A_94 = tpu.memref_squeeze %dma_start3A_93 : memref<1x128xi32, #tpu.memory_space<vmem>> -> memref<128xi32, #tpu.memory_space<vmem>>
          %dma_start3A_95 = arith.constant 0 : i32
          %dma_start3A_96 = arith.constant 0 : i32
          %dma_start3A_97 = tpu.memref_slice %arg15[%dma_start3A_95, %dma_start3A_96] : memref<10008x128xf32, #tpu.memory_space<vmem_shared>> -> memref<10008x128xf32, #tpu.memory_space<vmem_shared>>
          tpu.enqueue_indirect_dma source(%arg11 : memref<128x128xf32, #tpu.memory_space<vmem>>) target(%dma_start3A_97 : memref<10008x128xf32, #tpu.memory_space<vmem_shared>>) offsets(%dma_start3A_94 : memref<128xi32, #tpu.memory_space<vmem>>) semaphore(%run_scoped3A : memref<!tpu.dma_semaphore, #tpu.memory_space<semaphore_mem>>) {add = true}
          %dma_wait3A_98 = arith.constant 0 : i32
          %dma_wait3A_99 = tpu.memref_slice %arg10[%mul3A_63, %dma_wait3A_98] : memref<40x128xi32, #tpu.memory_space<vmem>> -> memref<1x128xi32, #tpu.memory_space<vmem>>
          %dma_wait3A_100 = tpu.memref_squeeze %dma_wait3A_99 : memref<1x128xi32, #tpu.memory_space<vmem>> -> memref<128xi32, #tpu.memory_space<vmem>>
          %dma_wait3A_101 = arith.constant 0 : i32
          %dma_wait3A_102 = arith.constant 0 : i32
          %dma_wait3A_103 = tpu.memref_slice %arg15[%dma_wait3A_101, %dma_wait3A_102] : memref<10008x128xf32, #tpu.memory_space<vmem_shared>> -> memref<10008x128xf32, #tpu.memory_space<vmem_shared>>
          tpu.wait_indirect_dma semaphore(%run_scoped3A : memref<!tpu.dma_semaphore, #tpu.memory_space<semaphore_mem>>) src(%arg11 : memref<128x128xf32, #tpu.memory_space<vmem>>) dst(%dma_wait3A_103 : memref<10008x128xf32, #tpu.memory_space<vmem_shared>>)
          tpu.yield
        }) : () -> ()
        %add3A_77 = arith.constant 1 : i32
        %add3A_78 = arith.addi %mul3A_63, %add3A_77 : i32
        %dma_wait3A_79 = arith.constant 0 : i32
        %dma_wait3A_80 = tpu.memref_slice %arg9[%add3A_78, %dma_wait3A_79] : memref<40x128xi32, #tpu.memory_space<vmem>> -> memref<1x128xi32, #tpu.memory_space<vmem>>
        %dma_wait3A_81 = tpu.memref_squeeze %dma_wait3A_80 : memref<1x128xi32, #tpu.memory_space<vmem>> -> memref<128xi32, #tpu.memory_space<vmem>>
        %dma_wait3A_82 = arith.constant 0 : i32
        %dma_wait3A_83 = arith.constant 0 : i32
        %dma_wait3A_84 = tpu.memref_slice %arg3[%dma_wait3A_82, %dma_wait3A_83] : memref<10000x128xf32, #tpu.memory_space<hbm>> -> memref<10000x128xf32, #tpu.memory_space<hbm>>
        tpu.wait_indirect_dma semaphore(%arg14 : memref<!tpu.dma_semaphore, #tpu.memory_space<semaphore_mem>>) src(%dma_wait3A_84 : memref<10000x128xf32, #tpu.memory_space<hbm>>) dst(%arg12 : memref<128x128xf32, #tpu.memory_space<vmem>>)
        %lt3A_85 = arith.constant 19 : i32
        %lt3A_86 = arith.cmpi slt, %scan3A_61, %lt3A_85 : i32
        %convert_element_type3A_87 = arith.extui %lt3A_86 : i1 to i32
        %cond3A_88 = arith.constant 0 : i32
        %cond3A_89 = arith.cmpi ne, %convert_element_type3A_87, %cond3A_88 : i32
        scf.if %cond3A_89 {
          %add3A_92 = arith.constant 2 : i32
          %add3A_93 = arith.addi %mul3A_63, %add3A_92 : i32
          %dma_start3A_94 = arith.constant 0 : i32
          %dma_start3A_95 = tpu.memref_slice %arg9[%add3A_93, %dma_start3A_94] : memref<40x128xi32, #tpu.memory_space<vmem>> -> memref<1x128xi32, #tpu.memory_space<vmem>>
          %dma_start3A_96 = tpu.memref_squeeze %dma_start3A_95 : memref<1x128xi32, #tpu.memory_space<vmem>> -> memref<128xi32, #tpu.memory_space<vmem>>
          %dma_start3A_97 = arith.constant 0 : i32
          %dma_start3A_98 = arith.constant 0 : i32
          %dma_start3A_99 = tpu.memref_slice %arg3[%dma_start3A_97, %dma_start3A_98] : memref<10000x128xf32, #tpu.memory_space<hbm>> -> memref<10000x128xf32, #tpu.memory_space<hbm>>
          tpu.enqueue_indirect_dma source(%dma_start3A_99 : memref<10000x128xf32, #tpu.memory_space<hbm>>) target(%arg11 : memref<128x128xf32, #tpu.memory_space<vmem>>) offsets(%dma_start3A_96 : memref<128xi32, #tpu.memory_space<vmem>>) semaphore(%arg13 : memref<!tpu.dma_semaphore, #tpu.memory_space<semaphore_mem>>)
        } else {
        }
        %add3A_90 = arith.constant 1 : i32
        %add3A_91 = arith.addi %mul3A_63, %add3A_90 : i32
        "tpu.region"() ({
          %run_scoped3A = tpu.sem_alloc : memref<!tpu.dma_semaphore, #tpu.memory_space<semaphore_mem>>
          %dma_start3A_92 = arith.constant 0 : i32
          %dma_start3A_93 = tpu.memref_slice %arg10[%add3A_91, %dma_start3A_92] : memref<40x128xi32, #tpu.memory_space<vmem>> -> memref<1x128xi32, #tpu.memory_space<vmem>>
          %dma_start3A_94 = tpu.memref_squeeze %dma_start3A_93 : memref<1x128xi32, #tpu.memory_space<vmem>> -> memref<128xi32, #tpu.memory_space<vmem>>
          %dma_start3A_95 = arith.constant 0 : i32
          %dma_start3A_96 = arith.constant 0 : i32
          %dma_start3A_97 = tpu.memref_slice %arg15[%dma_start3A_95, %dma_start3A_96] : memref<10008x128xf32, #tpu.memory_space<vmem_shared>> -> memref<10008x128xf32, #tpu.memory_space<vmem_shared>>
          tpu.enqueue_indirect_dma source(%arg12 : memref<128x128xf32, #tpu.memory_space<vmem>>) target(%dma_start3A_97 : memref<10008x128xf32, #tpu.memory_space<vmem_shared>>) offsets(%dma_start3A_94 : memref<128xi32, #tpu.memory_space<vmem>>) semaphore(%run_scoped3A : memref<!tpu.dma_semaphore, #tpu.memory_space<semaphore_mem>>) {add = true}
          %dma_wait3A_98 = arith.constant 0 : i32
          %dma_wait3A_99 = tpu.memref_slice %arg10[%add3A_91, %dma_wait3A_98] : memref<40x128xi32, #tpu.memory_space<vmem>> -> memref<1x128xi32, #tpu.memory_space<vmem>>
          %dma_wait3A_100 = tpu.memref_squeeze %dma_wait3A_99 : memref<1x128xi32, #tpu.memory_space<vmem>> -> memref<128xi32, #tpu.memory_space<vmem>>
          %dma_wait3A_101 = arith.constant 0 : i32
          %dma_wait3A_102 = arith.constant 0 : i32
          %dma_wait3A_103 = tpu.memref_slice %arg15[%dma_wait3A_101, %dma_wait3A_102] : memref<10008x128xf32, #tpu.memory_space<vmem_shared>> -> memref<10008x128xf32, #tpu.memory_space<vmem_shared>>
          tpu.wait_indirect_dma semaphore(%run_scoped3A : memref<!tpu.dma_semaphore, #tpu.memory_space<semaphore_mem>>) src(%arg12 : memref<128x128xf32, #tpu.memory_space<vmem>>) dst(%dma_wait3A_103 : memref<10008x128xf32, #tpu.memory_space<vmem_shared>>)
          tpu.yield
        }) : () -> ()
      }
      %scan3A_60 = arith.constant 20 : i32
    } else {
    }
    %barrier3A_17 = arith.constant 0 : index
    tpu.barrier barrier_id(%barrier3A_17)
    %eq3A_18 = arith.constant 0 : i32
    %eq3A_19 = arith.cmpi eq, %arg0, %eq3A_18 : i32
    %convert_element_type3A_20 = arith.extui %eq3A_19 : i1 to i32
    %cond3A_21 = arith.constant 0 : i32
    %cond3A_22 = arith.cmpi ne, %convert_element_type3A_20, %cond3A_21 : i32
    scf.if %cond3A_22 {
      %lt3A_28 = arith.constant 15 : i32
      %lt3A_29 = arith.cmpi slt, %arg1, %lt3A_28 : i32
      %convert_element_type3A_30 = arith.extui %lt3A_29 : i1 to i32
      %cond3A_31 = arith.constant 0 : i32
      %cond3A_32 = arith.cmpi ne, %convert_element_type3A_30, %cond3A_31 : i32
      scf.if %cond3A_32 {
        "tpu.region"() ({
          %run_scoped3A = tpu.sem_alloc : memref<!tpu.dma_semaphore, #tpu.memory_space<semaphore_mem>>
          %dma_start3A = arith.constant 0 : i32
          %dma_start3A_38 = tpu.memref_slice %arg7[%multiple_of3A, %dma_start3A] : memref<10000x128xf32, #tpu.memory_space<hbm>> -> memref<624x128xf32, #tpu.memory_space<hbm>>
          %dma_start3A_39 = arith.constant 0 : i32
          %dma_start3A_40 = tpu.memref_slice %arg15[%multiple_of3A, %dma_start3A_39] : memref<10008x128xf32, #tpu.memory_space<vmem_shared>> -> memref<624x128xf32, #tpu.memory_space<vmem_shared>>
          tpu.enqueue_dma source(%dma_start3A_40 : memref<624x128xf32, #tpu.memory_space<vmem_shared>>) target(%dma_start3A_38 : memref<624x128xf32, #tpu.memory_space<hbm>>) target_semaphore(%run_scoped3A : memref<!tpu.dma_semaphore, #tpu.memory_space<semaphore_mem>>)
          %dma_wait3A = arith.constant 0 : i32
          %dma_wait3A_41 = tpu.memref_slice %arg7[%multiple_of3A, %dma_wait3A] : memref<10000x128xf32, #tpu.memory_space<hbm>> -> memref<624x128xf32, #tpu.memory_space<hbm>>
          %dma_wait3A_42 = arith.constant 0 : i32
          %dma_wait3A_43 = tpu.memref_slice %arg15[%multiple_of3A, %dma_wait3A_42] : memref<10008x128xf32, #tpu.memory_space<vmem_shared>> -> memref<624x128xf32, #tpu.memory_space<vmem_shared>>
          tpu.wait_dma2 semaphore(%run_scoped3A : memref<!tpu.dma_semaphore, #tpu.memory_space<semaphore_mem>>) src(%dma_wait3A_43 : memref<624x128xf32, #tpu.memory_space<vmem_shared>>) dst(%dma_wait3A_41 : memref<624x128xf32, #tpu.memory_space<hbm>>)
          tpu.yield
        }) : () -> ()
      } else {
      }
      %eq3A_33 = arith.constant 15 : i32
      %eq3A_34 = arith.cmpi eq, %arg1, %eq3A_33 : i32
      %convert_element_type3A_35 = arith.extui %eq3A_34 : i1 to i32
      %cond3A_36 = arith.constant 0 : i32
      %cond3A_37 = arith.cmpi ne, %convert_element_type3A_35, %cond3A_36 : i32
      scf.if %cond3A_37 {
        "tpu.region"() ({
          %run_scoped3A = tpu.sem_alloc : memref<!tpu.dma_semaphore, #tpu.memory_space<semaphore_mem>>
          %dma_start3A = arith.constant 9360 : i32
          %dma_start3A_38 = arith.constant 0 : i32
          %dma_start3A_39 = tpu.memref_slice %arg7[%dma_start3A, %dma_start3A_38] : memref<10000x128xf32, #tpu.memory_space<hbm>> -> memref<640x128xf32, #tpu.memory_space<hbm>>
          %dma_start3A_40 = arith.constant 9360 : i32
          %dma_start3A_41 = arith.constant 0 : i32
          %dma_start3A_42 = tpu.memref_slice %arg15[%dma_start3A_40, %dma_start3A_41] : memref<10008x128xf32, #tpu.memory_space<vmem_shared>> -> memref<640x128xf32, #tpu.memory_space<vmem_shared>>
          tpu.enqueue_dma source(%dma_start3A_42 : memref<640x128xf32, #tpu.memory_space<vmem_shared>>) target(%dma_start3A_39 : memref<640x128xf32, #tpu.memory_space<hbm>>) target_semaphore(%run_scoped3A : memref<!tpu.dma_semaphore, #tpu.memory_space<semaphore_mem>>)
          %dma_wait3A = arith.constant 9360 : i32
          %dma_wait3A_43 = arith.constant 0 : i32
          %dma_wait3A_44 = tpu.memref_slice %arg7[%dma_wait3A, %dma_wait3A_43] : memref<10000x128xf32, #tpu.memory_space<hbm>> -> memref<640x128xf32, #tpu.memory_space<hbm>>
          %dma_wait3A_45 = arith.constant 9360 : i32
          %dma_wait3A_46 = arith.constant 0 : i32
          %dma_wait3A_47 = tpu.memref_slice %arg15[%dma_wait3A_45, %dma_wait3A_46] : memref<10008x128xf32, #tpu.memory_space<vmem_shared>> -> memref<640x128xf32, #tpu.memory_space<vmem_shared>>
          tpu.wait_dma2 semaphore(%run_scoped3A : memref<!tpu.dma_semaphore, #tpu.memory_space<semaphore_mem>>) src(%dma_wait3A_47 : memref<640x128xf32, #tpu.memory_space<vmem_shared>>) dst(%dma_wait3A_44 : memref<640x128xf32, #tpu.memory_space<hbm>>)
          tpu.yield
        }) : () -> ()
      } else {
      }
    } else {
    }
    %eq3A_23 = arith.constant 1 : i32
    %eq3A_24 = arith.cmpi eq, %arg0, %eq3A_23 : i32
    %convert_element_type3A_25 = arith.extui %eq3A_24 : i1 to i32
    %cond3A_26 = arith.constant 0 : i32
    %cond3A_27 = arith.cmpi ne, %convert_element_type3A_25, %cond3A_26 : i32
    scf.if %cond3A_27 {
      %lt3A_28 = arith.constant 15 : i32
      %lt3A_29 = arith.cmpi slt, %arg1, %lt3A_28 : i32
      %convert_element_type3A_30 = arith.extui %lt3A_29 : i1 to i32
      %cond3A_31 = arith.constant 0 : i32
      %cond3A_32 = arith.cmpi ne, %convert_element_type3A_30, %cond3A_31 : i32
      scf.if %cond3A_32 {
        "tpu.region"() ({
          %run_scoped3A = tpu.sem_alloc : memref<!tpu.dma_semaphore, #tpu.memory_space<semaphore_mem>>
          %dma_start3A = arith.constant 0 : i32
          %dma_start3A_38 = tpu.memref_slice %arg8[%multiple_of3A, %dma_start3A] : memref<10000x128xf32, #tpu.memory_space<hbm>> -> memref<624x128xf32, #tpu.memory_space<hbm>>
          %dma_start3A_39 = arith.constant 0 : i32
          %dma_start3A_40 = tpu.memref_slice %arg15[%multiple_of3A, %dma_start3A_39] : memref<10008x128xf32, #tpu.memory_space<vmem_shared>> -> memref<624x128xf32, #tpu.memory_space<vmem_shared>>
          tpu.enqueue_dma source(%dma_start3A_40 : memref<624x128xf32, #tpu.memory_space<vmem_shared>>) target(%dma_start3A_38 : memref<624x128xf32, #tpu.memory_space<hbm>>) target_semaphore(%run_scoped3A : memref<!tpu.dma_semaphore, #tpu.memory_space<semaphore_mem>>)
          %dma_wait3A = arith.constant 0 : i32
          %dma_wait3A_41 = tpu.memref_slice %arg8[%multiple_of3A, %dma_wait3A] : memref<10000x128xf32, #tpu.memory_space<hbm>> -> memref<624x128xf32, #tpu.memory_space<hbm>>
          %dma_wait3A_42 = arith.constant 0 : i32
          %dma_wait3A_43 = tpu.memref_slice %arg15[%multiple_of3A, %dma_wait3A_42] : memref<10008x128xf32, #tpu.memory_space<vmem_shared>> -> memref<624x128xf32, #tpu.memory_space<vmem_shared>>
          tpu.wait_dma2 semaphore(%run_scoped3A : memref<!tpu.dma_semaphore, #tpu.memory_space<semaphore_mem>>) src(%dma_wait3A_43 : memref<624x128xf32, #tpu.memory_space<vmem_shared>>) dst(%dma_wait3A_41 : memref<624x128xf32, #tpu.memory_space<hbm>>)
          tpu.yield
        }) : () -> ()
      } else {
      }
      %eq3A_33 = arith.constant 15 : i32
      %eq3A_34 = arith.cmpi eq, %arg1, %eq3A_33 : i32
      %convert_element_type3A_35 = arith.extui %eq3A_34 : i1 to i32
      %cond3A_36 = arith.constant 0 : i32
      %cond3A_37 = arith.cmpi ne, %convert_element_type3A_35, %cond3A_36 : i32
      scf.if %cond3A_37 {
        "tpu.region"() ({
          %run_scoped3A = tpu.sem_alloc : memref<!tpu.dma_semaphore, #tpu.memory_space<semaphore_mem>>
          %dma_start3A = arith.constant 9360 : i32
          %dma_start3A_38 = arith.constant 0 : i32
          %dma_start3A_39 = tpu.memref_slice %arg8[%dma_start3A, %dma_start3A_38] : memref<10000x128xf32, #tpu.memory_space<hbm>> -> memref<640x128xf32, #tpu.memory_space<hbm>>
          %dma_start3A_40 = arith.constant 9360 : i32
          %dma_start3A_41 = arith.constant 0 : i32
          %dma_start3A_42 = tpu.memref_slice %arg15[%dma_start3A_40, %dma_start3A_41] : memref<10008x128xf32, #tpu.memory_space<vmem_shared>> -> memref<640x128xf32, #tpu.memory_space<vmem_shared>>
          tpu.enqueue_dma source(%dma_start3A_42 : memref<640x128xf32, #tpu.memory_space<vmem_shared>>) target(%dma_start3A_39 : memref<640x128xf32, #tpu.memory_space<hbm>>) target_semaphore(%run_scoped3A : memref<!tpu.dma_semaphore, #tpu.memory_space<semaphore_mem>>)
          %dma_wait3A = arith.constant 9360 : i32
          %dma_wait3A_43 = arith.constant 0 : i32
          %dma_wait3A_44 = tpu.memref_slice %arg8[%dma_wait3A, %dma_wait3A_43] : memref<10000x128xf32, #tpu.memory_space<hbm>> -> memref<640x128xf32, #tpu.memory_space<hbm>>
          %dma_wait3A_45 = arith.constant 9360 : i32
          %dma_wait3A_46 = arith.constant 0 : i32
          %dma_wait3A_47 = tpu.memref_slice %arg15[%dma_wait3A_45, %dma_wait3A_46] : memref<10008x128xf32, #tpu.memory_space<vmem_shared>> -> memref<640x128xf32, #tpu.memory_space<vmem_shared>>
          tpu.wait_dma2 semaphore(%run_scoped3A : memref<!tpu.dma_semaphore, #tpu.memory_space<semaphore_mem>>) src(%dma_wait3A_47 : memref<640x128xf32, #tpu.memory_space<vmem_shared>>) dst(%dma_wait3A_44 : memref<640x128xf32, #tpu.memory_space<hbm>>)
          tpu.yield
        }) : () -> ()
      } else {
      }
    } else {
    }
    return
  }
}

#map = affine_map<(d0, d1) -> (0, 0)>
module attributes {stable_mosaic.version = 14 : i64} {
  func.func @_sc_agg(%arg0: i32, %arg1: i32, %arg2: memref<10000x128xf32, #tpu.memory_space<hbm>>, %arg3: memref<10000x128xf32, #tpu.memory_space<hbm>>, %arg4: memref<1280x128xi32, #tpu.memory_space<hbm>>, %arg5: memref<1280x128xi32, #tpu.memory_space<hbm>>, %arg6: memref<648x128xf32, #tpu.memory_space<hbm>>, %arg7: memref<10000x128xf32, #tpu.memory_space<hbm>>, %arg8: memref<10000x128xf32, #tpu.memory_space<hbm>>, %arg9: memref<40x128xi32, #tpu.memory_space<vmem>>, %arg10: memref<40x128xi32, #tpu.memory_space<vmem>>, %arg11: memref<128x128xf32, #tpu.memory_space<vmem>>, %arg12: memref<128x128xf32, #tpu.memory_space<vmem>>, %arg13: memref<!tpu.dma_semaphore, #tpu.memory_space<semaphore_mem>>, %arg14: memref<!tpu.dma_semaphore, #tpu.memory_space<semaphore_mem>>, %arg15: memref<10008x128xf32, #tpu.memory_space<vmem_shared>>) attributes {dimension_semantics = [#tpu.dimension_semantics<core_parallel>, #tpu.dimension_semantics<subcore_parallel>], iteration_bounds = array<i64: 2, 16>, scalar_prefetch = 0 : i64, scratch_operands = 7 : i64, tpu.core_type = #tpu.core_type<sc_vector_subcore>, window_params = [{transform_indices = #map}, {transform_indices = #map}, {transform_indices = #map}, {transform_indices = #map}, {transform_indices = #map}, {transform_indices = #map}, {transform_indices = #map}]} {
    %mul3A = arith.constant 624 : i32
    %mul3A_0 = arith.muli %arg1, %mul3A : i32
    %multiple_of3A = tpu.assume_multiple %mul3A_0, 8 : i32
    %lt3A = arith.constant 15 : i32
    %lt3A_1 = arith.cmpi slt, %arg1, %lt3A : i32
    %convert_element_type3A = arith.extui %lt3A_1 : i1 to i32
    %cond3A = arith.constant 0 : i32
    %cond3A_2 = arith.cmpi ne, %convert_element_type3A, %cond3A : i32
    scf.if %cond3A_2 {
      "tpu.region"() ({
        %run_scoped3A = tpu.sem_alloc : memref<!tpu.dma_semaphore, #tpu.memory_space<semaphore_mem>>
        %dma_start3A = arith.constant 0 : i32
        %dma_start3A_28 = tpu.memref_slice %arg15[%multiple_of3A, %dma_start3A] : memref<10008x128xf32, #tpu.memory_space<vmem_shared>> -> memref<624x128xf32, #tpu.memory_space<vmem_shared>>
        %dma_start3A_29 = arith.constant 0 : i32
        %dma_start3A_30 = arith.constant 0 : i32
        %dma_start3A_31 = tpu.memref_slice %arg6[%dma_start3A_29, %dma_start3A_30] : memref<648x128xf32, #tpu.memory_space<hbm>> -> memref<624x128xf32, #tpu.memory_space<hbm>>
        tpu.enqueue_dma source(%dma_start3A_31 : memref<624x128xf32, #tpu.memory_space<hbm>>) target(%dma_start3A_28 : memref<624x128xf32, #tpu.memory_space<vmem_shared>>) target_semaphore(%run_scoped3A : memref<!tpu.dma_semaphore, #tpu.memory_space<semaphore_mem>>)
        %dma_wait3A = arith.constant 0 : i32
        %dma_wait3A_32 = tpu.memref_slice %arg15[%multiple_of3A, %dma_wait3A] : memref<10008x128xf32, #tpu.memory_space<vmem_shared>> -> memref<624x128xf32, #tpu.memory_space<vmem_shared>>
        %dma_wait3A_33 = arith.constant 0 : i32
        %dma_wait3A_34 = arith.constant 0 : i32
        %dma_wait3A_35 = tpu.memref_slice %arg6[%dma_wait3A_33, %dma_wait3A_34] : memref<648x128xf32, #tpu.memory_space<hbm>> -> memref<624x128xf32, #tpu.memory_space<hbm>>
        tpu.wait_dma2 semaphore(%run_scoped3A : memref<!tpu.dma_semaphore, #tpu.memory_space<semaphore_mem>>) src(%dma_wait3A_35 : memref<624x128xf32, #tpu.memory_space<hbm>>) dst(%dma_wait3A_32 : memref<624x128xf32, #tpu.memory_space<vmem_shared>>)
        tpu.yield
      }) : () -> ()
    } else {
    }
    %eq3A = arith.constant 15 : i32
    %eq3A_3 = arith.cmpi eq, %arg1, %eq3A : i32
    %convert_element_type3A_4 = arith.extui %eq3A_3 : i1 to i32
    %cond3A_5 = arith.constant 0 : i32
    %cond3A_6 = arith.cmpi ne, %convert_element_type3A_4, %cond3A_5 : i32
    scf.if %cond3A_6 {
      "tpu.region"() ({
        %run_scoped3A = tpu.sem_alloc : memref<!tpu.dma_semaphore, #tpu.memory_space<semaphore_mem>>
        %dma_start3A = arith.constant 9360 : i32
        %dma_start3A_28 = arith.constant 0 : i32
        %dma_start3A_29 = tpu.memref_slice %arg15[%dma_start3A, %dma_start3A_28] : memref<10008x128xf32, #tpu.memory_space<vmem_shared>> -> memref<648x128xf32, #tpu.memory_space<vmem_shared>>
        tpu.enqueue_dma source(%arg6 : memref<648x128xf32, #tpu.memory_space<hbm>>) target(%dma_start3A_29 : memref<648x128xf32, #tpu.memory_space<vmem_shared>>) target_semaphore(%run_scoped3A : memref<!tpu.dma_semaphore, #tpu.memory_space<semaphore_mem>>)
        %dma_wait3A = arith.constant 9360 : i32
        %dma_wait3A_30 = arith.constant 0 : i32
        %dma_wait3A_31 = tpu.memref_slice %arg15[%dma_wait3A, %dma_wait3A_30] : memref<10008x128xf32, #tpu.memory_space<vmem_shared>> -> memref<648x128xf32, #tpu.memory_space<vmem_shared>>
        tpu.wait_dma2 semaphore(%run_scoped3A : memref<!tpu.dma_semaphore, #tpu.memory_space<semaphore_mem>>) src(%arg6 : memref<648x128xf32, #tpu.memory_space<hbm>>) dst(%dma_wait3A_31 : memref<648x128xf32, #tpu.memory_space<vmem_shared>>)
        tpu.yield
      }) : () -> ()
    } else {
    }
    %barrier3A = arith.constant 0 : index
    tpu.barrier barrier_id(%barrier3A)
    %eq3A_7 = arith.constant 0 : i32
    %eq3A_8 = arith.cmpi eq, %arg0, %eq3A_7 : i32
    %convert_element_type3A_9 = arith.extui %eq3A_8 : i1 to i32
    %cond3A_10 = arith.constant 0 : i32
    %cond3A_11 = arith.cmpi ne, %convert_element_type3A_9, %cond3A_10 : i32
    scf.if %cond3A_11 {
      %mul3A_28 = arith.constant 80 : i32
      %mul3A_29 = arith.muli %arg1, %mul3A_28 : i32
      %add3A = arith.constant 0 : i32
      %add3A_30 = arith.addi %mul3A_29, %add3A : i32
      %multiple_of3A_31 = tpu.assume_multiple %add3A_30, 8 : i32
      "tpu.region"() ({
        %run_scoped3A = tpu.sem_alloc : memref<!tpu.dma_semaphore, #tpu.memory_space<semaphore_mem>>
        %dma_start3A_61 = arith.constant 0 : i32
        %dma_start3A_62 = tpu.memref_slice %arg4[%multiple_of3A_31, %dma_start3A_61] : memref<1280x128xi32, #tpu.memory_space<hbm>> -> memref<40x128xi32, #tpu.memory_space<hbm>>
        %dma_start3A_63 = arith.constant 0 : i32
        %dma_start3A_64 = tpu.memref_slice %arg4[%multiple_of3A_31, %dma_start3A_63] : memref<1280x128xi32, #tpu.memory_space<hbm>> -> memref<40x128xi32, #tpu.memory_space<hbm>>
        tpu.enqueue_dma source(%dma_start3A_64 : memref<40x128xi32, #tpu.memory_space<hbm>>) target(%arg9 : memref<40x128xi32, #tpu.memory_space<vmem>>) target_semaphore(%run_scoped3A : memref<!tpu.dma_semaphore, #tpu.memory_space<semaphore_mem>>)
        %dma_wait3A = arith.constant 0 : i32
        %dma_wait3A_65 = tpu.memref_slice %arg4[%multiple_of3A_31, %dma_wait3A] : memref<1280x128xi32, #tpu.memory_space<hbm>> -> memref<40x128xi32, #tpu.memory_space<hbm>>
        %dma_wait3A_66 = arith.constant 0 : i32
        %dma_wait3A_67 = tpu.memref_slice %arg4[%multiple_of3A_31, %dma_wait3A_66] : memref<1280x128xi32, #tpu.memory_space<hbm>> -> memref<40x128xi32, #tpu.memory_space<hbm>>
        tpu.wait_dma2 semaphore(%run_scoped3A : memref<!tpu.dma_semaphore, #tpu.memory_space<semaphore_mem>>) src(%dma_wait3A_67 : memref<40x128xi32, #tpu.memory_space<hbm>>) dst(%arg9 : memref<40x128xi32, #tpu.memory_space<vmem>>)
        tpu.yield
      }) : () -> ()
      "tpu.region"() ({
        %run_scoped3A = tpu.sem_alloc : memref<!tpu.dma_semaphore, #tpu.memory_space<semaphore_mem>>
        %dma_start3A_61 = arith.constant 0 : i32
        %dma_start3A_62 = tpu.memref_slice %arg5[%multiple_of3A_31, %dma_start3A_61] : memref<1280x128xi32, #tpu.memory_space<hbm>> -> memref<40x128xi32, #tpu.memory_space<hbm>>
        %dma_start3A_63 = arith.constant 0 : i32
        %dma_start3A_64 = tpu.memref_slice %arg5[%multiple_of3A_31, %dma_start3A_63] : memref<1280x128xi32, #tpu.memory_space<hbm>> -> memref<40x128xi32, #tpu.memory_space<hbm>>
        tpu.enqueue_dma source(%dma_start3A_64 : memref<40x128xi32, #tpu.memory_space<hbm>>) target(%arg10 : memref<40x128xi32, #tpu.memory_space<vmem>>) target_semaphore(%run_scoped3A : memref<!tpu.dma_semaphore, #tpu.memory_space<semaphore_mem>>)
        %dma_wait3A = arith.constant 0 : i32
        %dma_wait3A_65 = tpu.memref_slice %arg5[%multiple_of3A_31, %dma_wait3A] : memref<1280x128xi32, #tpu.memory_space<hbm>> -> memref<40x128xi32, #tpu.memory_space<hbm>>
        %dma_wait3A_66 = arith.constant 0 : i32
        %dma_wait3A_67 = tpu.memref_slice %arg5[%multiple_of3A_31, %dma_wait3A_66] : memref<1280x128xi32, #tpu.memory_space<hbm>> -> memref<40x128xi32, #tpu.memory_space<hbm>>
        tpu.wait_dma2 semaphore(%run_scoped3A : memref<!tpu.dma_semaphore, #tpu.memory_space<semaphore_mem>>) src(%dma_wait3A_67 : memref<40x128xi32, #tpu.memory_space<hbm>>) dst(%arg10 : memref<40x128xi32, #tpu.memory_space<vmem>>)
        tpu.yield
      }) : () -> ()
      %dma_start3A = arith.constant 0 : i32
      %dma_start3A_32 = arith.constant 0 : i32
      %dma_start3A_33 = tpu.memref_slice %arg9[%dma_start3A, %dma_start3A_32] : memref<40x128xi32, #tpu.memory_space<vmem>> -> memref<1x128xi32, #tpu.memory_space<vmem>>
      %dma_start3A_34 = tpu.memref_squeeze %dma_start3A_33 : memref<1x128xi32, #tpu.memory_space<vmem>> -> memref<128xi32, #tpu.memory_space<vmem>>
      %dma_start3A_35 = arith.constant 0 : i32
      %dma_start3A_36 = arith.constant 0 : i32
      %dma_start3A_37 = tpu.memref_slice %arg2[%dma_start3A_35, %dma_start3A_36] : memref<10000x128xf32, #tpu.memory_space<hbm>> -> memref<10000x128xf32, #tpu.memory_space<hbm>>
      tpu.enqueue_indirect_dma source(%dma_start3A_37 : memref<10000x128xf32, #tpu.memory_space<hbm>>) target(%arg11 : memref<128x128xf32, #tpu.memory_space<vmem>>) offsets(%dma_start3A_34 : memref<128xi32, #tpu.memory_space<vmem>>) semaphore(%arg13 : memref<!tpu.dma_semaphore, #tpu.memory_space<semaphore_mem>>)
      %scan3A = arith.constant 0 : i32
      %scan3A_38 = arith.constant 0 : i32
      %scan3A_39 = arith.constant 20 : i32
      %scan3A_40 = arith.addi %scan3A_38, %scan3A_39 : i32
      %scan3A_41 = arith.constant 1 : i32
      scf.for %scan3A_61 = %scan3A_38 to %scan3A_40 step %scan3A_41  : i32 {
        %mul3A_62 = arith.constant 2 : i32
        %mul3A_63 = arith.muli %scan3A_61, %mul3A_62 : i32
        %dma_wait3A = arith.constant 0 : i32
        %dma_wait3A_64 = tpu.memref_slice %arg9[%mul3A_63, %dma_wait3A] : memref<40x128xi32, #tpu.memory_space<vmem>> -> memref<1x128xi32, #tpu.memory_space<vmem>>
        %dma_wait3A_65 = tpu.memref_squeeze %dma_wait3A_64 : memref<1x128xi32, #tpu.memory_space<vmem>> -> memref<128xi32, #tpu.memory_space<vmem>>
        %dma_wait3A_66 = arith.constant 0 : i32
        %dma_wait3A_67 = arith.constant 0 : i32
        %dma_wait3A_68 = tpu.memref_slice %arg2[%dma_wait3A_66, %dma_wait3A_67] : memref<10000x128xf32, #tpu.memory_space<hbm>> -> memref<10000x128xf32, #tpu.memory_space<hbm>>
        tpu.wait_indirect_dma semaphore(%arg13 : memref<!tpu.dma_semaphore, #tpu.memory_space<semaphore_mem>>) src(%dma_wait3A_68 : memref<10000x128xf32, #tpu.memory_space<hbm>>) dst(%arg11 : memref<128x128xf32, #tpu.memory_space<vmem>>)
        %add3A_69 = arith.constant 1 : i32
        %add3A_70 = arith.addi %mul3A_63, %add3A_69 : i32
        %dma_start3A_71 = arith.constant 0 : i32
        %dma_start3A_72 = tpu.memref_slice %arg9[%add3A_70, %dma_start3A_71] : memref<40x128xi32, #tpu.memory_space<vmem>> -> memref<1x128xi32, #tpu.memory_space<vmem>>
        %dma_start3A_73 = tpu.memref_squeeze %dma_start3A_72 : memref<1x128xi32, #tpu.memory_space<vmem>> -> memref<128xi32, #tpu.memory_space<vmem>>
        %dma_start3A_74 = arith.constant 0 : i32
        %dma_start3A_75 = arith.constant 0 : i32
        %dma_start3A_76 = tpu.memref_slice %arg2[%dma_start3A_74, %dma_start3A_75] : memref<10000x128xf32, #tpu.memory_space<hbm>> -> memref<10000x128xf32, #tpu.memory_space<hbm>>
        tpu.enqueue_indirect_dma source(%dma_start3A_76 : memref<10000x128xf32, #tpu.memory_space<hbm>>) target(%arg12 : memref<128x128xf32, #tpu.memory_space<vmem>>) offsets(%dma_start3A_73 : memref<128xi32, #tpu.memory_space<vmem>>) semaphore(%arg14 : memref<!tpu.dma_semaphore, #tpu.memory_space<semaphore_mem>>)
        "tpu.region"() ({
          %run_scoped3A = tpu.sem_alloc : memref<!tpu.dma_semaphore, #tpu.memory_space<semaphore_mem>>
          %dma_start3A_92 = arith.constant 0 : i32
          %dma_start3A_93 = tpu.memref_slice %arg10[%mul3A_63, %dma_start3A_92] : memref<40x128xi32, #tpu.memory_space<vmem>> -> memref<1x128xi32, #tpu.memory_space<vmem>>
          %dma_start3A_94 = tpu.memref_squeeze %dma_start3A_93 : memref<1x128xi32, #tpu.memory_space<vmem>> -> memref<128xi32, #tpu.memory_space<vmem>>
          %dma_start3A_95 = arith.constant 0 : i32
          %dma_start3A_96 = arith.constant 0 : i32
          %dma_start3A_97 = tpu.memref_slice %arg15[%dma_start3A_95, %dma_start3A_96] : memref<10008x128xf32, #tpu.memory_space<vmem_shared>> -> memref<10008x128xf32, #tpu.memory_space<vmem_shared>>
          tpu.enqueue_indirect_dma source(%arg11 : memref<128x128xf32, #tpu.memory_space<vmem>>) target(%dma_start3A_97 : memref<10008x128xf32, #tpu.memory_space<vmem_shared>>) offsets(%dma_start3A_94 : memref<128xi32, #tpu.memory_space<vmem>>) semaphore(%run_scoped3A : memref<!tpu.dma_semaphore, #tpu.memory_space<semaphore_mem>>) {add = true}
          %dma_wait3A_98 = arith.constant 0 : i32
          %dma_wait3A_99 = tpu.memref_slice %arg10[%mul3A_63, %dma_wait3A_98] : memref<40x128xi32, #tpu.memory_space<vmem>> -> memref<1x128xi32, #tpu.memory_space<vmem>>
          %dma_wait3A_100 = tpu.memref_squeeze %dma_wait3A_99 : memref<1x128xi32, #tpu.memory_space<vmem>> -> memref<128xi32, #tpu.memory_space<vmem>>
          %dma_wait3A_101 = arith.constant 0 : i32
          %dma_wait3A_102 = arith.constant 0 : i32
          %dma_wait3A_103 = tpu.memref_slice %arg15[%dma_wait3A_101, %dma_wait3A_102] : memref<10008x128xf32, #tpu.memory_space<vmem_shared>> -> memref<10008x128xf32, #tpu.memory_space<vmem_shared>>
          tpu.wait_indirect_dma semaphore(%run_scoped3A : memref<!tpu.dma_semaphore, #tpu.memory_space<semaphore_mem>>) src(%arg11 : memref<128x128xf32, #tpu.memory_space<vmem>>) dst(%dma_wait3A_103 : memref<10008x128xf32, #tpu.memory_space<vmem_shared>>)
          tpu.yield
        }) : () -> ()
        %add3A_77 = arith.constant 1 : i32
        %add3A_78 = arith.addi %mul3A_63, %add3A_77 : i32
        %dma_wait3A_79 = arith.constant 0 : i32
        %dma_wait3A_80 = tpu.memref_slice %arg9[%add3A_78, %dma_wait3A_79] : memref<40x128xi32, #tpu.memory_space<vmem>> -> memref<1x128xi32, #tpu.memory_space<vmem>>
        %dma_wait3A_81 = tpu.memref_squeeze %dma_wait3A_80 : memref<1x128xi32, #tpu.memory_space<vmem>> -> memref<128xi32, #tpu.memory_space<vmem>>
        %dma_wait3A_82 = arith.constant 0 : i32
        %dma_wait3A_83 = arith.constant 0 : i32
        %dma_wait3A_84 = tpu.memref_slice %arg2[%dma_wait3A_82, %dma_wait3A_83] : memref<10000x128xf32, #tpu.memory_space<hbm>> -> memref<10000x128xf32, #tpu.memory_space<hbm>>
        tpu.wait_indirect_dma semaphore(%arg14 : memref<!tpu.dma_semaphore, #tpu.memory_space<semaphore_mem>>) src(%dma_wait3A_84 : memref<10000x128xf32, #tpu.memory_space<hbm>>) dst(%arg12 : memref<128x128xf32, #tpu.memory_space<vmem>>)
        %lt3A_85 = arith.constant 19 : i32
        %lt3A_86 = arith.cmpi slt, %scan3A_61, %lt3A_85 : i32
        %convert_element_type3A_87 = arith.extui %lt3A_86 : i1 to i32
        %cond3A_88 = arith.constant 0 : i32
        %cond3A_89 = arith.cmpi ne, %convert_element_type3A_87, %cond3A_88 : i32
        scf.if %cond3A_89 {
          %add3A_92 = arith.constant 2 : i32
          %add3A_93 = arith.addi %mul3A_63, %add3A_92 : i32
          %dma_start3A_94 = arith.constant 0 : i32
          %dma_start3A_95 = tpu.memref_slice %arg9[%add3A_93, %dma_start3A_94] : memref<40x128xi32, #tpu.memory_space<vmem>> -> memref<1x128xi32, #tpu.memory_space<vmem>>
          %dma_start3A_96 = tpu.memref_squeeze %dma_start3A_95 : memref<1x128xi32, #tpu.memory_space<vmem>> -> memref<128xi32, #tpu.memory_space<vmem>>
          %dma_start3A_97 = arith.constant 0 : i32
          %dma_start3A_98 = arith.constant 0 : i32
          %dma_start3A_99 = tpu.memref_slice %arg2[%dma_start3A_97, %dma_start3A_98] : memref<10000x128xf32, #tpu.memory_space<hbm>> -> memref<10000x128xf32, #tpu.memory_space<hbm>>
          tpu.enqueue_indirect_dma source(%dma_start3A_99 : memref<10000x128xf32, #tpu.memory_space<hbm>>) target(%arg11 : memref<128x128xf32, #tpu.memory_space<vmem>>) offsets(%dma_start3A_96 : memref<128xi32, #tpu.memory_space<vmem>>) semaphore(%arg13 : memref<!tpu.dma_semaphore, #tpu.memory_space<semaphore_mem>>)
        } else {
        }
        %add3A_90 = arith.constant 1 : i32
        %add3A_91 = arith.addi %mul3A_63, %add3A_90 : i32
        "tpu.region"() ({
          %run_scoped3A = tpu.sem_alloc : memref<!tpu.dma_semaphore, #tpu.memory_space<semaphore_mem>>
          %dma_start3A_92 = arith.constant 0 : i32
          %dma_start3A_93 = tpu.memref_slice %arg10[%add3A_91, %dma_start3A_92] : memref<40x128xi32, #tpu.memory_space<vmem>> -> memref<1x128xi32, #tpu.memory_space<vmem>>
          %dma_start3A_94 = tpu.memref_squeeze %dma_start3A_93 : memref<1x128xi32, #tpu.memory_space<vmem>> -> memref<128xi32, #tpu.memory_space<vmem>>
          %dma_start3A_95 = arith.constant 0 : i32
          %dma_start3A_96 = arith.constant 0 : i32
          %dma_start3A_97 = tpu.memref_slice %arg15[%dma_start3A_95, %dma_start3A_96] : memref<10008x128xf32, #tpu.memory_space<vmem_shared>> -> memref<10008x128xf32, #tpu.memory_space<vmem_shared>>
          tpu.enqueue_indirect_dma source(%arg12 : memref<128x128xf32, #tpu.memory_space<vmem>>) target(%dma_start3A_97 : memref<10008x128xf32, #tpu.memory_space<vmem_shared>>) offsets(%dma_start3A_94 : memref<128xi32, #tpu.memory_space<vmem>>) semaphore(%run_scoped3A : memref<!tpu.dma_semaphore, #tpu.memory_space<semaphore_mem>>) {add = true}
          %dma_wait3A_98 = arith.constant 0 : i32
          %dma_wait3A_99 = tpu.memref_slice %arg10[%add3A_91, %dma_wait3A_98] : memref<40x128xi32, #tpu.memory_space<vmem>> -> memref<1x128xi32, #tpu.memory_space<vmem>>
          %dma_wait3A_100 = tpu.memref_squeeze %dma_wait3A_99 : memref<1x128xi32, #tpu.memory_space<vmem>> -> memref<128xi32, #tpu.memory_space<vmem>>
          %dma_wait3A_101 = arith.constant 0 : i32
          %dma_wait3A_102 = arith.constant 0 : i32
          %dma_wait3A_103 = tpu.memref_slice %arg15[%dma_wait3A_101, %dma_wait3A_102] : memref<10008x128xf32, #tpu.memory_space<vmem_shared>> -> memref<10008x128xf32, #tpu.memory_space<vmem_shared>>
          tpu.wait_indirect_dma semaphore(%run_scoped3A : memref<!tpu.dma_semaphore, #tpu.memory_space<semaphore_mem>>) src(%arg12 : memref<128x128xf32, #tpu.memory_space<vmem>>) dst(%dma_wait3A_103 : memref<10008x128xf32, #tpu.memory_space<vmem_shared>>)
          tpu.yield
        }) : () -> ()
      }
      %scan3A_42 = arith.constant 20 : i32
      %mul3A_43 = arith.constant 80 : i32
      %mul3A_44 = arith.muli %arg1, %mul3A_43 : i32
      %add3A_45 = arith.constant 40 : i32
      %add3A_46 = arith.addi %mul3A_44, %add3A_45 : i32
      %multiple_of3A_47 = tpu.assume_multiple %add3A_46, 8 : i32
      "tpu.region"() ({
        %run_scoped3A = tpu.sem_alloc : memref<!tpu.dma_semaphore, #tpu.memory_space<semaphore_mem>>
        %dma_start3A_61 = arith.constant 0 : i32
        %dma_start3A_62 = tpu.memref_slice %arg4[%multiple_of3A_47, %dma_start3A_61] : memref<1280x128xi32, #tpu.memory_space<hbm>> -> memref<40x128xi32, #tpu.memory_space<hbm>>
        %dma_start3A_63 = arith.constant 0 : i32
        %dma_start3A_64 = tpu.memref_slice %arg4[%multiple_of3A_47, %dma_start3A_63] : memref<1280x128xi32, #tpu.memory_space<hbm>> -> memref<40x128xi32, #tpu.memory_space<hbm>>
        tpu.enqueue_dma source(%dma_start3A_64 : memref<40x128xi32, #tpu.memory_space<hbm>>) target(%arg9 : memref<40x128xi32, #tpu.memory_space<vmem>>) target_semaphore(%run_scoped3A : memref<!tpu.dma_semaphore, #tpu.memory_space<semaphore_mem>>)
        %dma_wait3A = arith.constant 0 : i32
        %dma_wait3A_65 = tpu.memref_slice %arg4[%multiple_of3A_47, %dma_wait3A] : memref<1280x128xi32, #tpu.memory_space<hbm>> -> memref<40x128xi32, #tpu.memory_space<hbm>>
        %dma_wait3A_66 = arith.constant 0 : i32
        %dma_wait3A_67 = tpu.memref_slice %arg4[%multiple_of3A_47, %dma_wait3A_66] : memref<1280x128xi32, #tpu.memory_space<hbm>> -> memref<40x128xi32, #tpu.memory_space<hbm>>
        tpu.wait_dma2 semaphore(%run_scoped3A : memref<!tpu.dma_semaphore, #tpu.memory_space<semaphore_mem>>) src(%dma_wait3A_67 : memref<40x128xi32, #tpu.memory_space<hbm>>) dst(%arg9 : memref<40x128xi32, #tpu.memory_space<vmem>>)
        tpu.yield
      }) : () -> ()
      "tpu.region"() ({
        %run_scoped3A = tpu.sem_alloc : memref<!tpu.dma_semaphore, #tpu.memory_space<semaphore_mem>>
        %dma_start3A_61 = arith.constant 0 : i32
        %dma_start3A_62 = tpu.memref_slice %arg5[%multiple_of3A_47, %dma_start3A_61] : memref<1280x128xi32, #tpu.memory_space<hbm>> -> memref<40x128xi32, #tpu.memory_space<hbm>>
        %dma_start3A_63 = arith.constant 0 : i32
        %dma_start3A_64 = tpu.memref_slice %arg5[%multiple_of3A_47, %dma_start3A_63] : memref<1280x128xi32, #tpu.memory_space<hbm>> -> memref<40x128xi32, #tpu.memory_space<hbm>>
        tpu.enqueue_dma source(%dma_start3A_64 : memref<40x128xi32, #tpu.memory_space<hbm>>) target(%arg10 : memref<40x128xi32, #tpu.memory_space<vmem>>) target_semaphore(%run_scoped3A : memref<!tpu.dma_semaphore, #tpu.memory_space<semaphore_mem>>)
        %dma_wait3A = arith.constant 0 : i32
        %dma_wait3A_65 = tpu.memref_slice %arg5[%multiple_of3A_47, %dma_wait3A] : memref<1280x128xi32, #tpu.memory_space<hbm>> -> memref<40x128xi32, #tpu.memory_space<hbm>>
        %dma_wait3A_66 = arith.constant 0 : i32
        %dma_wait3A_67 = tpu.memref_slice %arg5[%multiple_of3A_47, %dma_wait3A_66] : memref<1280x128xi32, #tpu.memory_space<hbm>> -> memref<40x128xi32, #tpu.memory_space<hbm>>
        tpu.wait_dma2 semaphore(%run_scoped3A : memref<!tpu.dma_semaphore, #tpu.memory_space<semaphore_mem>>) src(%dma_wait3A_67 : memref<40x128xi32, #tpu.memory_space<hbm>>) dst(%arg10 : memref<40x128xi32, #tpu.memory_space<vmem>>)
        tpu.yield
      }) : () -> ()
      %dma_start3A_48 = arith.constant 0 : i32
      %dma_start3A_49 = arith.constant 0 : i32
      %dma_start3A_50 = tpu.memref_slice %arg9[%dma_start3A_48, %dma_start3A_49] : memref<40x128xi32, #tpu.memory_space<vmem>> -> memref<1x128xi32, #tpu.memory_space<vmem>>
      %dma_start3A_51 = tpu.memref_squeeze %dma_start3A_50 : memref<1x128xi32, #tpu.memory_space<vmem>> -> memref<128xi32, #tpu.memory_space<vmem>>
      %dma_start3A_52 = arith.constant 0 : i32
      %dma_start3A_53 = arith.constant 0 : i32
      %dma_start3A_54 = tpu.memref_slice %arg2[%dma_start3A_52, %dma_start3A_53] : memref<10000x128xf32, #tpu.memory_space<hbm>> -> memref<10000x128xf32, #tpu.memory_space<hbm>>
      tpu.enqueue_indirect_dma source(%dma_start3A_54 : memref<10000x128xf32, #tpu.memory_space<hbm>>) target(%arg11 : memref<128x128xf32, #tpu.memory_space<vmem>>) offsets(%dma_start3A_51 : memref<128xi32, #tpu.memory_space<vmem>>) semaphore(%arg13 : memref<!tpu.dma_semaphore, #tpu.memory_space<semaphore_mem>>)
      %scan3A_55 = arith.constant 0 : i32
      %scan3A_56 = arith.constant 0 : i32
      %scan3A_57 = arith.constant 20 : i32
      %scan3A_58 = arith.addi %scan3A_56, %scan3A_57 : i32
      %scan3A_59 = arith.constant 1 : i32
      scf.for %scan3A_61 = %scan3A_56 to %scan3A_58 step %scan3A_59  : i32 {
        %mul3A_62 = arith.constant 2 : i32
        %mul3A_63 = arith.muli %scan3A_61, %mul3A_62 : i32
        %dma_wait3A = arith.constant 0 : i32
        %dma_wait3A_64 = tpu.memref_slice %arg9[%mul3A_63, %dma_wait3A] : memref<40x128xi32, #tpu.memory_space<vmem>> -> memref<1x128xi32, #tpu.memory_space<vmem>>
        %dma_wait3A_65 = tpu.memref_squeeze %dma_wait3A_64 : memref<1x128xi32, #tpu.memory_space<vmem>> -> memref<128xi32, #tpu.memory_space<vmem>>
        %dma_wait3A_66 = arith.constant 0 : i32
        %dma_wait3A_67 = arith.constant 0 : i32
        %dma_wait3A_68 = tpu.memref_slice %arg2[%dma_wait3A_66, %dma_wait3A_67] : memref<10000x128xf32, #tpu.memory_space<hbm>> -> memref<10000x128xf32, #tpu.memory_space<hbm>>
        tpu.wait_indirect_dma semaphore(%arg13 : memref<!tpu.dma_semaphore, #tpu.memory_space<semaphore_mem>>) src(%dma_wait3A_68 : memref<10000x128xf32, #tpu.memory_space<hbm>>) dst(%arg11 : memref<128x128xf32, #tpu.memory_space<vmem>>)
        %add3A_69 = arith.constant 1 : i32
        %add3A_70 = arith.addi %mul3A_63, %add3A_69 : i32
        %dma_start3A_71 = arith.constant 0 : i32
        %dma_start3A_72 = tpu.memref_slice %arg9[%add3A_70, %dma_start3A_71] : memref<40x128xi32, #tpu.memory_space<vmem>> -> memref<1x128xi32, #tpu.memory_space<vmem>>
        %dma_start3A_73 = tpu.memref_squeeze %dma_start3A_72 : memref<1x128xi32, #tpu.memory_space<vmem>> -> memref<128xi32, #tpu.memory_space<vmem>>
        %dma_start3A_74 = arith.constant 0 : i32
        %dma_start3A_75 = arith.constant 0 : i32
        %dma_start3A_76 = tpu.memref_slice %arg2[%dma_start3A_74, %dma_start3A_75] : memref<10000x128xf32, #tpu.memory_space<hbm>> -> memref<10000x128xf32, #tpu.memory_space<hbm>>
        tpu.enqueue_indirect_dma source(%dma_start3A_76 : memref<10000x128xf32, #tpu.memory_space<hbm>>) target(%arg12 : memref<128x128xf32, #tpu.memory_space<vmem>>) offsets(%dma_start3A_73 : memref<128xi32, #tpu.memory_space<vmem>>) semaphore(%arg14 : memref<!tpu.dma_semaphore, #tpu.memory_space<semaphore_mem>>)
        "tpu.region"() ({
          %run_scoped3A = tpu.sem_alloc : memref<!tpu.dma_semaphore, #tpu.memory_space<semaphore_mem>>
          %dma_start3A_92 = arith.constant 0 : i32
          %dma_start3A_93 = tpu.memref_slice %arg10[%mul3A_63, %dma_start3A_92] : memref<40x128xi32, #tpu.memory_space<vmem>> -> memref<1x128xi32, #tpu.memory_space<vmem>>
          %dma_start3A_94 = tpu.memref_squeeze %dma_start3A_93 : memref<1x128xi32, #tpu.memory_space<vmem>> -> memref<128xi32, #tpu.memory_space<vmem>>
          %dma_start3A_95 = arith.constant 0 : i32
          %dma_start3A_96 = arith.constant 0 : i32
          %dma_start3A_97 = tpu.memref_slice %arg15[%dma_start3A_95, %dma_start3A_96] : memref<10008x128xf32, #tpu.memory_space<vmem_shared>> -> memref<10008x128xf32, #tpu.memory_space<vmem_shared>>
          tpu.enqueue_indirect_dma source(%arg11 : memref<128x128xf32, #tpu.memory_space<vmem>>) target(%dma_start3A_97 : memref<10008x128xf32, #tpu.memory_space<vmem_shared>>) offsets(%dma_start3A_94 : memref<128xi32, #tpu.memory_space<vmem>>) semaphore(%run_scoped3A : memref<!tpu.dma_semaphore, #tpu.memory_space<semaphore_mem>>) {add = true}
          %dma_wait3A_98 = arith.constant 0 : i32
          %dma_wait3A_99 = tpu.memref_slice %arg10[%mul3A_63, %dma_wait3A_98] : memref<40x128xi32, #tpu.memory_space<vmem>> -> memref<1x128xi32, #tpu.memory_space<vmem>>
          %dma_wait3A_100 = tpu.memref_squeeze %dma_wait3A_99 : memref<1x128xi32, #tpu.memory_space<vmem>> -> memref<128xi32, #tpu.memory_space<vmem>>
          %dma_wait3A_101 = arith.constant 0 : i32
          %dma_wait3A_102 = arith.constant 0 : i32
          %dma_wait3A_103 = tpu.memref_slice %arg15[%dma_wait3A_101, %dma_wait3A_102] : memref<10008x128xf32, #tpu.memory_space<vmem_shared>> -> memref<10008x128xf32, #tpu.memory_space<vmem_shared>>
          tpu.wait_indirect_dma semaphore(%run_scoped3A : memref<!tpu.dma_semaphore, #tpu.memory_space<semaphore_mem>>) src(%arg11 : memref<128x128xf32, #tpu.memory_space<vmem>>) dst(%dma_wait3A_103 : memref<10008x128xf32, #tpu.memory_space<vmem_shared>>)
          tpu.yield
        }) : () -> ()
        %add3A_77 = arith.constant 1 : i32
        %add3A_78 = arith.addi %mul3A_63, %add3A_77 : i32
        %dma_wait3A_79 = arith.constant 0 : i32
        %dma_wait3A_80 = tpu.memref_slice %arg9[%add3A_78, %dma_wait3A_79] : memref<40x128xi32, #tpu.memory_space<vmem>> -> memref<1x128xi32, #tpu.memory_space<vmem>>
        %dma_wait3A_81 = tpu.memref_squeeze %dma_wait3A_80 : memref<1x128xi32, #tpu.memory_space<vmem>> -> memref<128xi32, #tpu.memory_space<vmem>>
        %dma_wait3A_82 = arith.constant 0 : i32
        %dma_wait3A_83 = arith.constant 0 : i32
        %dma_wait3A_84 = tpu.memref_slice %arg2[%dma_wait3A_82, %dma_wait3A_83] : memref<10000x128xf32, #tpu.memory_space<hbm>> -> memref<10000x128xf32, #tpu.memory_space<hbm>>
        tpu.wait_indirect_dma semaphore(%arg14 : memref<!tpu.dma_semaphore, #tpu.memory_space<semaphore_mem>>) src(%dma_wait3A_84 : memref<10000x128xf32, #tpu.memory_space<hbm>>) dst(%arg12 : memref<128x128xf32, #tpu.memory_space<vmem>>)
        %lt3A_85 = arith.constant 19 : i32
        %lt3A_86 = arith.cmpi slt, %scan3A_61, %lt3A_85 : i32
        %convert_element_type3A_87 = arith.extui %lt3A_86 : i1 to i32
        %cond3A_88 = arith.constant 0 : i32
        %cond3A_89 = arith.cmpi ne, %convert_element_type3A_87, %cond3A_88 : i32
        scf.if %cond3A_89 {
          %add3A_92 = arith.constant 2 : i32
          %add3A_93 = arith.addi %mul3A_63, %add3A_92 : i32
          %dma_start3A_94 = arith.constant 0 : i32
          %dma_start3A_95 = tpu.memref_slice %arg9[%add3A_93, %dma_start3A_94] : memref<40x128xi32, #tpu.memory_space<vmem>> -> memref<1x128xi32, #tpu.memory_space<vmem>>
          %dma_start3A_96 = tpu.memref_squeeze %dma_start3A_95 : memref<1x128xi32, #tpu.memory_space<vmem>> -> memref<128xi32, #tpu.memory_space<vmem>>
          %dma_start3A_97 = arith.constant 0 : i32
          %dma_start3A_98 = arith.constant 0 : i32
          %dma_start3A_99 = tpu.memref_slice %arg2[%dma_start3A_97, %dma_start3A_98] : memref<10000x128xf32, #tpu.memory_space<hbm>> -> memref<10000x128xf32, #tpu.memory_space<hbm>>
          tpu.enqueue_indirect_dma source(%dma_start3A_99 : memref<10000x128xf32, #tpu.memory_space<hbm>>) target(%arg11 : memref<128x128xf32, #tpu.memory_space<vmem>>) offsets(%dma_start3A_96 : memref<128xi32, #tpu.memory_space<vmem>>) semaphore(%arg13 : memref<!tpu.dma_semaphore, #tpu.memory_space<semaphore_mem>>)
        } else {
        }
        %add3A_90 = arith.constant 1 : i32
        %add3A_91 = arith.addi %mul3A_63, %add3A_90 : i32
        "tpu.region"() ({
          %run_scoped3A = tpu.sem_alloc : memref<!tpu.dma_semaphore, #tpu.memory_space<semaphore_mem>>
          %dma_start3A_92 = arith.constant 0 : i32
          %dma_start3A_93 = tpu.memref_slice %arg10[%add3A_91, %dma_start3A_92] : memref<40x128xi32, #tpu.memory_space<vmem>> -> memref<1x128xi32, #tpu.memory_space<vmem>>
          %dma_start3A_94 = tpu.memref_squeeze %dma_start3A_93 : memref<1x128xi32, #tpu.memory_space<vmem>> -> memref<128xi32, #tpu.memory_space<vmem>>
          %dma_start3A_95 = arith.constant 0 : i32
          %dma_start3A_96 = arith.constant 0 : i32
          %dma_start3A_97 = tpu.memref_slice %arg15[%dma_start3A_95, %dma_start3A_96] : memref<10008x128xf32, #tpu.memory_space<vmem_shared>> -> memref<10008x128xf32, #tpu.memory_space<vmem_shared>>
          tpu.enqueue_indirect_dma source(%arg12 : memref<128x128xf32, #tpu.memory_space<vmem>>) target(%dma_start3A_97 : memref<10008x128xf32, #tpu.memory_space<vmem_shared>>) offsets(%dma_start3A_94 : memref<128xi32, #tpu.memory_space<vmem>>) semaphore(%run_scoped3A : memref<!tpu.dma_semaphore, #tpu.memory_space<semaphore_mem>>) {add = true}
          %dma_wait3A_98 = arith.constant 0 : i32
          %dma_wait3A_99 = tpu.memref_slice %arg10[%add3A_91, %dma_wait3A_98] : memref<40x128xi32, #tpu.memory_space<vmem>> -> memref<1x128xi32, #tpu.memory_space<vmem>>
          %dma_wait3A_100 = tpu.memref_squeeze %dma_wait3A_99 : memref<1x128xi32, #tpu.memory_space<vmem>> -> memref<128xi32, #tpu.memory_space<vmem>>
          %dma_wait3A_101 = arith.constant 0 : i32
          %dma_wait3A_102 = arith.constant 0 : i32
          %dma_wait3A_103 = tpu.memref_slice %arg15[%dma_wait3A_101, %dma_wait3A_102] : memref<10008x128xf32, #tpu.memory_space<vmem_shared>> -> memref<10008x128xf32, #tpu.memory_space<vmem_shared>>
          tpu.wait_indirect_dma semaphore(%run_scoped3A : memref<!tpu.dma_semaphore, #tpu.memory_space<semaphore_mem>>) src(%arg12 : memref<128x128xf32, #tpu.memory_space<vmem>>) dst(%dma_wait3A_103 : memref<10008x128xf32, #tpu.memory_space<vmem_shared>>)
          tpu.yield
        }) : () -> ()
      }
      %scan3A_60 = arith.constant 20 : i32
    } else {
    }
    %eq3A_12 = arith.constant 1 : i32
    %eq3A_13 = arith.cmpi eq, %arg0, %eq3A_12 : i32
    %convert_element_type3A_14 = arith.extui %eq3A_13 : i1 to i32
    %cond3A_15 = arith.constant 0 : i32
    %cond3A_16 = arith.cmpi ne, %convert_element_type3A_14, %cond3A_15 : i32
    scf.if %cond3A_16 {
      %mul3A_28 = arith.constant 80 : i32
      %mul3A_29 = arith.muli %arg1, %mul3A_28 : i32
      %add3A = arith.constant 0 : i32
      %add3A_30 = arith.addi %mul3A_29, %add3A : i32
      %multiple_of3A_31 = tpu.assume_multiple %add3A_30, 8 : i32
      "tpu.region"() ({
        %run_scoped3A = tpu.sem_alloc : memref<!tpu.dma_semaphore, #tpu.memory_space<semaphore_mem>>
        %dma_start3A_61 = arith.constant 0 : i32
        %dma_start3A_62 = tpu.memref_slice %arg4[%multiple_of3A_31, %dma_start3A_61] : memref<1280x128xi32, #tpu.memory_space<hbm>> -> memref<40x128xi32, #tpu.memory_space<hbm>>
        %dma_start3A_63 = arith.constant 0 : i32
        %dma_start3A_64 = tpu.memref_slice %arg4[%multiple_of3A_31, %dma_start3A_63] : memref<1280x128xi32, #tpu.memory_space<hbm>> -> memref<40x128xi32, #tpu.memory_space<hbm>>
        tpu.enqueue_dma source(%dma_start3A_64 : memref<40x128xi32, #tpu.memory_space<hbm>>) target(%arg9 : memref<40x128xi32, #tpu.memory_space<vmem>>) target_semaphore(%run_scoped3A : memref<!tpu.dma_semaphore, #tpu.memory_space<semaphore_mem>>)
        %dma_wait3A = arith.constant 0 : i32
        %dma_wait3A_65 = tpu.memref_slice %arg4[%multiple_of3A_31, %dma_wait3A] : memref<1280x128xi32, #tpu.memory_space<hbm>> -> memref<40x128xi32, #tpu.memory_space<hbm>>
        %dma_wait3A_66 = arith.constant 0 : i32
        %dma_wait3A_67 = tpu.memref_slice %arg4[%multiple_of3A_31, %dma_wait3A_66] : memref<1280x128xi32, #tpu.memory_space<hbm>> -> memref<40x128xi32, #tpu.memory_space<hbm>>
        tpu.wait_dma2 semaphore(%run_scoped3A : memref<!tpu.dma_semaphore, #tpu.memory_space<semaphore_mem>>) src(%dma_wait3A_67 : memref<40x128xi32, #tpu.memory_space<hbm>>) dst(%arg9 : memref<40x128xi32, #tpu.memory_space<vmem>>)
        tpu.yield
      }) : () -> ()
      "tpu.region"() ({
        %run_scoped3A = tpu.sem_alloc : memref<!tpu.dma_semaphore, #tpu.memory_space<semaphore_mem>>
        %dma_start3A_61 = arith.constant 0 : i32
        %dma_start3A_62 = tpu.memref_slice %arg5[%multiple_of3A_31, %dma_start3A_61] : memref<1280x128xi32, #tpu.memory_space<hbm>> -> memref<40x128xi32, #tpu.memory_space<hbm>>
        %dma_start3A_63 = arith.constant 0 : i32
        %dma_start3A_64 = tpu.memref_slice %arg5[%multiple_of3A_31, %dma_start3A_63] : memref<1280x128xi32, #tpu.memory_space<hbm>> -> memref<40x128xi32, #tpu.memory_space<hbm>>
        tpu.enqueue_dma source(%dma_start3A_64 : memref<40x128xi32, #tpu.memory_space<hbm>>) target(%arg10 : memref<40x128xi32, #tpu.memory_space<vmem>>) target_semaphore(%run_scoped3A : memref<!tpu.dma_semaphore, #tpu.memory_space<semaphore_mem>>)
        %dma_wait3A = arith.constant 0 : i32
        %dma_wait3A_65 = tpu.memref_slice %arg5[%multiple_of3A_31, %dma_wait3A] : memref<1280x128xi32, #tpu.memory_space<hbm>> -> memref<40x128xi32, #tpu.memory_space<hbm>>
        %dma_wait3A_66 = arith.constant 0 : i32
        %dma_wait3A_67 = tpu.memref_slice %arg5[%multiple_of3A_31, %dma_wait3A_66] : memref<1280x128xi32, #tpu.memory_space<hbm>> -> memref<40x128xi32, #tpu.memory_space<hbm>>
        tpu.wait_dma2 semaphore(%run_scoped3A : memref<!tpu.dma_semaphore, #tpu.memory_space<semaphore_mem>>) src(%dma_wait3A_67 : memref<40x128xi32, #tpu.memory_space<hbm>>) dst(%arg10 : memref<40x128xi32, #tpu.memory_space<vmem>>)
        tpu.yield
      }) : () -> ()
      %dma_start3A = arith.constant 0 : i32
      %dma_start3A_32 = arith.constant 0 : i32
      %dma_start3A_33 = tpu.memref_slice %arg9[%dma_start3A, %dma_start3A_32] : memref<40x128xi32, #tpu.memory_space<vmem>> -> memref<1x128xi32, #tpu.memory_space<vmem>>
      %dma_start3A_34 = tpu.memref_squeeze %dma_start3A_33 : memref<1x128xi32, #tpu.memory_space<vmem>> -> memref<128xi32, #tpu.memory_space<vmem>>
      %dma_start3A_35 = arith.constant 0 : i32
      %dma_start3A_36 = arith.constant 0 : i32
      %dma_start3A_37 = tpu.memref_slice %arg3[%dma_start3A_35, %dma_start3A_36] : memref<10000x128xf32, #tpu.memory_space<hbm>> -> memref<10000x128xf32, #tpu.memory_space<hbm>>
      tpu.enqueue_indirect_dma source(%dma_start3A_37 : memref<10000x128xf32, #tpu.memory_space<hbm>>) target(%arg11 : memref<128x128xf32, #tpu.memory_space<vmem>>) offsets(%dma_start3A_34 : memref<128xi32, #tpu.memory_space<vmem>>) semaphore(%arg13 : memref<!tpu.dma_semaphore, #tpu.memory_space<semaphore_mem>>)
      %scan3A = arith.constant 0 : i32
      %scan3A_38 = arith.constant 0 : i32
      %scan3A_39 = arith.constant 20 : i32
      %scan3A_40 = arith.addi %scan3A_38, %scan3A_39 : i32
      %scan3A_41 = arith.constant 1 : i32
      scf.for %scan3A_61 = %scan3A_38 to %scan3A_40 step %scan3A_41  : i32 {
        %mul3A_62 = arith.constant 2 : i32
        %mul3A_63 = arith.muli %scan3A_61, %mul3A_62 : i32
        %dma_wait3A = arith.constant 0 : i32
        %dma_wait3A_64 = tpu.memref_slice %arg9[%mul3A_63, %dma_wait3A] : memref<40x128xi32, #tpu.memory_space<vmem>> -> memref<1x128xi32, #tpu.memory_space<vmem>>
        %dma_wait3A_65 = tpu.memref_squeeze %dma_wait3A_64 : memref<1x128xi32, #tpu.memory_space<vmem>> -> memref<128xi32, #tpu.memory_space<vmem>>
        %dma_wait3A_66 = arith.constant 0 : i32
        %dma_wait3A_67 = arith.constant 0 : i32
        %dma_wait3A_68 = tpu.memref_slice %arg3[%dma_wait3A_66, %dma_wait3A_67] : memref<10000x128xf32, #tpu.memory_space<hbm>> -> memref<10000x128xf32, #tpu.memory_space<hbm>>
        tpu.wait_indirect_dma semaphore(%arg13 : memref<!tpu.dma_semaphore, #tpu.memory_space<semaphore_mem>>) src(%dma_wait3A_68 : memref<10000x128xf32, #tpu.memory_space<hbm>>) dst(%arg11 : memref<128x128xf32, #tpu.memory_space<vmem>>)
        %add3A_69 = arith.constant 1 : i32
        %add3A_70 = arith.addi %mul3A_63, %add3A_69 : i32
        %dma_start3A_71 = arith.constant 0 : i32
        %dma_start3A_72 = tpu.memref_slice %arg9[%add3A_70, %dma_start3A_71] : memref<40x128xi32, #tpu.memory_space<vmem>> -> memref<1x128xi32, #tpu.memory_space<vmem>>
        %dma_start3A_73 = tpu.memref_squeeze %dma_start3A_72 : memref<1x128xi32, #tpu.memory_space<vmem>> -> memref<128xi32, #tpu.memory_space<vmem>>
        %dma_start3A_74 = arith.constant 0 : i32
        %dma_start3A_75 = arith.constant 0 : i32
        %dma_start3A_76 = tpu.memref_slice %arg3[%dma_start3A_74, %dma_start3A_75] : memref<10000x128xf32, #tpu.memory_space<hbm>> -> memref<10000x128xf32, #tpu.memory_space<hbm>>
        tpu.enqueue_indirect_dma source(%dma_start3A_76 : memref<10000x128xf32, #tpu.memory_space<hbm>>) target(%arg12 : memref<128x128xf32, #tpu.memory_space<vmem>>) offsets(%dma_start3A_73 : memref<128xi32, #tpu.memory_space<vmem>>) semaphore(%arg14 : memref<!tpu.dma_semaphore, #tpu.memory_space<semaphore_mem>>)
        "tpu.region"() ({
          %run_scoped3A = tpu.sem_alloc : memref<!tpu.dma_semaphore, #tpu.memory_space<semaphore_mem>>
          %dma_start3A_92 = arith.constant 0 : i32
          %dma_start3A_93 = tpu.memref_slice %arg10[%mul3A_63, %dma_start3A_92] : memref<40x128xi32, #tpu.memory_space<vmem>> -> memref<1x128xi32, #tpu.memory_space<vmem>>
          %dma_start3A_94 = tpu.memref_squeeze %dma_start3A_93 : memref<1x128xi32, #tpu.memory_space<vmem>> -> memref<128xi32, #tpu.memory_space<vmem>>
          %dma_start3A_95 = arith.constant 0 : i32
          %dma_start3A_96 = arith.constant 0 : i32
          %dma_start3A_97 = tpu.memref_slice %arg15[%dma_start3A_95, %dma_start3A_96] : memref<10008x128xf32, #tpu.memory_space<vmem_shared>> -> memref<10008x128xf32, #tpu.memory_space<vmem_shared>>
          tpu.enqueue_indirect_dma source(%arg11 : memref<128x128xf32, #tpu.memory_space<vmem>>) target(%dma_start3A_97 : memref<10008x128xf32, #tpu.memory_space<vmem_shared>>) offsets(%dma_start3A_94 : memref<128xi32, #tpu.memory_space<vmem>>) semaphore(%run_scoped3A : memref<!tpu.dma_semaphore, #tpu.memory_space<semaphore_mem>>) {add = true}
          %dma_wait3A_98 = arith.constant 0 : i32
          %dma_wait3A_99 = tpu.memref_slice %arg10[%mul3A_63, %dma_wait3A_98] : memref<40x128xi32, #tpu.memory_space<vmem>> -> memref<1x128xi32, #tpu.memory_space<vmem>>
          %dma_wait3A_100 = tpu.memref_squeeze %dma_wait3A_99 : memref<1x128xi32, #tpu.memory_space<vmem>> -> memref<128xi32, #tpu.memory_space<vmem>>
          %dma_wait3A_101 = arith.constant 0 : i32
          %dma_wait3A_102 = arith.constant 0 : i32
          %dma_wait3A_103 = tpu.memref_slice %arg15[%dma_wait3A_101, %dma_wait3A_102] : memref<10008x128xf32, #tpu.memory_space<vmem_shared>> -> memref<10008x128xf32, #tpu.memory_space<vmem_shared>>
          tpu.wait_indirect_dma semaphore(%run_scoped3A : memref<!tpu.dma_semaphore, #tpu.memory_space<semaphore_mem>>) src(%arg11 : memref<128x128xf32, #tpu.memory_space<vmem>>) dst(%dma_wait3A_103 : memref<10008x128xf32, #tpu.memory_space<vmem_shared>>)
          tpu.yield
        }) : () -> ()
        %add3A_77 = arith.constant 1 : i32
        %add3A_78 = arith.addi %mul3A_63, %add3A_77 : i32
        %dma_wait3A_79 = arith.constant 0 : i32
        %dma_wait3A_80 = tpu.memref_slice %arg9[%add3A_78, %dma_wait3A_79] : memref<40x128xi32, #tpu.memory_space<vmem>> -> memref<1x128xi32, #tpu.memory_space<vmem>>
        %dma_wait3A_81 = tpu.memref_squeeze %dma_wait3A_80 : memref<1x128xi32, #tpu.memory_space<vmem>> -> memref<128xi32, #tpu.memory_space<vmem>>
        %dma_wait3A_82 = arith.constant 0 : i32
        %dma_wait3A_83 = arith.constant 0 : i32
        %dma_wait3A_84 = tpu.memref_slice %arg3[%dma_wait3A_82, %dma_wait3A_83] : memref<10000x128xf32, #tpu.memory_space<hbm>> -> memref<10000x128xf32, #tpu.memory_space<hbm>>
        tpu.wait_indirect_dma semaphore(%arg14 : memref<!tpu.dma_semaphore, #tpu.memory_space<semaphore_mem>>) src(%dma_wait3A_84 : memref<10000x128xf32, #tpu.memory_space<hbm>>) dst(%arg12 : memref<128x128xf32, #tpu.memory_space<vmem>>)
        %lt3A_85 = arith.constant 19 : i32
        %lt3A_86 = arith.cmpi slt, %scan3A_61, %lt3A_85 : i32
        %convert_element_type3A_87 = arith.extui %lt3A_86 : i1 to i32
        %cond3A_88 = arith.constant 0 : i32
        %cond3A_89 = arith.cmpi ne, %convert_element_type3A_87, %cond3A_88 : i32
        scf.if %cond3A_89 {
          %add3A_92 = arith.constant 2 : i32
          %add3A_93 = arith.addi %mul3A_63, %add3A_92 : i32
          %dma_start3A_94 = arith.constant 0 : i32
          %dma_start3A_95 = tpu.memref_slice %arg9[%add3A_93, %dma_start3A_94] : memref<40x128xi32, #tpu.memory_space<vmem>> -> memref<1x128xi32, #tpu.memory_space<vmem>>
          %dma_start3A_96 = tpu.memref_squeeze %dma_start3A_95 : memref<1x128xi32, #tpu.memory_space<vmem>> -> memref<128xi32, #tpu.memory_space<vmem>>
          %dma_start3A_97 = arith.constant 0 : i32
          %dma_start3A_98 = arith.constant 0 : i32
          %dma_start3A_99 = tpu.memref_slice %arg3[%dma_start3A_97, %dma_start3A_98] : memref<10000x128xf32, #tpu.memory_space<hbm>> -> memref<10000x128xf32, #tpu.memory_space<hbm>>
          tpu.enqueue_indirect_dma source(%dma_start3A_99 : memref<10000x128xf32, #tpu.memory_space<hbm>>) target(%arg11 : memref<128x128xf32, #tpu.memory_space<vmem>>) offsets(%dma_start3A_96 : memref<128xi32, #tpu.memory_space<vmem>>) semaphore(%arg13 : memref<!tpu.dma_semaphore, #tpu.memory_space<semaphore_mem>>)
        } else {
        }
        %add3A_90 = arith.constant 1 : i32
        %add3A_91 = arith.addi %mul3A_63, %add3A_90 : i32
        "tpu.region"() ({
          %run_scoped3A = tpu.sem_alloc : memref<!tpu.dma_semaphore, #tpu.memory_space<semaphore_mem>>
          %dma_start3A_92 = arith.constant 0 : i32
          %dma_start3A_93 = tpu.memref_slice %arg10[%add3A_91, %dma_start3A_92] : memref<40x128xi32, #tpu.memory_space<vmem>> -> memref<1x128xi32, #tpu.memory_space<vmem>>
          %dma_start3A_94 = tpu.memref_squeeze %dma_start3A_93 : memref<1x128xi32, #tpu.memory_space<vmem>> -> memref<128xi32, #tpu.memory_space<vmem>>
          %dma_start3A_95 = arith.constant 0 : i32
          %dma_start3A_96 = arith.constant 0 : i32
          %dma_start3A_97 = tpu.memref_slice %arg15[%dma_start3A_95, %dma_start3A_96] : memref<10008x128xf32, #tpu.memory_space<vmem_shared>> -> memref<10008x128xf32, #tpu.memory_space<vmem_shared>>
          tpu.enqueue_indirect_dma source(%arg12 : memref<128x128xf32, #tpu.memory_space<vmem>>) target(%dma_start3A_97 : memref<10008x128xf32, #tpu.memory_space<vmem_shared>>) offsets(%dma_start3A_94 : memref<128xi32, #tpu.memory_space<vmem>>) semaphore(%run_scoped3A : memref<!tpu.dma_semaphore, #tpu.memory_space<semaphore_mem>>) {add = true}
          %dma_wait3A_98 = arith.constant 0 : i32
          %dma_wait3A_99 = tpu.memref_slice %arg10[%add3A_91, %dma_wait3A_98] : memref<40x128xi32, #tpu.memory_space<vmem>> -> memref<1x128xi32, #tpu.memory_space<vmem>>
          %dma_wait3A_100 = tpu.memref_squeeze %dma_wait3A_99 : memref<1x128xi32, #tpu.memory_space<vmem>> -> memref<128xi32, #tpu.memory_space<vmem>>
          %dma_wait3A_101 = arith.constant 0 : i32
          %dma_wait3A_102 = arith.constant 0 : i32
          %dma_wait3A_103 = tpu.memref_slice %arg15[%dma_wait3A_101, %dma_wait3A_102] : memref<10008x128xf32, #tpu.memory_space<vmem_shared>> -> memref<10008x128xf32, #tpu.memory_space<vmem_shared>>
          tpu.wait_indirect_dma semaphore(%run_scoped3A : memref<!tpu.dma_semaphore, #tpu.memory_space<semaphore_mem>>) src(%arg12 : memref<128x128xf32, #tpu.memory_space<vmem>>) dst(%dma_wait3A_103 : memref<10008x128xf32, #tpu.memory_space<vmem_shared>>)
          tpu.yield
        }) : () -> ()
      }
      %scan3A_42 = arith.constant 20 : i32
      %mul3A_43 = arith.constant 80 : i32
      %mul3A_44 = arith.muli %arg1, %mul3A_43 : i32
      %add3A_45 = arith.constant 40 : i32
      %add3A_46 = arith.addi %mul3A_44, %add3A_45 : i32
      %multiple_of3A_47 = tpu.assume_multiple %add3A_46, 8 : i32
      "tpu.region"() ({
        %run_scoped3A = tpu.sem_alloc : memref<!tpu.dma_semaphore, #tpu.memory_space<semaphore_mem>>
        %dma_start3A_61 = arith.constant 0 : i32
        %dma_start3A_62 = tpu.memref_slice %arg4[%multiple_of3A_47, %dma_start3A_61] : memref<1280x128xi32, #tpu.memory_space<hbm>> -> memref<40x128xi32, #tpu.memory_space<hbm>>
        %dma_start3A_63 = arith.constant 0 : i32
        %dma_start3A_64 = tpu.memref_slice %arg4[%multiple_of3A_47, %dma_start3A_63] : memref<1280x128xi32, #tpu.memory_space<hbm>> -> memref<40x128xi32, #tpu.memory_space<hbm>>
        tpu.enqueue_dma source(%dma_start3A_64 : memref<40x128xi32, #tpu.memory_space<hbm>>) target(%arg9 : memref<40x128xi32, #tpu.memory_space<vmem>>) target_semaphore(%run_scoped3A : memref<!tpu.dma_semaphore, #tpu.memory_space<semaphore_mem>>)
        %dma_wait3A = arith.constant 0 : i32
        %dma_wait3A_65 = tpu.memref_slice %arg4[%multiple_of3A_47, %dma_wait3A] : memref<1280x128xi32, #tpu.memory_space<hbm>> -> memref<40x128xi32, #tpu.memory_space<hbm>>
        %dma_wait3A_66 = arith.constant 0 : i32
        %dma_wait3A_67 = tpu.memref_slice %arg4[%multiple_of3A_47, %dma_wait3A_66] : memref<1280x128xi32, #tpu.memory_space<hbm>> -> memref<40x128xi32, #tpu.memory_space<hbm>>
        tpu.wait_dma2 semaphore(%run_scoped3A : memref<!tpu.dma_semaphore, #tpu.memory_space<semaphore_mem>>) src(%dma_wait3A_67 : memref<40x128xi32, #tpu.memory_space<hbm>>) dst(%arg9 : memref<40x128xi32, #tpu.memory_space<vmem>>)
        tpu.yield
      }) : () -> ()
      "tpu.region"() ({
        %run_scoped3A = tpu.sem_alloc : memref<!tpu.dma_semaphore, #tpu.memory_space<semaphore_mem>>
        %dma_start3A_61 = arith.constant 0 : i32
        %dma_start3A_62 = tpu.memref_slice %arg5[%multiple_of3A_47, %dma_start3A_61] : memref<1280x128xi32, #tpu.memory_space<hbm>> -> memref<40x128xi32, #tpu.memory_space<hbm>>
        %dma_start3A_63 = arith.constant 0 : i32
        %dma_start3A_64 = tpu.memref_slice %arg5[%multiple_of3A_47, %dma_start3A_63] : memref<1280x128xi32, #tpu.memory_space<hbm>> -> memref<40x128xi32, #tpu.memory_space<hbm>>
        tpu.enqueue_dma source(%dma_start3A_64 : memref<40x128xi32, #tpu.memory_space<hbm>>) target(%arg10 : memref<40x128xi32, #tpu.memory_space<vmem>>) target_semaphore(%run_scoped3A : memref<!tpu.dma_semaphore, #tpu.memory_space<semaphore_mem>>)
        %dma_wait3A = arith.constant 0 : i32
        %dma_wait3A_65 = tpu.memref_slice %arg5[%multiple_of3A_47, %dma_wait3A] : memref<1280x128xi32, #tpu.memory_space<hbm>> -> memref<40x128xi32, #tpu.memory_space<hbm>>
        %dma_wait3A_66 = arith.constant 0 : i32
        %dma_wait3A_67 = tpu.memref_slice %arg5[%multiple_of3A_47, %dma_wait3A_66] : memref<1280x128xi32, #tpu.memory_space<hbm>> -> memref<40x128xi32, #tpu.memory_space<hbm>>
        tpu.wait_dma2 semaphore(%run_scoped3A : memref<!tpu.dma_semaphore, #tpu.memory_space<semaphore_mem>>) src(%dma_wait3A_67 : memref<40x128xi32, #tpu.memory_space<hbm>>) dst(%arg10 : memref<40x128xi32, #tpu.memory_space<vmem>>)
        tpu.yield
      }) : () -> ()
      %dma_start3A_48 = arith.constant 0 : i32
      %dma_start3A_49 = arith.constant 0 : i32
      %dma_start3A_50 = tpu.memref_slice %arg9[%dma_start3A_48, %dma_start3A_49] : memref<40x128xi32, #tpu.memory_space<vmem>> -> memref<1x128xi32, #tpu.memory_space<vmem>>
      %dma_start3A_51 = tpu.memref_squeeze %dma_start3A_50 : memref<1x128xi32, #tpu.memory_space<vmem>> -> memref<128xi32, #tpu.memory_space<vmem>>
      %dma_start3A_52 = arith.constant 0 : i32
      %dma_start3A_53 = arith.constant 0 : i32
      %dma_start3A_54 = tpu.memref_slice %arg3[%dma_start3A_52, %dma_start3A_53] : memref<10000x128xf32, #tpu.memory_space<hbm>> -> memref<10000x128xf32, #tpu.memory_space<hbm>>
      tpu.enqueue_indirect_dma source(%dma_start3A_54 : memref<10000x128xf32, #tpu.memory_space<hbm>>) target(%arg11 : memref<128x128xf32, #tpu.memory_space<vmem>>) offsets(%dma_start3A_51 : memref<128xi32, #tpu.memory_space<vmem>>) semaphore(%arg13 : memref<!tpu.dma_semaphore, #tpu.memory_space<semaphore_mem>>)
      %scan3A_55 = arith.constant 0 : i32
      %scan3A_56 = arith.constant 0 : i32
      %scan3A_57 = arith.constant 20 : i32
      %scan3A_58 = arith.addi %scan3A_56, %scan3A_57 : i32
      %scan3A_59 = arith.constant 1 : i32
      scf.for %scan3A_61 = %scan3A_56 to %scan3A_58 step %scan3A_59  : i32 {
        %mul3A_62 = arith.constant 2 : i32
        %mul3A_63 = arith.muli %scan3A_61, %mul3A_62 : i32
        %dma_wait3A = arith.constant 0 : i32
        %dma_wait3A_64 = tpu.memref_slice %arg9[%mul3A_63, %dma_wait3A] : memref<40x128xi32, #tpu.memory_space<vmem>> -> memref<1x128xi32, #tpu.memory_space<vmem>>
        %dma_wait3A_65 = tpu.memref_squeeze %dma_wait3A_64 : memref<1x128xi32, #tpu.memory_space<vmem>> -> memref<128xi32, #tpu.memory_space<vmem>>
        %dma_wait3A_66 = arith.constant 0 : i32
        %dma_wait3A_67 = arith.constant 0 : i32
        %dma_wait3A_68 = tpu.memref_slice %arg3[%dma_wait3A_66, %dma_wait3A_67] : memref<10000x128xf32, #tpu.memory_space<hbm>> -> memref<10000x128xf32, #tpu.memory_space<hbm>>
        tpu.wait_indirect_dma semaphore(%arg13 : memref<!tpu.dma_semaphore, #tpu.memory_space<semaphore_mem>>) src(%dma_wait3A_68 : memref<10000x128xf32, #tpu.memory_space<hbm>>) dst(%arg11 : memref<128x128xf32, #tpu.memory_space<vmem>>)
        %add3A_69 = arith.constant 1 : i32
        %add3A_70 = arith.addi %mul3A_63, %add3A_69 : i32
        %dma_start3A_71 = arith.constant 0 : i32
        %dma_start3A_72 = tpu.memref_slice %arg9[%add3A_70, %dma_start3A_71] : memref<40x128xi32, #tpu.memory_space<vmem>> -> memref<1x128xi32, #tpu.memory_space<vmem>>
        %dma_start3A_73 = tpu.memref_squeeze %dma_start3A_72 : memref<1x128xi32, #tpu.memory_space<vmem>> -> memref<128xi32, #tpu.memory_space<vmem>>
        %dma_start3A_74 = arith.constant 0 : i32
        %dma_start3A_75 = arith.constant 0 : i32
        %dma_start3A_76 = tpu.memref_slice %arg3[%dma_start3A_74, %dma_start3A_75] : memref<10000x128xf32, #tpu.memory_space<hbm>> -> memref<10000x128xf32, #tpu.memory_space<hbm>>
        tpu.enqueue_indirect_dma source(%dma_start3A_76 : memref<10000x128xf32, #tpu.memory_space<hbm>>) target(%arg12 : memref<128x128xf32, #tpu.memory_space<vmem>>) offsets(%dma_start3A_73 : memref<128xi32, #tpu.memory_space<vmem>>) semaphore(%arg14 : memref<!tpu.dma_semaphore, #tpu.memory_space<semaphore_mem>>)
        "tpu.region"() ({
          %run_scoped3A = tpu.sem_alloc : memref<!tpu.dma_semaphore, #tpu.memory_space<semaphore_mem>>
          %dma_start3A_92 = arith.constant 0 : i32
          %dma_start3A_93 = tpu.memref_slice %arg10[%mul3A_63, %dma_start3A_92] : memref<40x128xi32, #tpu.memory_space<vmem>> -> memref<1x128xi32, #tpu.memory_space<vmem>>
          %dma_start3A_94 = tpu.memref_squeeze %dma_start3A_93 : memref<1x128xi32, #tpu.memory_space<vmem>> -> memref<128xi32, #tpu.memory_space<vmem>>
          %dma_start3A_95 = arith.constant 0 : i32
          %dma_start3A_96 = arith.constant 0 : i32
          %dma_start3A_97 = tpu.memref_slice %arg15[%dma_start3A_95, %dma_start3A_96] : memref<10008x128xf32, #tpu.memory_space<vmem_shared>> -> memref<10008x128xf32, #tpu.memory_space<vmem_shared>>
          tpu.enqueue_indirect_dma source(%arg11 : memref<128x128xf32, #tpu.memory_space<vmem>>) target(%dma_start3A_97 : memref<10008x128xf32, #tpu.memory_space<vmem_shared>>) offsets(%dma_start3A_94 : memref<128xi32, #tpu.memory_space<vmem>>) semaphore(%run_scoped3A : memref<!tpu.dma_semaphore, #tpu.memory_space<semaphore_mem>>) {add = true}
          %dma_wait3A_98 = arith.constant 0 : i32
          %dma_wait3A_99 = tpu.memref_slice %arg10[%mul3A_63, %dma_wait3A_98] : memref<40x128xi32, #tpu.memory_space<vmem>> -> memref<1x128xi32, #tpu.memory_space<vmem>>
          %dma_wait3A_100 = tpu.memref_squeeze %dma_wait3A_99 : memref<1x128xi32, #tpu.memory_space<vmem>> -> memref<128xi32, #tpu.memory_space<vmem>>
          %dma_wait3A_101 = arith.constant 0 : i32
          %dma_wait3A_102 = arith.constant 0 : i32
          %dma_wait3A_103 = tpu.memref_slice %arg15[%dma_wait3A_101, %dma_wait3A_102] : memref<10008x128xf32, #tpu.memory_space<vmem_shared>> -> memref<10008x128xf32, #tpu.memory_space<vmem_shared>>
          tpu.wait_indirect_dma semaphore(%run_scoped3A : memref<!tpu.dma_semaphore, #tpu.memory_space<semaphore_mem>>) src(%arg11 : memref<128x128xf32, #tpu.memory_space<vmem>>) dst(%dma_wait3A_103 : memref<10008x128xf32, #tpu.memory_space<vmem_shared>>)
          tpu.yield
        }) : () -> ()
        %add3A_77 = arith.constant 1 : i32
        %add3A_78 = arith.addi %mul3A_63, %add3A_77 : i32
        %dma_wait3A_79 = arith.constant 0 : i32
        %dma_wait3A_80 = tpu.memref_slice %arg9[%add3A_78, %dma_wait3A_79] : memref<40x128xi32, #tpu.memory_space<vmem>> -> memref<1x128xi32, #tpu.memory_space<vmem>>
        %dma_wait3A_81 = tpu.memref_squeeze %dma_wait3A_80 : memref<1x128xi32, #tpu.memory_space<vmem>> -> memref<128xi32, #tpu.memory_space<vmem>>
        %dma_wait3A_82 = arith.constant 0 : i32
        %dma_wait3A_83 = arith.constant 0 : i32
        %dma_wait3A_84 = tpu.memref_slice %arg3[%dma_wait3A_82, %dma_wait3A_83] : memref<10000x128xf32, #tpu.memory_space<hbm>> -> memref<10000x128xf32, #tpu.memory_space<hbm>>
        tpu.wait_indirect_dma semaphore(%arg14 : memref<!tpu.dma_semaphore, #tpu.memory_space<semaphore_mem>>) src(%dma_wait3A_84 : memref<10000x128xf32, #tpu.memory_space<hbm>>) dst(%arg12 : memref<128x128xf32, #tpu.memory_space<vmem>>)
        %lt3A_85 = arith.constant 19 : i32
        %lt3A_86 = arith.cmpi slt, %scan3A_61, %lt3A_85 : i32
        %convert_element_type3A_87 = arith.extui %lt3A_86 : i1 to i32
        %cond3A_88 = arith.constant 0 : i32
        %cond3A_89 = arith.cmpi ne, %convert_element_type3A_87, %cond3A_88 : i32
        scf.if %cond3A_89 {
          %add3A_92 = arith.constant 2 : i32
          %add3A_93 = arith.addi %mul3A_63, %add3A_92 : i32
          %dma_start3A_94 = arith.constant 0 : i32
          %dma_start3A_95 = tpu.memref_slice %arg9[%add3A_93, %dma_start3A_94] : memref<40x128xi32, #tpu.memory_space<vmem>> -> memref<1x128xi32, #tpu.memory_space<vmem>>
          %dma_start3A_96 = tpu.memref_squeeze %dma_start3A_95 : memref<1x128xi32, #tpu.memory_space<vmem>> -> memref<128xi32, #tpu.memory_space<vmem>>
          %dma_start3A_97 = arith.constant 0 : i32
          %dma_start3A_98 = arith.constant 0 : i32
          %dma_start3A_99 = tpu.memref_slice %arg3[%dma_start3A_97, %dma_start3A_98] : memref<10000x128xf32, #tpu.memory_space<hbm>> -> memref<10000x128xf32, #tpu.memory_space<hbm>>
          tpu.enqueue_indirect_dma source(%dma_start3A_99 : memref<10000x128xf32, #tpu.memory_space<hbm>>) target(%arg11 : memref<128x128xf32, #tpu.memory_space<vmem>>) offsets(%dma_start3A_96 : memref<128xi32, #tpu.memory_space<vmem>>) semaphore(%arg13 : memref<!tpu.dma_semaphore, #tpu.memory_space<semaphore_mem>>)
        } else {
        }
        %add3A_90 = arith.constant 1 : i32
        %add3A_91 = arith.addi %mul3A_63, %add3A_90 : i32
        "tpu.region"() ({
          %run_scoped3A = tpu.sem_alloc : memref<!tpu.dma_semaphore, #tpu.memory_space<semaphore_mem>>
          %dma_start3A_92 = arith.constant 0 : i32
          %dma_start3A_93 = tpu.memref_slice %arg10[%add3A_91, %dma_start3A_92] : memref<40x128xi32, #tpu.memory_space<vmem>> -> memref<1x128xi32, #tpu.memory_space<vmem>>
          %dma_start3A_94 = tpu.memref_squeeze %dma_start3A_93 : memref<1x128xi32, #tpu.memory_space<vmem>> -> memref<128xi32, #tpu.memory_space<vmem>>
          %dma_start3A_95 = arith.constant 0 : i32
          %dma_start3A_96 = arith.constant 0 : i32
          %dma_start3A_97 = tpu.memref_slice %arg15[%dma_start3A_95, %dma_start3A_96] : memref<10008x128xf32, #tpu.memory_space<vmem_shared>> -> memref<10008x128xf32, #tpu.memory_space<vmem_shared>>
          tpu.enqueue_indirect_dma source(%arg12 : memref<128x128xf32, #tpu.memory_space<vmem>>) target(%dma_start3A_97 : memref<10008x128xf32, #tpu.memory_space<vmem_shared>>) offsets(%dma_start3A_94 : memref<128xi32, #tpu.memory_space<vmem>>) semaphore(%run_scoped3A : memref<!tpu.dma_semaphore, #tpu.memory_space<semaphore_mem>>) {add = true}
          %dma_wait3A_98 = arith.constant 0 : i32
          %dma_wait3A_99 = tpu.memref_slice %arg10[%add3A_91, %dma_wait3A_98] : memref<40x128xi32, #tpu.memory_space<vmem>> -> memref<1x128xi32, #tpu.memory_space<vmem>>
          %dma_wait3A_100 = tpu.memref_squeeze %dma_wait3A_99 : memref<1x128xi32, #tpu.memory_space<vmem>> -> memref<128xi32, #tpu.memory_space<vmem>>
          %dma_wait3A_101 = arith.constant 0 : i32
          %dma_wait3A_102 = arith.constant 0 : i32
          %dma_wait3A_103 = tpu.memref_slice %arg15[%dma_wait3A_101, %dma_wait3A_102] : memref<10008x128xf32, #tpu.memory_space<vmem_shared>> -> memref<10008x128xf32, #tpu.memory_space<vmem_shared>>
          tpu.wait_indirect_dma semaphore(%run_scoped3A : memref<!tpu.dma_semaphore, #tpu.memory_space<semaphore_mem>>) src(%arg12 : memref<128x128xf32, #tpu.memory_space<vmem>>) dst(%dma_wait3A_103 : memref<10008x128xf32, #tpu.memory_space<vmem_shared>>)
          tpu.yield
        }) : () -> ()
      }
      %scan3A_60 = arith.constant 20 : i32
    } else {
    }
    %barrier3A_17 = arith.constant 0 : index
    tpu.barrier barrier_id(%barrier3A_17)
    %eq3A_18 = arith.constant 0 : i32
    %eq3A_19 = arith.cmpi eq, %arg0, %eq3A_18 : i32
    %convert_element_type3A_20 = arith.extui %eq3A_19 : i1 to i32
    %cond3A_21 = arith.constant 0 : i32
    %cond3A_22 = arith.cmpi ne, %convert_element_type3A_20, %cond3A_21 : i32
    scf.if %cond3A_22 {
      %lt3A_28 = arith.constant 15 : i32
      %lt3A_29 = arith.cmpi slt, %arg1, %lt3A_28 : i32
      %convert_element_type3A_30 = arith.extui %lt3A_29 : i1 to i32
      %cond3A_31 = arith.constant 0 : i32
      %cond3A_32 = arith.cmpi ne, %convert_element_type3A_30, %cond3A_31 : i32
      scf.if %cond3A_32 {
        "tpu.region"() ({
          %run_scoped3A = tpu.sem_alloc : memref<!tpu.dma_semaphore, #tpu.memory_space<semaphore_mem>>
          %dma_start3A = arith.constant 0 : i32
          %dma_start3A_38 = tpu.memref_slice %arg7[%multiple_of3A, %dma_start3A] : memref<10000x128xf32, #tpu.memory_space<hbm>> -> memref<624x128xf32, #tpu.memory_space<hbm>>
          %dma_start3A_39 = arith.constant 0 : i32
          %dma_start3A_40 = tpu.memref_slice %arg15[%multiple_of3A, %dma_start3A_39] : memref<10008x128xf32, #tpu.memory_space<vmem_shared>> -> memref<624x128xf32, #tpu.memory_space<vmem_shared>>
          tpu.enqueue_dma source(%dma_start3A_40 : memref<624x128xf32, #tpu.memory_space<vmem_shared>>) target(%dma_start3A_38 : memref<624x128xf32, #tpu.memory_space<hbm>>) target_semaphore(%run_scoped3A : memref<!tpu.dma_semaphore, #tpu.memory_space<semaphore_mem>>)
          %dma_wait3A = arith.constant 0 : i32
          %dma_wait3A_41 = tpu.memref_slice %arg7[%multiple_of3A, %dma_wait3A] : memref<10000x128xf32, #tpu.memory_space<hbm>> -> memref<624x128xf32, #tpu.memory_space<hbm>>
          %dma_wait3A_42 = arith.constant 0 : i32
          %dma_wait3A_43 = tpu.memref_slice %arg15[%multiple_of3A, %dma_wait3A_42] : memref<10008x128xf32, #tpu.memory_space<vmem_shared>> -> memref<624x128xf32, #tpu.memory_space<vmem_shared>>
          tpu.wait_dma2 semaphore(%run_scoped3A : memref<!tpu.dma_semaphore, #tpu.memory_space<semaphore_mem>>) src(%dma_wait3A_43 : memref<624x128xf32, #tpu.memory_space<vmem_shared>>) dst(%dma_wait3A_41 : memref<624x128xf32, #tpu.memory_space<hbm>>)
          tpu.yield
        }) : () -> ()
      } else {
      }
      %eq3A_33 = arith.constant 15 : i32
      %eq3A_34 = arith.cmpi eq, %arg1, %eq3A_33 : i32
      %convert_element_type3A_35 = arith.extui %eq3A_34 : i1 to i32
      %cond3A_36 = arith.constant 0 : i32
      %cond3A_37 = arith.cmpi ne, %convert_element_type3A_35, %cond3A_36 : i32
      scf.if %cond3A_37 {
        "tpu.region"() ({
          %run_scoped3A = tpu.sem_alloc : memref<!tpu.dma_semaphore, #tpu.memory_space<semaphore_mem>>
          %dma_start3A = arith.constant 9360 : i32
          %dma_start3A_38 = arith.constant 0 : i32
          %dma_start3A_39 = tpu.memref_slice %arg7[%dma_start3A, %dma_start3A_38] : memref<10000x128xf32, #tpu.memory_space<hbm>> -> memref<640x128xf32, #tpu.memory_space<hbm>>
          %dma_start3A_40 = arith.constant 9360 : i32
          %dma_start3A_41 = arith.constant 0 : i32
          %dma_start3A_42 = tpu.memref_slice %arg15[%dma_start3A_40, %dma_start3A_41] : memref<10008x128xf32, #tpu.memory_space<vmem_shared>> -> memref<640x128xf32, #tpu.memory_space<vmem_shared>>
          tpu.enqueue_dma source(%dma_start3A_42 : memref<640x128xf32, #tpu.memory_space<vmem_shared>>) target(%dma_start3A_39 : memref<640x128xf32, #tpu.memory_space<hbm>>) target_semaphore(%run_scoped3A : memref<!tpu.dma_semaphore, #tpu.memory_space<semaphore_mem>>)
          %dma_wait3A = arith.constant 9360 : i32
          %dma_wait3A_43 = arith.constant 0 : i32
          %dma_wait3A_44 = tpu.memref_slice %arg7[%dma_wait3A, %dma_wait3A_43] : memref<10000x128xf32, #tpu.memory_space<hbm>> -> memref<640x128xf32, #tpu.memory_space<hbm>>
          %dma_wait3A_45 = arith.constant 9360 : i32
          %dma_wait3A_46 = arith.constant 0 : i32
          %dma_wait3A_47 = tpu.memref_slice %arg15[%dma_wait3A_45, %dma_wait3A_46] : memref<10008x128xf32, #tpu.memory_space<vmem_shared>> -> memref<640x128xf32, #tpu.memory_space<vmem_shared>>
          tpu.wait_dma2 semaphore(%run_scoped3A : memref<!tpu.dma_semaphore, #tpu.memory_space<semaphore_mem>>) src(%dma_wait3A_47 : memref<640x128xf32, #tpu.memory_space<vmem_shared>>) dst(%dma_wait3A_44 : memref<640x128xf32, #tpu.memory_space<hbm>>)
          tpu.yield
        }) : () -> ()
      } else {
      }
    } else {
    }
    %eq3A_23 = arith.constant 1 : i32
    %eq3A_24 = arith.cmpi eq, %arg0, %eq3A_23 : i32
    %convert_element_type3A_25 = arith.extui %eq3A_24 : i1 to i32
    %cond3A_26 = arith.constant 0 : i32
    %cond3A_27 = arith.cmpi ne, %convert_element_type3A_25, %cond3A_26 : i32
    scf.if %cond3A_27 {
      %lt3A_28 = arith.constant 15 : i32
      %lt3A_29 = arith.cmpi slt, %arg1, %lt3A_28 : i32
      %convert_element_type3A_30 = arith.extui %lt3A_29 : i1 to i32
      %cond3A_31 = arith.constant 0 : i32
      %cond3A_32 = arith.cmpi ne, %convert_element_type3A_30, %cond3A_31 : i32
      scf.if %cond3A_32 {
        "tpu.region"() ({
          %run_scoped3A = tpu.sem_alloc : memref<!tpu.dma_semaphore, #tpu.memory_space<semaphore_mem>>
          %dma_start3A = arith.constant 0 : i32
          %dma_start3A_38 = tpu.memref_slice %arg8[%multiple_of3A, %dma_start3A] : memref<10000x128xf32, #tpu.memory_space<hbm>> -> memref<624x128xf32, #tpu.memory_space<hbm>>
          %dma_start3A_39 = arith.constant 0 : i32
          %dma_start3A_40 = tpu.memref_slice %arg15[%multiple_of3A, %dma_start3A_39] : memref<10008x128xf32, #tpu.memory_space<vmem_shared>> -> memref<624x128xf32, #tpu.memory_space<vmem_shared>>
          tpu.enqueue_dma source(%dma_start3A_40 : memref<624x128xf32, #tpu.memory_space<vmem_shared>>) target(%dma_start3A_38 : memref<624x128xf32, #tpu.memory_space<hbm>>) target_semaphore(%run_scoped3A : memref<!tpu.dma_semaphore, #tpu.memory_space<semaphore_mem>>)
          %dma_wait3A = arith.constant 0 : i32
          %dma_wait3A_41 = tpu.memref_slice %arg8[%multiple_of3A, %dma_wait3A] : memref<10000x128xf32, #tpu.memory_space<hbm>> -> memref<624x128xf32, #tpu.memory_space<hbm>>
          %dma_wait3A_42 = arith.constant 0 : i32
          %dma_wait3A_43 = tpu.memref_slice %arg15[%multiple_of3A, %dma_wait3A_42] : memref<10008x128xf32, #tpu.memory_space<vmem_shared>> -> memref<624x128xf32, #tpu.memory_space<vmem_shared>>
          tpu.wait_dma2 semaphore(%run_scoped3A : memref<!tpu.dma_semaphore, #tpu.memory_space<semaphore_mem>>) src(%dma_wait3A_43 : memref<624x128xf32, #tpu.memory_space<vmem_shared>>) dst(%dma_wait3A_41 : memref<624x128xf32, #tpu.memory_space<hbm>>)
          tpu.yield
        }) : () -> ()
      } else {
      }
      %eq3A_33 = arith.constant 15 : i32
      %eq3A_34 = arith.cmpi eq, %arg1, %eq3A_33 : i32
      %convert_element_type3A_35 = arith.extui %eq3A_34 : i1 to i32
      %cond3A_36 = arith.constant 0 : i32
      %cond3A_37 = arith.cmpi ne, %convert_element_type3A_35, %cond3A_36 : i32
      scf.if %cond3A_37 {
        "tpu.region"() ({
          %run_scoped3A = tpu.sem_alloc : memref<!tpu.dma_semaphore, #tpu.memory_space<semaphore_mem>>
          %dma_start3A = arith.constant 9360 : i32
          %dma_start3A_38 = arith.constant 0 : i32
          %dma_start3A_39 = tpu.memref_slice %arg8[%dma_start3A, %dma_start3A_38] : memref<10000x128xf32, #tpu.memory_space<hbm>> -> memref<640x128xf32, #tpu.memory_space<hbm>>
          %dma_start3A_40 = arith.constant 9360 : i32
          %dma_start3A_41 = arith.constant 0 : i32
          %dma_start3A_42 = tpu.memref_slice %arg15[%dma_start3A_40, %dma_start3A_41] : memref<10008x128xf32, #tpu.memory_space<vmem_shared>> -> memref<640x128xf32, #tpu.memory_space<vmem_shared>>
          tpu.enqueue_dma source(%dma_start3A_42 : memref<640x128xf32, #tpu.memory_space<vmem_shared>>) target(%dma_start3A_39 : memref<640x128xf32, #tpu.memory_space<hbm>>) target_semaphore(%run_scoped3A : memref<!tpu.dma_semaphore, #tpu.memory_space<semaphore_mem>>)
          %dma_wait3A = arith.constant 9360 : i32
          %dma_wait3A_43 = arith.constant 0 : i32
          %dma_wait3A_44 = tpu.memref_slice %arg8[%dma_wait3A, %dma_wait3A_43] : memref<10000x128xf32, #tpu.memory_space<hbm>> -> memref<640x128xf32, #tpu.memory_space<hbm>>
          %dma_wait3A_45 = arith.constant 9360 : i32
          %dma_wait3A_46 = arith.constant 0 : i32
          %dma_wait3A_47 = tpu.memref_slice %arg15[%dma_wait3A_45, %dma_wait3A_46] : memref<10008x128xf32, #tpu.memory_space<vmem_shared>> -> memref<640x128xf32, #tpu.memory_space<vmem_shared>>
          tpu.wait_dma2 semaphore(%run_scoped3A : memref<!tpu.dma_semaphore, #tpu.memory_space<semaphore_mem>>) src(%dma_wait3A_47 : memref<640x128xf32, #tpu.memory_space<vmem_shared>>) dst(%dma_wait3A_44 : memref<640x128xf32, #tpu.memory_space<hbm>>)
          tpu.yield
        }) : () -> ()
      } else {
      }
    } else {
    }
    return
  }
}

#map = affine_map<(d0, d1) -> (0, 0)>
module attributes {stable_mosaic.version = 14 : i64} {
  func.func @_sc_agg(%arg0: i32, %arg1: i32, %arg2: memref<10000x128xf32, #tpu.memory_space<hbm>>, %arg3: memref<10000x128xf32, #tpu.memory_space<hbm>>, %arg4: memref<1280x128xi32, #tpu.memory_space<hbm>>, %arg5: memref<1280x128xi32, #tpu.memory_space<hbm>>, %arg6: memref<648x128xf32, #tpu.memory_space<hbm>>, %arg7: memref<10000x128xf32, #tpu.memory_space<hbm>>, %arg8: memref<10000x128xf32, #tpu.memory_space<hbm>>, %arg9: memref<40x128xi32, #tpu.memory_space<vmem>>, %arg10: memref<40x128xi32, #tpu.memory_space<vmem>>, %arg11: memref<128x128xf32, #tpu.memory_space<vmem>>, %arg12: memref<128x128xf32, #tpu.memory_space<vmem>>, %arg13: memref<!tpu.dma_semaphore, #tpu.memory_space<semaphore_mem>>, %arg14: memref<!tpu.dma_semaphore, #tpu.memory_space<semaphore_mem>>, %arg15: memref<10008x128xf32, #tpu.memory_space<vmem_shared>>) attributes {dimension_semantics = [#tpu.dimension_semantics<core_parallel>, #tpu.dimension_semantics<subcore_parallel>], iteration_bounds = array<i64: 2, 16>, scalar_prefetch = 0 : i64, scratch_operands = 7 : i64, tpu.core_type = #tpu.core_type<sc_vector_subcore>, window_params = [{transform_indices = #map}, {transform_indices = #map}, {transform_indices = #map}, {transform_indices = #map}, {transform_indices = #map}, {transform_indices = #map}, {transform_indices = #map}]} {
    %mul3A = arith.constant 624 : i32
    %mul3A_0 = arith.muli %arg1, %mul3A : i32
    %multiple_of3A = tpu.assume_multiple %mul3A_0, 8 : i32
    %lt3A = arith.constant 15 : i32
    %lt3A_1 = arith.cmpi slt, %arg1, %lt3A : i32
    %convert_element_type3A = arith.extui %lt3A_1 : i1 to i32
    %cond3A = arith.constant 0 : i32
    %cond3A_2 = arith.cmpi ne, %convert_element_type3A, %cond3A : i32
    scf.if %cond3A_2 {
      "tpu.region"() ({
        %run_scoped3A = tpu.sem_alloc : memref<!tpu.dma_semaphore, #tpu.memory_space<semaphore_mem>>
        %dma_start3A = arith.constant 0 : i32
        %dma_start3A_28 = tpu.memref_slice %arg15[%multiple_of3A, %dma_start3A] : memref<10008x128xf32, #tpu.memory_space<vmem_shared>> -> memref<624x128xf32, #tpu.memory_space<vmem_shared>>
        %dma_start3A_29 = arith.constant 0 : i32
        %dma_start3A_30 = arith.constant 0 : i32
        %dma_start3A_31 = tpu.memref_slice %arg6[%dma_start3A_29, %dma_start3A_30] : memref<648x128xf32, #tpu.memory_space<hbm>> -> memref<624x128xf32, #tpu.memory_space<hbm>>
        tpu.enqueue_dma source(%dma_start3A_31 : memref<624x128xf32, #tpu.memory_space<hbm>>) target(%dma_start3A_28 : memref<624x128xf32, #tpu.memory_space<vmem_shared>>) target_semaphore(%run_scoped3A : memref<!tpu.dma_semaphore, #tpu.memory_space<semaphore_mem>>)
        %dma_wait3A = arith.constant 0 : i32
        %dma_wait3A_32 = tpu.memref_slice %arg15[%multiple_of3A, %dma_wait3A] : memref<10008x128xf32, #tpu.memory_space<vmem_shared>> -> memref<624x128xf32, #tpu.memory_space<vmem_shared>>
        %dma_wait3A_33 = arith.constant 0 : i32
        %dma_wait3A_34 = arith.constant 0 : i32
        %dma_wait3A_35 = tpu.memref_slice %arg6[%dma_wait3A_33, %dma_wait3A_34] : memref<648x128xf32, #tpu.memory_space<hbm>> -> memref<624x128xf32, #tpu.memory_space<hbm>>
        tpu.wait_dma2 semaphore(%run_scoped3A : memref<!tpu.dma_semaphore, #tpu.memory_space<semaphore_mem>>) src(%dma_wait3A_35 : memref<624x128xf32, #tpu.memory_space<hbm>>) dst(%dma_wait3A_32 : memref<624x128xf32, #tpu.memory_space<vmem_shared>>)
        tpu.yield
      }) : () -> ()
    } else {
    }
    %eq3A = arith.constant 15 : i32
    %eq3A_3 = arith.cmpi eq, %arg1, %eq3A : i32
    %convert_element_type3A_4 = arith.extui %eq3A_3 : i1 to i32
    %cond3A_5 = arith.constant 0 : i32
    %cond3A_6 = arith.cmpi ne, %convert_element_type3A_4, %cond3A_5 : i32
    scf.if %cond3A_6 {
      "tpu.region"() ({
        %run_scoped3A = tpu.sem_alloc : memref<!tpu.dma_semaphore, #tpu.memory_space<semaphore_mem>>
        %dma_start3A = arith.constant 9360 : i32
        %dma_start3A_28 = arith.constant 0 : i32
        %dma_start3A_29 = tpu.memref_slice %arg15[%dma_start3A, %dma_start3A_28] : memref<10008x128xf32, #tpu.memory_space<vmem_shared>> -> memref<648x128xf32, #tpu.memory_space<vmem_shared>>
        tpu.enqueue_dma source(%arg6 : memref<648x128xf32, #tpu.memory_space<hbm>>) target(%dma_start3A_29 : memref<648x128xf32, #tpu.memory_space<vmem_shared>>) target_semaphore(%run_scoped3A : memref<!tpu.dma_semaphore, #tpu.memory_space<semaphore_mem>>)
        %dma_wait3A = arith.constant 9360 : i32
        %dma_wait3A_30 = arith.constant 0 : i32
        %dma_wait3A_31 = tpu.memref_slice %arg15[%dma_wait3A, %dma_wait3A_30] : memref<10008x128xf32, #tpu.memory_space<vmem_shared>> -> memref<648x128xf32, #tpu.memory_space<vmem_shared>>
        tpu.wait_dma2 semaphore(%run_scoped3A : memref<!tpu.dma_semaphore, #tpu.memory_space<semaphore_mem>>) src(%arg6 : memref<648x128xf32, #tpu.memory_space<hbm>>) dst(%dma_wait3A_31 : memref<648x128xf32, #tpu.memory_space<vmem_shared>>)
        tpu.yield
      }) : () -> ()
    } else {
    }
    %barrier3A = arith.constant 0 : index
    tpu.barrier barrier_id(%barrier3A)
    %eq3A_7 = arith.constant 0 : i32
    %eq3A_8 = arith.cmpi eq, %arg0, %eq3A_7 : i32
    %convert_element_type3A_9 = arith.extui %eq3A_8 : i1 to i32
    %cond3A_10 = arith.constant 0 : i32
    %cond3A_11 = arith.cmpi ne, %convert_element_type3A_9, %cond3A_10 : i32
    scf.if %cond3A_11 {
      %mul3A_28 = arith.constant 80 : i32
      %mul3A_29 = arith.muli %arg1, %mul3A_28 : i32
      %add3A = arith.constant 0 : i32
      %add3A_30 = arith.addi %mul3A_29, %add3A : i32
      %multiple_of3A_31 = tpu.assume_multiple %add3A_30, 8 : i32
      "tpu.region"() ({
        %run_scoped3A = tpu.sem_alloc : memref<!tpu.dma_semaphore, #tpu.memory_space<semaphore_mem>>
        %dma_start3A_61 = arith.constant 0 : i32
        %dma_start3A_62 = tpu.memref_slice %arg4[%multiple_of3A_31, %dma_start3A_61] : memref<1280x128xi32, #tpu.memory_space<hbm>> -> memref<40x128xi32, #tpu.memory_space<hbm>>
        %dma_start3A_63 = arith.constant 0 : i32
        %dma_start3A_64 = tpu.memref_slice %arg4[%multiple_of3A_31, %dma_start3A_63] : memref<1280x128xi32, #tpu.memory_space<hbm>> -> memref<40x128xi32, #tpu.memory_space<hbm>>
        tpu.enqueue_dma source(%dma_start3A_64 : memref<40x128xi32, #tpu.memory_space<hbm>>) target(%arg9 : memref<40x128xi32, #tpu.memory_space<vmem>>) target_semaphore(%run_scoped3A : memref<!tpu.dma_semaphore, #tpu.memory_space<semaphore_mem>>)
        %dma_wait3A = arith.constant 0 : i32
        %dma_wait3A_65 = tpu.memref_slice %arg4[%multiple_of3A_31, %dma_wait3A] : memref<1280x128xi32, #tpu.memory_space<hbm>> -> memref<40x128xi32, #tpu.memory_space<hbm>>
        %dma_wait3A_66 = arith.constant 0 : i32
        %dma_wait3A_67 = tpu.memref_slice %arg4[%multiple_of3A_31, %dma_wait3A_66] : memref<1280x128xi32, #tpu.memory_space<hbm>> -> memref<40x128xi32, #tpu.memory_space<hbm>>
        tpu.wait_dma2 semaphore(%run_scoped3A : memref<!tpu.dma_semaphore, #tpu.memory_space<semaphore_mem>>) src(%dma_wait3A_67 : memref<40x128xi32, #tpu.memory_space<hbm>>) dst(%arg9 : memref<40x128xi32, #tpu.memory_space<vmem>>)
        tpu.yield
      }) : () -> ()
      "tpu.region"() ({
        %run_scoped3A = tpu.sem_alloc : memref<!tpu.dma_semaphore, #tpu.memory_space<semaphore_mem>>
        %dma_start3A_61 = arith.constant 0 : i32
        %dma_start3A_62 = tpu.memref_slice %arg5[%multiple_of3A_31, %dma_start3A_61] : memref<1280x128xi32, #tpu.memory_space<hbm>> -> memref<40x128xi32, #tpu.memory_space<hbm>>
        %dma_start3A_63 = arith.constant 0 : i32
        %dma_start3A_64 = tpu.memref_slice %arg5[%multiple_of3A_31, %dma_start3A_63] : memref<1280x128xi32, #tpu.memory_space<hbm>> -> memref<40x128xi32, #tpu.memory_space<hbm>>
        tpu.enqueue_dma source(%dma_start3A_64 : memref<40x128xi32, #tpu.memory_space<hbm>>) target(%arg10 : memref<40x128xi32, #tpu.memory_space<vmem>>) target_semaphore(%run_scoped3A : memref<!tpu.dma_semaphore, #tpu.memory_space<semaphore_mem>>)
        %dma_wait3A = arith.constant 0 : i32
        %dma_wait3A_65 = tpu.memref_slice %arg5[%multiple_of3A_31, %dma_wait3A] : memref<1280x128xi32, #tpu.memory_space<hbm>> -> memref<40x128xi32, #tpu.memory_space<hbm>>
        %dma_wait3A_66 = arith.constant 0 : i32
        %dma_wait3A_67 = tpu.memref_slice %arg5[%multiple_of3A_31, %dma_wait3A_66] : memref<1280x128xi32, #tpu.memory_space<hbm>> -> memref<40x128xi32, #tpu.memory_space<hbm>>
        tpu.wait_dma2 semaphore(%run_scoped3A : memref<!tpu.dma_semaphore, #tpu.memory_space<semaphore_mem>>) src(%dma_wait3A_67 : memref<40x128xi32, #tpu.memory_space<hbm>>) dst(%arg10 : memref<40x128xi32, #tpu.memory_space<vmem>>)
        tpu.yield
      }) : () -> ()
      %dma_start3A = arith.constant 0 : i32
      %dma_start3A_32 = arith.constant 0 : i32
      %dma_start3A_33 = tpu.memref_slice %arg9[%dma_start3A, %dma_start3A_32] : memref<40x128xi32, #tpu.memory_space<vmem>> -> memref<1x128xi32, #tpu.memory_space<vmem>>
      %dma_start3A_34 = tpu.memref_squeeze %dma_start3A_33 : memref<1x128xi32, #tpu.memory_space<vmem>> -> memref<128xi32, #tpu.memory_space<vmem>>
      %dma_start3A_35 = arith.constant 0 : i32
      %dma_start3A_36 = arith.constant 0 : i32
      %dma_start3A_37 = tpu.memref_slice %arg2[%dma_start3A_35, %dma_start3A_36] : memref<10000x128xf32, #tpu.memory_space<hbm>> -> memref<10000x128xf32, #tpu.memory_space<hbm>>
      tpu.enqueue_indirect_dma source(%dma_start3A_37 : memref<10000x128xf32, #tpu.memory_space<hbm>>) target(%arg11 : memref<128x128xf32, #tpu.memory_space<vmem>>) offsets(%dma_start3A_34 : memref<128xi32, #tpu.memory_space<vmem>>) semaphore(%arg13 : memref<!tpu.dma_semaphore, #tpu.memory_space<semaphore_mem>>)
      %scan3A = arith.constant 0 : i32
      %scan3A_38 = arith.constant 0 : i32
      %scan3A_39 = arith.constant 20 : i32
      %scan3A_40 = arith.addi %scan3A_38, %scan3A_39 : i32
      %scan3A_41 = arith.constant 1 : i32
      scf.for %scan3A_61 = %scan3A_38 to %scan3A_40 step %scan3A_41  : i32 {
        %mul3A_62 = arith.constant 2 : i32
        %mul3A_63 = arith.muli %scan3A_61, %mul3A_62 : i32
        %dma_wait3A = arith.constant 0 : i32
        %dma_wait3A_64 = tpu.memref_slice %arg9[%mul3A_63, %dma_wait3A] : memref<40x128xi32, #tpu.memory_space<vmem>> -> memref<1x128xi32, #tpu.memory_space<vmem>>
        %dma_wait3A_65 = tpu.memref_squeeze %dma_wait3A_64 : memref<1x128xi32, #tpu.memory_space<vmem>> -> memref<128xi32, #tpu.memory_space<vmem>>
        %dma_wait3A_66 = arith.constant 0 : i32
        %dma_wait3A_67 = arith.constant 0 : i32
        %dma_wait3A_68 = tpu.memref_slice %arg2[%dma_wait3A_66, %dma_wait3A_67] : memref<10000x128xf32, #tpu.memory_space<hbm>> -> memref<10000x128xf32, #tpu.memory_space<hbm>>
        tpu.wait_indirect_dma semaphore(%arg13 : memref<!tpu.dma_semaphore, #tpu.memory_space<semaphore_mem>>) src(%dma_wait3A_68 : memref<10000x128xf32, #tpu.memory_space<hbm>>) dst(%arg11 : memref<128x128xf32, #tpu.memory_space<vmem>>)
        %add3A_69 = arith.constant 1 : i32
        %add3A_70 = arith.addi %mul3A_63, %add3A_69 : i32
        %dma_start3A_71 = arith.constant 0 : i32
        %dma_start3A_72 = tpu.memref_slice %arg9[%add3A_70, %dma_start3A_71] : memref<40x128xi32, #tpu.memory_space<vmem>> -> memref<1x128xi32, #tpu.memory_space<vmem>>
        %dma_start3A_73 = tpu.memref_squeeze %dma_start3A_72 : memref<1x128xi32, #tpu.memory_space<vmem>> -> memref<128xi32, #tpu.memory_space<vmem>>
        %dma_start3A_74 = arith.constant 0 : i32
        %dma_start3A_75 = arith.constant 0 : i32
        %dma_start3A_76 = tpu.memref_slice %arg2[%dma_start3A_74, %dma_start3A_75] : memref<10000x128xf32, #tpu.memory_space<hbm>> -> memref<10000x128xf32, #tpu.memory_space<hbm>>
        tpu.enqueue_indirect_dma source(%dma_start3A_76 : memref<10000x128xf32, #tpu.memory_space<hbm>>) target(%arg12 : memref<128x128xf32, #tpu.memory_space<vmem>>) offsets(%dma_start3A_73 : memref<128xi32, #tpu.memory_space<vmem>>) semaphore(%arg14 : memref<!tpu.dma_semaphore, #tpu.memory_space<semaphore_mem>>)
        "tpu.region"() ({
          %run_scoped3A = tpu.sem_alloc : memref<!tpu.dma_semaphore, #tpu.memory_space<semaphore_mem>>
          %dma_start3A_92 = arith.constant 0 : i32
          %dma_start3A_93 = tpu.memref_slice %arg10[%mul3A_63, %dma_start3A_92] : memref<40x128xi32, #tpu.memory_space<vmem>> -> memref<1x128xi32, #tpu.memory_space<vmem>>
          %dma_start3A_94 = tpu.memref_squeeze %dma_start3A_93 : memref<1x128xi32, #tpu.memory_space<vmem>> -> memref<128xi32, #tpu.memory_space<vmem>>
          %dma_start3A_95 = arith.constant 0 : i32
          %dma_start3A_96 = arith.constant 0 : i32
          %dma_start3A_97 = tpu.memref_slice %arg15[%dma_start3A_95, %dma_start3A_96] : memref<10008x128xf32, #tpu.memory_space<vmem_shared>> -> memref<10008x128xf32, #tpu.memory_space<vmem_shared>>
          tpu.enqueue_indirect_dma source(%arg11 : memref<128x128xf32, #tpu.memory_space<vmem>>) target(%dma_start3A_97 : memref<10008x128xf32, #tpu.memory_space<vmem_shared>>) offsets(%dma_start3A_94 : memref<128xi32, #tpu.memory_space<vmem>>) semaphore(%run_scoped3A : memref<!tpu.dma_semaphore, #tpu.memory_space<semaphore_mem>>) {add = true}
          %dma_wait3A_98 = arith.constant 0 : i32
          %dma_wait3A_99 = tpu.memref_slice %arg10[%mul3A_63, %dma_wait3A_98] : memref<40x128xi32, #tpu.memory_space<vmem>> -> memref<1x128xi32, #tpu.memory_space<vmem>>
          %dma_wait3A_100 = tpu.memref_squeeze %dma_wait3A_99 : memref<1x128xi32, #tpu.memory_space<vmem>> -> memref<128xi32, #tpu.memory_space<vmem>>
          %dma_wait3A_101 = arith.constant 0 : i32
          %dma_wait3A_102 = arith.constant 0 : i32
          %dma_wait3A_103 = tpu.memref_slice %arg15[%dma_wait3A_101, %dma_wait3A_102] : memref<10008x128xf32, #tpu.memory_space<vmem_shared>> -> memref<10008x128xf32, #tpu.memory_space<vmem_shared>>
          tpu.wait_indirect_dma semaphore(%run_scoped3A : memref<!tpu.dma_semaphore, #tpu.memory_space<semaphore_mem>>) src(%arg11 : memref<128x128xf32, #tpu.memory_space<vmem>>) dst(%dma_wait3A_103 : memref<10008x128xf32, #tpu.memory_space<vmem_shared>>)
          tpu.yield
        }) : () -> ()
        %add3A_77 = arith.constant 1 : i32
        %add3A_78 = arith.addi %mul3A_63, %add3A_77 : i32
        %dma_wait3A_79 = arith.constant 0 : i32
        %dma_wait3A_80 = tpu.memref_slice %arg9[%add3A_78, %dma_wait3A_79] : memref<40x128xi32, #tpu.memory_space<vmem>> -> memref<1x128xi32, #tpu.memory_space<vmem>>
        %dma_wait3A_81 = tpu.memref_squeeze %dma_wait3A_80 : memref<1x128xi32, #tpu.memory_space<vmem>> -> memref<128xi32, #tpu.memory_space<vmem>>
        %dma_wait3A_82 = arith.constant 0 : i32
        %dma_wait3A_83 = arith.constant 0 : i32
        %dma_wait3A_84 = tpu.memref_slice %arg2[%dma_wait3A_82, %dma_wait3A_83] : memref<10000x128xf32, #tpu.memory_space<hbm>> -> memref<10000x128xf32, #tpu.memory_space<hbm>>
        tpu.wait_indirect_dma semaphore(%arg14 : memref<!tpu.dma_semaphore, #tpu.memory_space<semaphore_mem>>) src(%dma_wait3A_84 : memref<10000x128xf32, #tpu.memory_space<hbm>>) dst(%arg12 : memref<128x128xf32, #tpu.memory_space<vmem>>)
        %lt3A_85 = arith.constant 19 : i32
        %lt3A_86 = arith.cmpi slt, %scan3A_61, %lt3A_85 : i32
        %convert_element_type3A_87 = arith.extui %lt3A_86 : i1 to i32
        %cond3A_88 = arith.constant 0 : i32
        %cond3A_89 = arith.cmpi ne, %convert_element_type3A_87, %cond3A_88 : i32
        scf.if %cond3A_89 {
          %add3A_92 = arith.constant 2 : i32
          %add3A_93 = arith.addi %mul3A_63, %add3A_92 : i32
          %dma_start3A_94 = arith.constant 0 : i32
          %dma_start3A_95 = tpu.memref_slice %arg9[%add3A_93, %dma_start3A_94] : memref<40x128xi32, #tpu.memory_space<vmem>> -> memref<1x128xi32, #tpu.memory_space<vmem>>
          %dma_start3A_96 = tpu.memref_squeeze %dma_start3A_95 : memref<1x128xi32, #tpu.memory_space<vmem>> -> memref<128xi32, #tpu.memory_space<vmem>>
          %dma_start3A_97 = arith.constant 0 : i32
          %dma_start3A_98 = arith.constant 0 : i32
          %dma_start3A_99 = tpu.memref_slice %arg2[%dma_start3A_97, %dma_start3A_98] : memref<10000x128xf32, #tpu.memory_space<hbm>> -> memref<10000x128xf32, #tpu.memory_space<hbm>>
          tpu.enqueue_indirect_dma source(%dma_start3A_99 : memref<10000x128xf32, #tpu.memory_space<hbm>>) target(%arg11 : memref<128x128xf32, #tpu.memory_space<vmem>>) offsets(%dma_start3A_96 : memref<128xi32, #tpu.memory_space<vmem>>) semaphore(%arg13 : memref<!tpu.dma_semaphore, #tpu.memory_space<semaphore_mem>>)
        } else {
        }
        %add3A_90 = arith.constant 1 : i32
        %add3A_91 = arith.addi %mul3A_63, %add3A_90 : i32
        "tpu.region"() ({
          %run_scoped3A = tpu.sem_alloc : memref<!tpu.dma_semaphore, #tpu.memory_space<semaphore_mem>>
          %dma_start3A_92 = arith.constant 0 : i32
          %dma_start3A_93 = tpu.memref_slice %arg10[%add3A_91, %dma_start3A_92] : memref<40x128xi32, #tpu.memory_space<vmem>> -> memref<1x128xi32, #tpu.memory_space<vmem>>
          %dma_start3A_94 = tpu.memref_squeeze %dma_start3A_93 : memref<1x128xi32, #tpu.memory_space<vmem>> -> memref<128xi32, #tpu.memory_space<vmem>>
          %dma_start3A_95 = arith.constant 0 : i32
          %dma_start3A_96 = arith.constant 0 : i32
          %dma_start3A_97 = tpu.memref_slice %arg15[%dma_start3A_95, %dma_start3A_96] : memref<10008x128xf32, #tpu.memory_space<vmem_shared>> -> memref<10008x128xf32, #tpu.memory_space<vmem_shared>>
          tpu.enqueue_indirect_dma source(%arg12 : memref<128x128xf32, #tpu.memory_space<vmem>>) target(%dma_start3A_97 : memref<10008x128xf32, #tpu.memory_space<vmem_shared>>) offsets(%dma_start3A_94 : memref<128xi32, #tpu.memory_space<vmem>>) semaphore(%run_scoped3A : memref<!tpu.dma_semaphore, #tpu.memory_space<semaphore_mem>>) {add = true}
          %dma_wait3A_98 = arith.constant 0 : i32
          %dma_wait3A_99 = tpu.memref_slice %arg10[%add3A_91, %dma_wait3A_98] : memref<40x128xi32, #tpu.memory_space<vmem>> -> memref<1x128xi32, #tpu.memory_space<vmem>>
          %dma_wait3A_100 = tpu.memref_squeeze %dma_wait3A_99 : memref<1x128xi32, #tpu.memory_space<vmem>> -> memref<128xi32, #tpu.memory_space<vmem>>
          %dma_wait3A_101 = arith.constant 0 : i32
          %dma_wait3A_102 = arith.constant 0 : i32
          %dma_wait3A_103 = tpu.memref_slice %arg15[%dma_wait3A_101, %dma_wait3A_102] : memref<10008x128xf32, #tpu.memory_space<vmem_shared>> -> memref<10008x128xf32, #tpu.memory_space<vmem_shared>>
          tpu.wait_indirect_dma semaphore(%run_scoped3A : memref<!tpu.dma_semaphore, #tpu.memory_space<semaphore_mem>>) src(%arg12 : memref<128x128xf32, #tpu.memory_space<vmem>>) dst(%dma_wait3A_103 : memref<10008x128xf32, #tpu.memory_space<vmem_shared>>)
          tpu.yield
        }) : () -> ()
      }
      %scan3A_42 = arith.constant 20 : i32
      %mul3A_43 = arith.constant 80 : i32
      %mul3A_44 = arith.muli %arg1, %mul3A_43 : i32
      %add3A_45 = arith.constant 40 : i32
      %add3A_46 = arith.addi %mul3A_44, %add3A_45 : i32
      %multiple_of3A_47 = tpu.assume_multiple %add3A_46, 8 : i32
      "tpu.region"() ({
        %run_scoped3A = tpu.sem_alloc : memref<!tpu.dma_semaphore, #tpu.memory_space<semaphore_mem>>
        %dma_start3A_61 = arith.constant 0 : i32
        %dma_start3A_62 = tpu.memref_slice %arg4[%multiple_of3A_47, %dma_start3A_61] : memref<1280x128xi32, #tpu.memory_space<hbm>> -> memref<40x128xi32, #tpu.memory_space<hbm>>
        %dma_start3A_63 = arith.constant 0 : i32
        %dma_start3A_64 = tpu.memref_slice %arg4[%multiple_of3A_47, %dma_start3A_63] : memref<1280x128xi32, #tpu.memory_space<hbm>> -> memref<40x128xi32, #tpu.memory_space<hbm>>
        tpu.enqueue_dma source(%dma_start3A_64 : memref<40x128xi32, #tpu.memory_space<hbm>>) target(%arg9 : memref<40x128xi32, #tpu.memory_space<vmem>>) target_semaphore(%run_scoped3A : memref<!tpu.dma_semaphore, #tpu.memory_space<semaphore_mem>>)
        %dma_wait3A = arith.constant 0 : i32
        %dma_wait3A_65 = tpu.memref_slice %arg4[%multiple_of3A_47, %dma_wait3A] : memref<1280x128xi32, #tpu.memory_space<hbm>> -> memref<40x128xi32, #tpu.memory_space<hbm>>
        %dma_wait3A_66 = arith.constant 0 : i32
        %dma_wait3A_67 = tpu.memref_slice %arg4[%multiple_of3A_47, %dma_wait3A_66] : memref<1280x128xi32, #tpu.memory_space<hbm>> -> memref<40x128xi32, #tpu.memory_space<hbm>>
        tpu.wait_dma2 semaphore(%run_scoped3A : memref<!tpu.dma_semaphore, #tpu.memory_space<semaphore_mem>>) src(%dma_wait3A_67 : memref<40x128xi32, #tpu.memory_space<hbm>>) dst(%arg9 : memref<40x128xi32, #tpu.memory_space<vmem>>)
        tpu.yield
      }) : () -> ()
      "tpu.region"() ({
        %run_scoped3A = tpu.sem_alloc : memref<!tpu.dma_semaphore, #tpu.memory_space<semaphore_mem>>
        %dma_start3A_61 = arith.constant 0 : i32
        %dma_start3A_62 = tpu.memref_slice %arg5[%multiple_of3A_47, %dma_start3A_61] : memref<1280x128xi32, #tpu.memory_space<hbm>> -> memref<40x128xi32, #tpu.memory_space<hbm>>
        %dma_start3A_63 = arith.constant 0 : i32
        %dma_start3A_64 = tpu.memref_slice %arg5[%multiple_of3A_47, %dma_start3A_63] : memref<1280x128xi32, #tpu.memory_space<hbm>> -> memref<40x128xi32, #tpu.memory_space<hbm>>
        tpu.enqueue_dma source(%dma_start3A_64 : memref<40x128xi32, #tpu.memory_space<hbm>>) target(%arg10 : memref<40x128xi32, #tpu.memory_space<vmem>>) target_semaphore(%run_scoped3A : memref<!tpu.dma_semaphore, #tpu.memory_space<semaphore_mem>>)
        %dma_wait3A = arith.constant 0 : i32
        %dma_wait3A_65 = tpu.memref_slice %arg5[%multiple_of3A_47, %dma_wait3A] : memref<1280x128xi32, #tpu.memory_space<hbm>> -> memref<40x128xi32, #tpu.memory_space<hbm>>
        %dma_wait3A_66 = arith.constant 0 : i32
        %dma_wait3A_67 = tpu.memref_slice %arg5[%multiple_of3A_47, %dma_wait3A_66] : memref<1280x128xi32, #tpu.memory_space<hbm>> -> memref<40x128xi32, #tpu.memory_space<hbm>>
        tpu.wait_dma2 semaphore(%run_scoped3A : memref<!tpu.dma_semaphore, #tpu.memory_space<semaphore_mem>>) src(%dma_wait3A_67 : memref<40x128xi32, #tpu.memory_space<hbm>>) dst(%arg10 : memref<40x128xi32, #tpu.memory_space<vmem>>)
        tpu.yield
      }) : () -> ()
      %dma_start3A_48 = arith.constant 0 : i32
      %dma_start3A_49 = arith.constant 0 : i32
      %dma_start3A_50 = tpu.memref_slice %arg9[%dma_start3A_48, %dma_start3A_49] : memref<40x128xi32, #tpu.memory_space<vmem>> -> memref<1x128xi32, #tpu.memory_space<vmem>>
      %dma_start3A_51 = tpu.memref_squeeze %dma_start3A_50 : memref<1x128xi32, #tpu.memory_space<vmem>> -> memref<128xi32, #tpu.memory_space<vmem>>
      %dma_start3A_52 = arith.constant 0 : i32
      %dma_start3A_53 = arith.constant 0 : i32
      %dma_start3A_54 = tpu.memref_slice %arg2[%dma_start3A_52, %dma_start3A_53] : memref<10000x128xf32, #tpu.memory_space<hbm>> -> memref<10000x128xf32, #tpu.memory_space<hbm>>
      tpu.enqueue_indirect_dma source(%dma_start3A_54 : memref<10000x128xf32, #tpu.memory_space<hbm>>) target(%arg11 : memref<128x128xf32, #tpu.memory_space<vmem>>) offsets(%dma_start3A_51 : memref<128xi32, #tpu.memory_space<vmem>>) semaphore(%arg13 : memref<!tpu.dma_semaphore, #tpu.memory_space<semaphore_mem>>)
      %scan3A_55 = arith.constant 0 : i32
      %scan3A_56 = arith.constant 0 : i32
      %scan3A_57 = arith.constant 20 : i32
      %scan3A_58 = arith.addi %scan3A_56, %scan3A_57 : i32
      %scan3A_59 = arith.constant 1 : i32
      scf.for %scan3A_61 = %scan3A_56 to %scan3A_58 step %scan3A_59  : i32 {
        %mul3A_62 = arith.constant 2 : i32
        %mul3A_63 = arith.muli %scan3A_61, %mul3A_62 : i32
        %dma_wait3A = arith.constant 0 : i32
        %dma_wait3A_64 = tpu.memref_slice %arg9[%mul3A_63, %dma_wait3A] : memref<40x128xi32, #tpu.memory_space<vmem>> -> memref<1x128xi32, #tpu.memory_space<vmem>>
        %dma_wait3A_65 = tpu.memref_squeeze %dma_wait3A_64 : memref<1x128xi32, #tpu.memory_space<vmem>> -> memref<128xi32, #tpu.memory_space<vmem>>
        %dma_wait3A_66 = arith.constant 0 : i32
        %dma_wait3A_67 = arith.constant 0 : i32
        %dma_wait3A_68 = tpu.memref_slice %arg2[%dma_wait3A_66, %dma_wait3A_67] : memref<10000x128xf32, #tpu.memory_space<hbm>> -> memref<10000x128xf32, #tpu.memory_space<hbm>>
        tpu.wait_indirect_dma semaphore(%arg13 : memref<!tpu.dma_semaphore, #tpu.memory_space<semaphore_mem>>) src(%dma_wait3A_68 : memref<10000x128xf32, #tpu.memory_space<hbm>>) dst(%arg11 : memref<128x128xf32, #tpu.memory_space<vmem>>)
        %add3A_69 = arith.constant 1 : i32
        %add3A_70 = arith.addi %mul3A_63, %add3A_69 : i32
        %dma_start3A_71 = arith.constant 0 : i32
        %dma_start3A_72 = tpu.memref_slice %arg9[%add3A_70, %dma_start3A_71] : memref<40x128xi32, #tpu.memory_space<vmem>> -> memref<1x128xi32, #tpu.memory_space<vmem>>
        %dma_start3A_73 = tpu.memref_squeeze %dma_start3A_72 : memref<1x128xi32, #tpu.memory_space<vmem>> -> memref<128xi32, #tpu.memory_space<vmem>>
        %dma_start3A_74 = arith.constant 0 : i32
        %dma_start3A_75 = arith.constant 0 : i32
        %dma_start3A_76 = tpu.memref_slice %arg2[%dma_start3A_74, %dma_start3A_75] : memref<10000x128xf32, #tpu.memory_space<hbm>> -> memref<10000x128xf32, #tpu.memory_space<hbm>>
        tpu.enqueue_indirect_dma source(%dma_start3A_76 : memref<10000x128xf32, #tpu.memory_space<hbm>>) target(%arg12 : memref<128x128xf32, #tpu.memory_space<vmem>>) offsets(%dma_start3A_73 : memref<128xi32, #tpu.memory_space<vmem>>) semaphore(%arg14 : memref<!tpu.dma_semaphore, #tpu.memory_space<semaphore_mem>>)
        "tpu.region"() ({
          %run_scoped3A = tpu.sem_alloc : memref<!tpu.dma_semaphore, #tpu.memory_space<semaphore_mem>>
          %dma_start3A_92 = arith.constant 0 : i32
          %dma_start3A_93 = tpu.memref_slice %arg10[%mul3A_63, %dma_start3A_92] : memref<40x128xi32, #tpu.memory_space<vmem>> -> memref<1x128xi32, #tpu.memory_space<vmem>>
          %dma_start3A_94 = tpu.memref_squeeze %dma_start3A_93 : memref<1x128xi32, #tpu.memory_space<vmem>> -> memref<128xi32, #tpu.memory_space<vmem>>
          %dma_start3A_95 = arith.constant 0 : i32
          %dma_start3A_96 = arith.constant 0 : i32
          %dma_start3A_97 = tpu.memref_slice %arg15[%dma_start3A_95, %dma_start3A_96] : memref<10008x128xf32, #tpu.memory_space<vmem_shared>> -> memref<10008x128xf32, #tpu.memory_space<vmem_shared>>
          tpu.enqueue_indirect_dma source(%arg11 : memref<128x128xf32, #tpu.memory_space<vmem>>) target(%dma_start3A_97 : memref<10008x128xf32, #tpu.memory_space<vmem_shared>>) offsets(%dma_start3A_94 : memref<128xi32, #tpu.memory_space<vmem>>) semaphore(%run_scoped3A : memref<!tpu.dma_semaphore, #tpu.memory_space<semaphore_mem>>) {add = true}
          %dma_wait3A_98 = arith.constant 0 : i32
          %dma_wait3A_99 = tpu.memref_slice %arg10[%mul3A_63, %dma_wait3A_98] : memref<40x128xi32, #tpu.memory_space<vmem>> -> memref<1x128xi32, #tpu.memory_space<vmem>>
          %dma_wait3A_100 = tpu.memref_squeeze %dma_wait3A_99 : memref<1x128xi32, #tpu.memory_space<vmem>> -> memref<128xi32, #tpu.memory_space<vmem>>
          %dma_wait3A_101 = arith.constant 0 : i32
          %dma_wait3A_102 = arith.constant 0 : i32
          %dma_wait3A_103 = tpu.memref_slice %arg15[%dma_wait3A_101, %dma_wait3A_102] : memref<10008x128xf32, #tpu.memory_space<vmem_shared>> -> memref<10008x128xf32, #tpu.memory_space<vmem_shared>>
          tpu.wait_indirect_dma semaphore(%run_scoped3A : memref<!tpu.dma_semaphore, #tpu.memory_space<semaphore_mem>>) src(%arg11 : memref<128x128xf32, #tpu.memory_space<vmem>>) dst(%dma_wait3A_103 : memref<10008x128xf32, #tpu.memory_space<vmem_shared>>)
          tpu.yield
        }) : () -> ()
        %add3A_77 = arith.constant 1 : i32
        %add3A_78 = arith.addi %mul3A_63, %add3A_77 : i32
        %dma_wait3A_79 = arith.constant 0 : i32
        %dma_wait3A_80 = tpu.memref_slice %arg9[%add3A_78, %dma_wait3A_79] : memref<40x128xi32, #tpu.memory_space<vmem>> -> memref<1x128xi32, #tpu.memory_space<vmem>>
        %dma_wait3A_81 = tpu.memref_squeeze %dma_wait3A_80 : memref<1x128xi32, #tpu.memory_space<vmem>> -> memref<128xi32, #tpu.memory_space<vmem>>
        %dma_wait3A_82 = arith.constant 0 : i32
        %dma_wait3A_83 = arith.constant 0 : i32
        %dma_wait3A_84 = tpu.memref_slice %arg2[%dma_wait3A_82, %dma_wait3A_83] : memref<10000x128xf32, #tpu.memory_space<hbm>> -> memref<10000x128xf32, #tpu.memory_space<hbm>>
        tpu.wait_indirect_dma semaphore(%arg14 : memref<!tpu.dma_semaphore, #tpu.memory_space<semaphore_mem>>) src(%dma_wait3A_84 : memref<10000x128xf32, #tpu.memory_space<hbm>>) dst(%arg12 : memref<128x128xf32, #tpu.memory_space<vmem>>)
        %lt3A_85 = arith.constant 19 : i32
        %lt3A_86 = arith.cmpi slt, %scan3A_61, %lt3A_85 : i32
        %convert_element_type3A_87 = arith.extui %lt3A_86 : i1 to i32
        %cond3A_88 = arith.constant 0 : i32
        %cond3A_89 = arith.cmpi ne, %convert_element_type3A_87, %cond3A_88 : i32
        scf.if %cond3A_89 {
          %add3A_92 = arith.constant 2 : i32
          %add3A_93 = arith.addi %mul3A_63, %add3A_92 : i32
          %dma_start3A_94 = arith.constant 0 : i32
          %dma_start3A_95 = tpu.memref_slice %arg9[%add3A_93, %dma_start3A_94] : memref<40x128xi32, #tpu.memory_space<vmem>> -> memref<1x128xi32, #tpu.memory_space<vmem>>
          %dma_start3A_96 = tpu.memref_squeeze %dma_start3A_95 : memref<1x128xi32, #tpu.memory_space<vmem>> -> memref<128xi32, #tpu.memory_space<vmem>>
          %dma_start3A_97 = arith.constant 0 : i32
          %dma_start3A_98 = arith.constant 0 : i32
          %dma_start3A_99 = tpu.memref_slice %arg2[%dma_start3A_97, %dma_start3A_98] : memref<10000x128xf32, #tpu.memory_space<hbm>> -> memref<10000x128xf32, #tpu.memory_space<hbm>>
          tpu.enqueue_indirect_dma source(%dma_start3A_99 : memref<10000x128xf32, #tpu.memory_space<hbm>>) target(%arg11 : memref<128x128xf32, #tpu.memory_space<vmem>>) offsets(%dma_start3A_96 : memref<128xi32, #tpu.memory_space<vmem>>) semaphore(%arg13 : memref<!tpu.dma_semaphore, #tpu.memory_space<semaphore_mem>>)
        } else {
        }
        %add3A_90 = arith.constant 1 : i32
        %add3A_91 = arith.addi %mul3A_63, %add3A_90 : i32
        "tpu.region"() ({
          %run_scoped3A = tpu.sem_alloc : memref<!tpu.dma_semaphore, #tpu.memory_space<semaphore_mem>>
          %dma_start3A_92 = arith.constant 0 : i32
          %dma_start3A_93 = tpu.memref_slice %arg10[%add3A_91, %dma_start3A_92] : memref<40x128xi32, #tpu.memory_space<vmem>> -> memref<1x128xi32, #tpu.memory_space<vmem>>
          %dma_start3A_94 = tpu.memref_squeeze %dma_start3A_93 : memref<1x128xi32, #tpu.memory_space<vmem>> -> memref<128xi32, #tpu.memory_space<vmem>>
          %dma_start3A_95 = arith.constant 0 : i32
          %dma_start3A_96 = arith.constant 0 : i32
          %dma_start3A_97 = tpu.memref_slice %arg15[%dma_start3A_95, %dma_start3A_96] : memref<10008x128xf32, #tpu.memory_space<vmem_shared>> -> memref<10008x128xf32, #tpu.memory_space<vmem_shared>>
          tpu.enqueue_indirect_dma source(%arg12 : memref<128x128xf32, #tpu.memory_space<vmem>>) target(%dma_start3A_97 : memref<10008x128xf32, #tpu.memory_space<vmem_shared>>) offsets(%dma_start3A_94 : memref<128xi32, #tpu.memory_space<vmem>>) semaphore(%run_scoped3A : memref<!tpu.dma_semaphore, #tpu.memory_space<semaphore_mem>>) {add = true}
          %dma_wait3A_98 = arith.constant 0 : i32
          %dma_wait3A_99 = tpu.memref_slice %arg10[%add3A_91, %dma_wait3A_98] : memref<40x128xi32, #tpu.memory_space<vmem>> -> memref<1x128xi32, #tpu.memory_space<vmem>>
          %dma_wait3A_100 = tpu.memref_squeeze %dma_wait3A_99 : memref<1x128xi32, #tpu.memory_space<vmem>> -> memref<128xi32, #tpu.memory_space<vmem>>
          %dma_wait3A_101 = arith.constant 0 : i32
          %dma_wait3A_102 = arith.constant 0 : i32
          %dma_wait3A_103 = tpu.memref_slice %arg15[%dma_wait3A_101, %dma_wait3A_102] : memref<10008x128xf32, #tpu.memory_space<vmem_shared>> -> memref<10008x128xf32, #tpu.memory_space<vmem_shared>>
          tpu.wait_indirect_dma semaphore(%run_scoped3A : memref<!tpu.dma_semaphore, #tpu.memory_space<semaphore_mem>>) src(%arg12 : memref<128x128xf32, #tpu.memory_space<vmem>>) dst(%dma_wait3A_103 : memref<10008x128xf32, #tpu.memory_space<vmem_shared>>)
          tpu.yield
        }) : () -> ()
      }
      %scan3A_60 = arith.constant 20 : i32
    } else {
    }
    %eq3A_12 = arith.constant 1 : i32
    %eq3A_13 = arith.cmpi eq, %arg0, %eq3A_12 : i32
    %convert_element_type3A_14 = arith.extui %eq3A_13 : i1 to i32
    %cond3A_15 = arith.constant 0 : i32
    %cond3A_16 = arith.cmpi ne, %convert_element_type3A_14, %cond3A_15 : i32
    scf.if %cond3A_16 {
      %mul3A_28 = arith.constant 80 : i32
      %mul3A_29 = arith.muli %arg1, %mul3A_28 : i32
      %add3A = arith.constant 0 : i32
      %add3A_30 = arith.addi %mul3A_29, %add3A : i32
      %multiple_of3A_31 = tpu.assume_multiple %add3A_30, 8 : i32
      "tpu.region"() ({
        %run_scoped3A = tpu.sem_alloc : memref<!tpu.dma_semaphore, #tpu.memory_space<semaphore_mem>>
        %dma_start3A_61 = arith.constant 0 : i32
        %dma_start3A_62 = tpu.memref_slice %arg4[%multiple_of3A_31, %dma_start3A_61] : memref<1280x128xi32, #tpu.memory_space<hbm>> -> memref<40x128xi32, #tpu.memory_space<hbm>>
        %dma_start3A_63 = arith.constant 0 : i32
        %dma_start3A_64 = tpu.memref_slice %arg4[%multiple_of3A_31, %dma_start3A_63] : memref<1280x128xi32, #tpu.memory_space<hbm>> -> memref<40x128xi32, #tpu.memory_space<hbm>>
        tpu.enqueue_dma source(%dma_start3A_64 : memref<40x128xi32, #tpu.memory_space<hbm>>) target(%arg9 : memref<40x128xi32, #tpu.memory_space<vmem>>) target_semaphore(%run_scoped3A : memref<!tpu.dma_semaphore, #tpu.memory_space<semaphore_mem>>)
        %dma_wait3A = arith.constant 0 : i32
        %dma_wait3A_65 = tpu.memref_slice %arg4[%multiple_of3A_31, %dma_wait3A] : memref<1280x128xi32, #tpu.memory_space<hbm>> -> memref<40x128xi32, #tpu.memory_space<hbm>>
        %dma_wait3A_66 = arith.constant 0 : i32
        %dma_wait3A_67 = tpu.memref_slice %arg4[%multiple_of3A_31, %dma_wait3A_66] : memref<1280x128xi32, #tpu.memory_space<hbm>> -> memref<40x128xi32, #tpu.memory_space<hbm>>
        tpu.wait_dma2 semaphore(%run_scoped3A : memref<!tpu.dma_semaphore, #tpu.memory_space<semaphore_mem>>) src(%dma_wait3A_67 : memref<40x128xi32, #tpu.memory_space<hbm>>) dst(%arg9 : memref<40x128xi32, #tpu.memory_space<vmem>>)
        tpu.yield
      }) : () -> ()
      "tpu.region"() ({
        %run_scoped3A = tpu.sem_alloc : memref<!tpu.dma_semaphore, #tpu.memory_space<semaphore_mem>>
        %dma_start3A_61 = arith.constant 0 : i32
        %dma_start3A_62 = tpu.memref_slice %arg5[%multiple_of3A_31, %dma_start3A_61] : memref<1280x128xi32, #tpu.memory_space<hbm>> -> memref<40x128xi32, #tpu.memory_space<hbm>>
        %dma_start3A_63 = arith.constant 0 : i32
        %dma_start3A_64 = tpu.memref_slice %arg5[%multiple_of3A_31, %dma_start3A_63] : memref<1280x128xi32, #tpu.memory_space<hbm>> -> memref<40x128xi32, #tpu.memory_space<hbm>>
        tpu.enqueue_dma source(%dma_start3A_64 : memref<40x128xi32, #tpu.memory_space<hbm>>) target(%arg10 : memref<40x128xi32, #tpu.memory_space<vmem>>) target_semaphore(%run_scoped3A : memref<!tpu.dma_semaphore, #tpu.memory_space<semaphore_mem>>)
        %dma_wait3A = arith.constant 0 : i32
        %dma_wait3A_65 = tpu.memref_slice %arg5[%multiple_of3A_31, %dma_wait3A] : memref<1280x128xi32, #tpu.memory_space<hbm>> -> memref<40x128xi32, #tpu.memory_space<hbm>>
        %dma_wait3A_66 = arith.constant 0 : i32
        %dma_wait3A_67 = tpu.memref_slice %arg5[%multiple_of3A_31, %dma_wait3A_66] : memref<1280x128xi32, #tpu.memory_space<hbm>> -> memref<40x128xi32, #tpu.memory_space<hbm>>
        tpu.wait_dma2 semaphore(%run_scoped3A : memref<!tpu.dma_semaphore, #tpu.memory_space<semaphore_mem>>) src(%dma_wait3A_67 : memref<40x128xi32, #tpu.memory_space<hbm>>) dst(%arg10 : memref<40x128xi32, #tpu.memory_space<vmem>>)
        tpu.yield
      }) : () -> ()
      %dma_start3A = arith.constant 0 : i32
      %dma_start3A_32 = arith.constant 0 : i32
      %dma_start3A_33 = tpu.memref_slice %arg9[%dma_start3A, %dma_start3A_32] : memref<40x128xi32, #tpu.memory_space<vmem>> -> memref<1x128xi32, #tpu.memory_space<vmem>>
      %dma_start3A_34 = tpu.memref_squeeze %dma_start3A_33 : memref<1x128xi32, #tpu.memory_space<vmem>> -> memref<128xi32, #tpu.memory_space<vmem>>
      %dma_start3A_35 = arith.constant 0 : i32
      %dma_start3A_36 = arith.constant 0 : i32
      %dma_start3A_37 = tpu.memref_slice %arg3[%dma_start3A_35, %dma_start3A_36] : memref<10000x128xf32, #tpu.memory_space<hbm>> -> memref<10000x128xf32, #tpu.memory_space<hbm>>
      tpu.enqueue_indirect_dma source(%dma_start3A_37 : memref<10000x128xf32, #tpu.memory_space<hbm>>) target(%arg11 : memref<128x128xf32, #tpu.memory_space<vmem>>) offsets(%dma_start3A_34 : memref<128xi32, #tpu.memory_space<vmem>>) semaphore(%arg13 : memref<!tpu.dma_semaphore, #tpu.memory_space<semaphore_mem>>)
      %scan3A = arith.constant 0 : i32
      %scan3A_38 = arith.constant 0 : i32
      %scan3A_39 = arith.constant 20 : i32
      %scan3A_40 = arith.addi %scan3A_38, %scan3A_39 : i32
      %scan3A_41 = arith.constant 1 : i32
      scf.for %scan3A_61 = %scan3A_38 to %scan3A_40 step %scan3A_41  : i32 {
        %mul3A_62 = arith.constant 2 : i32
        %mul3A_63 = arith.muli %scan3A_61, %mul3A_62 : i32
        %dma_wait3A = arith.constant 0 : i32
        %dma_wait3A_64 = tpu.memref_slice %arg9[%mul3A_63, %dma_wait3A] : memref<40x128xi32, #tpu.memory_space<vmem>> -> memref<1x128xi32, #tpu.memory_space<vmem>>
        %dma_wait3A_65 = tpu.memref_squeeze %dma_wait3A_64 : memref<1x128xi32, #tpu.memory_space<vmem>> -> memref<128xi32, #tpu.memory_space<vmem>>
        %dma_wait3A_66 = arith.constant 0 : i32
        %dma_wait3A_67 = arith.constant 0 : i32
        %dma_wait3A_68 = tpu.memref_slice %arg3[%dma_wait3A_66, %dma_wait3A_67] : memref<10000x128xf32, #tpu.memory_space<hbm>> -> memref<10000x128xf32, #tpu.memory_space<hbm>>
        tpu.wait_indirect_dma semaphore(%arg13 : memref<!tpu.dma_semaphore, #tpu.memory_space<semaphore_mem>>) src(%dma_wait3A_68 : memref<10000x128xf32, #tpu.memory_space<hbm>>) dst(%arg11 : memref<128x128xf32, #tpu.memory_space<vmem>>)
        %add3A_69 = arith.constant 1 : i32
        %add3A_70 = arith.addi %mul3A_63, %add3A_69 : i32
        %dma_start3A_71 = arith.constant 0 : i32
        %dma_start3A_72 = tpu.memref_slice %arg9[%add3A_70, %dma_start3A_71] : memref<40x128xi32, #tpu.memory_space<vmem>> -> memref<1x128xi32, #tpu.memory_space<vmem>>
        %dma_start3A_73 = tpu.memref_squeeze %dma_start3A_72 : memref<1x128xi32, #tpu.memory_space<vmem>> -> memref<128xi32, #tpu.memory_space<vmem>>
        %dma_start3A_74 = arith.constant 0 : i32
        %dma_start3A_75 = arith.constant 0 : i32
        %dma_start3A_76 = tpu.memref_slice %arg3[%dma_start3A_74, %dma_start3A_75] : memref<10000x128xf32, #tpu.memory_space<hbm>> -> memref<10000x128xf32, #tpu.memory_space<hbm>>
        tpu.enqueue_indirect_dma source(%dma_start3A_76 : memref<10000x128xf32, #tpu.memory_space<hbm>>) target(%arg12 : memref<128x128xf32, #tpu.memory_space<vmem>>) offsets(%dma_start3A_73 : memref<128xi32, #tpu.memory_space<vmem>>) semaphore(%arg14 : memref<!tpu.dma_semaphore, #tpu.memory_space<semaphore_mem>>)
        "tpu.region"() ({
          %run_scoped3A = tpu.sem_alloc : memref<!tpu.dma_semaphore, #tpu.memory_space<semaphore_mem>>
          %dma_start3A_92 = arith.constant 0 : i32
          %dma_start3A_93 = tpu.memref_slice %arg10[%mul3A_63, %dma_start3A_92] : memref<40x128xi32, #tpu.memory_space<vmem>> -> memref<1x128xi32, #tpu.memory_space<vmem>>
          %dma_start3A_94 = tpu.memref_squeeze %dma_start3A_93 : memref<1x128xi32, #tpu.memory_space<vmem>> -> memref<128xi32, #tpu.memory_space<vmem>>
          %dma_start3A_95 = arith.constant 0 : i32
          %dma_start3A_96 = arith.constant 0 : i32
          %dma_start3A_97 = tpu.memref_slice %arg15[%dma_start3A_95, %dma_start3A_96] : memref<10008x128xf32, #tpu.memory_space<vmem_shared>> -> memref<10008x128xf32, #tpu.memory_space<vmem_shared>>
          tpu.enqueue_indirect_dma source(%arg11 : memref<128x128xf32, #tpu.memory_space<vmem>>) target(%dma_start3A_97 : memref<10008x128xf32, #tpu.memory_space<vmem_shared>>) offsets(%dma_start3A_94 : memref<128xi32, #tpu.memory_space<vmem>>) semaphore(%run_scoped3A : memref<!tpu.dma_semaphore, #tpu.memory_space<semaphore_mem>>) {add = true}
          %dma_wait3A_98 = arith.constant 0 : i32
          %dma_wait3A_99 = tpu.memref_slice %arg10[%mul3A_63, %dma_wait3A_98] : memref<40x128xi32, #tpu.memory_space<vmem>> -> memref<1x128xi32, #tpu.memory_space<vmem>>
          %dma_wait3A_100 = tpu.memref_squeeze %dma_wait3A_99 : memref<1x128xi32, #tpu.memory_space<vmem>> -> memref<128xi32, #tpu.memory_space<vmem>>
          %dma_wait3A_101 = arith.constant 0 : i32
          %dma_wait3A_102 = arith.constant 0 : i32
          %dma_wait3A_103 = tpu.memref_slice %arg15[%dma_wait3A_101, %dma_wait3A_102] : memref<10008x128xf32, #tpu.memory_space<vmem_shared>> -> memref<10008x128xf32, #tpu.memory_space<vmem_shared>>
          tpu.wait_indirect_dma semaphore(%run_scoped3A : memref<!tpu.dma_semaphore, #tpu.memory_space<semaphore_mem>>) src(%arg11 : memref<128x128xf32, #tpu.memory_space<vmem>>) dst(%dma_wait3A_103 : memref<10008x128xf32, #tpu.memory_space<vmem_shared>>)
          tpu.yield
        }) : () -> ()
        %add3A_77 = arith.constant 1 : i32
        %add3A_78 = arith.addi %mul3A_63, %add3A_77 : i32
        %dma_wait3A_79 = arith.constant 0 : i32
        %dma_wait3A_80 = tpu.memref_slice %arg9[%add3A_78, %dma_wait3A_79] : memref<40x128xi32, #tpu.memory_space<vmem>> -> memref<1x128xi32, #tpu.memory_space<vmem>>
        %dma_wait3A_81 = tpu.memref_squeeze %dma_wait3A_80 : memref<1x128xi32, #tpu.memory_space<vmem>> -> memref<128xi32, #tpu.memory_space<vmem>>
        %dma_wait3A_82 = arith.constant 0 : i32
        %dma_wait3A_83 = arith.constant 0 : i32
        %dma_wait3A_84 = tpu.memref_slice %arg3[%dma_wait3A_82, %dma_wait3A_83] : memref<10000x128xf32, #tpu.memory_space<hbm>> -> memref<10000x128xf32, #tpu.memory_space<hbm>>
        tpu.wait_indirect_dma semaphore(%arg14 : memref<!tpu.dma_semaphore, #tpu.memory_space<semaphore_mem>>) src(%dma_wait3A_84 : memref<10000x128xf32, #tpu.memory_space<hbm>>) dst(%arg12 : memref<128x128xf32, #tpu.memory_space<vmem>>)
        %lt3A_85 = arith.constant 19 : i32
        %lt3A_86 = arith.cmpi slt, %scan3A_61, %lt3A_85 : i32
        %convert_element_type3A_87 = arith.extui %lt3A_86 : i1 to i32
        %cond3A_88 = arith.constant 0 : i32
        %cond3A_89 = arith.cmpi ne, %convert_element_type3A_87, %cond3A_88 : i32
        scf.if %cond3A_89 {
          %add3A_92 = arith.constant 2 : i32
          %add3A_93 = arith.addi %mul3A_63, %add3A_92 : i32
          %dma_start3A_94 = arith.constant 0 : i32
          %dma_start3A_95 = tpu.memref_slice %arg9[%add3A_93, %dma_start3A_94] : memref<40x128xi32, #tpu.memory_space<vmem>> -> memref<1x128xi32, #tpu.memory_space<vmem>>
          %dma_start3A_96 = tpu.memref_squeeze %dma_start3A_95 : memref<1x128xi32, #tpu.memory_space<vmem>> -> memref<128xi32, #tpu.memory_space<vmem>>
          %dma_start3A_97 = arith.constant 0 : i32
          %dma_start3A_98 = arith.constant 0 : i32
          %dma_start3A_99 = tpu.memref_slice %arg3[%dma_start3A_97, %dma_start3A_98] : memref<10000x128xf32, #tpu.memory_space<hbm>> -> memref<10000x128xf32, #tpu.memory_space<hbm>>
          tpu.enqueue_indirect_dma source(%dma_start3A_99 : memref<10000x128xf32, #tpu.memory_space<hbm>>) target(%arg11 : memref<128x128xf32, #tpu.memory_space<vmem>>) offsets(%dma_start3A_96 : memref<128xi32, #tpu.memory_space<vmem>>) semaphore(%arg13 : memref<!tpu.dma_semaphore, #tpu.memory_space<semaphore_mem>>)
        } else {
        }
        %add3A_90 = arith.constant 1 : i32
        %add3A_91 = arith.addi %mul3A_63, %add3A_90 : i32
        "tpu.region"() ({
          %run_scoped3A = tpu.sem_alloc : memref<!tpu.dma_semaphore, #tpu.memory_space<semaphore_mem>>
          %dma_start3A_92 = arith.constant 0 : i32
          %dma_start3A_93 = tpu.memref_slice %arg10[%add3A_91, %dma_start3A_92] : memref<40x128xi32, #tpu.memory_space<vmem>> -> memref<1x128xi32, #tpu.memory_space<vmem>>
          %dma_start3A_94 = tpu.memref_squeeze %dma_start3A_93 : memref<1x128xi32, #tpu.memory_space<vmem>> -> memref<128xi32, #tpu.memory_space<vmem>>
          %dma_start3A_95 = arith.constant 0 : i32
          %dma_start3A_96 = arith.constant 0 : i32
          %dma_start3A_97 = tpu.memref_slice %arg15[%dma_start3A_95, %dma_start3A_96] : memref<10008x128xf32, #tpu.memory_space<vmem_shared>> -> memref<10008x128xf32, #tpu.memory_space<vmem_shared>>
          tpu.enqueue_indirect_dma source(%arg12 : memref<128x128xf32, #tpu.memory_space<vmem>>) target(%dma_start3A_97 : memref<10008x128xf32, #tpu.memory_space<vmem_shared>>) offsets(%dma_start3A_94 : memref<128xi32, #tpu.memory_space<vmem>>) semaphore(%run_scoped3A : memref<!tpu.dma_semaphore, #tpu.memory_space<semaphore_mem>>) {add = true}
          %dma_wait3A_98 = arith.constant 0 : i32
          %dma_wait3A_99 = tpu.memref_slice %arg10[%add3A_91, %dma_wait3A_98] : memref<40x128xi32, #tpu.memory_space<vmem>> -> memref<1x128xi32, #tpu.memory_space<vmem>>
          %dma_wait3A_100 = tpu.memref_squeeze %dma_wait3A_99 : memref<1x128xi32, #tpu.memory_space<vmem>> -> memref<128xi32, #tpu.memory_space<vmem>>
          %dma_wait3A_101 = arith.constant 0 : i32
          %dma_wait3A_102 = arith.constant 0 : i32
          %dma_wait3A_103 = tpu.memref_slice %arg15[%dma_wait3A_101, %dma_wait3A_102] : memref<10008x128xf32, #tpu.memory_space<vmem_shared>> -> memref<10008x128xf32, #tpu.memory_space<vmem_shared>>
          tpu.wait_indirect_dma semaphore(%run_scoped3A : memref<!tpu.dma_semaphore, #tpu.memory_space<semaphore_mem>>) src(%arg12 : memref<128x128xf32, #tpu.memory_space<vmem>>) dst(%dma_wait3A_103 : memref<10008x128xf32, #tpu.memory_space<vmem_shared>>)
          tpu.yield
        }) : () -> ()
      }
      %scan3A_42 = arith.constant 20 : i32
      %mul3A_43 = arith.constant 80 : i32
      %mul3A_44 = arith.muli %arg1, %mul3A_43 : i32
      %add3A_45 = arith.constant 40 : i32
      %add3A_46 = arith.addi %mul3A_44, %add3A_45 : i32
      %multiple_of3A_47 = tpu.assume_multiple %add3A_46, 8 : i32
      "tpu.region"() ({
        %run_scoped3A = tpu.sem_alloc : memref<!tpu.dma_semaphore, #tpu.memory_space<semaphore_mem>>
        %dma_start3A_61 = arith.constant 0 : i32
        %dma_start3A_62 = tpu.memref_slice %arg4[%multiple_of3A_47, %dma_start3A_61] : memref<1280x128xi32, #tpu.memory_space<hbm>> -> memref<40x128xi32, #tpu.memory_space<hbm>>
        %dma_start3A_63 = arith.constant 0 : i32
        %dma_start3A_64 = tpu.memref_slice %arg4[%multiple_of3A_47, %dma_start3A_63] : memref<1280x128xi32, #tpu.memory_space<hbm>> -> memref<40x128xi32, #tpu.memory_space<hbm>>
        tpu.enqueue_dma source(%dma_start3A_64 : memref<40x128xi32, #tpu.memory_space<hbm>>) target(%arg9 : memref<40x128xi32, #tpu.memory_space<vmem>>) target_semaphore(%run_scoped3A : memref<!tpu.dma_semaphore, #tpu.memory_space<semaphore_mem>>)
        %dma_wait3A = arith.constant 0 : i32
        %dma_wait3A_65 = tpu.memref_slice %arg4[%multiple_of3A_47, %dma_wait3A] : memref<1280x128xi32, #tpu.memory_space<hbm>> -> memref<40x128xi32, #tpu.memory_space<hbm>>
        %dma_wait3A_66 = arith.constant 0 : i32
        %dma_wait3A_67 = tpu.memref_slice %arg4[%multiple_of3A_47, %dma_wait3A_66] : memref<1280x128xi32, #tpu.memory_space<hbm>> -> memref<40x128xi32, #tpu.memory_space<hbm>>
        tpu.wait_dma2 semaphore(%run_scoped3A : memref<!tpu.dma_semaphore, #tpu.memory_space<semaphore_mem>>) src(%dma_wait3A_67 : memref<40x128xi32, #tpu.memory_space<hbm>>) dst(%arg9 : memref<40x128xi32, #tpu.memory_space<vmem>>)
        tpu.yield
      }) : () -> ()
      "tpu.region"() ({
        %run_scoped3A = tpu.sem_alloc : memref<!tpu.dma_semaphore, #tpu.memory_space<semaphore_mem>>
        %dma_start3A_61 = arith.constant 0 : i32
        %dma_start3A_62 = tpu.memref_slice %arg5[%multiple_of3A_47, %dma_start3A_61] : memref<1280x128xi32, #tpu.memory_space<hbm>> -> memref<40x128xi32, #tpu.memory_space<hbm>>
        %dma_start3A_63 = arith.constant 0 : i32
        %dma_start3A_64 = tpu.memref_slice %arg5[%multiple_of3A_47, %dma_start3A_63] : memref<1280x128xi32, #tpu.memory_space<hbm>> -> memref<40x128xi32, #tpu.memory_space<hbm>>
        tpu.enqueue_dma source(%dma_start3A_64 : memref<40x128xi32, #tpu.memory_space<hbm>>) target(%arg10 : memref<40x128xi32, #tpu.memory_space<vmem>>) target_semaphore(%run_scoped3A : memref<!tpu.dma_semaphore, #tpu.memory_space<semaphore_mem>>)
        %dma_wait3A = arith.constant 0 : i32
        %dma_wait3A_65 = tpu.memref_slice %arg5[%multiple_of3A_47, %dma_wait3A] : memref<1280x128xi32, #tpu.memory_space<hbm>> -> memref<40x128xi32, #tpu.memory_space<hbm>>
        %dma_wait3A_66 = arith.constant 0 : i32
        %dma_wait3A_67 = tpu.memref_slice %arg5[%multiple_of3A_47, %dma_wait3A_66] : memref<1280x128xi32, #tpu.memory_space<hbm>> -> memref<40x128xi32, #tpu.memory_space<hbm>>
        tpu.wait_dma2 semaphore(%run_scoped3A : memref<!tpu.dma_semaphore, #tpu.memory_space<semaphore_mem>>) src(%dma_wait3A_67 : memref<40x128xi32, #tpu.memory_space<hbm>>) dst(%arg10 : memref<40x128xi32, #tpu.memory_space<vmem>>)
        tpu.yield
      }) : () -> ()
      %dma_start3A_48 = arith.constant 0 : i32
      %dma_start3A_49 = arith.constant 0 : i32
      %dma_start3A_50 = tpu.memref_slice %arg9[%dma_start3A_48, %dma_start3A_49] : memref<40x128xi32, #tpu.memory_space<vmem>> -> memref<1x128xi32, #tpu.memory_space<vmem>>
      %dma_start3A_51 = tpu.memref_squeeze %dma_start3A_50 : memref<1x128xi32, #tpu.memory_space<vmem>> -> memref<128xi32, #tpu.memory_space<vmem>>
      %dma_start3A_52 = arith.constant 0 : i32
      %dma_start3A_53 = arith.constant 0 : i32
      %dma_start3A_54 = tpu.memref_slice %arg3[%dma_start3A_52, %dma_start3A_53] : memref<10000x128xf32, #tpu.memory_space<hbm>> -> memref<10000x128xf32, #tpu.memory_space<hbm>>
      tpu.enqueue_indirect_dma source(%dma_start3A_54 : memref<10000x128xf32, #tpu.memory_space<hbm>>) target(%arg11 : memref<128x128xf32, #tpu.memory_space<vmem>>) offsets(%dma_start3A_51 : memref<128xi32, #tpu.memory_space<vmem>>) semaphore(%arg13 : memref<!tpu.dma_semaphore, #tpu.memory_space<semaphore_mem>>)
      %scan3A_55 = arith.constant 0 : i32
      %scan3A_56 = arith.constant 0 : i32
      %scan3A_57 = arith.constant 20 : i32
      %scan3A_58 = arith.addi %scan3A_56, %scan3A_57 : i32
      %scan3A_59 = arith.constant 1 : i32
      scf.for %scan3A_61 = %scan3A_56 to %scan3A_58 step %scan3A_59  : i32 {
        %mul3A_62 = arith.constant 2 : i32
        %mul3A_63 = arith.muli %scan3A_61, %mul3A_62 : i32
        %dma_wait3A = arith.constant 0 : i32
        %dma_wait3A_64 = tpu.memref_slice %arg9[%mul3A_63, %dma_wait3A] : memref<40x128xi32, #tpu.memory_space<vmem>> -> memref<1x128xi32, #tpu.memory_space<vmem>>
        %dma_wait3A_65 = tpu.memref_squeeze %dma_wait3A_64 : memref<1x128xi32, #tpu.memory_space<vmem>> -> memref<128xi32, #tpu.memory_space<vmem>>
        %dma_wait3A_66 = arith.constant 0 : i32
        %dma_wait3A_67 = arith.constant 0 : i32
        %dma_wait3A_68 = tpu.memref_slice %arg3[%dma_wait3A_66, %dma_wait3A_67] : memref<10000x128xf32, #tpu.memory_space<hbm>> -> memref<10000x128xf32, #tpu.memory_space<hbm>>
        tpu.wait_indirect_dma semaphore(%arg13 : memref<!tpu.dma_semaphore, #tpu.memory_space<semaphore_mem>>) src(%dma_wait3A_68 : memref<10000x128xf32, #tpu.memory_space<hbm>>) dst(%arg11 : memref<128x128xf32, #tpu.memory_space<vmem>>)
        %add3A_69 = arith.constant 1 : i32
        %add3A_70 = arith.addi %mul3A_63, %add3A_69 : i32
        %dma_start3A_71 = arith.constant 0 : i32
        %dma_start3A_72 = tpu.memref_slice %arg9[%add3A_70, %dma_start3A_71] : memref<40x128xi32, #tpu.memory_space<vmem>> -> memref<1x128xi32, #tpu.memory_space<vmem>>
        %dma_start3A_73 = tpu.memref_squeeze %dma_start3A_72 : memref<1x128xi32, #tpu.memory_space<vmem>> -> memref<128xi32, #tpu.memory_space<vmem>>
        %dma_start3A_74 = arith.constant 0 : i32
        %dma_start3A_75 = arith.constant 0 : i32
        %dma_start3A_76 = tpu.memref_slice %arg3[%dma_start3A_74, %dma_start3A_75] : memref<10000x128xf32, #tpu.memory_space<hbm>> -> memref<10000x128xf32, #tpu.memory_space<hbm>>
        tpu.enqueue_indirect_dma source(%dma_start3A_76 : memref<10000x128xf32, #tpu.memory_space<hbm>>) target(%arg12 : memref<128x128xf32, #tpu.memory_space<vmem>>) offsets(%dma_start3A_73 : memref<128xi32, #tpu.memory_space<vmem>>) semaphore(%arg14 : memref<!tpu.dma_semaphore, #tpu.memory_space<semaphore_mem>>)
        "tpu.region"() ({
          %run_scoped3A = tpu.sem_alloc : memref<!tpu.dma_semaphore, #tpu.memory_space<semaphore_mem>>
          %dma_start3A_92 = arith.constant 0 : i32
          %dma_start3A_93 = tpu.memref_slice %arg10[%mul3A_63, %dma_start3A_92] : memref<40x128xi32, #tpu.memory_space<vmem>> -> memref<1x128xi32, #tpu.memory_space<vmem>>
          %dma_start3A_94 = tpu.memref_squeeze %dma_start3A_93 : memref<1x128xi32, #tpu.memory_space<vmem>> -> memref<128xi32, #tpu.memory_space<vmem>>
          %dma_start3A_95 = arith.constant 0 : i32
          %dma_start3A_96 = arith.constant 0 : i32
          %dma_start3A_97 = tpu.memref_slice %arg15[%dma_start3A_95, %dma_start3A_96] : memref<10008x128xf32, #tpu.memory_space<vmem_shared>> -> memref<10008x128xf32, #tpu.memory_space<vmem_shared>>
          tpu.enqueue_indirect_dma source(%arg11 : memref<128x128xf32, #tpu.memory_space<vmem>>) target(%dma_start3A_97 : memref<10008x128xf32, #tpu.memory_space<vmem_shared>>) offsets(%dma_start3A_94 : memref<128xi32, #tpu.memory_space<vmem>>) semaphore(%run_scoped3A : memref<!tpu.dma_semaphore, #tpu.memory_space<semaphore_mem>>) {add = true}
          %dma_wait3A_98 = arith.constant 0 : i32
          %dma_wait3A_99 = tpu.memref_slice %arg10[%mul3A_63, %dma_wait3A_98] : memref<40x128xi32, #tpu.memory_space<vmem>> -> memref<1x128xi32, #tpu.memory_space<vmem>>
          %dma_wait3A_100 = tpu.memref_squeeze %dma_wait3A_99 : memref<1x128xi32, #tpu.memory_space<vmem>> -> memref<128xi32, #tpu.memory_space<vmem>>
          %dma_wait3A_101 = arith.constant 0 : i32
          %dma_wait3A_102 = arith.constant 0 : i32
          %dma_wait3A_103 = tpu.memref_slice %arg15[%dma_wait3A_101, %dma_wait3A_102] : memref<10008x128xf32, #tpu.memory_space<vmem_shared>> -> memref<10008x128xf32, #tpu.memory_space<vmem_shared>>
          tpu.wait_indirect_dma semaphore(%run_scoped3A : memref<!tpu.dma_semaphore, #tpu.memory_space<semaphore_mem>>) src(%arg11 : memref<128x128xf32, #tpu.memory_space<vmem>>) dst(%dma_wait3A_103 : memref<10008x128xf32, #tpu.memory_space<vmem_shared>>)
          tpu.yield
        }) : () -> ()
        %add3A_77 = arith.constant 1 : i32
        %add3A_78 = arith.addi %mul3A_63, %add3A_77 : i32
        %dma_wait3A_79 = arith.constant 0 : i32
        %dma_wait3A_80 = tpu.memref_slice %arg9[%add3A_78, %dma_wait3A_79] : memref<40x128xi32, #tpu.memory_space<vmem>> -> memref<1x128xi32, #tpu.memory_space<vmem>>
        %dma_wait3A_81 = tpu.memref_squeeze %dma_wait3A_80 : memref<1x128xi32, #tpu.memory_space<vmem>> -> memref<128xi32, #tpu.memory_space<vmem>>
        %dma_wait3A_82 = arith.constant 0 : i32
        %dma_wait3A_83 = arith.constant 0 : i32
        %dma_wait3A_84 = tpu.memref_slice %arg3[%dma_wait3A_82, %dma_wait3A_83] : memref<10000x128xf32, #tpu.memory_space<hbm>> -> memref<10000x128xf32, #tpu.memory_space<hbm>>
        tpu.wait_indirect_dma semaphore(%arg14 : memref<!tpu.dma_semaphore, #tpu.memory_space<semaphore_mem>>) src(%dma_wait3A_84 : memref<10000x128xf32, #tpu.memory_space<hbm>>) dst(%arg12 : memref<128x128xf32, #tpu.memory_space<vmem>>)
        %lt3A_85 = arith.constant 19 : i32
        %lt3A_86 = arith.cmpi slt, %scan3A_61, %lt3A_85 : i32
        %convert_element_type3A_87 = arith.extui %lt3A_86 : i1 to i32
        %cond3A_88 = arith.constant 0 : i32
        %cond3A_89 = arith.cmpi ne, %convert_element_type3A_87, %cond3A_88 : i32
        scf.if %cond3A_89 {
          %add3A_92 = arith.constant 2 : i32
          %add3A_93 = arith.addi %mul3A_63, %add3A_92 : i32
          %dma_start3A_94 = arith.constant 0 : i32
          %dma_start3A_95 = tpu.memref_slice %arg9[%add3A_93, %dma_start3A_94] : memref<40x128xi32, #tpu.memory_space<vmem>> -> memref<1x128xi32, #tpu.memory_space<vmem>>
          %dma_start3A_96 = tpu.memref_squeeze %dma_start3A_95 : memref<1x128xi32, #tpu.memory_space<vmem>> -> memref<128xi32, #tpu.memory_space<vmem>>
          %dma_start3A_97 = arith.constant 0 : i32
          %dma_start3A_98 = arith.constant 0 : i32
          %dma_start3A_99 = tpu.memref_slice %arg3[%dma_start3A_97, %dma_start3A_98] : memref<10000x128xf32, #tpu.memory_space<hbm>> -> memref<10000x128xf32, #tpu.memory_space<hbm>>
          tpu.enqueue_indirect_dma source(%dma_start3A_99 : memref<10000x128xf32, #tpu.memory_space<hbm>>) target(%arg11 : memref<128x128xf32, #tpu.memory_space<vmem>>) offsets(%dma_start3A_96 : memref<128xi32, #tpu.memory_space<vmem>>) semaphore(%arg13 : memref<!tpu.dma_semaphore, #tpu.memory_space<semaphore_mem>>)
        } else {
        }
        %add3A_90 = arith.constant 1 : i32
        %add3A_91 = arith.addi %mul3A_63, %add3A_90 : i32
        "tpu.region"() ({
          %run_scoped3A = tpu.sem_alloc : memref<!tpu.dma_semaphore, #tpu.memory_space<semaphore_mem>>
          %dma_start3A_92 = arith.constant 0 : i32
          %dma_start3A_93 = tpu.memref_slice %arg10[%add3A_91, %dma_start3A_92] : memref<40x128xi32, #tpu.memory_space<vmem>> -> memref<1x128xi32, #tpu.memory_space<vmem>>
          %dma_start3A_94 = tpu.memref_squeeze %dma_start3A_93 : memref<1x128xi32, #tpu.memory_space<vmem>> -> memref<128xi32, #tpu.memory_space<vmem>>
          %dma_start3A_95 = arith.constant 0 : i32
          %dma_start3A_96 = arith.constant 0 : i32
          %dma_start3A_97 = tpu.memref_slice %arg15[%dma_start3A_95, %dma_start3A_96] : memref<10008x128xf32, #tpu.memory_space<vmem_shared>> -> memref<10008x128xf32, #tpu.memory_space<vmem_shared>>
          tpu.enqueue_indirect_dma source(%arg12 : memref<128x128xf32, #tpu.memory_space<vmem>>) target(%dma_start3A_97 : memref<10008x128xf32, #tpu.memory_space<vmem_shared>>) offsets(%dma_start3A_94 : memref<128xi32, #tpu.memory_space<vmem>>) semaphore(%run_scoped3A : memref<!tpu.dma_semaphore, #tpu.memory_space<semaphore_mem>>) {add = true}
          %dma_wait3A_98 = arith.constant 0 : i32
          %dma_wait3A_99 = tpu.memref_slice %arg10[%add3A_91, %dma_wait3A_98] : memref<40x128xi32, #tpu.memory_space<vmem>> -> memref<1x128xi32, #tpu.memory_space<vmem>>
          %dma_wait3A_100 = tpu.memref_squeeze %dma_wait3A_99 : memref<1x128xi32, #tpu.memory_space<vmem>> -> memref<128xi32, #tpu.memory_space<vmem>>
          %dma_wait3A_101 = arith.constant 0 : i32
          %dma_wait3A_102 = arith.constant 0 : i32
          %dma_wait3A_103 = tpu.memref_slice %arg15[%dma_wait3A_101, %dma_wait3A_102] : memref<10008x128xf32, #tpu.memory_space<vmem_shared>> -> memref<10008x128xf32, #tpu.memory_space<vmem_shared>>
          tpu.wait_indirect_dma semaphore(%run_scoped3A : memref<!tpu.dma_semaphore, #tpu.memory_space<semaphore_mem>>) src(%arg12 : memref<128x128xf32, #tpu.memory_space<vmem>>) dst(%dma_wait3A_103 : memref<10008x128xf32, #tpu.memory_space<vmem_shared>>)
          tpu.yield
        }) : () -> ()
      }
      %scan3A_60 = arith.constant 20 : i32
    } else {
    }
    %barrier3A_17 = arith.constant 0 : index
    tpu.barrier barrier_id(%barrier3A_17)
    %eq3A_18 = arith.constant 0 : i32
    %eq3A_19 = arith.cmpi eq, %arg0, %eq3A_18 : i32
    %convert_element_type3A_20 = arith.extui %eq3A_19 : i1 to i32
    %cond3A_21 = arith.constant 0 : i32
    %cond3A_22 = arith.cmpi ne, %convert_element_type3A_20, %cond3A_21 : i32
    scf.if %cond3A_22 {
      %lt3A_28 = arith.constant 15 : i32
      %lt3A_29 = arith.cmpi slt, %arg1, %lt3A_28 : i32
      %convert_element_type3A_30 = arith.extui %lt3A_29 : i1 to i32
      %cond3A_31 = arith.constant 0 : i32
      %cond3A_32 = arith.cmpi ne, %convert_element_type3A_30, %cond3A_31 : i32
      scf.if %cond3A_32 {
        "tpu.region"() ({
          %run_scoped3A = tpu.sem_alloc : memref<!tpu.dma_semaphore, #tpu.memory_space<semaphore_mem>>
          %dma_start3A = arith.constant 0 : i32
          %dma_start3A_38 = tpu.memref_slice %arg7[%multiple_of3A, %dma_start3A] : memref<10000x128xf32, #tpu.memory_space<hbm>> -> memref<624x128xf32, #tpu.memory_space<hbm>>
          %dma_start3A_39 = arith.constant 0 : i32
          %dma_start3A_40 = tpu.memref_slice %arg15[%multiple_of3A, %dma_start3A_39] : memref<10008x128xf32, #tpu.memory_space<vmem_shared>> -> memref<624x128xf32, #tpu.memory_space<vmem_shared>>
          tpu.enqueue_dma source(%dma_start3A_40 : memref<624x128xf32, #tpu.memory_space<vmem_shared>>) target(%dma_start3A_38 : memref<624x128xf32, #tpu.memory_space<hbm>>) target_semaphore(%run_scoped3A : memref<!tpu.dma_semaphore, #tpu.memory_space<semaphore_mem>>)
          %dma_wait3A = arith.constant 0 : i32
          %dma_wait3A_41 = tpu.memref_slice %arg7[%multiple_of3A, %dma_wait3A] : memref<10000x128xf32, #tpu.memory_space<hbm>> -> memref<624x128xf32, #tpu.memory_space<hbm>>
          %dma_wait3A_42 = arith.constant 0 : i32
          %dma_wait3A_43 = tpu.memref_slice %arg15[%multiple_of3A, %dma_wait3A_42] : memref<10008x128xf32, #tpu.memory_space<vmem_shared>> -> memref<624x128xf32, #tpu.memory_space<vmem_shared>>
          tpu.wait_dma2 semaphore(%run_scoped3A : memref<!tpu.dma_semaphore, #tpu.memory_space<semaphore_mem>>) src(%dma_wait3A_43 : memref<624x128xf32, #tpu.memory_space<vmem_shared>>) dst(%dma_wait3A_41 : memref<624x128xf32, #tpu.memory_space<hbm>>)
          tpu.yield
        }) : () -> ()
      } else {
      }
      %eq3A_33 = arith.constant 15 : i32
      %eq3A_34 = arith.cmpi eq, %arg1, %eq3A_33 : i32
      %convert_element_type3A_35 = arith.extui %eq3A_34 : i1 to i32
      %cond3A_36 = arith.constant 0 : i32
      %cond3A_37 = arith.cmpi ne, %convert_element_type3A_35, %cond3A_36 : i32
      scf.if %cond3A_37 {
        "tpu.region"() ({
          %run_scoped3A = tpu.sem_alloc : memref<!tpu.dma_semaphore, #tpu.memory_space<semaphore_mem>>
          %dma_start3A = arith.constant 9360 : i32
          %dma_start3A_38 = arith.constant 0 : i32
          %dma_start3A_39 = tpu.memref_slice %arg7[%dma_start3A, %dma_start3A_38] : memref<10000x128xf32, #tpu.memory_space<hbm>> -> memref<640x128xf32, #tpu.memory_space<hbm>>
          %dma_start3A_40 = arith.constant 9360 : i32
          %dma_start3A_41 = arith.constant 0 : i32
          %dma_start3A_42 = tpu.memref_slice %arg15[%dma_start3A_40, %dma_start3A_41] : memref<10008x128xf32, #tpu.memory_space<vmem_shared>> -> memref<640x128xf32, #tpu.memory_space<vmem_shared>>
          tpu.enqueue_dma source(%dma_start3A_42 : memref<640x128xf32, #tpu.memory_space<vmem_shared>>) target(%dma_start3A_39 : memref<640x128xf32, #tpu.memory_space<hbm>>) target_semaphore(%run_scoped3A : memref<!tpu.dma_semaphore, #tpu.memory_space<semaphore_mem>>)
          %dma_wait3A = arith.constant 9360 : i32
          %dma_wait3A_43 = arith.constant 0 : i32
          %dma_wait3A_44 = tpu.memref_slice %arg7[%dma_wait3A, %dma_wait3A_43] : memref<10000x128xf32, #tpu.memory_space<hbm>> -> memref<640x128xf32, #tpu.memory_space<hbm>>
          %dma_wait3A_45 = arith.constant 9360 : i32
          %dma_wait3A_46 = arith.constant 0 : i32
          %dma_wait3A_47 = tpu.memref_slice %arg15[%dma_wait3A_45, %dma_wait3A_46] : memref<10008x128xf32, #tpu.memory_space<vmem_shared>> -> memref<640x128xf32, #tpu.memory_space<vmem_shared>>
          tpu.wait_dma2 semaphore(%run_scoped3A : memref<!tpu.dma_semaphore, #tpu.memory_space<semaphore_mem>>) src(%dma_wait3A_47 : memref<640x128xf32, #tpu.memory_space<vmem_shared>>) dst(%dma_wait3A_44 : memref<640x128xf32, #tpu.memory_space<hbm>>)
          tpu.yield
        }) : () -> ()
      } else {
      }
    } else {
    }
    %eq3A_23 = arith.constant 1 : i32
    %eq3A_24 = arith.cmpi eq, %arg0, %eq3A_23 : i32
    %convert_element_type3A_25 = arith.extui %eq3A_24 : i1 to i32
    %cond3A_26 = arith.constant 0 : i32
    %cond3A_27 = arith.cmpi ne, %convert_element_type3A_25, %cond3A_26 : i32
    scf.if %cond3A_27 {
      %lt3A_28 = arith.constant 15 : i32
      %lt3A_29 = arith.cmpi slt, %arg1, %lt3A_28 : i32
      %convert_element_type3A_30 = arith.extui %lt3A_29 : i1 to i32
      %cond3A_31 = arith.constant 0 : i32
      %cond3A_32 = arith.cmpi ne, %convert_element_type3A_30, %cond3A_31 : i32
      scf.if %cond3A_32 {
        "tpu.region"() ({
          %run_scoped3A = tpu.sem_alloc : memref<!tpu.dma_semaphore, #tpu.memory_space<semaphore_mem>>
          %dma_start3A = arith.constant 0 : i32
          %dma_start3A_38 = tpu.memref_slice %arg8[%multiple_of3A, %dma_start3A] : memref<10000x128xf32, #tpu.memory_space<hbm>> -> memref<624x128xf32, #tpu.memory_space<hbm>>
          %dma_start3A_39 = arith.constant 0 : i32
          %dma_start3A_40 = tpu.memref_slice %arg15[%multiple_of3A, %dma_start3A_39] : memref<10008x128xf32, #tpu.memory_space<vmem_shared>> -> memref<624x128xf32, #tpu.memory_space<vmem_shared>>
          tpu.enqueue_dma source(%dma_start3A_40 : memref<624x128xf32, #tpu.memory_space<vmem_shared>>) target(%dma_start3A_38 : memref<624x128xf32, #tpu.memory_space<hbm>>) target_semaphore(%run_scoped3A : memref<!tpu.dma_semaphore, #tpu.memory_space<semaphore_mem>>)
          %dma_wait3A = arith.constant 0 : i32
          %dma_wait3A_41 = tpu.memref_slice %arg8[%multiple_of3A, %dma_wait3A] : memref<10000x128xf32, #tpu.memory_space<hbm>> -> memref<624x128xf32, #tpu.memory_space<hbm>>
          %dma_wait3A_42 = arith.constant 0 : i32
          %dma_wait3A_43 = tpu.memref_slice %arg15[%multiple_of3A, %dma_wait3A_42] : memref<10008x128xf32, #tpu.memory_space<vmem_shared>> -> memref<624x128xf32, #tpu.memory_space<vmem_shared>>
          tpu.wait_dma2 semaphore(%run_scoped3A : memref<!tpu.dma_semaphore, #tpu.memory_space<semaphore_mem>>) src(%dma_wait3A_43 : memref<624x128xf32, #tpu.memory_space<vmem_shared>>) dst(%dma_wait3A_41 : memref<624x128xf32, #tpu.memory_space<hbm>>)
          tpu.yield
        }) : () -> ()
      } else {
      }
      %eq3A_33 = arith.constant 15 : i32
      %eq3A_34 = arith.cmpi eq, %arg1, %eq3A_33 : i32
      %convert_element_type3A_35 = arith.extui %eq3A_34 : i1 to i32
      %cond3A_36 = arith.constant 0 : i32
      %cond3A_37 = arith.cmpi ne, %convert_element_type3A_35, %cond3A_36 : i32
      scf.if %cond3A_37 {
        "tpu.region"() ({
          %run_scoped3A = tpu.sem_alloc : memref<!tpu.dma_semaphore, #tpu.memory_space<semaphore_mem>>
          %dma_start3A = arith.constant 9360 : i32
          %dma_start3A_38 = arith.constant 0 : i32
          %dma_start3A_39 = tpu.memref_slice %arg8[%dma_start3A, %dma_start3A_38] : memref<10000x128xf32, #tpu.memory_space<hbm>> -> memref<640x128xf32, #tpu.memory_space<hbm>>
          %dma_start3A_40 = arith.constant 9360 : i32
          %dma_start3A_41 = arith.constant 0 : i32
          %dma_start3A_42 = tpu.memref_slice %arg15[%dma_start3A_40, %dma_start3A_41] : memref<10008x128xf32, #tpu.memory_space<vmem_shared>> -> memref<640x128xf32, #tpu.memory_space<vmem_shared>>
          tpu.enqueue_dma source(%dma_start3A_42 : memref<640x128xf32, #tpu.memory_space<vmem_shared>>) target(%dma_start3A_39 : memref<640x128xf32, #tpu.memory_space<hbm>>) target_semaphore(%run_scoped3A : memref<!tpu.dma_semaphore, #tpu.memory_space<semaphore_mem>>)
          %dma_wait3A = arith.constant 9360 : i32
          %dma_wait3A_43 = arith.constant 0 : i32
          %dma_wait3A_44 = tpu.memref_slice %arg8[%dma_wait3A, %dma_wait3A_43] : memref<10000x128xf32, #tpu.memory_space<hbm>> -> memref<640x128xf32, #tpu.memory_space<hbm>>
          %dma_wait3A_45 = arith.constant 9360 : i32
          %dma_wait3A_46 = arith.constant 0 : i32
          %dma_wait3A_47 = tpu.memref_slice %arg15[%dma_wait3A_45, %dma_wait3A_46] : memref<10008x128xf32, #tpu.memory_space<vmem_shared>> -> memref<640x128xf32, #tpu.memory_space<vmem_shared>>
          tpu.wait_dma2 semaphore(%run_scoped3A : memref<!tpu.dma_semaphore, #tpu.memory_space<semaphore_mem>>) src(%dma_wait3A_47 : memref<640x128xf32, #tpu.memory_space<vmem_shared>>) dst(%dma_wait3A_44 : memref<640x128xf32, #tpu.memory_space<hbm>>)
          tpu.yield
        }) : () -> ()
      } else {
      }
    } else {
    }
    return
  }
}

module attributes {stable_mosaic.version = 14 : i64} {
  func.func @_mm_in_body(%arg0: i32, %arg1: memref<1000x256xf32, #tpu.memory_space<vmem>>, %arg2: memref<256x256xf32, #tpu.memory_space<vmem>>, %arg3: memref<256x256xf32, #tpu.memory_space<vmem>>, %arg4: memref<1x256xf32, #tpu.memory_space<vmem>>, %arg5: memref<1000x128xf32, #tpu.memory_space<vmem>>, %arg6: memref<1000x128xf32, #tpu.memory_space<vmem>>, %arg7: memref<1000x256xf32, #tpu.memory_space<vmem>>) attributes {dimension_semantics = [#tpu.dimension_semantics<arbitrary>], iteration_bounds = array<i64: 10>, scalar_prefetch = 0 : i64, scratch_operands = 0 : i64, tpu.core_type = #tpu.core_type<tc>, window_params = [{transform_indices = @transform_0, window_bounds = array<i64: 1000, 256>}, {pipeline_mode = #tpu.pipeline_mode<synchronous>, transform_indices = @transform_1, window_bounds = array<i64: 256, 256>}, {pipeline_mode = #tpu.pipeline_mode<synchronous>, transform_indices = @transform_2, window_bounds = array<i64: 256, 256>}, {pipeline_mode = #tpu.pipeline_mode<synchronous>, transform_indices = @transform_3, window_bounds = array<i64: 1, 256>}, {transform_indices = @transform_4, window_bounds = array<i64: 1000, 128>}, {transform_indices = @transform_5, window_bounds = array<i64: 1000, 128>}, {transform_indices = @transform_6, window_bounds = array<i64: 1000, 256>}]} {
    %get3A = arith.constant 0 : index
    %get3A_0 = arith.constant 0 : index
    %get3A_1 = vector.load %arg1[%get3A, %get3A_0] : memref<1000x256xf32, #tpu.memory_space<vmem>>, vector<1000x256xf32>
    %get3A_2 = arith.constant 0 : index
    %get3A_3 = arith.constant 0 : index
    %get3A_4 = vector.load %arg2[%get3A_2, %get3A_3] : memref<256x256xf32, #tpu.memory_space<vmem>>, vector<256x256xf32>
    %dot_general3A = arith.constant dense<0.000000e+00> : vector<1000x256xf32>
    %dot_general3A_5 = tpu.matmul %get3A_1, %get3A_4, %dot_general3A {dimension_numbers = #tpu.dot_dimension_numbers<[1], [0], [0], [1], [0, 0, 1, 1], [], []>, transpose_lhs_hint = false} : vector<1000x256xf32>, vector<256x256xf32>, vector<1000x256xf32> -> vector<1000x256xf32>
    %get3A_6 = arith.constant 0 : index
    %get3A_7 = arith.constant 0 : index
    %get3A_8 = vector.load %arg3[%get3A_6, %get3A_7] : memref<256x256xf32, #tpu.memory_space<vmem>>, vector<256x256xf32>
    %dot_general3A_9 = arith.constant dense<0.000000e+00> : vector<1000x256xf32>
    %dot_general3A_10 = tpu.matmul %get3A_1, %get3A_8, %dot_general3A_9 {dimension_numbers = #tpu.dot_dimension_numbers<[1], [0], [0], [1], [0, 0, 1, 1], [], []>, transpose_lhs_hint = false} : vector<1000x256xf32>, vector<256x256xf32>, vector<1000x256xf32> -> vector<1000x256xf32>
    %slice3A = vector.extract_strided_slice %dot_general3A_5 {offsets = [0, 0], sizes = [1000, 128], strides = [1, 1]} : vector<1000x256xf32> to vector<1000x128xf32>
    %swap3A = arith.constant 0 : index
    %swap3A_11 = arith.constant 0 : index
    %swap3A_12 = vector.load %arg5[%swap3A, %swap3A_11] : memref<1000x128xf32, #tpu.memory_space<vmem>>, vector<1000x128xf32>
    tpu.vector_store %arg5[%swap3A, %swap3A_11], %slice3A {strides = array<i32>} : memref<1000x128xf32, #tpu.memory_space<vmem>>, vector<1000x128xf32>,
    %slice3A_13 = vector.extract_strided_slice %dot_general3A_5 {offsets = [0, 128], sizes = [1000, 128], strides = [1, 1]} : vector<1000x256xf32> to vector<1000x128xf32>
    %swap3A_14 = arith.constant 0 : index
    %swap3A_15 = arith.constant 0 : index
    %swap3A_16 = vector.load %arg6[%swap3A_14, %swap3A_15] : memref<1000x128xf32, #tpu.memory_space<vmem>>, vector<1000x128xf32>
    tpu.vector_store %arg6[%swap3A_14, %swap3A_15], %slice3A_13 {strides = array<i32>} : memref<1000x128xf32, #tpu.memory_space<vmem>>, vector<1000x128xf32>,
    %get3A_17 = arith.constant 0 : index
    %get3A_18 = arith.constant 0 : index
    %get3A_19 = vector.load %arg4[%get3A_17, %get3A_18] : memref<1x256xf32, #tpu.memory_space<vmem>>, vector<1x256xf32>
    %add3A = vector.broadcast %get3A_19 : vector<1x256xf32> to vector<1000x256xf32>
    %add3A_20 = arith.addf %dot_general3A_10, %add3A : vector<1000x256xf32>
    %swap3A_21 = arith.constant 0 : index
    %swap3A_22 = arith.constant 0 : index
    %swap3A_23 = vector.load %arg7[%swap3A_21, %swap3A_22] : memref<1000x256xf32, #tpu.memory_space<vmem>>, vector<1000x256xf32>
    tpu.vector_store %arg7[%swap3A_21, %swap3A_22], %add3A_20 {strides = array<i32>} : memref<1000x256xf32, #tpu.memory_space<vmem>>, vector<1000x256xf32>,
    return
  }
  func.func @transform_0(%arg0: i32) -> (i32, i32) {
    %c0_i32 = arith.constant 0 : i32
    %c0_i32_0 = arith.constant 0 : i32
    return %arg0, %c0_i32 : i32, i32
  }
  func.func @transform_1(%arg0: i32) -> (i32, i32) {
    %c0_i32 = arith.constant 0 : i32
    %c0_i32_0 = arith.constant 0 : i32
    %c0_i32_1 = arith.constant 0 : i32
    return %c0_i32, %c0_i32_0 : i32, i32
  }
  func.func @transform_2(%arg0: i32) -> (i32, i32) {
    %c0_i32 = arith.constant 0 : i32
    %c0_i32_0 = arith.constant 0 : i32
    %c0_i32_1 = arith.constant 0 : i32
    return %c0_i32, %c0_i32_0 : i32, i32
  }
  func.func @transform_3(%arg0: i32) -> (i32, i32) {
    %c0_i32 = arith.constant 0 : i32
    %c0_i32_0 = arith.constant 0 : i32
    %c0_i32_1 = arith.constant 0 : i32
    return %c0_i32, %c0_i32_0 : i32, i32
  }
  func.func @transform_4(%arg0: i32) -> (i32, i32) {
    %c0_i32 = arith.constant 0 : i32
    %c0_i32_0 = arith.constant 0 : i32
    return %arg0, %c0_i32 : i32, i32
  }
  func.func @transform_5(%arg0: i32) -> (i32, i32) {
    %c0_i32 = arith.constant 0 : i32
    %c0_i32_0 = arith.constant 0 : i32
    return %arg0, %c0_i32 : i32, i32
  }
  func.func @transform_6(%arg0: i32) -> (i32, i32) {
    %c0_i32 = arith.constant 0 : i32
    %c0_i32_0 = arith.constant 0 : i32
    return %arg0, %c0_i32 : i32, i32
  }
}

module attributes {stable_mosaic.version = 14 : i64} {
  func.func @_mm_mid_body(%arg0: i32, %arg1: memref<1000x128xf32, #tpu.memory_space<vmem>>, %arg2: memref<1000x128xf32, #tpu.memory_space<vmem>>, %arg3: memref<1000x256xf32, #tpu.memory_space<vmem>>, %arg4: memref<256x256xf32, #tpu.memory_space<vmem>>, %arg5: memref<256x256xf32, #tpu.memory_space<vmem>>, %arg6: memref<1x256xf32, #tpu.memory_space<vmem>>, %arg7: memref<1000x128xf32, #tpu.memory_space<vmem>>, %arg8: memref<1000x128xf32, #tpu.memory_space<vmem>>, %arg9: memref<1000x256xf32, #tpu.memory_space<vmem>>) attributes {dimension_semantics = [#tpu.dimension_semantics<arbitrary>], iteration_bounds = array<i64: 10>, scalar_prefetch = 0 : i64, scratch_operands = 0 : i64, tpu.core_type = #tpu.core_type<tc>, window_params = [{transform_indices = @transform_0, window_bounds = array<i64: 1000, 128>}, {transform_indices = @transform_1, window_bounds = array<i64: 1000, 128>}, {transform_indices = @transform_2, window_bounds = array<i64: 1000, 256>}, {pipeline_mode = #tpu.pipeline_mode<synchronous>, transform_indices = @transform_3, window_bounds = array<i64: 256, 256>}, {pipeline_mode = #tpu.pipeline_mode<synchronous>, transform_indices = @transform_4, window_bounds = array<i64: 256, 256>}, {pipeline_mode = #tpu.pipeline_mode<synchronous>, transform_indices = @transform_5, window_bounds = array<i64: 1, 256>}, {transform_indices = @transform_6, window_bounds = array<i64: 1000, 128>}, {transform_indices = @transform_7, window_bounds = array<i64: 1000, 128>}, {transform_indices = @transform_8, window_bounds = array<i64: 1000, 256>}]} {
    %get3A = arith.constant 0 : index
    %get3A_0 = arith.constant 0 : index
    %get3A_1 = vector.load %arg1[%get3A, %get3A_0] : memref<1000x128xf32, #tpu.memory_space<vmem>>, vector<1000x128xf32>
    %get3A_2 = arith.constant 0 : index
    %get3A_3 = arith.constant 0 : index
    %get3A_4 = vector.load %arg2[%get3A_2, %get3A_3] : memref<1000x128xf32, #tpu.memory_space<vmem>>, vector<1000x128xf32>
    %concatenate3A = tpu.concatenate %get3A_1, %get3A_4 in 1 : vector<1000x128xf32>, vector<1000x128xf32> -> vector<1000x256xf32>
    %get3A_5 = arith.constant 0 : index
    %get3A_6 = arith.constant 0 : index
    %get3A_7 = vector.load %arg3[%get3A_5, %get3A_6] : memref<1000x256xf32, #tpu.memory_space<vmem>>, vector<1000x256xf32>
    %add3A = arith.addf %concatenate3A, %get3A_7 : vector<1000x256xf32>
    %max3A = arith.constant 0.000000e+00 : f32
    %max3A_8 = vector.broadcast %max3A : f32 to vector<1000x256xf32>
    %max3A_9 = arith.maximumf %add3A, %max3A_8 : vector<1000x256xf32>
    %get3A_10 = arith.constant 0 : index
    %get3A_11 = arith.constant 0 : index
    %get3A_12 = vector.load %arg4[%get3A_10, %get3A_11] : memref<256x256xf32, #tpu.memory_space<vmem>>, vector<256x256xf32>
    %dot_general3A = arith.constant dense<0.000000e+00> : vector<1000x256xf32>
    %dot_general3A_13 = tpu.matmul %max3A_9, %get3A_12, %dot_general3A {dimension_numbers = #tpu.dot_dimension_numbers<[1], [0], [0], [1], [0, 0, 1, 1], [], []>, transpose_lhs_hint = false} : vector<1000x256xf32>, vector<256x256xf32>, vector<1000x256xf32> -> vector<1000x256xf32>
    %get3A_14 = arith.constant 0 : index
    %get3A_15 = arith.constant 0 : index
    %get3A_16 = vector.load %arg5[%get3A_14, %get3A_15] : memref<256x256xf32, #tpu.memory_space<vmem>>, vector<256x256xf32>
    %dot_general3A_17 = arith.constant dense<0.000000e+00> : vector<1000x256xf32>
    %dot_general3A_18 = tpu.matmul %max3A_9, %get3A_16, %dot_general3A_17 {dimension_numbers = #tpu.dot_dimension_numbers<[1], [0], [0], [1], [0, 0, 1, 1], [], []>, transpose_lhs_hint = false} : vector<1000x256xf32>, vector<256x256xf32>, vector<1000x256xf32> -> vector<1000x256xf32>
    %slice3A = vector.extract_strided_slice %dot_general3A_13 {offsets = [0, 0], sizes = [1000, 128], strides = [1, 1]} : vector<1000x256xf32> to vector<1000x128xf32>
    %swap3A = arith.constant 0 : index
    %swap3A_19 = arith.constant 0 : index
    %swap3A_20 = vector.load %arg7[%swap3A, %swap3A_19] : memref<1000x128xf32, #tpu.memory_space<vmem>>, vector<1000x128xf32>
    tpu.vector_store %arg7[%swap3A, %swap3A_19], %slice3A {strides = array<i32>} : memref<1000x128xf32, #tpu.memory_space<vmem>>, vector<1000x128xf32>,
    %slice3A_21 = vector.extract_strided_slice %dot_general3A_13 {offsets = [0, 128], sizes = [1000, 128], strides = [1, 1]} : vector<1000x256xf32> to vector<1000x128xf32>
    %swap3A_22 = arith.constant 0 : index
    %swap3A_23 = arith.constant 0 : index
    %swap3A_24 = vector.load %arg8[%swap3A_22, %swap3A_23] : memref<1000x128xf32, #tpu.memory_space<vmem>>, vector<1000x128xf32>
    tpu.vector_store %arg8[%swap3A_22, %swap3A_23], %slice3A_21 {strides = array<i32>} : memref<1000x128xf32, #tpu.memory_space<vmem>>, vector<1000x128xf32>,
    %get3A_25 = arith.constant 0 : index
    %get3A_26 = arith.constant 0 : index
    %get3A_27 = vector.load %arg6[%get3A_25, %get3A_26] : memref<1x256xf32, #tpu.memory_space<vmem>>, vector<1x256xf32>
    %add3A_28 = vector.broadcast %get3A_27 : vector<1x256xf32> to vector<1000x256xf32>
    %add3A_29 = arith.addf %dot_general3A_18, %add3A_28 : vector<1000x256xf32>
    %swap3A_30 = arith.constant 0 : index
    %swap3A_31 = arith.constant 0 : index
    %swap3A_32 = vector.load %arg9[%swap3A_30, %swap3A_31] : memref<1000x256xf32, #tpu.memory_space<vmem>>, vector<1000x256xf32>
    tpu.vector_store %arg9[%swap3A_30, %swap3A_31], %add3A_29 {strides = array<i32>} : memref<1000x256xf32, #tpu.memory_space<vmem>>, vector<1000x256xf32>,
    return
  }
  func.func @transform_0(%arg0: i32) -> (i32, i32) {
    %c0_i32 = arith.constant 0 : i32
    %c0_i32_0 = arith.constant 0 : i32
    return %arg0, %c0_i32 : i32, i32
  }
  func.func @transform_1(%arg0: i32) -> (i32, i32) {
    %c0_i32 = arith.constant 0 : i32
    %c0_i32_0 = arith.constant 0 : i32
    return %arg0, %c0_i32 : i32, i32
  }
  func.func @transform_2(%arg0: i32) -> (i32, i32) {
    %c0_i32 = arith.constant 0 : i32
    %c0_i32_0 = arith.constant 0 : i32
    return %arg0, %c0_i32 : i32, i32
  }
  func.func @transform_3(%arg0: i32) -> (i32, i32) {
    %c0_i32 = arith.constant 0 : i32
    %c0_i32_0 = arith.constant 0 : i32
    %c0_i32_1 = arith.constant 0 : i32
    return %c0_i32, %c0_i32_0 : i32, i32
  }
  func.func @transform_4(%arg0: i32) -> (i32, i32) {
    %c0_i32 = arith.constant 0 : i32
    %c0_i32_0 = arith.constant 0 : i32
    %c0_i32_1 = arith.constant 0 : i32
    return %c0_i32, %c0_i32_0 : i32, i32
  }
  func.func @transform_5(%arg0: i32) -> (i32, i32) {
    %c0_i32 = arith.constant 0 : i32
    %c0_i32_0 = arith.constant 0 : i32
    %c0_i32_1 = arith.constant 0 : i32
    return %c0_i32, %c0_i32_0 : i32, i32
  }
  func.func @transform_6(%arg0: i32) -> (i32, i32) {
    %c0_i32 = arith.constant 0 : i32
    %c0_i32_0 = arith.constant 0 : i32
    return %arg0, %c0_i32 : i32, i32
  }
  func.func @transform_7(%arg0: i32) -> (i32, i32) {
    %c0_i32 = arith.constant 0 : i32
    %c0_i32_0 = arith.constant 0 : i32
    return %arg0, %c0_i32 : i32, i32
  }
  func.func @transform_8(%arg0: i32) -> (i32, i32) {
    %c0_i32 = arith.constant 0 : i32
    %c0_i32_0 = arith.constant 0 : i32
    return %arg0, %c0_i32 : i32, i32
  }
}

module attributes {stable_mosaic.version = 14 : i64} {
  func.func @_pool_body(%arg0: i32, %arg1: memref<1000x128xf32, #tpu.memory_space<vmem>>, %arg2: memref<1000x128xf32, #tpu.memory_space<vmem>>, %arg3: memref<1000x256xf32, #tpu.memory_space<vmem>>, %arg4: memref<1x1x1000xi32, #tpu.memory_space<vmem>>, %arg5: memref<256x64xf32, #tpu.memory_space<vmem>>, %arg6: memref<1x64xf32, #tpu.memory_space<vmem>>, %arg7: memref<128x64xf32, #tpu.memory_space<vmem>>, %arg8: memref<128x256xf32, #tpu.memory_space<vmem>>, %arg9: memref<128x256xf32, #tpu.memory_space<vmem>>) attributes {dimension_semantics = [#tpu.dimension_semantics<arbitrary>], iteration_bounds = array<i64: 10>, scalar_prefetch = 0 : i64, scratch_operands = 2 : i64, tpu.core_type = #tpu.core_type<tc>, window_params = [{transform_indices = @transform_0, window_bounds = array<i64: 1000, 128>}, {transform_indices = @transform_1, window_bounds = array<i64: 1000, 128>}, {transform_indices = @transform_2, window_bounds = array<i64: 1000, 256>}, {transform_indices = @transform_3, window_bounds = array<i64: 1, 1, 1000>}, {pipeline_mode = #tpu.pipeline_mode<synchronous>, transform_indices = @transform_4, window_bounds = array<i64: 256, 64>}, {pipeline_mode = #tpu.pipeline_mode<synchronous>, transform_indices = @transform_5, window_bounds = array<i64: 1, 64>}, {pipeline_mode = #tpu.pipeline_mode<synchronous>, transform_indices = @transform_6, window_bounds = array<i64: 128, 64>}]} {
    %get3A = arith.constant 0 : index
    %get3A_0 = arith.constant 0 : index
    %get3A_1 = vector.load %arg1[%get3A, %get3A_0] : memref<1000x128xf32, #tpu.memory_space<vmem>>, vector<1000x128xf32>
    %get3A_2 = arith.constant 0 : index
    %get3A_3 = arith.constant 0 : index
    %get3A_4 = vector.load %arg2[%get3A_2, %get3A_3] : memref<1000x128xf32, #tpu.memory_space<vmem>>, vector<1000x128xf32>
    %concatenate3A = tpu.concatenate %get3A_1, %get3A_4 in 1 : vector<1000x128xf32>, vector<1000x128xf32> -> vector<1000x256xf32>
    %get3A_5 = arith.constant 0 : index
    %get3A_6 = arith.constant 0 : index
    %get3A_7 = vector.load %arg3[%get3A_5, %get3A_6] : memref<1000x256xf32, #tpu.memory_space<vmem>>, vector<1000x256xf32>
    %add3A = arith.addf %concatenate3A, %get3A_7 : vector<1000x256xf32>
    %get3A_8 = arith.constant 0 : index
    %get3A_9 = arith.constant 0 : index
    %get3A_10 = arith.constant 0 : index
    %get3A_11 = vector.load %arg4[%get3A_8, %get3A_9, %get3A_10] : memref<1x1x1000xi32, #tpu.memory_space<vmem>>, vector<1x1x1000xi32>
    %get3A_12 = vector.shape_cast %get3A_11 : vector<1x1x1000xi32> to vector<1000xi32>
    %broadcast_in_dim3A = vector.shape_cast %get3A_12 : vector<1000xi32> to vector<1000x1xi32>
    %iota3A = tpu.iota {dimensions = array<i32: 1>} : vector<1000x128xi32>
    %eq3A = vector.broadcast %broadcast_in_dim3A : vector<1000x1xi32> to vector<1000x128xi32>
    %eq3A_13 = arith.cmpi eq, %eq3A, %iota3A : vector<1000x128xi32>
    %convert_element_type3A = arith.extui %eq3A_13 : vector<1000x128xi1> to vector<1000x128xi32>
    %convert_element_type3A_14 = arith.sitofp %convert_element_type3A : vector<1000x128xi32> to vector<1000x128xf32>
    %eq3A_15 = arith.constant 0 : i32
    %eq3A_16 = arith.cmpi eq, %arg0, %eq3A_15 : i32
    %convert_element_type3A_17 = arith.extui %eq3A_16 : i1 to i32
    %cond3A = arith.constant 0 : i32
    %cond3A_18 = arith.cmpi ne, %convert_element_type3A_17, %cond3A : i32
    scf.if %cond3A_18 {
      %broadcast_in_dim3A_42 = arith.constant 0.000000e+00 : f32
      %broadcast_in_dim3A_43 = vector.broadcast %broadcast_in_dim3A_42 : f32 to vector<128x256xf32>
      %swap3A_44 = arith.constant 0 : index
      %swap3A_45 = arith.constant 0 : index
      %swap3A_46 = vector.load %arg8[%swap3A_44, %swap3A_45] : memref<128x256xf32, #tpu.memory_space<vmem>>, vector<128x256xf32>
      tpu.vector_store %arg8[%swap3A_44, %swap3A_45], %broadcast_in_dim3A_43 {strides = array<i32>} : memref<128x256xf32, #tpu.memory_space<vmem>>, vector<128x256xf32>,
      %broadcast_in_dim3A_47 = arith.constant 0.000000e+00 : f32
      %broadcast_in_dim3A_48 = vector.broadcast %broadcast_in_dim3A_47 : f32 to vector<128x256xf32>
      %swap3A_49 = arith.constant 0 : index
      %swap3A_50 = arith.constant 0 : index
      %swap3A_51 = vector.load %arg9[%swap3A_49, %swap3A_50] : memref<128x256xf32, #tpu.memory_space<vmem>>, vector<128x256xf32>
      tpu.vector_store %arg9[%swap3A_49, %swap3A_50], %broadcast_in_dim3A_48 {strides = array<i32>} : memref<128x256xf32, #tpu.memory_space<vmem>>, vector<128x256xf32>,
    } else {
    }
    %get3A_19 = arith.constant 0 : index
    %get3A_20 = arith.constant 0 : index
    %get3A_21 = vector.load %arg8[%get3A_19, %get3A_20] : memref<128x256xf32, #tpu.memory_space<vmem>>, vector<128x256xf32>
    %dot_general3A = arith.constant dense<0.000000e+00> : vector<128x256xf32>
    %dot_general3A_22 = tpu.matmul %convert_element_type3A_14, %add3A, %dot_general3A {dimension_numbers = #tpu.dot_dimension_numbers<[0], [0], [1], [1], [0, 1, 1, 1], [], []>, transpose_lhs_hint = false} : vector<1000x128xf32>, vector<1000x256xf32>, vector<128x256xf32> -> vector<128x256xf32>
    %add3A_23 = arith.addf %get3A_21, %dot_general3A_22 : vector<128x256xf32>
    %swap3A = arith.constant 0 : index
    %swap3A_24 = arith.constant 0 : index
    %swap3A_25 = vector.load %arg8[%swap3A, %swap3A_24] : memref<128x256xf32, #tpu.memory_space<vmem>>, vector<128x256xf32>
    tpu.vector_store %arg8[%swap3A, %swap3A_24], %add3A_23 {strides = array<i32>} : memref<128x256xf32, #tpu.memory_space<vmem>>, vector<128x256xf32>,
    %get3A_26 = arith.constant 0 : index
    %get3A_27 = arith.constant 0 : index
    %get3A_28 = vector.load %arg9[%get3A_26, %get3A_27] : memref<128x256xf32, #tpu.memory_space<vmem>>, vector<128x256xf32>
    %broadcast_in_dim3A_29 = arith.constant 1.000000e+00 : f32
    %broadcast_in_dim3A_30 = vector.broadcast %broadcast_in_dim3A_29 : f32 to vector<1000x256xf32>
    %dot_general3A_31 = arith.constant dense<0.000000e+00> : vector<128x256xf32>
    %dot_general3A_32 = tpu.matmul %convert_element_type3A_14, %broadcast_in_dim3A_30, %dot_general3A_31 {dimension_numbers = #tpu.dot_dimension_numbers<[0], [0], [1], [1], [0, 1, 1, 1], [], []>, transpose_lhs_hint = false} : vector<1000x128xf32>, vector<1000x256xf32>, vector<128x256xf32> -> vector<128x256xf32>
    %add3A_33 = arith.addf %get3A_28, %dot_general3A_32 : vector<128x256xf32>
    %swap3A_34 = arith.constant 0 : index
    %swap3A_35 = arith.constant 0 : index
    %swap3A_36 = vector.load %arg9[%swap3A_34, %swap3A_35] : memref<128x256xf32, #tpu.memory_space<vmem>>, vector<128x256xf32>
    tpu.vector_store %arg9[%swap3A_34, %swap3A_35], %add3A_33 {strides = array<i32>} : memref<128x256xf32, #tpu.memory_space<vmem>>, vector<128x256xf32>,
    %eq3A_37 = arith.constant 9 : i32
    %eq3A_38 = arith.cmpi eq, %arg0, %eq3A_37 : i32
    %convert_element_type3A_39 = arith.extui %eq3A_38 : i1 to i32
    %cond3A_40 = arith.constant 0 : i32
    %cond3A_41 = arith.cmpi ne, %convert_element_type3A_39, %cond3A_40 : i32
    scf.if %cond3A_41 {
      %get3A_42 = arith.constant 0 : index
      %get3A_43 = arith.constant 0 : index
      %get3A_44 = vector.load %arg8[%get3A_42, %get3A_43] : memref<128x256xf32, #tpu.memory_space<vmem>>, vector<128x256xf32>
      %get3A_45 = arith.constant 0 : index
      %get3A_46 = arith.constant 0 : index
      %get3A_47 = vector.load %arg9[%get3A_45, %get3A_46] : memref<128x256xf32, #tpu.memory_space<vmem>>, vector<128x256xf32>
      %max3A = arith.constant 1.000000e+00 : f32
      %max3A_48 = vector.broadcast %max3A : f32 to vector<128x256xf32>
      %max3A_49 = arith.maximumf %get3A_47, %max3A_48 : vector<128x256xf32>
      %div3A = arith.divf %get3A_44, %max3A_49 : vector<128x256xf32>
      %get3A_50 = arith.constant 0 : index
      %get3A_51 = arith.constant 0 : index
      %get3A_52 = vector.load %arg5[%get3A_50, %get3A_51] : memref<256x64xf32, #tpu.memory_space<vmem>>, vector<256x64xf32>
      %dot_general3A_53 = arith.constant dense<0.000000e+00> : vector<128x64xf32>
      %dot_general3A_54 = tpu.matmul %div3A, %get3A_52, %dot_general3A_53 {dimension_numbers = #tpu.dot_dimension_numbers<[1], [0], [0], [1], [0, 0, 1, 1], [], []>, transpose_lhs_hint = false} : vector<128x256xf32>, vector<256x64xf32>, vector<128x64xf32> -> vector<128x64xf32>
      %get3A_55 = arith.constant 0 : index
      %get3A_56 = arith.constant 0 : index
      %get3A_57 = vector.load %arg6[%get3A_55, %get3A_56] : memref<1x64xf32, #tpu.memory_space<vmem>>, vector<1x64xf32>
      %add3A_58 = vector.broadcast %get3A_57 : vector<1x64xf32> to vector<128x64xf32>
      %add3A_59 = arith.addf %dot_general3A_54, %add3A_58 : vector<128x64xf32>
      %swap3A_60 = arith.constant 0 : index
      %swap3A_61 = arith.constant 0 : index
      %swap3A_62 = vector.load %arg7[%swap3A_60, %swap3A_61] : memref<128x64xf32, #tpu.memory_space<vmem>>, vector<128x64xf32>
      tpu.vector_store %arg7[%swap3A_60, %swap3A_61], %add3A_59 {strides = array<i32>} : memref<128x64xf32, #tpu.memory_space<vmem>>, vector<128x64xf32>,
    } else {
    }
    return
  }
  func.func @transform_0(%arg0: i32) -> (i32, i32) {
    %c0_i32 = arith.constant 0 : i32
    %c0_i32_0 = arith.constant 0 : i32
    return %arg0, %c0_i32 : i32, i32
  }
  func.func @transform_1(%arg0: i32) -> (i32, i32) {
    %c0_i32 = arith.constant 0 : i32
    %c0_i32_0 = arith.constant 0 : i32
    return %arg0, %c0_i32 : i32, i32
  }
  func.func @transform_2(%arg0: i32) -> (i32, i32) {
    %c0_i32 = arith.constant 0 : i32
    %c0_i32_0 = arith.constant 0 : i32
    return %arg0, %c0_i32 : i32, i32
  }
  func.func @transform_3(%arg0: i32) -> (i32, i32, i32) {
    %c0_i32 = arith.constant 0 : i32
    %c0_i32_0 = arith.constant 0 : i32
    %c0_i32_1 = arith.constant 0 : i32
    return %arg0, %c0_i32, %c0_i32_0 : i32, i32, i32
  }
  func.func @transform_4(%arg0: i32) -> (i32, i32) {
    %c0_i32 = arith.constant 0 : i32
    %c0_i32_0 = arith.constant 0 : i32
    %c0_i32_1 = arith.constant 0 : i32
    return %c0_i32, %c0_i32_0 : i32, i32
  }
  func.func @transform_5(%arg0: i32) -> (i32, i32) {
    %c0_i32 = arith.constant 0 : i32
    %c0_i32_0 = arith.constant 0 : i32
    %c0_i32_1 = arith.constant 0 : i32
    return %c0_i32, %c0_i32_0 : i32, i32
  }
  func.func @transform_6(%arg0: i32) -> (i32, i32) {
    %c0_i32 = arith.constant 0 : i32
    %c0_i32_0 = arith.constant 0 : i32
    %c0_i32_1 = arith.constant 0 : i32
    return %c0_i32, %c0_i32_0 : i32, i32
  }
}

</mosaic_0001>

<sc_bundles>
// kernel: kernel.12.cloned.1.call-start
scs
__scs_entry_jumppad:
0x0: {  	(pc) =	sbr.rel $0x88, $3  }
0x1: {  	(tag) =	ssettag $0x0;
	lr =	simm.s32 $0x1  }
0x2: {  	[smem:$0x3F93] =	sst lr;
	_ =	strace $0xD0000000  }
0x3: {  	_ = 	snop  }
0x4: {  	_ = 	snop  }
0x5: {  	_ = 	snop  }
0x6: {  	_ = 	snop  }
0x7: {  	_ = 	snop  }
__scs_overlays_trampoline_lowered:
0x8: {  	[smem:$0x3FA2] =	sst s0  }
0x9: {  	[smem:$0x3FA3] =	sst s1  }
0xa: {  	[smem:$0x3FA4] =	sst s2  }
0xb: {  	[smem:$0x3FA5] =	sst s3  }
0xc: {  	[smem:$0x3FA6] =	sst s4  }
0xd: {  	[smem:$0x3FA7] =	sst s5  }
0xe: {  	[smem:$0x3FA8] =	sst s6  }
0xf: {  	[smem:$0x3FA9] =	sst s7  }
0x10: {  	[smem:$0x3FAA] =	sst s8  }
0x11: {  	[smem:$0x3FAB] =	sst s9;
	s0 =	simm.s32 @!p0 $0x0  }
0x12: {  	s1 =	sld [smem:$0x3F91];
	s0 =	simm.s32 @p0 $0x1  }
0x13: {  	[smem:$0x3FAC] =	sst s0;
	s0 =	simm.s32 @!p1 $0x0  }
0x14: {  	s2 =	sld [smem:$0x3F90];
	s0 =	simm.s32 @p1 $0x1  }
0x15: {  	[smem:$0x3FAD] =	sst s0;
	s0 =	simm.s32 @!p2 $0x0  }
0x16: {  	s3 =	sld [smem:$0x3FDB];
	s0 =	simm.s32 @p2 $0x1  }
0x17: {  	s4 =	simm.s32 $0x1BF5;
	[smem:$0x3FAF] =	sst s0  }
0x18: {  	s0 =	sld [smem:$0x3F92];
	_ =	swait.ge [sflag:s4], $0x0  }
0x19: {  	s7 =	sld [smem:$0x3F93]  }
0x1a: {  	s8 =	sadd.s32 $0xFFFFE003, lr  }
0x1b: {  	s9 =	sadd.s32 $0xFFFFFEF7, lr;
	s5 =	simm.s32 $0xFFFFFFFF;
	p2 =	slt.u32 s8, $0xFFFFF086  }
0x1c: {  	p1 =	slt.u32 s9, $0xF7A;
	s5 =	simm.s32 @!p2 $0x0  }
0x1d: {  	s5 =	simm.s32 @p1 $0x1;
	p0 =	seq.s32 s7, s2  }
0x1e: {  	s7 =	smul.u32 @!p0 $0xF7A, s2;
	p2 =	seq.s32 @!p0 s5, $0x0  }
0x1f: {  	s9 =	smul.u32 $0xF7A, s1;
	s8 =	simm.s32 @!p0 $0x1BF5;
	p2 =	por !p2, p0  }
0x20: {  	[sflag:s8] =	ssyncset.s32 @!p0 $0xFFFFF086;
	s6 =	sadd.s32 @!p0 s3, s7;
	s7 =	simm.s32 @!p0 $0x108  }
0x21: {  	s3 =	sadd.s32 s3, s9;
	s6 =	sadd.s32 @!p0 $0x88, s6;
	s7 =	simm.s32 @p2 $0x1082  }
0x22: {  	[simem:s7], [sflag:s8] =	dma.local @!p0 [hbm:s6], $0xF7A  }
0x23: {  	s9 =	sor.u32 $0xD0000000, s2;
	s6 =	simm.s32 $0x108;
	_ =	swait.ge @!p0 [sflag:s8], $0x0  }
0x24: {  	s3 =	sadd.s32 $0x88, s3;
	s6 =	simm.s32 @!p1 $0x1082;
	[sflag:s4] =	ssyncset.s32 $0xFFFFF086  }
0x25: {  	[simem:s6], [sflag:s4] =	dma.local [hbm:s3], $0xF7A  }
0x26: {  	[smem:$0x3F93] =	sst s1;
	(tag) =	ssettag s2;
	_ =	strace s9  }
0x27: {  	s1 =	sld [smem:$0x3FA3]  }
0x28: {  	s2 =	sld [smem:$0x3FA4]  }
0x29: {  	s4 =	sld [smem:$0x3FA6]  }
0x2a: {  	p0 =	seq.s32 s5, $0x0;
	s5 =	sld [smem:$0x3FA7]  }
0x2b: {  	s6 =	sld [smem:$0x3FA8]  }
0x2c: {  	s7 =	sld [smem:$0x3FA9]  }
0x2d: {  	s3 =	simm.s32 $0x108;
	s8 =	sld [smem:$0x3FAA]  }
0x2e: {  	s3 =	simm.s32 @!p0 $0x1082;
	s9 =	sld [smem:$0x3FAB]  }
0x2f: {  	lr =	sadd.s32 s0, s3;
	s0 =	sld [smem:$0x3FA2]  }
0x30: {  	s3 =	sld [smem:$0x3FA5]  }
0x31: {  	[smem:$0x3FAE] =	sst s10  }
0x32: {  	s10 =	sld [smem:$0x3FAC];
	_ =	sdelay $0x3  }
0x33: {  	p0 =	seq.s32 s10, $0x1;
	s10 =	sld [smem:$0x3FAE];
	_ =	sdelay $0x3  }
0x34: {  	[smem:$0x3FAE] =	sst s10  }
0x35: {  	s10 =	sld [smem:$0x3FAD];
	_ =	sdelay $0x3  }
0x36: {  	p1 =	seq.s32 s10, $0x1;
	s10 =	sld [smem:$0x3FAE];
	_ =	sdelay $0x3  }
0x37: {  	[smem:$0x3FAE] =	sst s10  }
0x38: {  	s10 =	sld [smem:$0x3FAF]  }
0x39: {  	_ = 	snop;
	(pc) =	sbr.ind lr, $3  }
0x3a: {  	_ = 	snop  }
0x3b: {  	_ = 	snop  }
0x3c: {  	p2 =	seq.s32 s10, $0x1;
	s10 =	sld [smem:$0x3FAE]  }
0x3d: {  	_ =	shalt  }
0x3e: {  	_ =	shalt  }
0x3f: {  	_ =	shalt  }
0x40: {  	_ =	shalt  }
0x41: {  	_ =	shalt  }
0x42: {  	_ =	shalt  }
0x43: {  	_ =	shalt  }
0x44: {  	_ =	shalt  }
0x45: {  	_ =	shalt  }
0x46: {  	_ =	shalt  }
0x47: {  	_ =	shalt  }
0x48: {  	_ =	shalt  }
0x49: {  	_ =	shalt  }
0x4a: {  	_ =	shalt  }
0x4b: {  	_ =	shalt  }
0x4c: {  	_ =	shalt  }
0x4d: {  	_ =	shalt  }
0x4e: {  	_ =	shalt  }
0x4f: {  	_ =	shalt  }
0x50: {  	_ =	shalt  }
0x51: {  	_ =	shalt  }
0x52: {  	_ =	shalt  }
0x53: {  	_ =	shalt  }
0x54: {  	_ =	shalt  }
0x55: {  	_ =	shalt  }
0x56: {  	_ =	shalt  }
0x57: {  	_ =	shalt  }
0x58: {  	_ =	shalt  }
0x59: {  	_ =	shalt  }
0x5a: {  	_ =	shalt  }
0x5b: {  	_ =	shalt  }
0x5c: {  	_ =	shalt  }
0x5d: {  	_ =	shalt  }
0x5e: {  	_ =	shalt  }
0x5f: {  	_ =	shalt  }
0x60: {  	_ =	shalt  }
0x61: {  	_ =	shalt  }
0x62: {  	_ =	shalt  }
0x63: {  	_ =	shalt  }
0x64: {  	_ =	shalt  }
0x65: {  	_ =	shalt  }
0x66: {  	_ =	shalt  }
0x67: {  	_ =	shalt  }
0x68: {  	_ =	shalt  }
0x69: {  	_ =	shalt  }
0x6a: {  	_ =	shalt  }
0x6b: {  	_ =	shalt  }
0x6c: {  	_ =	shalt  }
0x6d: {  	_ =	shalt  }
0x6e: {  	_ =	shalt  }
0x6f: {  	_ =	shalt  }
0x70: {  	_ =	shalt  }
0x71: {  	_ =	shalt  }
0x72: {  	_ =	shalt  }
0x73: {  	_ =	shalt  }
0x74: {  	_ =	shalt  }
0x75: {  	_ =	shalt  }
0x76: {  	_ =	shalt  }
0x77: {  	_ =	shalt  }
0x78: {  	_ =	shalt  }
0x79: {  	_ =	shalt  }
0x7a: {  	_ =	shalt  }
0x7b: {  	_ =	shalt  }
0x7c: {  	_ =	shalt  }
0x7d: {  	_ =	shalt  }
0x7e: {  	_ =	shalt  }
0x7f: {  	_ =	shalt  }
0x80: {  	_ =	shalt  }
0x81: {  	_ =	shalt  }
0x82: {  	_ =	shalt  }
0x83: {  	_ =	shalt  }
0x84: {  	_ =	shalt  }
0x85: {  	_ =	shalt  }
0x86: {  	_ =	shalt  }
0x87: {  	_ =	shalt  }
.Lfunc_end0:
.L_simem_size_0:
called_computation.1_lowered:
.L_overlay_start_0:
0x88: {  	s2 =	sld [smem:$0x3FD9]  }
0x89: {  	s3 =	sld [smem:$0x3FFE];
	_ =	sdelay $0x1  }
0x8a: {  	s1 =	srdreg.scid  }
0x8b: {  	s0 =	sand.u32 $0x1, s1  }
0x8c: {  	s16 =	sshll.u32 s0, $0xA;
	s2 =	sadd.s32 s3, s2  }
0x8d: {  	s2 =	sadd.s32 s2, s16  }
0x8e: {  	[smem:$0x3FBA] =	sst s2  }
0x8f: {  	_ = 	snop  }
0x90: {  	(tm) =	ssettm $0x1  }
0x91: {  	s17 =	sld [smem:$0x3FFB];
	_ =	sdelay $0x3  }
0x92: {  	_ =	strace s17  }
0x93: {  	s2 =	sld [smem:$0x3FFC];
	_ =	sdelay $0x3  }
0x94: {  	_ =	strace s2  }
0x95: {  	s2 =	sld [smem:$0x3FFD];
	_ =	sdelay $0x3  }
0x96: {  	_ =	strace s2  }
0x97: {  	_ =	strace $0x8FFFFFFF  }
0x98: {  	s18 =	sld [smem:$0x3FDB];
	_ =	sdelay $0x1  }
0x99: {  	s19 =	simm.s32 $_scs_section_size  }
0x9a: {  	s4 =	simm.s32 $_size__tile_overlayer_lowered;
	s5 =	simm.s32 $_tile_overlayer_lowered  }
0x9b: {  	s22 =	simm.s32 $0x1BFF;
	s21 =	sshll.u32 s5, $0x1;
	s2 =	sadd.s32 s19, s18  }
0x9c: {  	s6 =	simm.s32 $0x0;
	s20 =	sshll.u32 s4, $0x1;
	s4 =	sadd.s32 s21, s2  }
0x9d: {  	[timem:s6], [sflag:s22] =	dma.local [hbm:s4], s20  }
0x9e: {  	_ =	swait.ge [sflag:s22], s20  }
0x9f: {  	s3 =	ssub.s32 $0x0, s20;
	[sflag:s22] =	ssyncset.done $0x0  }
0xa0: {  	[sflag:s22] =	ssyncadd.s32 s3;
	_ =	sdelay $0x1  }
0xa1: {  	s23 =	simm.s32 $0x1B8B  }
0xa2: {  	_ =	swait.ge [sflag:s23], $0x1  }
0xa3: {  	[sflag:s23] =	ssyncset.done $0x0  }
0xa4: {  	s25 =	simm.s32 $0x1B8E;
	s24 =	sld [smem:$0x3FFE];
	[sflag:s23] =	ssyncadd.s32 $0xFFFFFFFF  }
0xa5: {  	s26 =	simm.s32 $execute0_lowered;
	[smem:$0x3FD2] =	sst s25  }
0xa6: {  	s4 =	sshll.u32 s26, $0x1;
	_ =	strace $0x80000049;
	[dreg:$0x1] =	wrdreg $0xFFFFFFFF  }
0xa7: {  	s28 =	simm.s32 $_size_execute0_lowered;
	s2 =	sadd.s32 s2, s4;
	[dreg:$0x0] =	wrdreg $0x0  }
0xa8: {  	s4 =	sshll.u32 s28, $0x1;
	[dreg:$0x2] =	wrdreg s2  }
0xa9: {  	[dreg:$0x3] =	wrdreg s4  }
0xaa: {  	[dreg:$0x4] =	wrdreg $0xC0  }
0xab: {  	_ =	task [dreg:s6], $0x5FFFF  }
0xac: {  	[dreg:$0x1] =	wrdreg $0xFFFFFFFF  }
0xad: {  	[dreg:$0x0] =	wrdreg $0x60  }
0xae: {  	[dreg:$0x2] =	wrdreg s24  }
0xaf: {  	[dreg:$0x3] =	wrdreg $0xA8000  }
0xb0: {  	[dreg:$0x4] =	wrdreg $0x9  }
0xb1: {  	_ =	task.clear_ibuf [dreg:s6], $0x5FFFF;
	_ =	strace $0x90000049  }
0xb2: {  	s29 =	simm.s32 $0x9;
	_ =	strace $0x8000004B  }
0xb3: {  	_ =	swait.ge [sflag:s29], $0x1  }
0xb4: {  	[sflag:s29] =	ssyncadd.s32 $0xFFFFFFFF  }
0xb5: {  	_ =	strace $0x9000004B  }
0xb6: {  	_ =	sfence  }
0xb7: {  	s30 =	sld [smem:$0x0];
	_ =	sdelay $0x2  }
0xb8: {  	s31 =	sshll.u32 s1, $0xD;
	s1 =	sshrl.u32 s1, $0x2  }
0xb9: {  	s3 =	sand.u32 $0x4000, s31;
	s1 =	sadd.s32 s1, s30  }
0xba: {  	s0 =	sor.u32 s3, s0;
	s1 =	sshll.u32 s1, $0x11  }
0xbb: {  	s0 =	sor.u32 s1, s0  }
0xbc: {  	s0 =	sadd.s32 $0x8F2B, s0  }
0xbd: {  	[sflag:s0] =	ssyncadd.remote.s32 $0x1  }
0xbe: {  	_ =	sfence.sel $0xFFFF  }
0xbf: {  	[dreg:$0x0] =	wrdreg $0xFFFFFFFF;
	(pc) =	sbr.abs _section_cstart, $3  }
0xc0: {  	[dreg:$0x1] =	wrdreg $0xFFFFFFFF  }
0xc1: {  	_ =	task.clear_ibuf [dreg:s6], $0x2FFFF;
	_ =	strace $0x9FFFFFFF  }
0xc2: {  	(tm) =	ssettm $0x7FFFFFFF  }
0xc3: {  	_ =	shalt  }
tec
execute0_lowered:
.L_overlay_start_1:
0x0: {  	(tag) =	ssettag $0x1  }
0x1: {  	s14 =	rddreg [dreg:$0x0]  }
0x2: {  	s1 =	rddreg [dreg:$0x1]  }
0x3: {  	s2 =	simm.s32 $0x0;
	s0 =	stileid.u32;
	s6 =	srdreg.scid  }
0x4: {  	s20 =	simm.s32 $0x1400;
	s21 =	simm.s32 $0x80;
	s22 =	simm.s32 $0x2800  }
0x5: {  	s23 =	simm.s32 $0x1;
	s28 =	simm.s32 $0x2700;
	s29 =	simm.s32 $0x2780  }
0x6: {  	s30 =	simm.s32 $0x0;
	[smem:$0x7FF] =	sst s2;
	s4 =	sadd.s32 $0x5D800, s14  }
0x7: {  	s5 =	sadd.s32 $0x84A00, s14;
	s9 =	sadd.s32 $0xA600, s14;
	s7 =	smul.u32 $0x2700, s0  }
0x8: {  	s10 =	sadd.s32 $0x5600, s14;
	s19 =	sand.u32 $0x1, s6;
	s11 =	smul.u32 $0x4E000, s0  }
0x9: {  	s6 =	sadd.s32 $0xABC00, s14;
	s12 =	smul.u32 $0x2800, s0;
	s16 =	sadd.s32 $0x124800, s1  }
0xa: {  	s26 =	smul.u32 $0x500, s0;
	p0 =	seq.s32 s0, $0xF;
	_ =	strace $0x8000004A  }
0xb: {  	s8 =	ssub.s32 $0x2, s19;
	s17 =	sshll.u32 @!p0 s0, $0x6;
	s16 =	sshrl.u32 @p0 s16, $0x3  }
0xc: {  	p1 =	sne.s32 s19, $0x0;
	s19 =	simm.s32 $0x3;
	s13 =	sadd.s32 s7, s14  }
0xd: {  	s24 =	sshrl.u32 s8, $0x1;
	s25 =	sshrl.u32 s11, $0x2;
	s31 =	sshrl.u32 s12, $0x3  }
0xe: {  	s7 =	sadd.s32 s9, s26;
	s12 =	sadd.s32 $0xFA100, s14;
	s14 =	sadd.s32 $0xD2F00, s14  }
.Ltmp0:
0xf: {  	s17 =	sor.u32 @!p0 $0x1C03, s17;
	s15 =	ssub.s32 s8, s24;
	(pc) =	sbr.rel .LBB2_1-.Ltmp0, $4  }
0x10: {  	s18 =	sadd.s32 s25, s1;
	s8 =	sadd.s32 s10, s26;
	s11 =	sadd.s32 $0x280, s31  }
0x11: {  	s24 =	simm.s32 $0x6800;
	s25 =	simm.s32 $0x2;
	s26 =	simm.s32 $0x1380  }
0x12: {  	s9 =	sadd.s32 s9, s11;
	s10 =	sadd.s32 s10, s11;
	s11 =	sadd.s32 $0xD5800, s13  }
0x13: {  	s13 =	sadd.s32 $0xAE600, s13;
	s15 =	smax.u32 s15, $0x1;
	s18 =	sshrl.u32 @!p0 s18, $0x3  }
.LBB2_11:
0x14: {  	[sflag:s19] =	ssyncadd.s32 $0xFFFFC000  }
0x15: {  	_ =	swait.ge [sflag:s23], $0x4000  }
0x16: {  	[sflag:s23] =	ssyncset.done $0x0  }
0x17: {  	[sflag:s23] =	ssyncadd.s32 $0xFFFFC000  }
0x18: {  	[tilespmem:s24], [sflag:$0x2] =	stream.indirect.gather [hbm4b:s5+s21], $0x80, s26, s21, $0xb8;
	[tilespmem:$0x1E0C0] =	vst v63  }
0x19: {  	_ = 	snop  }
0x1a: {  	[spmem:s1] =	stream.indirect.scatter.add.f32 [tilespmem:s22], [sflag:$0x3], $0x80, s28, s21, $0xb8;
	[tilespmem:$0x1E0C0] =	vst v63  }
0x1b: {  	_ =	swait.ge [sflag:s19], $0x4000  }
0x1c: {  	[sflag:s19] =	ssyncset.done $0x0  }
0x1d: {  	[sflag:s19] =	ssyncadd.s32 $0xFFFFC000  }
0x1e: {  	_ =	swait.ge [sflag:s25], $0x4000  }
0x1f: {  	[sflag:s25] =	ssyncset.done $0x0  }
0x20: {  	[sflag:s25] =	ssyncadd.s32 $0xFFFFC000  }
0x21: {  	[spmem:s1] =	stream.indirect.scatter.add.f32 [tilespmem:s24], [sflag:$0x3], $0x80, s29, s21, $0xb8;
	[tilespmem:$0x1E0C0] =	vst v63  }
0x22: {  	_ =	swait.ge [sflag:s19], $0x4000  }
0x23: {  	[sflag:s19] =	ssyncset.done $0x0  }
0x24: {  	[sflag:s19] =	ssyncadd.s32 $0xFFFFC000  }
0x25: {  	s0 =	simm.s32 @p0 $0x1FC3;
	[bflag:$0x0] =	sbarrier.arrive $0xFFFF  }
0x26: {  	[hbm:s12], [sflag:s0] =	dma.local @p0 [spmem:s16], $0x2800  }
0x27: {  	s0 =	simm.s32 @p0 $0x3  }
0x28: {  	_ =	swait.ge @p0 [sflag:s0], $0x2800  }
0x29: {  	[sflag:s0] =	ssyncset.done @p0 $0x0  }
0x2a: {  	[sflag:s0] =	ssyncadd.s32 @p0 $0xFFFFD800;
	s0 =	simm.s32 @!p0 $0x3  }
0x2b: {  	[hbm:s11], [sflag:s17] =	dma.local @!p0 [spmem:s18], $0x2700  }
0x2c: {  	_ =	swait.ge @!p0 [sflag:s0], $0x2700  }
0x2d: {  	[sflag:s0] =	ssyncset.done @!p0 $0x0  }
0x2e: {  	[sflag:s0] =	ssyncadd.s32 @!p0 $0xFFFFD900  }
.LBB2_12:
0x2f: {  	s30 =	sadd.s32 $0x1, s30  }
0x30: {  	p2 =	sne.s32 s30, s15  }
.Ltmp1:
0x31: {  	_ = 	snop;
	(pc) =	sbr.rel @!p2 .LBB2_13-.Ltmp1, $1  }
0x32: {  	_ =	sdelay $0x3  }
.LBB2_1:
0x33: {  	s31 =	simm.s32 @p0 $0x1FC3  }
0x34: {  	[spmem:s16], [sflag:s31] =	dma.local @p0 [hbm:s6], $0x2880  }
0x35: {  	s31 =	simm.s32 @p0 $0x3  }
0x36: {  	_ =	swait.ge @p0 [sflag:s31], $0x2880  }
0x37: {  	[sflag:s31] =	ssyncset.done @p0 $0x0  }
0x38: {  	[sflag:s31] =	ssyncadd.s32 @p0 $0xFFFFD780;
	s31 =	simm.s32 @!p0 $0x3  }
0x39: {  	[spmem:s18], [sflag:s17] =	dma.local @!p0 [hbm:s6], $0x2700  }
0x3a: {  	_ =	swait.ge @!p0 [sflag:s31], $0x2700  }
0x3b: {  	[sflag:s31] =	ssyncset.done @!p0 $0x0  }
0x3c: {  	[sflag:s31] =	ssyncadd.s32 @!p0 $0xFFFFD900  }
0x3d: {  	[bflag:$0x0] =	sbarrier.arrive $0xFFFF  }
0x3e: {  	[tilespmem:s2], [sflag:$0x3] =	stream.linear.gather [hbm4b:s7+s2], $0x1400, $0x38;
	[tilespmem:$0x1E0C0] =	vst v63  }
0x3f: {  	_ =	swait.ge [sflag:s19], $0x1400  }
0x40: {  	[sflag:s19] =	ssyncset.done $0x0  }
.Ltmp2:
0x41: {  	[sflag:s19] =	ssyncadd.s32 $0xFFFFEC00;
	(pc) =	sbr.rel @p1 .LBB2_7-.Ltmp2, $4  }
0x42: {  	[tilespmem:s20], [sflag:$0x3] =	stream.linear.gather [hbm4b:s8+s2], $0x1400, $0x38;
	[tilespmem:$0x1E0C0] =	vst v63  }
0x43: {  	_ =	swait.ge [sflag:s19], $0x1400  }
0x44: {  	[sflag:s19] =	ssyncset.done $0x0  }
0x45: {  	[sflag:s19] =	ssyncadd.s32 $0xFFFFEC00  }
0x46: {  	s31 =	simm.s32 $0x0  }
0x47: {  	[tilespmem:s22], [sflag:$0x1] =	stream.indirect.gather [hbm4b:s4+s21], $0x80, s31, s21, $0xb8;
	[tilespmem:$0x1E0C0] =	vst v63  }
0x48: {  	_ =	swait.ge [sflag:s23], $0x4000  }
0x49: {  	[sflag:s23] =	ssyncset.done $0x0  }
0x4a: {  	s31 =	simm.s32 $0x80;
	[sflag:s23] =	ssyncadd.s32 $0xFFFFC000  }
0x4b: {  	[tilespmem:s24], [sflag:$0x2] =	stream.indirect.gather [hbm4b:s4+s21], $0x80, s31, s21, $0xb8;
	[tilespmem:$0x1E0C0] =	vst v63  }
0x4c: {  	s31 =	simm.s32 $0x1400  }
0x4d: {  	[spmem:s1] =	stream.indirect.scatter.add.f32 [tilespmem:s22], [sflag:$0x3], $0x80, s31, s21, $0xb8;
	[tilespmem:$0x1E0C0] =	vst v63  }
0x4e: {  	_ =	swait.ge [sflag:s19], $0x4000  }
0x4f: {  	[sflag:s19] =	ssyncset.done $0x0  }
0x50: {  	[sflag:s19] =	ssyncadd.s32 $0xFFFFC000  }
0x51: {  	_ =	swait.ge [sflag:s25], $0x4000  }
0x52: {  	[sflag:s25] =	ssyncset.done $0x0  }
0x53: {  	s31 =	simm.s32 $0x100;
	[sflag:s25] =	ssyncadd.s32 $0xFFFFC000  }
0x54: {  	[tilespmem:s22], [sflag:$0x1] =	stream.indirect.gather [hbm4b:s4+s21], $0x80, s31, s21, $0xb8;
	[tilespmem:$0x1E0C0] =	vst v63  }
0x55: {  	s31 =	simm.s32 $0x1480  }
0x56: {  	[spmem:s1] =	stream.indirect.scatter.add.f32 [tilespmem:s24], [sflag:$0x3], $0x80, s31, s21, $0xb8;
	[tilespmem:$0x1E0C0] =	vst v63  }
0x57: {  	_ =	swait.ge [sflag:s19], $0x4000  }
0x58: {  	s31 =	simm.s32 $0x400;
	[sflag:s19] =	ssyncset.done $0x0  }
.LBB2_3:
0x59: {  	p2 =	sne.s32 s31, $0x4800  }
0x5a: {  	[sflag:s19] =	ssyncadd.s32 $0xFFFFC000;
	s0 =	smov.u32 s31;
	s31 =	sadd.s32 $0x400, s31  }
0x5b: {  	_ = 	snop  }
0x5c: {  	_ =	swait.ge [sflag:s23], $0x4000  }
0x5d: {  	s0 =	sshra.s32 s0, $0x2;
	[sflag:s23] =	ssyncset.done $0x0  }
0x5e: {  	s3 =	sadd.s32 $0x80, s0;
	[sflag:s23] =	ssyncadd.s32 $0xFFFFC000  }
0x5f: {  	[tilespmem:s24], [sflag:$0x2] =	stream.indirect.gather [hbm4b:s4+s21], $0x80, s3, s21, $0xb8;
	[tilespmem:$0x1E0C0] =	vst v63  }
0x60: {  	s3 =	sadd.s32 $0x1400, s0  }
0x61: {  	[spmem:s1] =	stream.indirect.scatter.add.f32 [tilespmem:s22], [sflag:$0x3], $0x80, s3, s21, $0xb8;
	[tilespmem:$0x1E0C0] =	vst v63  }
0x62: {  	_ =	swait.ge [sflag:s19], $0x4000  }
0x63: {  	[sflag:s19] =	ssyncset.done $0x0  }
0x64: {  	[sflag:s19] =	ssyncadd.s32 $0xFFFFC000  }
0x65: {  	_ =	swait.ge [sflag:s25], $0x4000  }
0x66: {  	[sflag:s25] =	ssyncset.done $0x0  }
0x67: {  	s3 =	sadd.s32 $0x100, s0;
	[sflag:s25] =	ssyncadd.s32 $0xFFFFC000  }
0x68: {  	[tilespmem:s22], [sflag:$0x1] =	stream.indirect.gather [hbm4b:s4+s21], $0x80, s3, s21, $0xb8;
	[tilespmem:$0x1E0C0] =	vst v63  }
.Ltmp3:
0x69: {  	_ = 	snop;
	(pc) =	sbr.rel @p2 .LBB2_3-.Ltmp3, $4  }
0x6a: {  	s0 =	sadd.s32 $0x1480, s0  }
0x6b: {  	[spmem:s1] =	stream.indirect.scatter.add.f32 [tilespmem:s24], [sflag:$0x3], $0x80, s0, s21, $0xb8;
	[tilespmem:$0x1E0C0] =	vst v63  }
0x6c: {  	_ =	swait.ge [sflag:s19], $0x4000  }
0x6d: {  	[sflag:s19] =	ssyncset.done $0x0  }
0x6e: {  	[sflag:s19] =	ssyncadd.s32 $0xFFFFC000  }
0x6f: {  	_ =	swait.ge [sflag:s23], $0x4000  }
0x70: {  	[sflag:s23] =	ssyncset.done $0x0  }
0x71: {  	[sflag:s23] =	ssyncadd.s32 $0xFFFFC000  }
0x72: {  	[tilespmem:s24], [sflag:$0x2] =	stream.indirect.gather [hbm4b:s4+s21], $0x80, s26, s21, $0xb8;
	[tilespmem:$0x1E0C0] =	vst v63  }
0x73: {  	_ = 	snop  }
0x74: {  	[spmem:s1] =	stream.indirect.scatter.add.f32 [tilespmem:s22], [sflag:$0x3], $0x80, s28, s21, $0xb8;
	[tilespmem:$0x1E0C0] =	vst v63  }
0x75: {  	_ =	swait.ge [sflag:s19], $0x4000  }
0x76: {  	[sflag:s19] =	ssyncset.done $0x0  }
0x77: {  	[sflag:s19] =	ssyncadd.s32 $0xFFFFC000  }
0x78: {  	_ =	swait.ge [sflag:s25], $0x4000  }
0x79: {  	[sflag:s25] =	ssyncset.done $0x0  }
0x7a: {  	[sflag:s25] =	ssyncadd.s32 $0xFFFFC000  }
0x7b: {  	[spmem:s1] =	stream.indirect.scatter.add.f32 [tilespmem:s24], [sflag:$0x3], $0x80, s29, s21, $0xb8;
	[tilespmem:$0x1E0C0] =	vst v63  }
0x7c: {  	_ =	swait.ge [sflag:s19], $0x4000  }
0x7d: {  	[sflag:s19] =	ssyncset.done $0x0  }
0x7e: {  	s0 =	simm.s32 $0x0;
	[sflag:s19] =	ssyncadd.s32 $0xFFFFC000  }
0x7f: {  	[tilespmem:s0], [sflag:$0x3] =	stream.linear.gather [hbm4b:s9+s0], $0x1400, $0x38;
	[tilespmem:$0x1E0C0] =	vst v63  }
0x80: {  	_ =	swait.ge [sflag:s19], $0x1400  }
0x81: {  	[sflag:s19] =	ssyncset.done $0x0  }
0x82: {  	[sflag:s19] =	ssyncadd.s32 $0xFFFFEC00  }
0x83: {  	[tilespmem:s20], [sflag:$0x3] =	stream.linear.gather [hbm4b:s10+s0], $0x1400, $0x38;
	[tilespmem:$0x1E0C0] =	vst v63  }
0x84: {  	_ =	swait.ge [sflag:s19], $0x1400  }
0x85: {  	[sflag:s19] =	ssyncset.done $0x0  }
0x86: {  	[sflag:s19] =	ssyncadd.s32 $0xFFFFEC00  }
0x87: {  	[tilespmem:s22], [sflag:$0x1] =	stream.indirect.gather [hbm4b:s4+s21], $0x80, s0, s21, $0xb8;
	[tilespmem:$0x1E0C0] =	vst v63  }
0x88: {  	_ =	swait.ge [sflag:s23], $0x4000  }
0x89: {  	[sflag:s23] =	ssyncset.done $0x0  }
0x8a: {  	s3 =	simm.s32 $0x80;
	[sflag:s23] =	ssyncadd.s32 $0xFFFFC000  }
0x8b: {  	[tilespmem:s24], [sflag:$0x2] =	stream.indirect.gather [hbm4b:s4+s21], $0x80, s3, s21, $0xb8;
	[tilespmem:$0x1E0C0] =	vst v63  }
0x8c: {  	s3 =	simm.s32 $0x1400  }
0x8d: {  	[spmem:s1] =	stream.indirect.scatter.add.f32 [tilespmem:s22], [sflag:$0x3], $0x80, s3, s21, $0xb8;
	[tilespmem:$0x1E0C0] =	vst v63  }
0x8e: {  	_ =	swait.ge [sflag:s19], $0x4000  }
0x8f: {  	[sflag:s19] =	ssyncset.done $0x0  }
0x90: {  	[sflag:s19] =	ssyncadd.s32 $0xFFFFC000  }
0x91: {  	_ =	swait.ge [sflag:s25], $0x4000  }
0x92: {  	[sflag:s25] =	ssyncset.done $0x0  }
0x93: {  	s3 =	simm.s32 $0x100;
	[sflag:s25] =	ssyncadd.s32 $0xFFFFC000  }
0x94: {  	[tilespmem:s22], [sflag:$0x1] =	stream.indirect.gather [hbm4b:s4+s21], $0x80, s3, s21, $0xb8;
	[tilespmem:$0x1E0C0] =	vst v63  }
0x95: {  	s3 =	simm.s32 $0x1480  }
0x96: {  	[spmem:s1] =	stream.indirect.scatter.add.f32 [tilespmem:s24], [sflag:$0x3], $0x80, s3, s21, $0xb8;
	[tilespmem:$0x1E0C0] =	vst v63  }
0x97: {  	_ =	swait.ge [sflag:s19], $0x4000  }
0x98: {  	s31 =	simm.s32 $0x400;
	[sflag:s19] =	ssyncset.done $0x0  }
.LBB2_5:
0x99: {  	p2 =	sne.s32 s31, $0x4800  }
0x9a: {  	[sflag:s19] =	ssyncadd.s32 $0xFFFFC000;
	s0 =	smov.u32 s31;
	s31 =	sadd.s32 $0x400, s31  }
0x9b: {  	_ = 	snop  }
0x9c: {  	_ =	swait.ge [sflag:s23], $0x4000  }
0x9d: {  	s0 =	sshra.s32 s0, $0x2;
	[sflag:s23] =	ssyncset.done $0x0  }
0x9e: {  	s3 =	sadd.s32 $0x80, s0;
	[sflag:s23] =	ssyncadd.s32 $0xFFFFC000  }
0x9f: {  	[tilespmem:s24], [sflag:$0x2] =	stream.indirect.gather [hbm4b:s4+s21], $0x80, s3, s21, $0xb8;
	[tilespmem:$0x1E0C0] =	vst v63  }
0xa0: {  	s3 =	sadd.s32 $0x1400, s0  }
0xa1: {  	[spmem:s1] =	stream.indirect.scatter.add.f32 [tilespmem:s22], [sflag:$0x3], $0x80, s3, s21, $0xb8;
	[tilespmem:$0x1E0C0] =	vst v63  }
0xa2: {  	_ =	swait.ge [sflag:s19], $0x4000  }
0xa3: {  	[sflag:s19] =	ssyncset.done $0x0  }
0xa4: {  	[sflag:s19] =	ssyncadd.s32 $0xFFFFC000  }
0xa5: {  	_ =	swait.ge [sflag:s25], $0x4000  }
0xa6: {  	[sflag:s25] =	ssyncset.done $0x0  }
0xa7: {  	s3 =	sadd.s32 $0x100, s0;
	[sflag:s25] =	ssyncadd.s32 $0xFFFFC000  }
0xa8: {  	[tilespmem:s22], [sflag:$0x1] =	stream.indirect.gather [hbm4b:s4+s21], $0x80, s3, s21, $0xb8;
	[tilespmem:$0x1E0C0] =	vst v63  }
.Ltmp4:
0xa9: {  	_ = 	snop;
	(pc) =	sbr.rel @p2 .LBB2_5-.Ltmp4, $4  }
0xaa: {  	s0 =	sadd.s32 $0x1480, s0  }
0xab: {  	[spmem:s1] =	stream.indirect.scatter.add.f32 [tilespmem:s24], [sflag:$0x3], $0x80, s0, s21, $0xb8;
	[tilespmem:$0x1E0C0] =	vst v63  }
0xac: {  	_ =	swait.ge [sflag:s19], $0x4000  }
0xad: {  	[sflag:s19] =	ssyncset.done $0x0  }
0xae: {  	[sflag:s19] =	ssyncadd.s32 $0xFFFFC000  }
0xaf: {  	_ =	swait.ge [sflag:s23], $0x4000  }
0xb0: {  	[sflag:s23] =	ssyncset.done $0x0  }
0xb1: {  	[sflag:s23] =	ssyncadd.s32 $0xFFFFC000  }
0xb2: {  	[tilespmem:s24], [sflag:$0x2] =	stream.indirect.gather [hbm4b:s4+s21], $0x80, s26, s21, $0xb8;
	[tilespmem:$0x1E0C0] =	vst v63  }
0xb3: {  	_ = 	snop  }
0xb4: {  	[spmem:s1] =	stream.indirect.scatter.add.f32 [tilespmem:s22], [sflag:$0x3], $0x80, s28, s21, $0xb8;
	[tilespmem:$0x1E0C0] =	vst v63  }
0xb5: {  	_ =	swait.ge [sflag:s19], $0x4000  }
0xb6: {  	[sflag:s19] =	ssyncset.done $0x0  }
0xb7: {  	[sflag:s19] =	ssyncadd.s32 $0xFFFFC000  }
0xb8: {  	_ =	swait.ge [sflag:s25], $0x4000  }
0xb9: {  	[sflag:s25] =	ssyncset.done $0x0  }
0xba: {  	[sflag:s25] =	ssyncadd.s32 $0xFFFFC000  }
0xbb: {  	[spmem:s1] =	stream.indirect.scatter.add.f32 [tilespmem:s24], [sflag:$0x3], $0x80, s29, s21, $0xb8;
	[tilespmem:$0x1E0C0] =	vst v63  }
0xbc: {  	_ =	swait.ge [sflag:s19], $0x4000  }
0xbd: {  	[sflag:s19] =	ssyncset.done $0x0  }
0xbe: {  	[sflag:s19] =	ssyncadd.s32 $0xFFFFC000  }
0xbf: {  	s0 =	simm.s32 @p0 $0x1FC3;
	[bflag:$0x0] =	sbarrier.arrive $0xFFFF  }
0xc0: {  	[hbm:s14], [sflag:s0] =	dma.local @p0 [spmem:s16], $0x2800  }
0xc1: {  	s0 =	simm.s32 @p0 $0x3  }
0xc2: {  	_ =	swait.ge @p0 [sflag:s0], $0x2800  }
0xc3: {  	[sflag:s0] =	ssyncset.done @p0 $0x0  }
.Ltmp5:
0xc4: {  	[sflag:s0] =	ssyncadd.s32 @p0 $0xFFFFD800;
	s0 =	simm.s32 @!p0 $0x3;
	(pc) =	sbr.rel .LBB2_12-.Ltmp5, $4  }
0xc5: {  	[hbm:s13], [sflag:s17] =	dma.local @!p0 [spmem:s18], $0x2700  }
0xc6: {  	_ =	swait.ge @!p0 [sflag:s0], $0x2700  }
0xc7: {  	[sflag:s0] =	ssyncset.done @!p0 $0x0  }
0xc8: {  	[sflag:s0] =	ssyncadd.s32 @!p0 $0xFFFFD900  }
.LBB2_7:
0xc9: {  	s0 =	simm.s32 $0x0  }
0xca: {  	[tilespmem:s22], [sflag:$0x1] =	stream.indirect.gather [hbm4b:s5+s21], $0x80, s0, s21, $0xb8;
	[tilespmem:$0x1E0C0] =	vst v63  }
0xcb: {  	_ =	swait.ge [sflag:s23], $0x4000  }
0xcc: {  	[sflag:s23] =	ssyncset.done $0x0  }
0xcd: {  	s3 =	simm.s32 $0x80;
	[sflag:s23] =	ssyncadd.s32 $0xFFFFC000  }
0xce: {  	[tilespmem:s24], [sflag:$0x2] =	stream.indirect.gather [hbm4b:s5+s21], $0x80, s3, s21, $0xb8;
	[tilespmem:$0x1E0C0] =	vst v63  }
0xcf: {  	s3 =	simm.s32 $0x1400  }
0xd0: {  	[spmem:s1] =	stream.indirect.scatter.add.f32 [tilespmem:s22], [sflag:$0x3], $0x80, s3, s21, $0xb8;
	[tilespmem:$0x1E0C0] =	vst v63  }
0xd1: {  	_ =	swait.ge [sflag:s19], $0x4000  }
0xd2: {  	[sflag:s19] =	ssyncset.done $0x0  }
0xd3: {  	[sflag:s19] =	ssyncadd.s32 $0xFFFFC000  }
0xd4: {  	_ =	swait.ge [sflag:s25], $0x4000  }
0xd5: {  	[sflag:s25] =	ssyncset.done $0x0  }
0xd6: {  	s3 =	simm.s32 $0x100;
	[sflag:s25] =	ssyncadd.s32 $0xFFFFC000  }
0xd7: {  	[tilespmem:s22], [sflag:$0x1] =	stream.indirect.gather [hbm4b:s5+s21], $0x80, s3, s21, $0xb8;
	[tilespmem:$0x1E0C0] =	vst v63  }
0xd8: {  	s3 =	simm.s32 $0x1480  }
0xd9: {  	[spmem:s1] =	stream.indirect.scatter.add.f32 [tilespmem:s24], [sflag:$0x3], $0x80, s3, s21, $0xb8;
	[tilespmem:$0x1E0C0] =	vst v63  }
0xda: {  	_ =	swait.ge [sflag:s19], $0x4000  }
0xdb: {  	s31 =	simm.s32 $0x400;
	[sflag:s19] =	ssyncset.done $0x0  }
.LBB2_8:
0xdc: {  	p2 =	sne.s32 s31, $0x4800  }
0xdd: {  	[sflag:s19] =	ssyncadd.s32 $0xFFFFC000;
	s0 =	smov.u32 s31;
	s31 =	sadd.s32 $0x400, s31  }
0xde: {  	_ = 	snop  }
0xdf: {  	_ =	swait.ge [sflag:s23], $0x4000  }
0xe0: {  	s0 =	sshra.s32 s0, $0x2;
	[sflag:s23] =	ssyncset.done $0x0  }
0xe1: {  	s3 =	sadd.s32 $0x80, s0;
	[sflag:s23] =	ssyncadd.s32 $0xFFFFC000  }
0xe2: {  	[tilespmem:s24], [sflag:$0x2] =	stream.indirect.gather [hbm4b:s5+s21], $0x80, s3, s21, $0xb8;
	[tilespmem:$0x1E0C0] =	vst v63  }
0xe3: {  	s3 =	sadd.s32 $0x1400, s0  }
0xe4: {  	[spmem:s1] =	stream.indirect.scatter.add.f32 [tilespmem:s22], [sflag:$0x3], $0x80, s3, s21, $0xb8;
	[tilespmem:$0x1E0C0] =	vst v63  }
0xe5: {  	_ =	swait.ge [sflag:s19], $0x4000  }
0xe6: {  	[sflag:s19] =	ssyncset.done $0x0  }
0xe7: {  	[sflag:s19] =	ssyncadd.s32 $0xFFFFC000  }
0xe8: {  	_ =	swait.ge [sflag:s25], $0x4000  }
0xe9: {  	[sflag:s25] =	ssyncset.done $0x0  }
0xea: {  	s3 =	sadd.s32 $0x100, s0;
	[sflag:s25] =	ssyncadd.s32 $0xFFFFC000  }
0xeb: {  	[tilespmem:s22], [sflag:$0x1] =	stream.indirect.gather [hbm4b:s5+s21], $0x80, s3, s21, $0xb8;
	[tilespmem:$0x1E0C0] =	vst v63  }
.Ltmp6:
0xec: {  	_ = 	snop;
	(pc) =	sbr.rel @p2 .LBB2_8-.Ltmp6, $4  }
0xed: {  	s0 =	sadd.s32 $0x1480, s0  }
0xee: {  	[spmem:s1] =	stream.indirect.scatter.add.f32 [tilespmem:s24], [sflag:$0x3], $0x80, s0, s21, $0xb8;
	[tilespmem:$0x1E0C0] =	vst v63  }
0xef: {  	_ =	swait.ge [sflag:s19], $0x4000  }
0xf0: {  	[sflag:s19] =	ssyncset.done $0x0  }
0xf1: {  	[sflag:s19] =	ssyncadd.s32 $0xFFFFC000  }
0xf2: {  	_ =	swait.ge [sflag:s23], $0x4000  }
0xf3: {  	[sflag:s23] =	ssyncset.done $0x0  }
0xf4: {  	[sflag:s23] =	ssyncadd.s32 $0xFFFFC000  }
0xf5: {  	[tilespmem:s24], [sflag:$0x2] =	stream.indirect.gather [hbm4b:s5+s21], $0x80, s26, s21, $0xb8;
	[tilespmem:$0x1E0C0] =	vst v63  }
0xf6: {  	_ = 	snop  }
0xf7: {  	[spmem:s1] =	stream.indirect.scatter.add.f32 [tilespmem:s22], [sflag:$0x3], $0x80, s28, s21, $0xb8;
	[tilespmem:$0x1E0C0] =	vst v63  }
0xf8: {  	_ =	swait.ge [sflag:s19], $0x4000  }
0xf9: {  	[sflag:s19] =	ssyncset.done $0x0  }
0xfa: {  	[sflag:s19] =	ssyncadd.s32 $0xFFFFC000  }
0xfb: {  	_ =	swait.ge [sflag:s25], $0x4000  }
0xfc: {  	[sflag:s25] =	ssyncset.done $0x0  }
0xfd: {  	[sflag:s25] =	ssyncadd.s32 $0xFFFFC000  }
0xfe: {  	[spmem:s1] =	stream.indirect.scatter.add.f32 [tilespmem:s24], [sflag:$0x3], $0x80, s29, s21, $0xb8;
	[tilespmem:$0x1E0C0] =	vst v63  }
0xff: {  	_ =	swait.ge [sflag:s19], $0x4000  }
0x100: {  	[sflag:s19] =	ssyncset.done $0x0  }
0x101: {  	s0 =	simm.s32 $0x0;
	[sflag:s19] =	ssyncadd.s32 $0xFFFFC000  }
0x102: {  	[tilespmem:s0], [sflag:$0x3] =	stream.linear.gather [hbm4b:s9+s0], $0x1400, $0x38;
	[tilespmem:$0x1E0C0] =	vst v63  }
0x103: {  	_ =	swait.ge [sflag:s19], $0x1400  }
0x104: {  	[sflag:s19] =	ssyncset.done $0x0  }
0x105: {  	[sflag:s19] =	ssyncadd.s32 $0xFFFFEC00  }
0x106: {  	[tilespmem:s20], [sflag:$0x3] =	stream.linear.gather [hbm4b:s10+s0], $0x1400, $0x38;
	[tilespmem:$0x1E0C0] =	vst v63  }
0x107: {  	_ =	swait.ge [sflag:s19], $0x1400  }
0x108: {  	[sflag:s19] =	ssyncset.done $0x0  }
0x109: {  	[sflag:s19] =	ssyncadd.s32 $0xFFFFEC00  }
0x10a: {  	[tilespmem:s22], [sflag:$0x1] =	stream.indirect.gather [hbm4b:s5+s21], $0x80, s0, s21, $0xb8;
	[tilespmem:$0x1E0C0] =	vst v63  }
0x10b: {  	_ =	swait.ge [sflag:s23], $0x4000  }
0x10c: {  	[sflag:s23] =	ssyncset.done $0x0  }
0x10d: {  	s3 =	simm.s32 $0x80;
	[sflag:s23] =	ssyncadd.s32 $0xFFFFC000  }
0x10e: {  	[tilespmem:s24], [sflag:$0x2] =	stream.indirect.gather [hbm4b:s5+s21], $0x80, s3, s21, $0xb8;
	[tilespmem:$0x1E0C0] =	vst v63  }
0x10f: {  	s3 =	simm.s32 $0x1400  }
0x110: {  	[spmem:s1] =	stream.indirect.scatter.add.f32 [tilespmem:s22], [sflag:$0x3], $0x80, s3, s21, $0xb8;
	[tilespmem:$0x1E0C0] =	vst v63  }
0x111: {  	_ =	swait.ge [sflag:s19], $0x4000  }
0x112: {  	[sflag:s19] =	ssyncset.done $0x0  }
0x113: {  	[sflag:s19] =	ssyncadd.s32 $0xFFFFC000  }
0x114: {  	_ =	swait.ge [sflag:s25], $0x4000  }
0x115: {  	[sflag:s25] =	ssyncset.done $0x0  }
0x116: {  	s3 =	simm.s32 $0x100;
	[sflag:s25] =	ssyncadd.s32 $0xFFFFC000  }
0x117: {  	[tilespmem:s22], [sflag:$0x1] =	stream.indirect.gather [hbm4b:s5+s21], $0x80, s3, s21, $0xb8;
	[tilespmem:$0x1E0C0] =	vst v63  }
0x118: {  	s3 =	simm.s32 $0x1480  }
0x119: {  	[spmem:s1] =	stream.indirect.scatter.add.f32 [tilespmem:s24], [sflag:$0x3], $0x80, s3, s21, $0xb8;
	[tilespmem:$0x1E0C0] =	vst v63  }
0x11a: {  	_ =	swait.ge [sflag:s19], $0x4000  }
0x11b: {  	s31 =	simm.s32 $0x400;
	[sflag:s19] =	ssyncset.done $0x0  }
.LBB2_10:
0x11c: {  	p2 =	sne.s32 s31, $0x4800  }
0x11d: {  	[sflag:s19] =	ssyncadd.s32 $0xFFFFC000;
	s0 =	smov.u32 s31;
	s31 =	sadd.s32 $0x400, s31  }
0x11e: {  	_ = 	snop  }
0x11f: {  	_ =	swait.ge [sflag:s23], $0x4000  }
0x120: {  	s0 =	sshra.s32 s0, $0x2;
	[sflag:s23] =	ssyncset.done $0x0  }
0x121: {  	s3 =	sadd.s32 $0x80, s0;
	[sflag:s23] =	ssyncadd.s32 $0xFFFFC000  }
0x122: {  	[tilespmem:s24], [sflag:$0x2] =	stream.indirect.gather [hbm4b:s5+s21], $0x80, s3, s21, $0xb8;
	[tilespmem:$0x1E0C0] =	vst v63  }
0x123: {  	s3 =	sadd.s32 $0x1400, s0  }
0x124: {  	[spmem:s1] =	stream.indirect.scatter.add.f32 [tilespmem:s22], [sflag:$0x3], $0x80, s3, s21, $0xb8;
	[tilespmem:$0x1E0C0] =	vst v63  }
0x125: {  	_ =	swait.ge [sflag:s19], $0x4000  }
0x126: {  	[sflag:s19] =	ssyncset.done $0x0  }
0x127: {  	[sflag:s19] =	ssyncadd.s32 $0xFFFFC000  }
0x128: {  	_ =	swait.ge [sflag:s25], $0x4000  }
0x129: {  	[sflag:s25] =	ssyncset.done $0x0  }
0x12a: {  	s3 =	sadd.s32 $0x100, s0;
	[sflag:s25] =	ssyncadd.s32 $0xFFFFC000  }
0x12b: {  	[tilespmem:s22], [sflag:$0x1] =	stream.indirect.gather [hbm4b:s5+s21], $0x80, s3, s21, $0xb8;
	[tilespmem:$0x1E0C0] =	vst v63  }
.Ltmp7:
0x12c: {  	_ = 	snop;
	(pc) =	sbr.rel @p2 .LBB2_10-.Ltmp7, $4  }
0x12d: {  	s0 =	sadd.s32 $0x1480, s0  }
0x12e: {  	[spmem:s1] =	stream.indirect.scatter.add.f32 [tilespmem:s24], [sflag:$0x3], $0x80, s0, s21, $0xb8;
	[tilespmem:$0x1E0C0] =	vst v63  }
0x12f: {  	_ =	swait.ge [sflag:s19], $0x4000  }
0x130: {  	[sflag:s19] =	ssyncset.done $0x0  }
.Ltmp8:
0x131: {  	_ = 	snop;
	(pc) =	sbr.rel .LBB2_11-.Ltmp8, $1  }
0x132: {  	_ =	sdelay $0x3  }
.LBB2_13:
0x133: {  	_ =	sfence.sel $0x180000  }
0x134: {  	[bflag:$0x0] =	sbarrier.arrive $0xFFFF  }
0x135: {  	_ =	strace $0x9000004A  }
0x136: {  	s0 =	stileid.u32;
	[bflag:$0x2] =	sbarrier.arrive $0xFFFF  }
0x137: {  	p0 =	sne.s32 s0, $0x0;
	s0 =	rddreg [dreg:$0x2]  }
0x138: {  	s0 =	sadd.s32 @!p0 $0x100000, s0  }
0x139: {  	[sflag:s0] =	ssyncadd.tile.s32 @!p0 $0x1;
	_ =	shalt  }
.Lfunc_end2:
_tile_overlayer_lowered:
.L_overlay_start_2:
0x13a: {  	(tag) =	ssettag $0x2  }
0x13b: {  	s0 =	rddreg [dreg:$0x0];
	s2 =	stileid.u32  }
0x13c: {  	s1 =	rddreg [dreg:$0x1];
	p0 =	sne.s32 s2, $0x0  }
0x13d: {  	s3 =	rddreg [dreg:$0x2];
	[bflag:$0x3] =	sbarrier.arrive $0xFFFF;
	s2 =	simm.s32 @!p0 $0x1C03  }
0x13e: {  	[timem:s3], [sflag:s2] =	dma.local @!p0 [hbm:s0], s1  }
0x13f: {  	s0 =	simm.s32 @!p0 $0x3  }
0x140: {  	_ =	swait.ge @!p0 [sflag:s0], s1  }
0x141: {  	s1 =	ssub.s32 @!p0 $0x0, s1;
	[sflag:s0] =	ssyncset.done @!p0 $0x0  }
0x142: {  	[sflag:s0] =	ssyncadd.s32 @!p0 s1  }
0x143: {  	[bflag:$0x3] =	sbarrier.arrive $0xFFFF  }
0x144: {  	_ =	shalt  }

// kernel: kernel.15.cloned.1.call-start
scs
__scs_entry_jumppad:
0x0: {  	(pc) =	sbr.rel $0x88, $3  }
0x1: {  	(tag) =	ssettag $0x0;
	lr =	simm.s32 $0x1  }
0x2: {  	[smem:$0x3F93] =	sst lr;
	_ =	strace $0xD0000000  }
0x3: {  	_ = 	snop  }
0x4: {  	_ = 	snop  }
0x5: {  	_ = 	snop  }
0x6: {  	_ = 	snop  }
0x7: {  	_ = 	snop  }
__scs_overlays_trampoline_lowered:
0x8: {  	[smem:$0x3FA2] =	sst s0  }
0x9: {  	[smem:$0x3FA3] =	sst s1  }
0xa: {  	[smem:$0x3FA4] =	sst s2  }
0xb: {  	[smem:$0x3FA5] =	sst s3  }
0xc: {  	[smem:$0x3FA6] =	sst s4  }
0xd: {  	[smem:$0x3FA7] =	sst s5  }
0xe: {  	[smem:$0x3FA8] =	sst s6  }
0xf: {  	[smem:$0x3FA9] =	sst s7  }
0x10: {  	[smem:$0x3FAA] =	sst s8  }
0x11: {  	[smem:$0x3FAB] =	sst s9;
	s0 =	simm.s32 @!p0 $0x0  }
0x12: {  	s1 =	sld [smem:$0x3F91];
	s0 =	simm.s32 @p0 $0x1  }
0x13: {  	[smem:$0x3FAC] =	sst s0;
	s0 =	simm.s32 @!p1 $0x0  }
0x14: {  	s2 =	sld [smem:$0x3F90];
	s0 =	simm.s32 @p1 $0x1  }
0x15: {  	[smem:$0x3FAD] =	sst s0;
	s0 =	simm.s32 @!p2 $0x0  }
0x16: {  	s3 =	sld [smem:$0x3FDB];
	s0 =	simm.s32 @p2 $0x1  }
0x17: {  	s4 =	simm.s32 $0x1BF5;
	[smem:$0x3FAF] =	sst s0  }
0x18: {  	s0 =	sld [smem:$0x3F92];
	_ =	swait.ge [sflag:s4], $0x0  }
0x19: {  	s7 =	sld [smem:$0x3F93]  }
0x1a: {  	s8 =	sadd.s32 $0xFFFFE003, lr  }
0x1b: {  	s9 =	sadd.s32 $0xFFFFFEF7, lr;
	s5 =	simm.s32 $0xFFFFFFFF;
	p2 =	slt.u32 s8, $0xFFFFF086  }
0x1c: {  	p1 =	slt.u32 s9, $0xF7A;
	s5 =	simm.s32 @!p2 $0x0  }
0x1d: {  	s5 =	simm.s32 @p1 $0x1;
	p0 =	seq.s32 s7, s2  }
0x1e: {  	s7 =	smul.u32 @!p0 $0xF7A, s2;
	p2 =	seq.s32 @!p0 s5, $0x0  }
0x1f: {  	s9 =	smul.u32 $0xF7A, s1;
	s8 =	simm.s32 @!p0 $0x1BF5;
	p2 =	por !p2, p0  }
0x20: {  	[sflag:s8] =	ssyncset.s32 @!p0 $0xFFFFF086;
	s6 =	sadd.s32 @!p0 s3, s7;
	s7 =	simm.s32 @!p0 $0x108  }
0x21: {  	s3 =	sadd.s32 s3, s9;
	s6 =	sadd.s32 @!p0 $0x88, s6;
	s7 =	simm.s32 @p2 $0x1082  }
0x22: {  	[simem:s7], [sflag:s8] =	dma.local @!p0 [hbm:s6], $0xF7A  }
0x23: {  	s9 =	sor.u32 $0xD0000000, s2;
	s6 =	simm.s32 $0x108;
	_ =	swait.ge @!p0 [sflag:s8], $0x0  }
0x24: {  	s3 =	sadd.s32 $0x88, s3;
	s6 =	simm.s32 @!p1 $0x1082;
	[sflag:s4] =	ssyncset.s32 $0xFFFFF086  }
0x25: {  	[simem:s6], [sflag:s4] =	dma.local [hbm:s3], $0xF7A  }
0x26: {  	[smem:$0x3F93] =	sst s1;
	(tag) =	ssettag s2;
	_ =	strace s9  }
0x27: {  	s1 =	sld [smem:$0x3FA3]  }
0x28: {  	s2 =	sld [smem:$0x3FA4]  }
0x29: {  	s4 =	sld [smem:$0x3FA6]  }
0x2a: {  	p0 =	seq.s32 s5, $0x0;
	s5 =	sld [smem:$0x3FA7]  }
0x2b: {  	s6 =	sld [smem:$0x3FA8]  }
0x2c: {  	s7 =	sld [smem:$0x3FA9]  }
0x2d: {  	s3 =	simm.s32 $0x108;
	s8 =	sld [smem:$0x3FAA]  }
0x2e: {  	s3 =	simm.s32 @!p0 $0x1082;
	s9 =	sld [smem:$0x3FAB]  }
0x2f: {  	lr =	sadd.s32 s0, s3;
	s0 =	sld [smem:$0x3FA2]  }
0x30: {  	s3 =	sld [smem:$0x3FA5]  }
0x31: {  	[smem:$0x3FAE] =	sst s10  }
0x32: {  	s10 =	sld [smem:$0x3FAC];
	_ =	sdelay $0x3  }
0x33: {  	p0 =	seq.s32 s10, $0x1;
	s10 =	sld [smem:$0x3FAE];
	_ =	sdelay $0x3  }
0x34: {  	[smem:$0x3FAE] =	sst s10  }
0x35: {  	s10 =	sld [smem:$0x3FAD];
	_ =	sdelay $0x3  }
0x36: {  	p1 =	seq.s32 s10, $0x1;
	s10 =	sld [smem:$0x3FAE];
	_ =	sdelay $0x3  }
0x37: {  	[smem:$0x3FAE] =	sst s10  }
0x38: {  	s10 =	sld [smem:$0x3FAF]  }
0x39: {  	_ = 	snop;
	(pc) =	sbr.ind lr, $3  }
0x3a: {  	_ = 	snop  }
0x3b: {  	_ = 	snop  }
0x3c: {  	p2 =	seq.s32 s10, $0x1;
	s10 =	sld [smem:$0x3FAE]  }
0x3d: {  	_ =	shalt  }
0x3e: {  	_ =	shalt  }
0x3f: {  	_ =	shalt  }
0x40: {  	_ =	shalt  }
0x41: {  	_ =	shalt  }
0x42: {  	_ =	shalt  }
0x43: {  	_ =	shalt  }
0x44: {  	_ =	shalt  }
0x45: {  	_ =	shalt  }
0x46: {  	_ =	shalt  }
0x47: {  	_ =	shalt  }
0x48: {  	_ =	shalt  }
0x49: {  	_ =	shalt  }
0x4a: {  	_ =	shalt  }
0x4b: {  	_ =	shalt  }
0x4c: {  	_ =	shalt  }
0x4d: {  	_ =	shalt  }
0x4e: {  	_ =	shalt  }
0x4f: {  	_ =	shalt  }
0x50: {  	_ =	shalt  }
0x51: {  	_ =	shalt  }
0x52: {  	_ =	shalt  }
0x53: {  	_ =	shalt  }
0x54: {  	_ =	shalt  }
0x55: {  	_ =	shalt  }
0x56: {  	_ =	shalt  }
0x57: {  	_ =	shalt  }
0x58: {  	_ =	shalt  }
0x59: {  	_ =	shalt  }
0x5a: {  	_ =	shalt  }
0x5b: {  	_ =	shalt  }
0x5c: {  	_ =	shalt  }
0x5d: {  	_ =	shalt  }
0x5e: {  	_ =	shalt  }
0x5f: {  	_ =	shalt  }
0x60: {  	_ =	shalt  }
0x61: {  	_ =	shalt  }
0x62: {  	_ =	shalt  }
0x63: {  	_ =	shalt  }
0x64: {  	_ =	shalt  }
0x65: {  	_ =	shalt  }
0x66: {  	_ =	shalt  }
0x67: {  	_ =	shalt  }
0x68: {  	_ =	shalt  }
0x69: {  	_ =	shalt  }
0x6a: {  	_ =	shalt  }
0x6b: {  	_ =	shalt  }
0x6c: {  	_ =	shalt  }
0x6d: {  	_ =	shalt  }
0x6e: {  	_ =	shalt  }
0x6f: {  	_ =	shalt  }
0x70: {  	_ =	shalt  }
0x71: {  	_ =	shalt  }
0x72: {  	_ =	shalt  }
0x73: {  	_ =	shalt  }
0x74: {  	_ =	shalt  }
0x75: {  	_ =	shalt  }
0x76: {  	_ =	shalt  }
0x77: {  	_ =	shalt  }
0x78: {  	_ =	shalt  }
0x79: {  	_ =	shalt  }
0x7a: {  	_ =	shalt  }
0x7b: {  	_ =	shalt  }
0x7c: {  	_ =	shalt  }
0x7d: {  	_ =	shalt  }
0x7e: {  	_ =	shalt  }
0x7f: {  	_ =	shalt  }
0x80: {  	_ =	shalt  }
0x81: {  	_ =	shalt  }
0x82: {  	_ =	shalt  }
0x83: {  	_ =	shalt  }
0x84: {  	_ =	shalt  }
0x85: {  	_ =	shalt  }
0x86: {  	_ =	shalt  }
0x87: {  	_ =	shalt  }
.Lfunc_end0:
.L_simem_size_0:
called_computation.2_lowered:
.L_overlay_start_0:
0x88: {  	s2 =	sld [smem:$0x3FD9]  }
0x89: {  	s3 =	sld [smem:$0x3FFE];
	_ =	sdelay $0x1  }
0x8a: {  	s1 =	srdreg.scid  }
0x8b: {  	s0 =	sand.u32 $0x1, s1  }
0x8c: {  	s16 =	sshll.u32 s0, $0xA;
	s2 =	sadd.s32 s3, s2  }
0x8d: {  	s2 =	sadd.s32 s2, s16  }
0x8e: {  	[smem:$0x3FBA] =	sst s2  }
0x8f: {  	_ = 	snop  }
0x90: {  	(tm) =	ssettm $0x1  }
0x91: {  	s17 =	sld [smem:$0x3FFB];
	_ =	sdelay $0x3  }
0x92: {  	_ =	strace s17  }
0x93: {  	s2 =	sld [smem:$0x3FFC];
	_ =	sdelay $0x3  }
0x94: {  	_ =	strace s2  }
0x95: {  	s2 =	sld [smem:$0x3FFD];
	_ =	sdelay $0x3  }
0x96: {  	_ =	strace s2  }
0x97: {  	_ =	strace $0x8FFFFFFF  }
0x98: {  	s18 =	sld [smem:$0x3FDB];
	_ =	sdelay $0x1  }
0x99: {  	s19 =	simm.s32 $_scs_section_size  }
0x9a: {  	s4 =	simm.s32 $_size__tile_overlayer_lowered;
	s5 =	simm.s32 $_tile_overlayer_lowered  }
0x9b: {  	s22 =	simm.s32 $0x1BFF;
	s21 =	sshll.u32 s5, $0x1;
	s2 =	sadd.s32 s19, s18  }
0x9c: {  	s6 =	simm.s32 $0x0;
	s20 =	sshll.u32 s4, $0x1;
	s4 =	sadd.s32 s21, s2  }
0x9d: {  	[timem:s6], [sflag:s22] =	dma.local [hbm:s4], s20  }
0x9e: {  	_ =	swait.ge [sflag:s22], s20  }
0x9f: {  	s3 =	ssub.s32 $0x0, s20;
	[sflag:s22] =	ssyncset.done $0x0  }
0xa0: {  	[sflag:s22] =	ssyncadd.s32 s3;
	_ =	sdelay $0x1  }
0xa1: {  	s23 =	simm.s32 $0x1B8B  }
0xa2: {  	_ =	swait.ge [sflag:s23], $0x1  }
0xa3: {  	[sflag:s23] =	ssyncset.done $0x0  }
0xa4: {  	s25 =	simm.s32 $0x1B8E;
	s24 =	sld [smem:$0x3FFE];
	[sflag:s23] =	ssyncadd.s32 $0xFFFFFFFF  }
0xa5: {  	s26 =	simm.s32 $execute0_lowered;
	[smem:$0x3FD2] =	sst s25  }
0xa6: {  	s4 =	sshll.u32 s26, $0x1;
	_ =	strace $0x8000004C;
	[dreg:$0x1] =	wrdreg $0xFFFFFFFF  }
0xa7: {  	s28 =	simm.s32 $_size_execute0_lowered;
	s2 =	sadd.s32 s2, s4;
	[dreg:$0x0] =	wrdreg $0x0  }
0xa8: {  	s4 =	sshll.u32 s28, $0x1;
	[dreg:$0x2] =	wrdreg s2  }
0xa9: {  	[dreg:$0x3] =	wrdreg s4  }
0xaa: {  	[dreg:$0x4] =	wrdreg $0xC0  }
0xab: {  	_ =	task [dreg:s6], $0x5FFFF  }
0xac: {  	[dreg:$0x1] =	wrdreg $0xFFFFFFFF  }
0xad: {  	[dreg:$0x0] =	wrdreg $0x60  }
0xae: {  	[dreg:$0x2] =	wrdreg s24  }
0xaf: {  	[dreg:$0x3] =	wrdreg $0xA8000  }
0xb0: {  	[dreg:$0x4] =	wrdreg $0x9  }
0xb1: {  	_ =	task.clear_ibuf [dreg:s6], $0x5FFFF;
	_ =	strace $0x9000004C  }
0xb2: {  	s29 =	simm.s32 $0x9;
	_ =	strace $0x8000004E  }
0xb3: {  	_ =	swait.ge [sflag:s29], $0x1  }
0xb4: {  	[sflag:s29] =	ssyncadd.s32 $0xFFFFFFFF  }
0xb5: {  	_ =	strace $0x9000004E  }
0xb6: {  	_ =	sfence  }
0xb7: {  	s30 =	sld [smem:$0x0];
	_ =	sdelay $0x2  }
0xb8: {  	s31 =	sshll.u32 s1, $0xD;
	s1 =	sshrl.u32 s1, $0x2  }
0xb9: {  	s3 =	sand.u32 $0x4000, s31;
	s1 =	sadd.s32 s1, s30  }
0xba: {  	s0 =	sor.u32 s3, s0;
	s1 =	sshll.u32 s1, $0x11  }
0xbb: {  	s0 =	sor.u32 s1, s0  }
0xbc: {  	s0 =	sadd.s32 $0x8F2B, s0  }
0xbd: {  	[sflag:s0] =	ssyncadd.remote.s32 $0x1  }
0xbe: {  	_ =	sfence.sel $0xFFFF  }
0xbf: {  	[dreg:$0x0] =	wrdreg $0xFFFFFFFF;
	(pc) =	sbr.abs _section_cstart, $3  }
0xc0: {  	[dreg:$0x1] =	wrdreg $0xFFFFFFFF  }
0xc1: {  	_ =	task.clear_ibuf [dreg:s6], $0x2FFFF;
	_ =	strace $0x9FFFFFFF  }
0xc2: {  	(tm) =	ssettm $0x7FFFFFFF  }
0xc3: {  	_ =	shalt  }
tec
execute0_lowered:
.L_overlay_start_1:
0x0: {  	(tag) =	ssettag $0x1  }
0x1: {  	s14 =	rddreg [dreg:$0x0]  }
0x2: {  	s1 =	rddreg [dreg:$0x1]  }
0x3: {  	s2 =	simm.s32 $0x0;
	s0 =	stileid.u32;
	s6 =	srdreg.scid  }
0x4: {  	s20 =	simm.s32 $0x1400;
	s21 =	simm.s32 $0x80;
	s22 =	simm.s32 $0x2800  }
0x5: {  	s23 =	simm.s32 $0x1;
	s28 =	simm.s32 $0x2700;
	s29 =	simm.s32 $0x2780  }
0x6: {  	s30 =	simm.s32 $0x0;
	[smem:$0x7FF] =	sst s2;
	s4 =	sadd.s32 $0xF600, s14  }
0x7: {  	s5 =	sadd.s32 $0xAE600, s14;
	s9 =	sadd.s32 $0xA600, s14;
	s7 =	smul.u32 $0x2700, s0  }
0x8: {  	s10 =	sadd.s32 $0x5600, s14;
	s19 =	sand.u32 $0x1, s6;
	s11 =	smul.u32 $0x4E000, s0  }
0x9: {  	s6 =	sadd.s32 $0xABC00, s14;
	s12 =	smul.u32 $0x2800, s0;
	s16 =	sadd.s32 $0x124800, s1  }
0xa: {  	s26 =	smul.u32 $0x500, s0;
	p0 =	seq.s32 s0, $0xF;
	_ =	strace $0x8000004D  }
0xb: {  	s8 =	ssub.s32 $0x2, s19;
	s17 =	sshll.u32 @!p0 s0, $0x6;
	s16 =	sshrl.u32 @p0 s16, $0x3  }
0xc: {  	p1 =	sne.s32 s19, $0x0;
	s19 =	simm.s32 $0x3;
	s13 =	sadd.s32 s7, s14  }
0xd: {  	s24 =	sshrl.u32 s8, $0x1;
	s25 =	sshrl.u32 s11, $0x2;
	s31 =	sshrl.u32 s12, $0x3  }
0xe: {  	s7 =	sadd.s32 s9, s26;
	s12 =	sadd.s32 $0x121300, s14;
	s14 =	sadd.s32 $0xFA100, s14  }
.Ltmp0:
0xf: {  	s17 =	sor.u32 @!p0 $0x1C03, s17;
	s15 =	ssub.s32 s8, s24;
	(pc) =	sbr.rel .LBB2_1-.Ltmp0, $4  }
0x10: {  	s18 =	sadd.s32 s25, s1;
	s8 =	sadd.s32 s10, s26;
	s11 =	sadd.s32 $0x280, s31  }
0x11: {  	s24 =	simm.s32 $0x6800;
	s25 =	simm.s32 $0x2;
	s26 =	simm.s32 $0x1380  }
0x12: {  	s9 =	sadd.s32 s9, s11;
	s10 =	sadd.s32 s10, s11;
	s11 =	sadd.s32 $0xFCA00, s13  }
0x13: {  	s13 =	sadd.s32 $0xD5800, s13;
	s15 =	smax.u32 s15, $0x1;
	s18 =	sshrl.u32 @!p0 s18, $0x3  }
.LBB2_11:
0x14: {  	[sflag:s19] =	ssyncadd.s32 $0xFFFFC000  }
0x15: {  	_ =	swait.ge [sflag:s23], $0x4000  }
0x16: {  	[sflag:s23] =	ssyncset.done $0x0  }
0x17: {  	[sflag:s23] =	ssyncadd.s32 $0xFFFFC000  }
0x18: {  	[tilespmem:s24], [sflag:$0x2] =	stream.indirect.gather [hbm4b:s5+s21], $0x80, s26, s21, $0xb8;
	[tilespmem:$0x1E0C0] =	vst v63  }
0x19: {  	_ = 	snop  }
0x1a: {  	[spmem:s1] =	stream.indirect.scatter.add.f32 [tilespmem:s22], [sflag:$0x3], $0x80, s28, s21, $0xb8;
	[tilespmem:$0x1E0C0] =	vst v63  }
0x1b: {  	_ =	swait.ge [sflag:s19], $0x4000  }
0x1c: {  	[sflag:s19] =	ssyncset.done $0x0  }
0x1d: {  	[sflag:s19] =	ssyncadd.s32 $0xFFFFC000  }
0x1e: {  	_ =	swait.ge [sflag:s25], $0x4000  }
0x1f: {  	[sflag:s25] =	ssyncset.done $0x0  }
0x20: {  	[sflag:s25] =	ssyncadd.s32 $0xFFFFC000  }
0x21: {  	[spmem:s1] =	stream.indirect.scatter.add.f32 [tilespmem:s24], [sflag:$0x3], $0x80, s29, s21, $0xb8;
	[tilespmem:$0x1E0C0] =	vst v63  }
0x22: {  	_ =	swait.ge [sflag:s19], $0x4000  }
0x23: {  	[sflag:s19] =	ssyncset.done $0x0  }
0x24: {  	[sflag:s19] =	ssyncadd.s32 $0xFFFFC000  }
0x25: {  	s0 =	simm.s32 @p0 $0x1FC3;
	[bflag:$0x0] =	sbarrier.arrive $0xFFFF  }
0x26: {  	[hbm:s12], [sflag:s0] =	dma.local @p0 [spmem:s16], $0x2800  }
0x27: {  	s0 =	simm.s32 @p0 $0x3  }
0x28: {  	_ =	swait.ge @p0 [sflag:s0], $0x2800  }
0x29: {  	[sflag:s0] =	ssyncset.done @p0 $0x0  }
0x2a: {  	[sflag:s0] =	ssyncadd.s32 @p0 $0xFFFFD800;
	s0 =	simm.s32 @!p0 $0x3  }
0x2b: {  	[hbm:s11], [sflag:s17] =	dma.local @!p0 [spmem:s18], $0x2700  }
0x2c: {  	_ =	swait.ge @!p0 [sflag:s0], $0x2700  }
0x2d: {  	[sflag:s0] =	ssyncset.done @!p0 $0x0  }
0x2e: {  	[sflag:s0] =	ssyncadd.s32 @!p0 $0xFFFFD900  }
.LBB2_12:
0x2f: {  	s30 =	sadd.s32 $0x1, s30  }
0x30: {  	p2 =	sne.s32 s30, s15  }
.Ltmp1:
0x31: {  	_ = 	snop;
	(pc) =	sbr.rel @!p2 .LBB2_13-.Ltmp1, $1  }
0x32: {  	_ =	sdelay $0x3  }
.LBB2_1:
0x33: {  	s31 =	simm.s32 @p0 $0x1FC3  }
0x34: {  	[spmem:s16], [sflag:s31] =	dma.local @p0 [hbm:s6], $0x2880  }
0x35: {  	s31 =	simm.s32 @p0 $0x3  }
0x36: {  	_ =	swait.ge @p0 [sflag:s31], $0x2880  }
0x37: {  	[sflag:s31] =	ssyncset.done @p0 $0x0  }
0x38: {  	[sflag:s31] =	ssyncadd.s32 @p0 $0xFFFFD780;
	s31 =	simm.s32 @!p0 $0x3  }
0x39: {  	[spmem:s18], [sflag:s17] =	dma.local @!p0 [hbm:s6], $0x2700  }
0x3a: {  	_ =	swait.ge @!p0 [sflag:s31], $0x2700  }
0x3b: {  	[sflag:s31] =	ssyncset.done @!p0 $0x0  }
0x3c: {  	[sflag:s31] =	ssyncadd.s32 @!p0 $0xFFFFD900  }
0x3d: {  	[bflag:$0x0] =	sbarrier.arrive $0xFFFF  }
0x3e: {  	[tilespmem:s2], [sflag:$0x3] =	stream.linear.gather [hbm4b:s7+s2], $0x1400, $0x38;
	[tilespmem:$0x1E0C0] =	vst v63  }
0x3f: {  	_ =	swait.ge [sflag:s19], $0x1400  }
0x40: {  	[sflag:s19] =	ssyncset.done $0x0  }
.Ltmp2:
0x41: {  	[sflag:s19] =	ssyncadd.s32 $0xFFFFEC00;
	(pc) =	sbr.rel @p1 .LBB2_7-.Ltmp2, $4  }
0x42: {  	[tilespmem:s20], [sflag:$0x3] =	stream.linear.gather [hbm4b:s8+s2], $0x1400, $0x38;
	[tilespmem:$0x1E0C0] =	vst v63  }
0x43: {  	_ =	swait.ge [sflag:s19], $0x1400  }
0x44: {  	[sflag:s19] =	ssyncset.done $0x0  }
0x45: {  	[sflag:s19] =	ssyncadd.s32 $0xFFFFEC00  }
0x46: {  	s31 =	simm.s32 $0x0  }
0x47: {  	[tilespmem:s22], [sflag:$0x1] =	stream.indirect.gather [hbm4b:s4+s21], $0x80, s31, s21, $0xb8;
	[tilespmem:$0x1E0C0] =	vst v63  }
0x48: {  	_ =	swait.ge [sflag:s23], $0x4000  }
0x49: {  	[sflag:s23] =	ssyncset.done $0x0  }
0x4a: {  	s31 =	simm.s32 $0x80;
	[sflag:s23] =	ssyncadd.s32 $0xFFFFC000  }
0x4b: {  	[tilespmem:s24], [sflag:$0x2] =	stream.indirect.gather [hbm4b:s4+s21], $0x80, s31, s21, $0xb8;
	[tilespmem:$0x1E0C0] =	vst v63  }
0x4c: {  	s31 =	simm.s32 $0x1400  }
0x4d: {  	[spmem:s1] =	stream.indirect.scatter.add.f32 [tilespmem:s22], [sflag:$0x3], $0x80, s31, s21, $0xb8;
	[tilespmem:$0x1E0C0] =	vst v63  }
0x4e: {  	_ =	swait.ge [sflag:s19], $0x4000  }
0x4f: {  	[sflag:s19] =	ssyncset.done $0x0  }
0x50: {  	[sflag:s19] =	ssyncadd.s32 $0xFFFFC000  }
0x51: {  	_ =	swait.ge [sflag:s25], $0x4000  }
0x52: {  	[sflag:s25] =	ssyncset.done $0x0  }
0x53: {  	s31 =	simm.s32 $0x100;
	[sflag:s25] =	ssyncadd.s32 $0xFFFFC000  }
0x54: {  	[tilespmem:s22], [sflag:$0x1] =	stream.indirect.gather [hbm4b:s4+s21], $0x80, s31, s21, $0xb8;
	[tilespmem:$0x1E0C0] =	vst v63  }
0x55: {  	s31 =	simm.s32 $0x1480  }
0x56: {  	[spmem:s1] =	stream.indirect.scatter.add.f32 [tilespmem:s24], [sflag:$0x3], $0x80, s31, s21, $0xb8;
	[tilespmem:$0x1E0C0] =	vst v63  }
0x57: {  	_ =	swait.ge [sflag:s19], $0x4000  }
0x58: {  	s31 =	simm.s32 $0x400;
	[sflag:s19] =	ssyncset.done $0x0  }
.LBB2_3:
0x59: {  	p2 =	sne.s32 s31, $0x4800  }
0x5a: {  	[sflag:s19] =	ssyncadd.s32 $0xFFFFC000;
	s0 =	smov.u32 s31;
	s31 =	sadd.s32 $0x400, s31  }
0x5b: {  	_ = 	snop  }
0x5c: {  	_ =	swait.ge [sflag:s23], $0x4000  }
0x5d: {  	s0 =	sshra.s32 s0, $0x2;
	[sflag:s23] =	ssyncset.done $0x0  }
0x5e: {  	s3 =	sadd.s32 $0x80, s0;
	[sflag:s23] =	ssyncadd.s32 $0xFFFFC000  }
0x5f: {  	[tilespmem:s24], [sflag:$0x2] =	stream.indirect.gather [hbm4b:s4+s21], $0x80, s3, s21, $0xb8;
	[tilespmem:$0x1E0C0] =	vst v63  }
0x60: {  	s3 =	sadd.s32 $0x1400, s0  }
0x61: {  	[spmem:s1] =	stream.indirect.scatter.add.f32 [tilespmem:s22], [sflag:$0x3], $0x80, s3, s21, $0xb8;
	[tilespmem:$0x1E0C0] =	vst v63  }
0x62: {  	_ =	swait.ge [sflag:s19], $0x4000  }
0x63: {  	[sflag:s19] =	ssyncset.done $0x0  }
0x64: {  	[sflag:s19] =	ssyncadd.s32 $0xFFFFC000  }
0x65: {  	_ =	swait.ge [sflag:s25], $0x4000  }
0x66: {  	[sflag:s25] =	ssyncset.done $0x0  }
0x67: {  	s3 =	sadd.s32 $0x100, s0;
	[sflag:s25] =	ssyncadd.s32 $0xFFFFC000  }
0x68: {  	[tilespmem:s22], [sflag:$0x1] =	stream.indirect.gather [hbm4b:s4+s21], $0x80, s3, s21, $0xb8;
	[tilespmem:$0x1E0C0] =	vst v63  }
.Ltmp3:
0x69: {  	_ = 	snop;
	(pc) =	sbr.rel @p2 .LBB2_3-.Ltmp3, $4  }
0x6a: {  	s0 =	sadd.s32 $0x1480, s0  }
0x6b: {  	[spmem:s1] =	stream.indirect.scatter.add.f32 [tilespmem:s24], [sflag:$0x3], $0x80, s0, s21, $0xb8;
	[tilespmem:$0x1E0C0] =	vst v63  }
0x6c: {  	_ =	swait.ge [sflag:s19], $0x4000  }
0x6d: {  	[sflag:s19] =	ssyncset.done $0x0  }
0x6e: {  	[sflag:s19] =	ssyncadd.s32 $0xFFFFC000  }
0x6f: {  	_ =	swait.ge [sflag:s23], $0x4000  }
0x70: {  	[sflag:s23] =	ssyncset.done $0x0  }
0x71: {  	[sflag:s23] =	ssyncadd.s32 $0xFFFFC000  }
0x72: {  	[tilespmem:s24], [sflag:$0x2] =	stream.indirect.gather [hbm4b:s4+s21], $0x80, s26, s21, $0xb8;
	[tilespmem:$0x1E0C0] =	vst v63  }
0x73: {  	_ = 	snop  }
0x74: {  	[spmem:s1] =	stream.indirect.scatter.add.f32 [tilespmem:s22], [sflag:$0x3], $0x80, s28, s21, $0xb8;
	[tilespmem:$0x1E0C0] =	vst v63  }
0x75: {  	_ =	swait.ge [sflag:s19], $0x4000  }
0x76: {  	[sflag:s19] =	ssyncset.done $0x0  }
0x77: {  	[sflag:s19] =	ssyncadd.s32 $0xFFFFC000  }
0x78: {  	_ =	swait.ge [sflag:s25], $0x4000  }
0x79: {  	[sflag:s25] =	ssyncset.done $0x0  }
0x7a: {  	[sflag:s25] =	ssyncadd.s32 $0xFFFFC000  }
0x7b: {  	[spmem:s1] =	stream.indirect.scatter.add.f32 [tilespmem:s24], [sflag:$0x3], $0x80, s29, s21, $0xb8;
	[tilespmem:$0x1E0C0] =	vst v63  }
0x7c: {  	_ =	swait.ge [sflag:s19], $0x4000  }
0x7d: {  	[sflag:s19] =	ssyncset.done $0x0  }
0x7e: {  	s0 =	simm.s32 $0x0;
	[sflag:s19] =	ssyncadd.s32 $0xFFFFC000  }
0x7f: {  	[tilespmem:s0], [sflag:$0x3] =	stream.linear.gather [hbm4b:s9+s0], $0x1400, $0x38;
	[tilespmem:$0x1E0C0] =	vst v63  }
0x80: {  	_ =	swait.ge [sflag:s19], $0x1400  }
0x81: {  	[sflag:s19] =	ssyncset.done $0x0  }
0x82: {  	[sflag:s19] =	ssyncadd.s32 $0xFFFFEC00  }
0x83: {  	[tilespmem:s20], [sflag:$0x3] =	stream.linear.gather [hbm4b:s10+s0], $0x1400, $0x38;
	[tilespmem:$0x1E0C0] =	vst v63  }
0x84: {  	_ =	swait.ge [sflag:s19], $0x1400  }
0x85: {  	[sflag:s19] =	ssyncset.done $0x0  }
0x86: {  	[sflag:s19] =	ssyncadd.s32 $0xFFFFEC00  }
0x87: {  	[tilespmem:s22], [sflag:$0x1] =	stream.indirect.gather [hbm4b:s4+s21], $0x80, s0, s21, $0xb8;
	[tilespmem:$0x1E0C0] =	vst v63  }
0x88: {  	_ =	swait.ge [sflag:s23], $0x4000  }
0x89: {  	[sflag:s23] =	ssyncset.done $0x0  }
0x8a: {  	s3 =	simm.s32 $0x80;
	[sflag:s23] =	ssyncadd.s32 $0xFFFFC000  }
0x8b: {  	[tilespmem:s24], [sflag:$0x2] =	stream.indirect.gather [hbm4b:s4+s21], $0x80, s3, s21, $0xb8;
	[tilespmem:$0x1E0C0] =	vst v63  }
0x8c: {  	s3 =	simm.s32 $0x1400  }
0x8d: {  	[spmem:s1] =	stream.indirect.scatter.add.f32 [tilespmem:s22], [sflag:$0x3], $0x80, s3, s21, $0xb8;
	[tilespmem:$0x1E0C0] =	vst v63  }
0x8e: {  	_ =	swait.ge [sflag:s19], $0x4000  }
0x8f: {  	[sflag:s19] =	ssyncset.done $0x0  }
0x90: {  	[sflag:s19] =	ssyncadd.s32 $0xFFFFC000  }
0x91: {  	_ =	swait.ge [sflag:s25], $0x4000  }
0x92: {  	[sflag:s25] =	ssyncset.done $0x0  }
0x93: {  	s3 =	simm.s32 $0x100;
	[sflag:s25] =	ssyncadd.s32 $0xFFFFC000  }
0x94: {  	[tilespmem:s22], [sflag:$0x1] =	stream.indirect.gather [hbm4b:s4+s21], $0x80, s3, s21, $0xb8;
	[tilespmem:$0x1E0C0] =	vst v63  }
0x95: {  	s3 =	simm.s32 $0x1480  }
0x96: {  	[spmem:s1] =	stream.indirect.scatter.add.f32 [tilespmem:s24], [sflag:$0x3], $0x80, s3, s21, $0xb8;
	[tilespmem:$0x1E0C0] =	vst v63  }
0x97: {  	_ =	swait.ge [sflag:s19], $0x4000  }
0x98: {  	s31 =	simm.s32 $0x400;
	[sflag:s19] =	ssyncset.done $0x0  }
.LBB2_5:
0x99: {  	p2 =	sne.s32 s31, $0x4800  }
0x9a: {  	[sflag:s19] =	ssyncadd.s32 $0xFFFFC000;
	s0 =	smov.u32 s31;
	s31 =	sadd.s32 $0x400, s31  }
0x9b: {  	_ = 	snop  }
0x9c: {  	_ =	swait.ge [sflag:s23], $0x4000  }
0x9d: {  	s0 =	sshra.s32 s0, $0x2;
	[sflag:s23] =	ssyncset.done $0x0  }
0x9e: {  	s3 =	sadd.s32 $0x80, s0;
	[sflag:s23] =	ssyncadd.s32 $0xFFFFC000  }
0x9f: {  	[tilespmem:s24], [sflag:$0x2] =	stream.indirect.gather [hbm4b:s4+s21], $0x80, s3, s21, $0xb8;
	[tilespmem:$0x1E0C0] =	vst v63  }
0xa0: {  	s3 =	sadd.s32 $0x1400, s0  }
0xa1: {  	[spmem:s1] =	stream.indirect.scatter.add.f32 [tilespmem:s22], [sflag:$0x3], $0x80, s3, s21, $0xb8;
	[tilespmem:$0x1E0C0] =	vst v63  }
0xa2: {  	_ =	swait.ge [sflag:s19], $0x4000  }
0xa3: {  	[sflag:s19] =	ssyncset.done $0x0  }
0xa4: {  	[sflag:s19] =	ssyncadd.s32 $0xFFFFC000  }
0xa5: {  	_ =	swait.ge [sflag:s25], $0x4000  }
0xa6: {  	[sflag:s25] =	ssyncset.done $0x0  }
0xa7: {  	s3 =	sadd.s32 $0x100, s0;
	[sflag:s25] =	ssyncadd.s32 $0xFFFFC000  }
0xa8: {  	[tilespmem:s22], [sflag:$0x1] =	stream.indirect.gather [hbm4b:s4+s21], $0x80, s3, s21, $0xb8;
	[tilespmem:$0x1E0C0] =	vst v63  }
.Ltmp4:
0xa9: {  	_ = 	snop;
	(pc) =	sbr.rel @p2 .LBB2_5-.Ltmp4, $4  }
0xaa: {  	s0 =	sadd.s32 $0x1480, s0  }
0xab: {  	[spmem:s1] =	stream.indirect.scatter.add.f32 [tilespmem:s24], [sflag:$0x3], $0x80, s0, s21, $0xb8;
	[tilespmem:$0x1E0C0] =	vst v63  }
0xac: {  	_ =	swait.ge [sflag:s19], $0x4000  }
0xad: {  	[sflag:s19] =	ssyncset.done $0x0  }
0xae: {  	[sflag:s19] =	ssyncadd.s32 $0xFFFFC000  }
0xaf: {  	_ =	swait.ge [sflag:s23], $0x4000  }
0xb0: {  	[sflag:s23] =	ssyncset.done $0x0  }
0xb1: {  	[sflag:s23] =	ssyncadd.s32 $0xFFFFC000  }
0xb2: {  	[tilespmem:s24], [sflag:$0x2] =	stream.indirect.gather [hbm4b:s4+s21], $0x80, s26, s21, $0xb8;
	[tilespmem:$0x1E0C0] =	vst v63  }
0xb3: {  	_ = 	snop  }
0xb4: {  	[spmem:s1] =	stream.indirect.scatter.add.f32 [tilespmem:s22], [sflag:$0x3], $0x80, s28, s21, $0xb8;
	[tilespmem:$0x1E0C0] =	vst v63  }
0xb5: {  	_ =	swait.ge [sflag:s19], $0x4000  }
0xb6: {  	[sflag:s19] =	ssyncset.done $0x0  }
0xb7: {  	[sflag:s19] =	ssyncadd.s32 $0xFFFFC000  }
0xb8: {  	_ =	swait.ge [sflag:s25], $0x4000  }
0xb9: {  	[sflag:s25] =	ssyncset.done $0x0  }
0xba: {  	[sflag:s25] =	ssyncadd.s32 $0xFFFFC000  }
0xbb: {  	[spmem:s1] =	stream.indirect.scatter.add.f32 [tilespmem:s24], [sflag:$0x3], $0x80, s29, s21, $0xb8;
	[tilespmem:$0x1E0C0] =	vst v63  }
0xbc: {  	_ =	swait.ge [sflag:s19], $0x4000  }
0xbd: {  	[sflag:s19] =	ssyncset.done $0x0  }
0xbe: {  	[sflag:s19] =	ssyncadd.s32 $0xFFFFC000  }
0xbf: {  	s0 =	simm.s32 @p0 $0x1FC3;
	[bflag:$0x0] =	sbarrier.arrive $0xFFFF  }
0xc0: {  	[hbm:s14], [sflag:s0] =	dma.local @p0 [spmem:s16], $0x2800  }
0xc1: {  	s0 =	simm.s32 @p0 $0x3  }
0xc2: {  	_ =	swait.ge @p0 [sflag:s0], $0x2800  }
0xc3: {  	[sflag:s0] =	ssyncset.done @p0 $0x0  }
.Ltmp5:
0xc4: {  	[sflag:s0] =	ssyncadd.s32 @p0 $0xFFFFD800;
	s0 =	simm.s32 @!p0 $0x3;
	(pc) =	sbr.rel .LBB2_12-.Ltmp5, $4  }
0xc5: {  	[hbm:s13], [sflag:s17] =	dma.local @!p0 [spmem:s18], $0x2700  }
0xc6: {  	_ =	swait.ge @!p0 [sflag:s0], $0x2700  }
0xc7: {  	[sflag:s0] =	ssyncset.done @!p0 $0x0  }
0xc8: {  	[sflag:s0] =	ssyncadd.s32 @!p0 $0xFFFFD900  }
.LBB2_7:
0xc9: {  	s0 =	simm.s32 $0x0  }
0xca: {  	[tilespmem:s22], [sflag:$0x1] =	stream.indirect.gather [hbm4b:s5+s21], $0x80, s0, s21, $0xb8;
	[tilespmem:$0x1E0C0] =	vst v63  }
0xcb: {  	_ =	swait.ge [sflag:s23], $0x4000  }
0xcc: {  	[sflag:s23] =	ssyncset.done $0x0  }
0xcd: {  	s3 =	simm.s32 $0x80;
	[sflag:s23] =	ssyncadd.s32 $0xFFFFC000  }
0xce: {  	[tilespmem:s24], [sflag:$0x2] =	stream.indirect.gather [hbm4b:s5+s21], $0x80, s3, s21, $0xb8;
	[tilespmem:$0x1E0C0] =	vst v63  }
0xcf: {  	s3 =	simm.s32 $0x1400  }
0xd0: {  	[spmem:s1] =	stream.indirect.scatter.add.f32 [tilespmem:s22], [sflag:$0x3], $0x80, s3, s21, $0xb8;
	[tilespmem:$0x1E0C0] =	vst v63  }
0xd1: {  	_ =	swait.ge [sflag:s19], $0x4000  }
0xd2: {  	[sflag:s19] =	ssyncset.done $0x0  }
0xd3: {  	[sflag:s19] =	ssyncadd.s32 $0xFFFFC000  }
0xd4: {  	_ =	swait.ge [sflag:s25], $0x4000  }
0xd5: {  	[sflag:s25] =	ssyncset.done $0x0  }
0xd6: {  	s3 =	simm.s32 $0x100;
	[sflag:s25] =	ssyncadd.s32 $0xFFFFC000  }
0xd7: {  	[tilespmem:s22], [sflag:$0x1] =	stream.indirect.gather [hbm4b:s5+s21], $0x80, s3, s21, $0xb8;
	[tilespmem:$0x1E0C0] =	vst v63  }
0xd8: {  	s3 =	simm.s32 $0x1480  }
0xd9: {  	[spmem:s1] =	stream.indirect.scatter.add.f32 [tilespmem:s24], [sflag:$0x3], $0x80, s3, s21, $0xb8;
	[tilespmem:$0x1E0C0] =	vst v63  }
0xda: {  	_ =	swait.ge [sflag:s19], $0x4000  }
0xdb: {  	s31 =	simm.s32 $0x400;
	[sflag:s19] =	ssyncset.done $0x0  }
.LBB2_8:
0xdc: {  	p2 =	sne.s32 s31, $0x4800  }
0xdd: {  	[sflag:s19] =	ssyncadd.s32 $0xFFFFC000;
	s0 =	smov.u32 s31;
	s31 =	sadd.s32 $0x400, s31  }
0xde: {  	_ = 	snop  }
0xdf: {  	_ =	swait.ge [sflag:s23], $0x4000  }
0xe0: {  	s0 =	sshra.s32 s0, $0x2;
	[sflag:s23] =	ssyncset.done $0x0  }
0xe1: {  	s3 =	sadd.s32 $0x80, s0;
	[sflag:s23] =	ssyncadd.s32 $0xFFFFC000  }
0xe2: {  	[tilespmem:s24], [sflag:$0x2] =	stream.indirect.gather [hbm4b:s5+s21], $0x80, s3, s21, $0xb8;
	[tilespmem:$0x1E0C0] =	vst v63  }
0xe3: {  	s3 =	sadd.s32 $0x1400, s0  }
0xe4: {  	[spmem:s1] =	stream.indirect.scatter.add.f32 [tilespmem:s22], [sflag:$0x3], $0x80, s3, s21, $0xb8;
	[tilespmem:$0x1E0C0] =	vst v63  }
0xe5: {  	_ =	swait.ge [sflag:s19], $0x4000  }
0xe6: {  	[sflag:s19] =	ssyncset.done $0x0  }
0xe7: {  	[sflag:s19] =	ssyncadd.s32 $0xFFFFC000  }
0xe8: {  	_ =	swait.ge [sflag:s25], $0x4000  }
0xe9: {  	[sflag:s25] =	ssyncset.done $0x0  }
0xea: {  	s3 =	sadd.s32 $0x100, s0;
	[sflag:s25] =	ssyncadd.s32 $0xFFFFC000  }
0xeb: {  	[tilespmem:s22], [sflag:$0x1] =	stream.indirect.gather [hbm4b:s5+s21], $0x80, s3, s21, $0xb8;
	[tilespmem:$0x1E0C0] =	vst v63  }
.Ltmp6:
0xec: {  	_ = 	snop;
	(pc) =	sbr.rel @p2 .LBB2_8-.Ltmp6, $4  }
0xed: {  	s0 =	sadd.s32 $0x1480, s0  }
0xee: {  	[spmem:s1] =	stream.indirect.scatter.add.f32 [tilespmem:s24], [sflag:$0x3], $0x80, s0, s21, $0xb8;
	[tilespmem:$0x1E0C0] =	vst v63  }
0xef: {  	_ =	swait.ge [sflag:s19], $0x4000  }
0xf0: {  	[sflag:s19] =	ssyncset.done $0x0  }
0xf1: {  	[sflag:s19] =	ssyncadd.s32 $0xFFFFC000  }
0xf2: {  	_ =	swait.ge [sflag:s23], $0x4000  }
0xf3: {  	[sflag:s23] =	ssyncset.done $0x0  }
0xf4: {  	[sflag:s23] =	ssyncadd.s32 $0xFFFFC000  }
0xf5: {  	[tilespmem:s24], [sflag:$0x2] =	stream.indirect.gather [hbm4b:s5+s21], $0x80, s26, s21, $0xb8;
	[tilespmem:$0x1E0C0] =	vst v63  }
0xf6: {  	_ = 	snop  }
0xf7: {  	[spmem:s1] =	stream.indirect.scatter.add.f32 [tilespmem:s22], [sflag:$0x3], $0x80, s28, s21, $0xb8;
	[tilespmem:$0x1E0C0] =	vst v63  }
0xf8: {  	_ =	swait.ge [sflag:s19], $0x4000  }
0xf9: {  	[sflag:s19] =	ssyncset.done $0x0  }
0xfa: {  	[sflag:s19] =	ssyncadd.s32 $0xFFFFC000  }
0xfb: {  	_ =	swait.ge [sflag:s25], $0x4000  }
0xfc: {  	[sflag:s25] =	ssyncset.done $0x0  }
0xfd: {  	[sflag:s25] =	ssyncadd.s32 $0xFFFFC000  }
0xfe: {  	[spmem:s1] =	stream.indirect.scatter.add.f32 [tilespmem:s24], [sflag:$0x3], $0x80, s29, s21, $0xb8;
	[tilespmem:$0x1E0C0] =	vst v63  }
0xff: {  	_ =	swait.ge [sflag:s19], $0x4000  }
0x100: {  	[sflag:s19] =	ssyncset.done $0x0  }
0x101: {  	s0 =	simm.s32 $0x0;
	[sflag:s19] =	ssyncadd.s32 $0xFFFFC000  }
0x102: {  	[tilespmem:s0], [sflag:$0x3] =	stream.linear.gather [hbm4b:s9+s0], $0x1400, $0x38;
	[tilespmem:$0x1E0C0] =	vst v63  }
0x103: {  	_ =	swait.ge [sflag:s19], $0x1400  }
0x104: {  	[sflag:s19] =	ssyncset.done $0x0  }
0x105: {  	[sflag:s19] =	ssyncadd.s32 $0xFFFFEC00  }
0x106: {  	[tilespmem:s20], [sflag:$0x3] =	stream.linear.gather [hbm4b:s10+s0], $0x1400, $0x38;
	[tilespmem:$0x1E0C0] =	vst v63  }
0x107: {  	_ =	swait.ge [sflag:s19], $0x1400  }
0x108: {  	[sflag:s19] =	ssyncset.done $0x0  }
0x109: {  	[sflag:s19] =	ssyncadd.s32 $0xFFFFEC00  }
0x10a: {  	[tilespmem:s22], [sflag:$0x1] =	stream.indirect.gather [hbm4b:s5+s21], $0x80, s0, s21, $0xb8;
	[tilespmem:$0x1E0C0] =	vst v63  }
0x10b: {  	_ =	swait.ge [sflag:s23], $0x4000  }
0x10c: {  	[sflag:s23] =	ssyncset.done $0x0  }
0x10d: {  	s3 =	simm.s32 $0x80;
	[sflag:s23] =	ssyncadd.s32 $0xFFFFC000  }
0x10e: {  	[tilespmem:s24], [sflag:$0x2] =	stream.indirect.gather [hbm4b:s5+s21], $0x80, s3, s21, $0xb8;
	[tilespmem:$0x1E0C0] =	vst v63  }
0x10f: {  	s3 =	simm.s32 $0x1400  }
0x110: {  	[spmem:s1] =	stream.indirect.scatter.add.f32 [tilespmem:s22], [sflag:$0x3], $0x80, s3, s21, $0xb8;
	[tilespmem:$0x1E0C0] =	vst v63  }
0x111: {  	_ =	swait.ge [sflag:s19], $0x4000  }
0x112: {  	[sflag:s19] =	ssyncset.done $0x0  }
0x113: {  	[sflag:s19] =	ssyncadd.s32 $0xFFFFC000  }
0x114: {  	_ =	swait.ge [sflag:s25], $0x4000  }
0x115: {  	[sflag:s25] =	ssyncset.done $0x0  }
0x116: {  	s3 =	simm.s32 $0x100;
	[sflag:s25] =	ssyncadd.s32 $0xFFFFC000  }
0x117: {  	[tilespmem:s22], [sflag:$0x1] =	stream.indirect.gather [hbm4b:s5+s21], $0x80, s3, s21, $0xb8;
	[tilespmem:$0x1E0C0] =	vst v63  }
0x118: {  	s3 =	simm.s32 $0x1480  }
0x119: {  	[spmem:s1] =	stream.indirect.scatter.add.f32 [tilespmem:s24], [sflag:$0x3], $0x80, s3, s21, $0xb8;
	[tilespmem:$0x1E0C0] =	vst v63  }
0x11a: {  	_ =	swait.ge [sflag:s19], $0x4000  }
0x11b: {  	s31 =	simm.s32 $0x400;
	[sflag:s19] =	ssyncset.done $0x0  }
.LBB2_10:
0x11c: {  	p2 =	sne.s32 s31, $0x4800  }
0x11d: {  	[sflag:s19] =	ssyncadd.s32 $0xFFFFC000;
	s0 =	smov.u32 s31;
	s31 =	sadd.s32 $0x400, s31  }
0x11e: {  	_ = 	snop  }
0x11f: {  	_ =	swait.ge [sflag:s23], $0x4000  }
0x120: {  	s0 =	sshra.s32 s0, $0x2;
	[sflag:s23] =	ssyncset.done $0x0  }
0x121: {  	s3 =	sadd.s32 $0x80, s0;
	[sflag:s23] =	ssyncadd.s32 $0xFFFFC000  }
0x122: {  	[tilespmem:s24], [sflag:$0x2] =	stream.indirect.gather [hbm4b:s5+s21], $0x80, s3, s21, $0xb8;
	[tilespmem:$0x1E0C0] =	vst v63  }
0x123: {  	s3 =	sadd.s32 $0x1400, s0  }
0x124: {  	[spmem:s1] =	stream.indirect.scatter.add.f32 [tilespmem:s22], [sflag:$0x3], $0x80, s3, s21, $0xb8;
	[tilespmem:$0x1E0C0] =	vst v63  }
0x125: {  	_ =	swait.ge [sflag:s19], $0x4000  }
0x126: {  	[sflag:s19] =	ssyncset.done $0x0  }
0x127: {  	[sflag:s19] =	ssyncadd.s32 $0xFFFFC000  }
0x128: {  	_ =	swait.ge [sflag:s25], $0x4000  }
0x129: {  	[sflag:s25] =	ssyncset.done $0x0  }
0x12a: {  	s3 =	sadd.s32 $0x100, s0;
	[sflag:s25] =	ssyncadd.s32 $0xFFFFC000  }
0x12b: {  	[tilespmem:s22], [sflag:$0x1] =	stream.indirect.gather [hbm4b:s5+s21], $0x80, s3, s21, $0xb8;
	[tilespmem:$0x1E0C0] =	vst v63  }
.Ltmp7:
0x12c: {  	_ = 	snop;
	(pc) =	sbr.rel @p2 .LBB2_10-.Ltmp7, $4  }
0x12d: {  	s0 =	sadd.s32 $0x1480, s0  }
0x12e: {  	[spmem:s1] =	stream.indirect.scatter.add.f32 [tilespmem:s24], [sflag:$0x3], $0x80, s0, s21, $0xb8;
	[tilespmem:$0x1E0C0] =	vst v63  }
0x12f: {  	_ =	swait.ge [sflag:s19], $0x4000  }
0x130: {  	[sflag:s19] =	ssyncset.done $0x0  }
.Ltmp8:
0x131: {  	_ = 	snop;
	(pc) =	sbr.rel .LBB2_11-.Ltmp8, $1  }
0x132: {  	_ =	sdelay $0x3  }
.LBB2_13:
0x133: {  	_ =	sfence.sel $0x180000  }
0x134: {  	[bflag:$0x0] =	sbarrier.arrive $0xFFFF  }
0x135: {  	_ =	strace $0x9000004D  }
0x136: {  	s0 =	stileid.u32;
	[bflag:$0x2] =	sbarrier.arrive $0xFFFF  }
0x137: {  	p0 =	sne.s32 s0, $0x0;
	s0 =	rddreg [dreg:$0x2]  }
0x138: {  	s0 =	sadd.s32 @!p0 $0x100000, s0  }
0x139: {  	[sflag:s0] =	ssyncadd.tile.s32 @!p0 $0x1;
	_ =	shalt  }
.Lfunc_end2:
_tile_overlayer_lowered:
.L_overlay_start_2:
0x13a: {  	(tag) =	ssettag $0x2  }
0x13b: {  	s0 =	rddreg [dreg:$0x0];
	s2 =	stileid.u32  }
0x13c: {  	s1 =	rddreg [dreg:$0x1];
	p0 =	sne.s32 s2, $0x0  }
0x13d: {  	s3 =	rddreg [dreg:$0x2];
	[bflag:$0x3] =	sbarrier.arrive $0xFFFF;
	s2 =	simm.s32 @!p0 $0x1C03  }
0x13e: {  	[timem:s3], [sflag:s2] =	dma.local @!p0 [hbm:s0], s1  }
0x13f: {  	s0 =	simm.s32 @!p0 $0x3  }
0x140: {  	_ =	swait.ge @!p0 [sflag:s0], s1  }
0x141: {  	s1 =	ssub.s32 @!p0 $0x0, s1;
	[sflag:s0] =	ssyncset.done @!p0 $0x0  }
0x142: {  	[sflag:s0] =	ssyncadd.s32 @!p0 s1  }
0x143: {  	[bflag:$0x3] =	sbarrier.arrive $0xFFFF  }
0x144: {  	_ =	shalt  }

// kernel: kernel.9.cloned.1.call-start
scs
__scs_entry_jumppad:
0x0: {  	(pc) =	sbr.rel $0x88, $3  }
0x1: {  	(tag) =	ssettag $0x0;
	lr =	simm.s32 $0x1  }
0x2: {  	[smem:$0x3F93] =	sst lr;
	_ =	strace $0xD0000000  }
0x3: {  	_ = 	snop  }
0x4: {  	_ = 	snop  }
0x5: {  	_ = 	snop  }
0x6: {  	_ = 	snop  }
0x7: {  	_ = 	snop  }
__scs_overlays_trampoline_lowered:
0x8: {  	[smem:$0x3FA2] =	sst s0  }
0x9: {  	[smem:$0x3FA3] =	sst s1  }
0xa: {  	[smem:$0x3FA4] =	sst s2  }
0xb: {  	[smem:$0x3FA5] =	sst s3  }
0xc: {  	[smem:$0x3FA6] =	sst s4  }
0xd: {  	[smem:$0x3FA7] =	sst s5  }
0xe: {  	[smem:$0x3FA8] =	sst s6  }
0xf: {  	[smem:$0x3FA9] =	sst s7  }
0x10: {  	[smem:$0x3FAA] =	sst s8  }
0x11: {  	[smem:$0x3FAB] =	sst s9;
	s0 =	simm.s32 @!p0 $0x0  }
0x12: {  	s1 =	sld [smem:$0x3F91];
	s0 =	simm.s32 @p0 $0x1  }
0x13: {  	[smem:$0x3FAC] =	sst s0;
	s0 =	simm.s32 @!p1 $0x0  }
0x14: {  	s2 =	sld [smem:$0x3F90];
	s0 =	simm.s32 @p1 $0x1  }
0x15: {  	[smem:$0x3FAD] =	sst s0;
	s0 =	simm.s32 @!p2 $0x0  }
0x16: {  	s3 =	sld [smem:$0x3FDB];
	s0 =	simm.s32 @p2 $0x1  }
0x17: {  	s4 =	simm.s32 $0x1BF5;
	[smem:$0x3FAF] =	sst s0  }
0x18: {  	s0 =	sld [smem:$0x3F92];
	_ =	swait.ge [sflag:s4], $0x0  }
0x19: {  	s7 =	sld [smem:$0x3F93]  }
0x1a: {  	s8 =	sadd.s32 $0xFFFFE003, lr  }
0x1b: {  	s9 =	sadd.s32 $0xFFFFFEF7, lr;
	s5 =	simm.s32 $0xFFFFFFFF;
	p2 =	slt.u32 s8, $0xFFFFF086  }
0x1c: {  	p1 =	slt.u32 s9, $0xF7A;
	s5 =	simm.s32 @!p2 $0x0  }
0x1d: {  	s5 =	simm.s32 @p1 $0x1;
	p0 =	seq.s32 s7, s2  }
0x1e: {  	s7 =	smul.u32 @!p0 $0xF7A, s2;
	p2 =	seq.s32 @!p0 s5, $0x0  }
0x1f: {  	s9 =	smul.u32 $0xF7A, s1;
	s8 =	simm.s32 @!p0 $0x1BF5;
	p2 =	por !p2, p0  }
0x20: {  	[sflag:s8] =	ssyncset.s32 @!p0 $0xFFFFF086;
	s6 =	sadd.s32 @!p0 s3, s7;
	s7 =	simm.s32 @!p0 $0x108  }
0x21: {  	s3 =	sadd.s32 s3, s9;
	s6 =	sadd.s32 @!p0 $0x88, s6;
	s7 =	simm.s32 @p2 $0x1082  }
0x22: {  	[simem:s7], [sflag:s8] =	dma.local @!p0 [hbm:s6], $0xF7A  }
0x23: {  	s9 =	sor.u32 $0xD0000000, s2;
	s6 =	simm.s32 $0x108;
	_ =	swait.ge @!p0 [sflag:s8], $0x0  }
0x24: {  	s3 =	sadd.s32 $0x88, s3;
	s6 =	simm.s32 @!p1 $0x1082;
	[sflag:s4] =	ssyncset.s32 $0xFFFFF086  }
0x25: {  	[simem:s6], [sflag:s4] =	dma.local [hbm:s3], $0xF7A  }
0x26: {  	[smem:$0x3F93] =	sst s1;
	(tag) =	ssettag s2;
	_ =	strace s9  }
0x27: {  	s1 =	sld [smem:$0x3FA3]  }
0x28: {  	s2 =	sld [smem:$0x3FA4]  }
0x29: {  	s4 =	sld [smem:$0x3FA6]  }
0x2a: {  	p0 =	seq.s32 s5, $0x0;
	s5 =	sld [smem:$0x3FA7]  }
0x2b: {  	s6 =	sld [smem:$0x3FA8]  }
0x2c: {  	s7 =	sld [smem:$0x3FA9]  }
0x2d: {  	s3 =	simm.s32 $0x108;
	s8 =	sld [smem:$0x3FAA]  }
0x2e: {  	s3 =	simm.s32 @!p0 $0x1082;
	s9 =	sld [smem:$0x3FAB]  }
0x2f: {  	lr =	sadd.s32 s0, s3;
	s0 =	sld [smem:$0x3FA2]  }
0x30: {  	s3 =	sld [smem:$0x3FA5]  }
0x31: {  	[smem:$0x3FAE] =	sst s10  }
0x32: {  	s10 =	sld [smem:$0x3FAC];
	_ =	sdelay $0x3  }
0x33: {  	p0 =	seq.s32 s10, $0x1;
	s10 =	sld [smem:$0x3FAE];
	_ =	sdelay $0x3  }
0x34: {  	[smem:$0x3FAE] =	sst s10  }
0x35: {  	s10 =	sld [smem:$0x3FAD];
	_ =	sdelay $0x3  }
0x36: {  	p1 =	seq.s32 s10, $0x1;
	s10 =	sld [smem:$0x3FAE];
	_ =	sdelay $0x3  }
0x37: {  	[smem:$0x3FAE] =	sst s10  }
0x38: {  	s10 =	sld [smem:$0x3FAF]  }
0x39: {  	_ = 	snop;
	(pc) =	sbr.ind lr, $3  }
0x3a: {  	_ = 	snop  }
0x3b: {  	_ = 	snop  }
0x3c: {  	p2 =	seq.s32 s10, $0x1;
	s10 =	sld [smem:$0x3FAE]  }
0x3d: {  	_ =	shalt  }
0x3e: {  	_ =	shalt  }
0x3f: {  	_ =	shalt  }
0x40: {  	_ =	shalt  }
0x41: {  	_ =	shalt  }
0x42: {  	_ =	shalt  }
0x43: {  	_ =	shalt  }
0x44: {  	_ =	shalt  }
0x45: {  	_ =	shalt  }
0x46: {  	_ =	shalt  }
0x47: {  	_ =	shalt  }
0x48: {  	_ =	shalt  }
0x49: {  	_ =	shalt  }
0x4a: {  	_ =	shalt  }
0x4b: {  	_ =	shalt  }
0x4c: {  	_ =	shalt  }
0x4d: {  	_ =	shalt  }
0x4e: {  	_ =	shalt  }
0x4f: {  	_ =	shalt  }
0x50: {  	_ =	shalt  }
0x51: {  	_ =	shalt  }
0x52: {  	_ =	shalt  }
0x53: {  	_ =	shalt  }
0x54: {  	_ =	shalt  }
0x55: {  	_ =	shalt  }
0x56: {  	_ =	shalt  }
0x57: {  	_ =	shalt  }
0x58: {  	_ =	shalt  }
0x59: {  	_ =	shalt  }
0x5a: {  	_ =	shalt  }
0x5b: {  	_ =	shalt  }
0x5c: {  	_ =	shalt  }
0x5d: {  	_ =	shalt  }
0x5e: {  	_ =	shalt  }
0x5f: {  	_ =	shalt  }
0x60: {  	_ =	shalt  }
0x61: {  	_ =	shalt  }
0x62: {  	_ =	shalt  }
0x63: {  	_ =	shalt  }
0x64: {  	_ =	shalt  }
0x65: {  	_ =	shalt  }
0x66: {  	_ =	shalt  }
0x67: {  	_ =	shalt  }
0x68: {  	_ =	shalt  }
0x69: {  	_ =	shalt  }
0x6a: {  	_ =	shalt  }
0x6b: {  	_ =	shalt  }
0x6c: {  	_ =	shalt  }
0x6d: {  	_ =	shalt  }
0x6e: {  	_ =	shalt  }
0x6f: {  	_ =	shalt  }
0x70: {  	_ =	shalt  }
0x71: {  	_ =	shalt  }
0x72: {  	_ =	shalt  }
0x73: {  	_ =	shalt  }
0x74: {  	_ =	shalt  }
0x75: {  	_ =	shalt  }
0x76: {  	_ =	shalt  }
0x77: {  	_ =	shalt  }
0x78: {  	_ =	shalt  }
0x79: {  	_ =	shalt  }
0x7a: {  	_ =	shalt  }
0x7b: {  	_ =	shalt  }
0x7c: {  	_ =	shalt  }
0x7d: {  	_ =	shalt  }
0x7e: {  	_ =	shalt  }
0x7f: {  	_ =	shalt  }
0x80: {  	_ =	shalt  }
0x81: {  	_ =	shalt  }
0x82: {  	_ =	shalt  }
0x83: {  	_ =	shalt  }
0x84: {  	_ =	shalt  }
0x85: {  	_ =	shalt  }
0x86: {  	_ =	shalt  }
0x87: {  	_ =	shalt  }
.Lfunc_end0:
.L_simem_size_0:
called_computation_lowered:
.L_overlay_start_0:
0x88: {  	s2 =	sld [smem:$0x3FD9]  }
0x89: {  	s3 =	sld [smem:$0x3FFE];
	_ =	sdelay $0x1  }
0x8a: {  	s1 =	srdreg.scid  }
0x8b: {  	s0 =	sand.u32 $0x1, s1  }
0x8c: {  	s16 =	sshll.u32 s0, $0xA;
	s2 =	sadd.s32 s3, s2  }
0x8d: {  	s2 =	sadd.s32 s2, s16  }
0x8e: {  	[smem:$0x3FBA] =	sst s2  }
0x8f: {  	_ = 	snop  }
0x90: {  	(tm) =	ssettm $0x1  }
0x91: {  	s17 =	sld [smem:$0x3FFB];
	_ =	sdelay $0x3  }
0x92: {  	_ =	strace s17  }
0x93: {  	s2 =	sld [smem:$0x3FFC];
	_ =	sdelay $0x3  }
0x94: {  	_ =	strace s2  }
0x95: {  	s2 =	sld [smem:$0x3FFD];
	_ =	sdelay $0x3  }
0x96: {  	_ =	strace s2  }
0x97: {  	_ =	strace $0x8FFFFFFF  }
0x98: {  	s18 =	sld [smem:$0x3FDB];
	_ =	sdelay $0x1  }
0x99: {  	s19 =	simm.s32 $_scs_section_size  }
0x9a: {  	s4 =	simm.s32 $_size__tile_overlayer_lowered;
	s5 =	simm.s32 $_tile_overlayer_lowered  }
0x9b: {  	s22 =	simm.s32 $0x1BFF;
	s21 =	sshll.u32 s5, $0x1;
	s2 =	sadd.s32 s19, s18  }
0x9c: {  	s6 =	simm.s32 $0x0;
	s20 =	sshll.u32 s4, $0x1;
	s4 =	sadd.s32 s21, s2  }
0x9d: {  	[timem:s6], [sflag:s22] =	dma.local [hbm:s4], s20  }
0x9e: {  	_ =	swait.ge [sflag:s22], s20  }
0x9f: {  	s3 =	ssub.s32 $0x0, s20;
	[sflag:s22] =	ssyncset.done $0x0  }
0xa0: {  	[sflag:s22] =	ssyncadd.s32 s3;
	_ =	sdelay $0x1  }
0xa1: {  	s23 =	simm.s32 $0x1B8B  }
0xa2: {  	_ =	swait.ge [sflag:s23], $0x1  }
0xa3: {  	[sflag:s23] =	ssyncset.done $0x0  }
0xa4: {  	s25 =	simm.s32 $0x1B8E;
	s24 =	sld [smem:$0x3FFE];
	[sflag:s23] =	ssyncadd.s32 $0xFFFFFFFF  }
0xa5: {  	s26 =	simm.s32 $execute0_lowered;
	[smem:$0x3FD2] =	sst s25  }
0xa6: {  	s4 =	sshll.u32 s26, $0x1;
	_ =	strace $0x80000046;
	[dreg:$0x1] =	wrdreg $0xFFFFFFFF  }
0xa7: {  	s28 =	simm.s32 $_size_execute0_lowered;
	s2 =	sadd.s32 s2, s4;
	[dreg:$0x0] =	wrdreg $0x0  }
0xa8: {  	s4 =	sshll.u32 s28, $0x1;
	[dreg:$0x2] =	wrdreg s2  }
0xa9: {  	[dreg:$0x3] =	wrdreg s4  }
0xaa: {  	[dreg:$0x4] =	wrdreg $0xC0  }
0xab: {  	_ =	task [dreg:s6], $0x5FFFF  }
0xac: {  	[dreg:$0x1] =	wrdreg $0xFFFFFFFF  }
0xad: {  	[dreg:$0x0] =	wrdreg $0x60  }
0xae: {  	[dreg:$0x2] =	wrdreg s24  }
0xaf: {  	[dreg:$0x3] =	wrdreg $0xA8000  }
0xb0: {  	[dreg:$0x4] =	wrdreg $0x9  }
0xb1: {  	_ =	task.clear_ibuf [dreg:s6], $0x5FFFF;
	_ =	strace $0x90000046  }
0xb2: {  	s29 =	simm.s32 $0x9;
	_ =	strace $0x80000048  }
0xb3: {  	_ =	swait.ge [sflag:s29], $0x1  }
0xb4: {  	[sflag:s29] =	ssyncadd.s32 $0xFFFFFFFF  }
0xb5: {  	_ =	strace $0x90000048  }
0xb6: {  	_ =	sfence  }
0xb7: {  	s30 =	sld [smem:$0x0];
	_ =	sdelay $0x2  }
0xb8: {  	s31 =	sshll.u32 s1, $0xD;
	s1 =	sshrl.u32 s1, $0x2  }
0xb9: {  	s3 =	sand.u32 $0x4000, s31;
	s1 =	sadd.s32 s1, s30  }
0xba: {  	s0 =	sor.u32 s3, s0;
	s1 =	sshll.u32 s1, $0x11  }
0xbb: {  	s0 =	sor.u32 s1, s0  }
0xbc: {  	s0 =	sadd.s32 $0x8F2B, s0  }
0xbd: {  	[sflag:s0] =	ssyncadd.remote.s32 $0x1  }
0xbe: {  	_ =	sfence.sel $0xFFFF  }
0xbf: {  	[dreg:$0x0] =	wrdreg $0xFFFFFFFF;
	(pc) =	sbr.abs _section_cstart, $3  }
0xc0: {  	[dreg:$0x1] =	wrdreg $0xFFFFFFFF  }
0xc1: {  	_ =	task.clear_ibuf [dreg:s6], $0x2FFFF;
	_ =	strace $0x9FFFFFFF  }
0xc2: {  	(tm) =	ssettm $0x7FFFFFFF  }
0xc3: {  	_ =	shalt  }
tec
execute0_lowered:
.L_overlay_start_1:
0x0: {  	(tag) =	ssettag $0x1  }
0x1: {  	s14 =	rddreg [dreg:$0x0]  }
0x2: {  	s1 =	rddreg [dreg:$0x1]  }
0x3: {  	s2 =	simm.s32 $0x0;
	s0 =	stileid.u32;
	s6 =	srdreg.scid  }
0x4: {  	s20 =	simm.s32 $0x1400;
	s21 =	simm.s32 $0x80;
	s22 =	simm.s32 $0x2800  }
0x5: {  	s23 =	simm.s32 $0x1;
	s28 =	simm.s32 $0x2700;
	s29 =	simm.s32 $0x2780  }
0x6: {  	s30 =	simm.s32 $0x0;
	[smem:$0x7FF] =	sst s2;
	s4 =	sadd.s32 $0xF600, s14  }
0x7: {  	s5 =	sadd.s32 $0x36800, s14;
	s9 =	sadd.s32 $0xA600, s14;
	s7 =	smul.u32 $0x2700, s0  }
0x8: {  	s10 =	sadd.s32 $0x5600, s14;
	s19 =	sand.u32 $0x1, s6;
	s11 =	smul.u32 $0x4E000, s0  }
0x9: {  	s6 =	sadd.s32 $0xABC00, s14;
	s12 =	smul.u32 $0x2800, s0;
	s16 =	sadd.s32 $0x124800, s1  }
0xa: {  	s26 =	smul.u32 $0x500, s0;
	p0 =	seq.s32 s0, $0xF;
	_ =	strace $0x80000047  }
0xb: {  	s8 =	ssub.s32 $0x2, s19;
	s17 =	sshll.u32 @!p0 s0, $0x6;
	s16 =	sshrl.u32 @p0 s16, $0x3  }
0xc: {  	p1 =	sne.s32 s19, $0x0;
	s19 =	simm.s32 $0x3;
	s13 =	sadd.s32 s7, s14  }
0xd: {  	s24 =	sshrl.u32 s8, $0x1;
	s25 =	sshrl.u32 s11, $0x2;
	s31 =	sshrl.u32 s12, $0x3  }
0xe: {  	s7 =	sadd.s32 s9, s26;
	s12 =	sadd.s32 $0xFA100, s14;
	s14 =	sadd.s32 $0xD2F00, s14  }
.Ltmp0:
0xf: {  	s17 =	sor.u32 @!p0 $0x1C03, s17;
	s15 =	ssub.s32 s8, s24;
	(pc) =	sbr.rel .LBB2_1-.Ltmp0, $4  }
0x10: {  	s18 =	sadd.s32 s25, s1;
	s8 =	sadd.s32 s10, s26;
	s11 =	sadd.s32 $0x280, s31  }
0x11: {  	s24 =	simm.s32 $0x6800;
	s25 =	simm.s32 $0x2;
	s26 =	simm.s32 $0x1380  }
0x12: {  	s9 =	sadd.s32 s9, s11;
	s10 =	sadd.s32 s10, s11;
	s11 =	sadd.s32 $0xD5800, s13  }
0x13: {  	s13 =	sadd.s32 $0xAE600, s13;
	s15 =	smax.u32 s15, $0x1;
	s18 =	sshrl.u32 @!p0 s18, $0x3  }
.LBB2_11:
0x14: {  	[sflag:s19] =	ssyncadd.s32 $0xFFFFC000  }
0x15: {  	_ =	swait.ge [sflag:s23], $0x4000  }
0x16: {  	[sflag:s23] =	ssyncset.done $0x0  }
0x17: {  	[sflag:s23] =	ssyncadd.s32 $0xFFFFC000  }
0x18: {  	[tilespmem:s24], [sflag:$0x2] =	stream.indirect.gather [hbm4b:s5+s21], $0x80, s26, s21, $0xb8;
	[tilespmem:$0x1E0C0] =	vst v63  }
0x19: {  	_ = 	snop  }
0x1a: {  	[spmem:s1] =	stream.indirect.scatter.add.f32 [tilespmem:s22], [sflag:$0x3], $0x80, s28, s21, $0xb8;
	[tilespmem:$0x1E0C0] =	vst v63  }
0x1b: {  	_ =	swait.ge [sflag:s19], $0x4000  }
0x1c: {  	[sflag:s19] =	ssyncset.done $0x0  }
0x1d: {  	[sflag:s19] =	ssyncadd.s32 $0xFFFFC000  }
0x1e: {  	_ =	swait.ge [sflag:s25], $0x4000  }
0x1f: {  	[sflag:s25] =	ssyncset.done $0x0  }
0x20: {  	[sflag:s25] =	ssyncadd.s32 $0xFFFFC000  }
0x21: {  	[spmem:s1] =	stream.indirect.scatter.add.f32 [tilespmem:s24], [sflag:$0x3], $0x80, s29, s21, $0xb8;
	[tilespmem:$0x1E0C0] =	vst v63  }
0x22: {  	_ =	swait.ge [sflag:s19], $0x4000  }
0x23: {  	[sflag:s19] =	ssyncset.done $0x0  }
0x24: {  	[sflag:s19] =	ssyncadd.s32 $0xFFFFC000  }
0x25: {  	s0 =	simm.s32 @p0 $0x1FC3;
	[bflag:$0x0] =	sbarrier.arrive $0xFFFF  }
0x26: {  	[hbm:s12], [sflag:s0] =	dma.local @p0 [spmem:s16], $0x2800  }
0x27: {  	s0 =	simm.s32 @p0 $0x3  }
0x28: {  	_ =	swait.ge @p0 [sflag:s0], $0x2800  }
0x29: {  	[sflag:s0] =	ssyncset.done @p0 $0x0  }
0x2a: {  	[sflag:s0] =	ssyncadd.s32 @p0 $0xFFFFD800;
	s0 =	simm.s32 @!p0 $0x3  }
0x2b: {  	[hbm:s11], [sflag:s17] =	dma.local @!p0 [spmem:s18], $0x2700  }
0x2c: {  	_ =	swait.ge @!p0 [sflag:s0], $0x2700  }
0x2d: {  	[sflag:s0] =	ssyncset.done @!p0 $0x0  }
0x2e: {  	[sflag:s0] =	ssyncadd.s32 @!p0 $0xFFFFD900  }
.LBB2_12:
0x2f: {  	s30 =	sadd.s32 $0x1, s30  }
0x30: {  	p2 =	sne.s32 s30, s15  }
.Ltmp1:
0x31: {  	_ = 	snop;
	(pc) =	sbr.rel @!p2 .LBB2_13-.Ltmp1, $1  }
0x32: {  	_ =	sdelay $0x3  }
.LBB2_1:
0x33: {  	s31 =	simm.s32 @p0 $0x1FC3  }
0x34: {  	[spmem:s16], [sflag:s31] =	dma.local @p0 [hbm:s6], $0x2880  }
0x35: {  	s31 =	simm.s32 @p0 $0x3  }
0x36: {  	_ =	swait.ge @p0 [sflag:s31], $0x2880  }
0x37: {  	[sflag:s31] =	ssyncset.done @p0 $0x0  }
0x38: {  	[sflag:s31] =	ssyncadd.s32 @p0 $0xFFFFD780;
	s31 =	simm.s32 @!p0 $0x3  }
0x39: {  	[spmem:s18], [sflag:s17] =	dma.local @!p0 [hbm:s6], $0x2700  }
0x3a: {  	_ =	swait.ge @!p0 [sflag:s31], $0x2700  }
0x3b: {  	[sflag:s31] =	ssyncset.done @!p0 $0x0  }
0x3c: {  	[sflag:s31] =	ssyncadd.s32 @!p0 $0xFFFFD900  }
0x3d: {  	[bflag:$0x0] =	sbarrier.arrive $0xFFFF  }
0x3e: {  	[tilespmem:s2], [sflag:$0x3] =	stream.linear.gather [hbm4b:s7+s2], $0x1400, $0x38;
	[tilespmem:$0x1E0C0] =	vst v63  }
0x3f: {  	_ =	swait.ge [sflag:s19], $0x1400  }
0x40: {  	[sflag:s19] =	ssyncset.done $0x0  }
.Ltmp2:
0x41: {  	[sflag:s19] =	ssyncadd.s32 $0xFFFFEC00;
	(pc) =	sbr.rel @p1 .LBB2_7-.Ltmp2, $4  }
0x42: {  	[tilespmem:s20], [sflag:$0x3] =	stream.linear.gather [hbm4b:s8+s2], $0x1400, $0x38;
	[tilespmem:$0x1E0C0] =	vst v63  }
0x43: {  	_ =	swait.ge [sflag:s19], $0x1400  }
0x44: {  	[sflag:s19] =	ssyncset.done $0x0  }
0x45: {  	[sflag:s19] =	ssyncadd.s32 $0xFFFFEC00  }
0x46: {  	s31 =	simm.s32 $0x0  }
0x47: {  	[tilespmem:s22], [sflag:$0x1] =	stream.indirect.gather [hbm4b:s4+s21], $0x80, s31, s21, $0xb8;
	[tilespmem:$0x1E0C0] =	vst v63  }
0x48: {  	_ =	swait.ge [sflag:s23], $0x4000  }
0x49: {  	[sflag:s23] =	ssyncset.done $0x0  }
0x4a: {  	s31 =	simm.s32 $0x80;
	[sflag:s23] =	ssyncadd.s32 $0xFFFFC000  }
0x4b: {  	[tilespmem:s24], [sflag:$0x2] =	stream.indirect.gather [hbm4b:s4+s21], $0x80, s31, s21, $0xb8;
	[tilespmem:$0x1E0C0] =	vst v63  }
0x4c: {  	s31 =	simm.s32 $0x1400  }
0x4d: {  	[spmem:s1] =	stream.indirect.scatter.add.f32 [tilespmem:s22], [sflag:$0x3], $0x80, s31, s21, $0xb8;
	[tilespmem:$0x1E0C0] =	vst v63  }
0x4e: {  	_ =	swait.ge [sflag:s19], $0x4000  }
0x4f: {  	[sflag:s19] =	ssyncset.done $0x0  }
0x50: {  	[sflag:s19] =	ssyncadd.s32 $0xFFFFC000  }
0x51: {  	_ =	swait.ge [sflag:s25], $0x4000  }
0x52: {  	[sflag:s25] =	ssyncset.done $0x0  }
0x53: {  	s31 =	simm.s32 $0x100;
	[sflag:s25] =	ssyncadd.s32 $0xFFFFC000  }
0x54: {  	[tilespmem:s22], [sflag:$0x1] =	stream.indirect.gather [hbm4b:s4+s21], $0x80, s31, s21, $0xb8;
	[tilespmem:$0x1E0C0] =	vst v63  }
0x55: {  	s31 =	simm.s32 $0x1480  }
0x56: {  	[spmem:s1] =	stream.indirect.scatter.add.f32 [tilespmem:s24], [sflag:$0x3], $0x80, s31, s21, $0xb8;
	[tilespmem:$0x1E0C0] =	vst v63  }
0x57: {  	_ =	swait.ge [sflag:s19], $0x4000  }
0x58: {  	s31 =	simm.s32 $0x400;
	[sflag:s19] =	ssyncset.done $0x0  }
.LBB2_3:
0x59: {  	p2 =	sne.s32 s31, $0x4800  }
0x5a: {  	[sflag:s19] =	ssyncadd.s32 $0xFFFFC000;
	s0 =	smov.u32 s31;
	s31 =	sadd.s32 $0x400, s31  }
0x5b: {  	_ = 	snop  }
0x5c: {  	_ =	swait.ge [sflag:s23], $0x4000  }
0x5d: {  	s0 =	sshra.s32 s0, $0x2;
	[sflag:s23] =	ssyncset.done $0x0  }
0x5e: {  	s3 =	sadd.s32 $0x80, s0;
	[sflag:s23] =	ssyncadd.s32 $0xFFFFC000  }
0x5f: {  	[tilespmem:s24], [sflag:$0x2] =	stream.indirect.gather [hbm4b:s4+s21], $0x80, s3, s21, $0xb8;
	[tilespmem:$0x1E0C0] =	vst v63  }
0x60: {  	s3 =	sadd.s32 $0x1400, s0  }
0x61: {  	[spmem:s1] =	stream.indirect.scatter.add.f32 [tilespmem:s22], [sflag:$0x3], $0x80, s3, s21, $0xb8;
	[tilespmem:$0x1E0C0] =	vst v63  }
0x62: {  	_ =	swait.ge [sflag:s19], $0x4000  }
0x63: {  	[sflag:s19] =	ssyncset.done $0x0  }
0x64: {  	[sflag:s19] =	ssyncadd.s32 $0xFFFFC000  }
0x65: {  	_ =	swait.ge [sflag:s25], $0x4000  }
0x66: {  	[sflag:s25] =	ssyncset.done $0x0  }
0x67: {  	s3 =	sadd.s32 $0x100, s0;
	[sflag:s25] =	ssyncadd.s32 $0xFFFFC000  }
0x68: {  	[tilespmem:s22], [sflag:$0x1] =	stream.indirect.gather [hbm4b:s4+s21], $0x80, s3, s21, $0xb8;
	[tilespmem:$0x1E0C0] =	vst v63  }
.Ltmp3:
0x69: {  	_ = 	snop;
	(pc) =	sbr.rel @p2 .LBB2_3-.Ltmp3, $4  }
0x6a: {  	s0 =	sadd.s32 $0x1480, s0  }
0x6b: {  	[spmem:s1] =	stream.indirect.scatter.add.f32 [tilespmem:s24], [sflag:$0x3], $0x80, s0, s21, $0xb8;
	[tilespmem:$0x1E0C0] =	vst v63  }
0x6c: {  	_ =	swait.ge [sflag:s19], $0x4000  }
0x6d: {  	[sflag:s19] =	ssyncset.done $0x0  }
0x6e: {  	[sflag:s19] =	ssyncadd.s32 $0xFFFFC000  }
0x6f: {  	_ =	swait.ge [sflag:s23], $0x4000  }
0x70: {  	[sflag:s23] =	ssyncset.done $0x0  }
0x71: {  	[sflag:s23] =	ssyncadd.s32 $0xFFFFC000  }
0x72: {  	[tilespmem:s24], [sflag:$0x2] =	stream.indirect.gather [hbm4b:s4+s21], $0x80, s26, s21, $0xb8;
	[tilespmem:$0x1E0C0] =	vst v63  }
0x73: {  	_ = 	snop  }
0x74: {  	[spmem:s1] =	stream.indirect.scatter.add.f32 [tilespmem:s22], [sflag:$0x3], $0x80, s28, s21, $0xb8;
	[tilespmem:$0x1E0C0] =	vst v63  }
0x75: {  	_ =	swait.ge [sflag:s19], $0x4000  }
0x76: {  	[sflag:s19] =	ssyncset.done $0x0  }
0x77: {  	[sflag:s19] =	ssyncadd.s32 $0xFFFFC000  }
0x78: {  	_ =	swait.ge [sflag:s25], $0x4000  }
0x79: {  	[sflag:s25] =	ssyncset.done $0x0  }
0x7a: {  	[sflag:s25] =	ssyncadd.s32 $0xFFFFC000  }
0x7b: {  	[spmem:s1] =	stream.indirect.scatter.add.f32 [tilespmem:s24], [sflag:$0x3], $0x80, s29, s21, $0xb8;
	[tilespmem:$0x1E0C0] =	vst v63  }
0x7c: {  	_ =	swait.ge [sflag:s19], $0x4000  }
0x7d: {  	[sflag:s19] =	ssyncset.done $0x0  }
0x7e: {  	s0 =	simm.s32 $0x0;
	[sflag:s19] =	ssyncadd.s32 $0xFFFFC000  }
0x7f: {  	[tilespmem:s0], [sflag:$0x3] =	stream.linear.gather [hbm4b:s9+s0], $0x1400, $0x38;
	[tilespmem:$0x1E0C0] =	vst v63  }
0x80: {  	_ =	swait.ge [sflag:s19], $0x1400  }
0x81: {  	[sflag:s19] =	ssyncset.done $0x0  }
0x82: {  	[sflag:s19] =	ssyncadd.s32 $0xFFFFEC00  }
0x83: {  	[tilespmem:s20], [sflag:$0x3] =	stream.linear.gather [hbm4b:s10+s0], $0x1400, $0x38;
	[tilespmem:$0x1E0C0] =	vst v63  }
0x84: {  	_ =	swait.ge [sflag:s19], $0x1400  }
0x85: {  	[sflag:s19] =	ssyncset.done $0x0  }
0x86: {  	[sflag:s19] =	ssyncadd.s32 $0xFFFFEC00  }
0x87: {  	[tilespmem:s22], [sflag:$0x1] =	stream.indirect.gather [hbm4b:s4+s21], $0x80, s0, s21, $0xb8;
	[tilespmem:$0x1E0C0] =	vst v63  }
0x88: {  	_ =	swait.ge [sflag:s23], $0x4000  }
0x89: {  	[sflag:s23] =	ssyncset.done $0x0  }
0x8a: {  	s3 =	simm.s32 $0x80;
	[sflag:s23] =	ssyncadd.s32 $0xFFFFC000  }
0x8b: {  	[tilespmem:s24], [sflag:$0x2] =	stream.indirect.gather [hbm4b:s4+s21], $0x80, s3, s21, $0xb8;
	[tilespmem:$0x1E0C0] =	vst v63  }
0x8c: {  	s3 =	simm.s32 $0x1400  }
0x8d: {  	[spmem:s1] =	stream.indirect.scatter.add.f32 [tilespmem:s22], [sflag:$0x3], $0x80, s3, s21, $0xb8;
	[tilespmem:$0x1E0C0] =	vst v63  }
0x8e: {  	_ =	swait.ge [sflag:s19], $0x4000  }
0x8f: {  	[sflag:s19] =	ssyncset.done $0x0  }
0x90: {  	[sflag:s19] =	ssyncadd.s32 $0xFFFFC000  }
0x91: {  	_ =	swait.ge [sflag:s25], $0x4000  }
0x92: {  	[sflag:s25] =	ssyncset.done $0x0  }
0x93: {  	s3 =	simm.s32 $0x100;
	[sflag:s25] =	ssyncadd.s32 $0xFFFFC000  }
0x94: {  	[tilespmem:s22], [sflag:$0x1] =	stream.indirect.gather [hbm4b:s4+s21], $0x80, s3, s21, $0xb8;
	[tilespmem:$0x1E0C0] =	vst v63  }
0x95: {  	s3 =	simm.s32 $0x1480  }
0x96: {  	[spmem:s1] =	stream.indirect.scatter.add.f32 [tilespmem:s24], [sflag:$0x3], $0x80, s3, s21, $0xb8;
	[tilespmem:$0x1E0C0] =	vst v63  }
0x97: {  	_ =	swait.ge [sflag:s19], $0x4000  }
0x98: {  	s31 =	simm.s32 $0x400;
	[sflag:s19] =	ssyncset.done $0x0  }
.LBB2_5:
0x99: {  	p2 =	sne.s32 s31, $0x4800  }
0x9a: {  	[sflag:s19] =	ssyncadd.s32 $0xFFFFC000;
	s0 =	smov.u32 s31;
	s31 =	sadd.s32 $0x400, s31  }
0x9b: {  	_ = 	snop  }
0x9c: {  	_ =	swait.ge [sflag:s23], $0x4000  }
0x9d: {  	s0 =	sshra.s32 s0, $0x2;
	[sflag:s23] =	ssyncset.done $0x0  }
0x9e: {  	s3 =	sadd.s32 $0x80, s0;
	[sflag:s23] =	ssyncadd.s32 $0xFFFFC000  }
0x9f: {  	[tilespmem:s24], [sflag:$0x2] =	stream.indirect.gather [hbm4b:s4+s21], $0x80, s3, s21, $0xb8;
	[tilespmem:$0x1E0C0] =	vst v63  }
0xa0: {  	s3 =	sadd.s32 $0x1400, s0  }
0xa1: {  	[spmem:s1] =	stream.indirect.scatter.add.f32 [tilespmem:s22], [sflag:$0x3], $0x80, s3, s21, $0xb8;
	[tilespmem:$0x1E0C0] =	vst v63  }
0xa2: {  	_ =	swait.ge [sflag:s19], $0x4000  }
0xa3: {  	[sflag:s19] =	ssyncset.done $0x0  }
0xa4: {  	[sflag:s19] =	ssyncadd.s32 $0xFFFFC000  }
0xa5: {  	_ =	swait.ge [sflag:s25], $0x4000  }
0xa6: {  	[sflag:s25] =	ssyncset.done $0x0  }
0xa7: {  	s3 =	sadd.s32 $0x100, s0;
	[sflag:s25] =	ssyncadd.s32 $0xFFFFC000  }
0xa8: {  	[tilespmem:s22], [sflag:$0x1] =	stream.indirect.gather [hbm4b:s4+s21], $0x80, s3, s21, $0xb8;
	[tilespmem:$0x1E0C0] =	vst v63  }
.Ltmp4:
0xa9: {  	_ = 	snop;
	(pc) =	sbr.rel @p2 .LBB2_5-.Ltmp4, $4  }
0xaa: {  	s0 =	sadd.s32 $0x1480, s0  }
0xab: {  	[spmem:s1] =	stream.indirect.scatter.add.f32 [tilespmem:s24], [sflag:$0x3], $0x80, s0, s21, $0xb8;
	[tilespmem:$0x1E0C0] =	vst v63  }
0xac: {  	_ =	swait.ge [sflag:s19], $0x4000  }
0xad: {  	[sflag:s19] =	ssyncset.done $0x0  }
0xae: {  	[sflag:s19] =	ssyncadd.s32 $0xFFFFC000  }
0xaf: {  	_ =	swait.ge [sflag:s23], $0x4000  }
0xb0: {  	[sflag:s23] =	ssyncset.done $0x0  }
0xb1: {  	[sflag:s23] =	ssyncadd.s32 $0xFFFFC000  }
0xb2: {  	[tilespmem:s24], [sflag:$0x2] =	stream.indirect.gather [hbm4b:s4+s21], $0x80, s26, s21, $0xb8;
	[tilespmem:$0x1E0C0] =	vst v63  }
0xb3: {  	_ = 	snop  }
0xb4: {  	[spmem:s1] =	stream.indirect.scatter.add.f32 [tilespmem:s22], [sflag:$0x3], $0x80, s28, s21, $0xb8;
	[tilespmem:$0x1E0C0] =	vst v63  }
0xb5: {  	_ =	swait.ge [sflag:s19], $0x4000  }
0xb6: {  	[sflag:s19] =	ssyncset.done $0x0  }
0xb7: {  	[sflag:s19] =	ssyncadd.s32 $0xFFFFC000  }
0xb8: {  	_ =	swait.ge [sflag:s25], $0x4000  }
0xb9: {  	[sflag:s25] =	ssyncset.done $0x0  }
0xba: {  	[sflag:s25] =	ssyncadd.s32 $0xFFFFC000  }
0xbb: {  	[spmem:s1] =	stream.indirect.scatter.add.f32 [tilespmem:s24], [sflag:$0x3], $0x80, s29, s21, $0xb8;
	[tilespmem:$0x1E0C0] =	vst v63  }
0xbc: {  	_ =	swait.ge [sflag:s19], $0x4000  }
0xbd: {  	[sflag:s19] =	ssyncset.done $0x0  }
0xbe: {  	[sflag:s19] =	ssyncadd.s32 $0xFFFFC000  }
0xbf: {  	s0 =	simm.s32 @p0 $0x1FC3;
	[bflag:$0x0] =	sbarrier.arrive $0xFFFF  }
0xc0: {  	[hbm:s14], [sflag:s0] =	dma.local @p0 [spmem:s16], $0x2800  }
0xc1: {  	s0 =	simm.s32 @p0 $0x3  }
0xc2: {  	_ =	swait.ge @p0 [sflag:s0], $0x2800  }
0xc3: {  	[sflag:s0] =	ssyncset.done @p0 $0x0  }
.Ltmp5:
0xc4: {  	[sflag:s0] =	ssyncadd.s32 @p0 $0xFFFFD800;
	s0 =	simm.s32 @!p0 $0x3;
	(pc) =	sbr.rel .LBB2_12-.Ltmp5, $4  }
0xc5: {  	[hbm:s13], [sflag:s17] =	dma.local @!p0 [spmem:s18], $0x2700  }
0xc6: {  	_ =	swait.ge @!p0 [sflag:s0], $0x2700  }
0xc7: {  	[sflag:s0] =	ssyncset.done @!p0 $0x0  }
0xc8: {  	[sflag:s0] =	ssyncadd.s32 @!p0 $0xFFFFD900  }
.LBB2_7:
0xc9: {  	s0 =	simm.s32 $0x0  }
0xca: {  	[tilespmem:s22], [sflag:$0x1] =	stream.indirect.gather [hbm4b:s5+s21], $0x80, s0, s21, $0xb8;
	[tilespmem:$0x1E0C0] =	vst v63  }
0xcb: {  	_ =	swait.ge [sflag:s23], $0x4000  }
0xcc: {  	[sflag:s23] =	ssyncset.done $0x0  }
0xcd: {  	s3 =	simm.s32 $0x80;
	[sflag:s23] =	ssyncadd.s32 $0xFFFFC000  }
0xce: {  	[tilespmem:s24], [sflag:$0x2] =	stream.indirect.gather [hbm4b:s5+s21], $0x80, s3, s21, $0xb8;
	[tilespmem:$0x1E0C0] =	vst v63  }
0xcf: {  	s3 =	simm.s32 $0x1400  }
0xd0: {  	[spmem:s1] =	stream.indirect.scatter.add.f32 [tilespmem:s22], [sflag:$0x3], $0x80, s3, s21, $0xb8;
	[tilespmem:$0x1E0C0] =	vst v63  }
0xd1: {  	_ =	swait.ge [sflag:s19], $0x4000  }
0xd2: {  	[sflag:s19] =	ssyncset.done $0x0  }
0xd3: {  	[sflag:s19] =	ssyncadd.s32 $0xFFFFC000  }
0xd4: {  	_ =	swait.ge [sflag:s25], $0x4000  }
0xd5: {  	[sflag:s25] =	ssyncset.done $0x0  }
0xd6: {  	s3 =	simm.s32 $0x100;
	[sflag:s25] =	ssyncadd.s32 $0xFFFFC000  }
0xd7: {  	[tilespmem:s22], [sflag:$0x1] =	stream.indirect.gather [hbm4b:s5+s21], $0x80, s3, s21, $0xb8;
	[tilespmem:$0x1E0C0] =	vst v63  }
0xd8: {  	s3 =	simm.s32 $0x1480  }
0xd9: {  	[spmem:s1] =	stream.indirect.scatter.add.f32 [tilespmem:s24], [sflag:$0x3], $0x80, s3, s21, $0xb8;
	[tilespmem:$0x1E0C0] =	vst v63  }
0xda: {  	_ =	swait.ge [sflag:s19], $0x4000  }
0xdb: {  	s31 =	simm.s32 $0x400;
	[sflag:s19] =	ssyncset.done $0x0  }
.LBB2_8:
0xdc: {  	p2 =	sne.s32 s31, $0x4800  }
0xdd: {  	[sflag:s19] =	ssyncadd.s32 $0xFFFFC000;
	s0 =	smov.u32 s31;
	s31 =	sadd.s32 $0x400, s31  }
0xde: {  	_ = 	snop  }
0xdf: {  	_ =	swait.ge [sflag:s23], $0x4000  }
0xe0: {  	s0 =	sshra.s32 s0, $0x2;
	[sflag:s23] =	ssyncset.done $0x0  }
0xe1: {  	s3 =	sadd.s32 $0x80, s0;
	[sflag:s23] =	ssyncadd.s32 $0xFFFFC000  }
0xe2: {  	[tilespmem:s24], [sflag:$0x2] =	stream.indirect.gather [hbm4b:s5+s21], $0x80, s3, s21, $0xb8;
	[tilespmem:$0x1E0C0] =	vst v63  }
0xe3: {  	s3 =	sadd.s32 $0x1400, s0  }
0xe4: {  	[spmem:s1] =	stream.indirect.scatter.add.f32 [tilespmem:s22], [sflag:$0x3], $0x80, s3, s21, $0xb8;
	[tilespmem:$0x1E0C0] =	vst v63  }
0xe5: {  	_ =	swait.ge [sflag:s19], $0x4000  }
0xe6: {  	[sflag:s19] =	ssyncset.done $0x0  }
0xe7: {  	[sflag:s19] =	ssyncadd.s32 $0xFFFFC000  }
0xe8: {  	_ =	swait.ge [sflag:s25], $0x4000  }
0xe9: {  	[sflag:s25] =	ssyncset.done $0x0  }
0xea: {  	s3 =	sadd.s32 $0x100, s0;
	[sflag:s25] =	ssyncadd.s32 $0xFFFFC000  }
0xeb: {  	[tilespmem:s22], [sflag:$0x1] =	stream.indirect.gather [hbm4b:s5+s21], $0x80, s3, s21, $0xb8;
	[tilespmem:$0x1E0C0] =	vst v63  }
.Ltmp6:
0xec: {  	_ = 	snop;
	(pc) =	sbr.rel @p2 .LBB2_8-.Ltmp6, $4  }
0xed: {  	s0 =	sadd.s32 $0x1480, s0  }
0xee: {  	[spmem:s1] =	stream.indirect.scatter.add.f32 [tilespmem:s24], [sflag:$0x3], $0x80, s0, s21, $0xb8;
	[tilespmem:$0x1E0C0] =	vst v63  }
0xef: {  	_ =	swait.ge [sflag:s19], $0x4000  }
0xf0: {  	[sflag:s19] =	ssyncset.done $0x0  }
0xf1: {  	[sflag:s19] =	ssyncadd.s32 $0xFFFFC000  }
0xf2: {  	_ =	swait.ge [sflag:s23], $0x4000  }
0xf3: {  	[sflag:s23] =	ssyncset.done $0x0  }
0xf4: {  	[sflag:s23] =	ssyncadd.s32 $0xFFFFC000  }
0xf5: {  	[tilespmem:s24], [sflag:$0x2] =	stream.indirect.gather [hbm4b:s5+s21], $0x80, s26, s21, $0xb8;
	[tilespmem:$0x1E0C0] =	vst v63  }
0xf6: {  	_ = 	snop  }
0xf7: {  	[spmem:s1] =	stream.indirect.scatter.add.f32 [tilespmem:s22], [sflag:$0x3], $0x80, s28, s21, $0xb8;
	[tilespmem:$0x1E0C0] =	vst v63  }
0xf8: {  	_ =	swait.ge [sflag:s19], $0x4000  }
0xf9: {  	[sflag:s19] =	ssyncset.done $0x0  }
0xfa: {  	[sflag:s19] =	ssyncadd.s32 $0xFFFFC000  }
0xfb: {  	_ =	swait.ge [sflag:s25], $0x4000  }
0xfc: {  	[sflag:s25] =	ssyncset.done $0x0  }
0xfd: {  	[sflag:s25] =	ssyncadd.s32 $0xFFFFC000  }
0xfe: {  	[spmem:s1] =	stream.indirect.scatter.add.f32 [tilespmem:s24], [sflag:$0x3], $0x80, s29, s21, $0xb8;
	[tilespmem:$0x1E0C0] =	vst v63  }
0xff: {  	_ =	swait.ge [sflag:s19], $0x4000  }
0x100: {  	[sflag:s19] =	ssyncset.done $0x0  }
0x101: {  	s0 =	simm.s32 $0x0;
	[sflag:s19] =	ssyncadd.s32 $0xFFFFC000  }
0x102: {  	[tilespmem:s0], [sflag:$0x3] =	stream.linear.gather [hbm4b:s9+s0], $0x1400, $0x38;
	[tilespmem:$0x1E0C0] =	vst v63  }
0x103: {  	_ =	swait.ge [sflag:s19], $0x1400  }
0x104: {  	[sflag:s19] =	ssyncset.done $0x0  }
0x105: {  	[sflag:s19] =	ssyncadd.s32 $0xFFFFEC00  }
0x106: {  	[tilespmem:s20], [sflag:$0x3] =	stream.linear.gather [hbm4b:s10+s0], $0x1400, $0x38;
	[tilespmem:$0x1E0C0] =	vst v63  }
0x107: {  	_ =	swait.ge [sflag:s19], $0x1400  }
0x108: {  	[sflag:s19] =	ssyncset.done $0x0  }
0x109: {  	[sflag:s19] =	ssyncadd.s32 $0xFFFFEC00  }
0x10a: {  	[tilespmem:s22], [sflag:$0x1] =	stream.indirect.gather [hbm4b:s5+s21], $0x80, s0, s21, $0xb8;
	[tilespmem:$0x1E0C0] =	vst v63  }
0x10b: {  	_ =	swait.ge [sflag:s23], $0x4000  }
0x10c: {  	[sflag:s23] =	ssyncset.done $0x0  }
0x10d: {  	s3 =	simm.s32 $0x80;
	[sflag:s23] =	ssyncadd.s32 $0xFFFFC000  }
0x10e: {  	[tilespmem:s24], [sflag:$0x2] =	stream.indirect.gather [hbm4b:s5+s21], $0x80, s3, s21, $0xb8;
	[tilespmem:$0x1E0C0] =	vst v63  }
0x10f: {  	s3 =	simm.s32 $0x1400  }
0x110: {  	[spmem:s1] =	stream.indirect.scatter.add.f32 [tilespmem:s22], [sflag:$0x3], $0x80, s3, s21, $0xb8;
	[tilespmem:$0x1E0C0] =	vst v63  }
0x111: {  	_ =	swait.ge [sflag:s19], $0x4000  }
0x112: {  	[sflag:s19] =	ssyncset.done $0x0  }
0x113: {  	[sflag:s19] =	ssyncadd.s32 $0xFFFFC000  }
0x114: {  	_ =	swait.ge [sflag:s25], $0x4000  }
0x115: {  	[sflag:s25] =	ssyncset.done $0x0  }
0x116: {  	s3 =	simm.s32 $0x100;
	[sflag:s25] =	ssyncadd.s32 $0xFFFFC000  }
0x117: {  	[tilespmem:s22], [sflag:$0x1] =	stream.indirect.gather [hbm4b:s5+s21], $0x80, s3, s21, $0xb8;
	[tilespmem:$0x1E0C0] =	vst v63  }
0x118: {  	s3 =	simm.s32 $0x1480  }
0x119: {  	[spmem:s1] =	stream.indirect.scatter.add.f32 [tilespmem:s24], [sflag:$0x3], $0x80, s3, s21, $0xb8;
	[tilespmem:$0x1E0C0] =	vst v63  }
0x11a: {  	_ =	swait.ge [sflag:s19], $0x4000  }
0x11b: {  	s31 =	simm.s32 $0x400;
	[sflag:s19] =	ssyncset.done $0x0  }
.LBB2_10:
0x11c: {  	p2 =	sne.s32 s31, $0x4800  }
0x11d: {  	[sflag:s19] =	ssyncadd.s32 $0xFFFFC000;
	s0 =	smov.u32 s31;
	s31 =	sadd.s32 $0x400, s31  }
0x11e: {  	_ = 	snop  }
0x11f: {  	_ =	swait.ge [sflag:s23], $0x4000  }
0x120: {  	s0 =	sshra.s32 s0, $0x2;
	[sflag:s23] =	ssyncset.done $0x0  }
0x121: {  	s3 =	sadd.s32 $0x80, s0;
	[sflag:s23] =	ssyncadd.s32 $0xFFFFC000  }
0x122: {  	[tilespmem:s24], [sflag:$0x2] =	stream.indirect.gather [hbm4b:s5+s21], $0x80, s3, s21, $0xb8;
	[tilespmem:$0x1E0C0] =	vst v63  }
0x123: {  	s3 =	sadd.s32 $0x1400, s0  }
0x124: {  	[spmem:s1] =	stream.indirect.scatter.add.f32 [tilespmem:s22], [sflag:$0x3], $0x80, s3, s21, $0xb8;
	[tilespmem:$0x1E0C0] =	vst v63  }
0x125: {  	_ =	swait.ge [sflag:s19], $0x4000  }
0x126: {  	[sflag:s19] =	ssyncset.done $0x0  }
0x127: {  	[sflag:s19] =	ssyncadd.s32 $0xFFFFC000  }
0x128: {  	_ =	swait.ge [sflag:s25], $0x4000  }
0x129: {  	[sflag:s25] =	ssyncset.done $0x0  }
0x12a: {  	s3 =	sadd.s32 $0x100, s0;
	[sflag:s25] =	ssyncadd.s32 $0xFFFFC000  }
0x12b: {  	[tilespmem:s22], [sflag:$0x1] =	stream.indirect.gather [hbm4b:s5+s21], $0x80, s3, s21, $0xb8;
	[tilespmem:$0x1E0C0] =	vst v63  }
.Ltmp7:
0x12c: {  	_ = 	snop;
	(pc) =	sbr.rel @p2 .LBB2_10-.Ltmp7, $4  }
0x12d: {  	s0 =	sadd.s32 $0x1480, s0  }
0x12e: {  	[spmem:s1] =	stream.indirect.scatter.add.f32 [tilespmem:s24], [sflag:$0x3], $0x80, s0, s21, $0xb8;
	[tilespmem:$0x1E0C0] =	vst v63  }
0x12f: {  	_ =	swait.ge [sflag:s19], $0x4000  }
0x130: {  	[sflag:s19] =	ssyncset.done $0x0  }
.Ltmp8:
0x131: {  	_ = 	snop;
	(pc) =	sbr.rel .LBB2_11-.Ltmp8, $1  }
0x132: {  	_ =	sdelay $0x3  }
.LBB2_13:
0x133: {  	_ =	sfence.sel $0x180000  }
0x134: {  	[bflag:$0x0] =	sbarrier.arrive $0xFFFF  }
0x135: {  	_ =	strace $0x90000047  }
0x136: {  	s0 =	stileid.u32;
	[bflag:$0x2] =	sbarrier.arrive $0xFFFF  }
0x137: {  	p0 =	sne.s32 s0, $0x0;
	s0 =	rddreg [dreg:$0x2]  }
0x138: {  	s0 =	sadd.s32 @!p0 $0x100000, s0  }
0x139: {  	[sflag:s0] =	ssyncadd.tile.s32 @!p0 $0x1;
	_ =	shalt  }
.Lfunc_end2:
_tile_overlayer_lowered:
.L_overlay_start_2:
0x13a: {  	(tag) =	ssettag $0x2  }
0x13b: {  	s0 =	rddreg [dreg:$0x0];
	s2 =	stileid.u32  }
0x13c: {  	s1 =	rddreg [dreg:$0x1];
	p0 =	sne.s32 s2, $0x0  }
0x13d: {  	s3 =	rddreg [dreg:$0x2];
	[bflag:$0x3] =	sbarrier.arrive $0xFFFF;
	s2 =	simm.s32 @!p0 $0x1C03  }
0x13e: {  	[timem:s3], [sflag:s2] =	dma.local @!p0 [hbm:s0], s1  }
0x13f: {  	s0 =	simm.s32 @!p0 $0x3  }
0x140: {  	_ =	swait.ge @!p0 [sflag:s0], s1  }
0x141: {  	s1 =	ssub.s32 @!p0 $0x0, s1;
	[sflag:s0] =	ssyncset.done @!p0 $0x0  }
0x142: {  	[sflag:s0] =	ssyncadd.s32 @!p0 s1  }
0x143: {  	[bflag:$0x3] =	sbarrier.arrive $0xFFFF  }
0x144: {  	_ =	shalt  }

</sc_bundles>
